<compile_context>
chip_gen: v7x
topology: tpu7x:2x2x1
jax: 0.10.2.dev20260603
libtpu: 0.0.44.dev20260713+nightly
codegen_flags: <defaults>
</compile_context>

<pallas_src>
import functools

import jax
import jax.numpy as jnp
from jax.experimental import pallas as pl
from jax.experimental.pallas import tpu as pltpu
from jax.experimental.pallas import tpu_sc as plsc

D = 768
FF = 3072
E = 8
T = 2048
P = 2 * T
M = 512
NB = P // M + E
NPAD = NB * M

CHUNK = 512
NW = 32
PW = P // NW
TW = T // NW
TH = TW // 2
LANES = 16
PL = 128


def _route_kernel(x_ref, wg_ref, dest_ref, blk_e_ref, blk_v_ref, pm_ref):
    x = x_ref[...]
    wg = wg_ref[...]
    s = jax.lax.dot_general(
        x.astype(jnp.bfloat16), wg.astype(jnp.bfloat16),
        (((1,), (1,)), ((), ())),
        preferred_element_type=jnp.float32,
    )
    col = jax.lax.broadcasted_iota(jnp.int32, s.shape, 1)
    m1 = jnp.max(s, axis=1, keepdims=True)
    i1 = jnp.min(jnp.where(s == m1, col, E), axis=1, keepdims=True)
    s2 = jnp.where(col == i1, -jnp.inf, s)
    m2 = jnp.max(s2, axis=1, keepdims=True)
    i2 = jnp.min(jnp.where(s2 == m2, col, E), axis=1, keepdims=True)
    ex = jnp.exp(m2 - m1)
    p1 = 1.0 / (1.0 + ex)
    p2 = ex / (1.0 + ex)
    pm_ref[...] = jnp.concatenate(
        [jnp.broadcast_to(p1, (T, LANES)), jnp.broadcast_to(p2, (T, LANES))],
        axis=0)

    e_all = jnp.concatenate([i1, i2], axis=0)
    colp = jax.lax.broadcasted_iota(jnp.int32, (P, E), 1)
    onehot = (e_all == colp).astype(jnp.float32)

    ri = jax.lax.broadcasted_iota(jnp.int32, (CHUNK, CHUNK), 0)
    ci = jax.lax.broadcasted_iota(jnp.int32, (CHUNK, CHUNK), 1)
    ltri = (ci < ri).astype(jnp.float32)
    carry = jnp.zeros((1, E), jnp.float32)
    ranks_chunks = []
    for c in range(P // CHUNK):
        oc = jax.lax.slice(onehot, (c * CHUNK, 0), ((c + 1) * CHUNK, E))
        rc = jax.lax.dot_general(
            ltri, oc, (((1,), (0,)), ((), ())),
            preferred_element_type=jnp.float32) + carry
        ranks_chunks.append(rc)
        carry = carry + jnp.sum(oc, axis=0, keepdims=True)
    ranks = jnp.concatenate(ranks_chunks, axis=0)
    counts = carry

    pc = jnp.ceil(counts * (1.0 / M)) * M
    eidx_r = jax.lax.broadcasted_iota(jnp.int32, (E, E), 0)
    eidx_c = jax.lax.broadcasted_iota(jnp.int32, (E, E), 1)
    strict = (eidx_r < eidx_c).astype(jnp.float32)
    po = jax.lax.dot_general(pc, strict, (((1,), (0,)), ((), ())),
                             preferred_element_type=jnp.float32)

    dest = jnp.sum(onehot * (ranks + po), axis=1, keepdims=True)
    dest_ref[...] = dest.astype(jnp.int32)

    bm = (jax.lax.broadcasted_iota(jnp.int32, (NB, 1), 0) * M).astype(jnp.float32)
    pend = po + pc
    blk_e = jnp.sum((pend <= bm).astype(jnp.float32), axis=1, keepdims=True)
    blk_e_i = jnp.minimum(blk_e.astype(jnp.int32), E - 1)
    blk_e_ref[...] = blk_e_i
    colb = jax.lax.broadcasted_iota(jnp.int32, (NB, E), 1)
    oh_b = (blk_e_i == colb).astype(jnp.float32)
    end_real = po + counts
    blk_v = jnp.sum(oh_b * (bm < end_real).astype(jnp.float32),
                    axis=1, keepdims=True)
    blk_v_ref[...] = blk_v.astype(jnp.int32)


def _route(x_flat, Wg):
    return pl.pallas_call(
        _route_kernel,
        out_shape=(
            jax.ShapeDtypeStruct((P, 1), jnp.int32),
            jax.ShapeDtypeStruct((NB, 1), jnp.int32),
            jax.ShapeDtypeStruct((NB, 1), jnp.int32),
            jax.ShapeDtypeStruct((P, LANES), jnp.float32),
        ),
    )(x_flat, Wg)


def _scatter_body(x_hbm, dest_hbm, xpad_hbm, xbuf, idxv, sem0, sem1):
    wid = jax.lax.axis_index("s") * 2 + jax.lax.axis_index("c")
    base_tok = (wid % (NW // 2)) * PW
    cp_i = pltpu.async_copy(dest_hbm.at[pl.ds(wid * PW, PW)], idxv, sem0)
    cp_x = pltpu.async_copy(x_hbm.at[pl.ds(base_tok, PW)], xbuf, sem1)
    cp_i.wait()
    cp_x.wait()
    pltpu.async_copy(xbuf, xpad_hbm.at[idxv], sem1).wait()


def _scatter(x_flat, dest):
    mesh = plsc.VectorSubcoreMesh(core_axis_name="c", subcore_axis_name="s")
    fn = pl.kernel(
        _scatter_body,
        out_type=jax.ShapeDtypeStruct((NPAD, D), jnp.float32),
        mesh=mesh,
        scratch_types=[
            pltpu.VMEM((PW, D), jnp.float32),
            pltpu.VMEM((PW,), jnp.int32),
            pltpu.SemaphoreType.DMA,
            pltpu.SemaphoreType.DMA,
        ],
    )
    return fn(x_flat, dest)


def _live(b, bv):
    return jnp.where(bv[b] == 1, b, NB - 1)


def _gmm_kernel(be_ref, bv_ref, x_ref, w1_ref, w2_ref, o_ref):
    b = pl.program_id(0)

    @pl.when(bv_ref[b] == 1)
    def _():
        xb = x_ref[...].astype(jnp.bfloat16)
        acc = None
        FC = 768
        for f in range(FF // FC):
            w1f = w1_ref[0, pl.ds(f * FC, FC), :].astype(jnp.bfloat16)
            hf = jax.lax.dot_general(
                xb, w1f, (((1,), (1,)), ((), ())),
                preferred_element_type=jnp.float32)
            hf = (hf * jax.lax.logistic(hf)).astype(jnp.bfloat16)
            w2f = w2_ref[0, :, pl.ds(f * FC, FC)].astype(jnp.bfloat16)
            of = jax.lax.dot_general(
                hf, w2f, (((1,), (1,)), ((), ())),
                preferred_element_type=jnp.float32)
            acc = of if acc is None else acc + of
        o_ref[...] = acc


def _gmm(blk_e, blk_v, x_pad, W1, W2):
    grid_spec = pltpu.PrefetchScalarGridSpec(
        num_scalar_prefetch=2,
        grid=(NB,),
        in_specs=[
            pl.BlockSpec((M, D), lambda b, be, bv: (_live(b, bv), 0)),
            pl.BlockSpec((1, FF, D), lambda b, be, bv: (be[b], 0, 0)),
            pl.BlockSpec((1, D, FF), lambda b, be, bv: (be[b], 0, 0)),
        ],
        out_specs=pl.BlockSpec((M, D), lambda b, be, bv: (_live(b, bv), 0)),
    )
    return pl.pallas_call(
        _gmm_kernel,
        grid_spec=grid_spec,
        out_shape=jax.ShapeDtypeStruct((NPAD, D), jnp.float32),
        compiler_params=pltpu.CompilerParams(
            vmem_limit_bytes=100 * 1024 * 1024),
    )(blk_e, blk_v, x_pad, W1, W2)


def _combine_body(ypad_hbm, dest_hbm, pm_hbm, y_hbm,
                  a0, b0, a1, b1, pv1, pv2, idx0, idx1, sema, semb):
    wid = jax.lax.axis_index("s") * 2 + jax.lax.axis_index("c")
    base = wid * TW
    pltpu.sync_copy(dest_hbm.at[pl.ds(base, TW)], idx0)
    pltpu.sync_copy(dest_hbm.at[pl.ds(T + base, TW)], idx1)
    pltpu.sync_copy(pm_hbm.at[pl.ds(base, TW)], pv1)
    pltpu.sync_copy(pm_hbm.at[pl.ds(T + base, TW)], pv2)
    g0a = pltpu.async_copy(ypad_hbm.at[idx0.at[pl.ds(0, TH)]], a0, sema)
    g0b = pltpu.async_copy(ypad_hbm.at[idx1.at[pl.ds(0, TH)]], b0, sema)
    g0a.wait()
    g0b.wait()
    g1a = pltpu.async_copy(ypad_hbm.at[idx0.at[pl.ds(TH, TH)]], a1, semb)
    g1b = pltpu.async_copy(ypad_hbm.at[idx1.at[pl.ds(TH, TH)]], b1, semb)

    def add_half(abuf, bbuf, roff):
        @pl.loop(0, TH)
        def _(r):
            pa = pv1[r + roff, pl.ds(0, LANES)]
            pb = pv2[r + roff, pl.ds(0, LANES)]
            for c in range(D // LANES):
                sl = (r, pl.ds(c * LANES, LANES))
                abuf[sl] = abuf[sl] * pa + bbuf[sl] * pb

    add_half(a0, b0, 0)
    w0 = pltpu.async_copy(a0, y_hbm.at[pl.ds(base, TH)], sema)
    g1a.wait()
    g1b.wait()
    add_half(a1, b1, TH)
    w0.wait()
    pltpu.sync_copy(a1, y_hbm.at[pl.ds(base + TH, TH)])


def _combine(y_pad, dest, pm):
    mesh = plsc.VectorSubcoreMesh(core_axis_name="c", subcore_axis_name="s")
    fn = pl.kernel(
        _combine_body,
        out_type=jax.ShapeDtypeStruct((T, D), jnp.float32),
        mesh=mesh,
        scratch_types=[
            pltpu.VMEM((TH, D), jnp.float32),
            pltpu.VMEM((TH, D), jnp.float32),
            pltpu.VMEM((TH, D), jnp.float32),
            pltpu.VMEM((TH, D), jnp.float32),
            pltpu.VMEM((TW, LANES), jnp.float32),
            pltpu.VMEM((TW, LANES), jnp.float32),
            pltpu.VMEM((TW,), jnp.int32),
            pltpu.VMEM((TW,), jnp.int32),
            pltpu.SemaphoreType.DMA,
            pltpu.SemaphoreType.DMA,
        ],
    )
    return fn(y_pad, dest, pm)


def kernel(x, Wg, W1, W2):
    B, Tn, C = x.shape
    x_flat = x.reshape(Tn, C)
    dest, blk_e, blk_v, pm = _route(x_flat, Wg)
    dest1 = dest.reshape(P)
    x_pad = _scatter(x_flat, dest1)
    y_pad = _gmm(blk_e.reshape(NB), blk_v.reshape(NB), x_pad, W1, W2)
    y = _combine(y_pad, dest1, pm)
    return y.reshape(B, Tn, C)

# --- scband reference (transcript-rebuilt; emitter-appended) ---
"""Pipeline reference for scband-manual-mo-elayer-7017976561990 (READ-ONLY COPY).

The authoritative reference and input builder live on the scoring server;
editing this copy changes nothing except your own understanding.
"""

import jax, jax.numpy as jnp
import numpy as np

D_MODEL = 768
FF = 3072
N_EXPERT = 8
TOP_K = 2


def setup_inputs(seed: int = 0) -> dict:
    key = jax.random.key(seed)
    k1, k2, k3, k4 = jax.random.split(key, 4)
    x = jax.random.normal(k1, (1, 2048, D_MODEL), dtype=jnp.float32)
    Wg = jax.random.normal(k2, (N_EXPERT, D_MODEL), dtype=jnp.float32) * 0.02
    W1 = jax.random.normal(k3, (N_EXPERT, FF, D_MODEL), dtype=jnp.float32) * 0.02
    W2 = jax.random.normal(k4, (N_EXPERT, D_MODEL, FF), dtype=jnp.float32) * 0.02
    return {"x": x, "Wg": Wg, "W1": W1, "W2": W2}


def reference(x, Wg, W1, W2):
    B, T, C = x.shape
    E = Wg.shape[0]
    x_flat = x.reshape(-1, C)
    # gate: nn.Linear(n_embd, n_expert, bias=False)
    scores = x_flat @ Wg.T
    top_k = min(TOP_K, E)
    topk_scores, topk_indices = jax.lax.top_k(scores, top_k)
    topk_probs = jax.nn.softmax(topk_scores, axis=-1)
    y = jnp.zeros_like(x_flat)
    # Math-equivalent dense formulation of the per-expert masked gather loop:
    # y[t] = sum_k probs[t,k] * expert_{idx[t,k]}(x[t])
    #      = sum_e (sum_k probs[t,k] * [idx[t,k]==e]) * expert_e(x[t])
    for e in range(E):
        h = jax.nn.silu(x_flat @ W1[e].T)
        out_e = h @ W2[e].T
        w_e = jnp.sum(topk_probs * (topk_indices == e).astype(topk_probs.dtype), axis=-1)
        y = y + w_e[:, None] * out_e
    return y.reshape(B, T, C)

if __name__ == "__main__":
    import jax
    _d = setup_inputs()
    print(jax.jit(kernel)(*tuple(_d.values())))

</pallas_src>

<mosaic_0001>
#map = affine_map<(d0, d1) -> (0, 0)>
#map1 = affine_map<(d0, d1) -> (0)>
module attributes {stable_mosaic.version = 14 : i64} {
  func.func @_combine_body(%arg0: i32, %arg1: i32, %arg2: memref<8192x768xf32, #tpu.memory_space<hbm>>, %arg3: memref<4096xi32, #tpu.memory_space<hbm>>, %arg4: memref<4096x16xf32, #tpu.memory_space<hbm>>, %arg5: memref<2048x768xf32, #tpu.memory_space<hbm>>, %arg6: memref<32x768xf32, #tpu.memory_space<vmem>>, %arg7: memref<32x768xf32, #tpu.memory_space<vmem>>, %arg8: memref<32x768xf32, #tpu.memory_space<vmem>>, %arg9: memref<32x768xf32, #tpu.memory_space<vmem>>, %arg10: memref<64x16xf32, #tpu.memory_space<vmem>>, %arg11: memref<64x16xf32, #tpu.memory_space<vmem>>, %arg12: memref<64xi32, #tpu.memory_space<vmem>>, %arg13: memref<64xi32, #tpu.memory_space<vmem>>, %arg14: memref<!tpu.dma_semaphore, #tpu.memory_space<semaphore_mem>>, %arg15: memref<!tpu.dma_semaphore, #tpu.memory_space<semaphore_mem>>) attributes {dimension_semantics = [#tpu.dimension_semantics<core_parallel>, #tpu.dimension_semantics<subcore_parallel>], iteration_bounds = array<i64: 2, 16>, scalar_prefetch = 0 : i64, scratch_operands = 10 : i64, tpu.core_type = #tpu.core_type<sc_vector_subcore>, window_params = [{transform_indices = #map}, {transform_indices = #map1}, {transform_indices = #map}, {transform_indices = #map}]} {
    %mul3A = arith.constant 2 : i32
    %mul3A_0 = arith.muli %arg1, %mul3A : i32
    %add3A = arith.addi %mul3A_0, %arg0 : i32
    %mul3A_1 = arith.constant 64 : i32
    %mul3A_2 = arith.muli %add3A, %mul3A_1 : i32
    "tpu.region"() ({
      %run_scoped3A = tpu.sem_alloc : memref<!tpu.dma_semaphore, #tpu.memory_space<semaphore_mem>>
      %dma_start3A_64 = tpu.memref_slice %arg3[%mul3A_2] : memref<4096xi32, #tpu.memory_space<hbm>> -> memref<64xi32, #tpu.memory_space<hbm>>
      %dma_start3A_65 = tpu.memref_slice %arg3[%mul3A_2] : memref<4096xi32, #tpu.memory_space<hbm>> -> memref<64xi32, #tpu.memory_space<hbm>>
      tpu.enqueue_dma source(%dma_start3A_65 : memref<64xi32, #tpu.memory_space<hbm>>) target(%arg12 : memref<64xi32, #tpu.memory_space<vmem>>) target_semaphore(%run_scoped3A : memref<!tpu.dma_semaphore, #tpu.memory_space<semaphore_mem>>)
      %dma_wait3A_66 = tpu.memref_slice %arg3[%mul3A_2] : memref<4096xi32, #tpu.memory_space<hbm>> -> memref<64xi32, #tpu.memory_space<hbm>>
      %dma_wait3A_67 = tpu.memref_slice %arg3[%mul3A_2] : memref<4096xi32, #tpu.memory_space<hbm>> -> memref<64xi32, #tpu.memory_space<hbm>>
      tpu.wait_dma2 semaphore(%run_scoped3A : memref<!tpu.dma_semaphore, #tpu.memory_space<semaphore_mem>>) src(%dma_wait3A_67 : memref<64xi32, #tpu.memory_space<hbm>>) dst(%arg12 : memref<64xi32, #tpu.memory_space<vmem>>)
      tpu.yield
    }) : () -> ()
    %add3A_3 = arith.constant 2048 : i32
    %add3A_4 = arith.addi %add3A_3, %mul3A_2 : i32
    "tpu.region"() ({
      %run_scoped3A = tpu.sem_alloc : memref<!tpu.dma_semaphore, #tpu.memory_space<semaphore_mem>>
      %dma_start3A_64 = tpu.memref_slice %arg3[%add3A_4] : memref<4096xi32, #tpu.memory_space<hbm>> -> memref<64xi32, #tpu.memory_space<hbm>>
      %dma_start3A_65 = tpu.memref_slice %arg3[%add3A_4] : memref<4096xi32, #tpu.memory_space<hbm>> -> memref<64xi32, #tpu.memory_space<hbm>>
      tpu.enqueue_dma source(%dma_start3A_65 : memref<64xi32, #tpu.memory_space<hbm>>) target(%arg13 : memref<64xi32, #tpu.memory_space<vmem>>) target_semaphore(%run_scoped3A : memref<!tpu.dma_semaphore, #tpu.memory_space<semaphore_mem>>)
      %dma_wait3A_66 = tpu.memref_slice %arg3[%add3A_4] : memref<4096xi32, #tpu.memory_space<hbm>> -> memref<64xi32, #tpu.memory_space<hbm>>
      %dma_wait3A_67 = tpu.memref_slice %arg3[%add3A_4] : memref<4096xi32, #tpu.memory_space<hbm>> -> memref<64xi32, #tpu.memory_space<hbm>>
      tpu.wait_dma2 semaphore(%run_scoped3A : memref<!tpu.dma_semaphore, #tpu.memory_space<semaphore_mem>>) src(%dma_wait3A_67 : memref<64xi32, #tpu.memory_space<hbm>>) dst(%arg13 : memref<64xi32, #tpu.memory_space<vmem>>)
      tpu.yield
    }) : () -> ()
    "tpu.region"() ({
      %run_scoped3A = tpu.sem_alloc : memref<!tpu.dma_semaphore, #tpu.memory_space<semaphore_mem>>
      %dma_start3A_64 = arith.constant 0 : i32
      %dma_start3A_65 = tpu.memref_slice %arg4[%mul3A_2, %dma_start3A_64] : memref<4096x16xf32, #tpu.memory_space<hbm>> -> memref<64x16xf32, #tpu.memory_space<hbm>>
      %dma_start3A_66 = arith.constant 0 : i32
      %dma_start3A_67 = tpu.memref_slice %arg4[%mul3A_2, %dma_start3A_66] : memref<4096x16xf32, #tpu.memory_space<hbm>> -> memref<64x16xf32, #tpu.memory_space<hbm>>
      tpu.enqueue_dma source(%dma_start3A_67 : memref<64x16xf32, #tpu.memory_space<hbm>>) target(%arg10 : memref<64x16xf32, #tpu.memory_space<vmem>>) target_semaphore(%run_scoped3A : memref<!tpu.dma_semaphore, #tpu.memory_space<semaphore_mem>>)
      %dma_wait3A_68 = arith.constant 0 : i32
      %dma_wait3A_69 = tpu.memref_slice %arg4[%mul3A_2, %dma_wait3A_68] : memref<4096x16xf32, #tpu.memory_space<hbm>> -> memref<64x16xf32, #tpu.memory_space<hbm>>
      %dma_wait3A_70 = arith.constant 0 : i32
      %dma_wait3A_71 = tpu.memref_slice %arg4[%mul3A_2, %dma_wait3A_70] : memref<4096x16xf32, #tpu.memory_space<hbm>> -> memref<64x16xf32, #tpu.memory_space<hbm>>
      tpu.wait_dma2 semaphore(%run_scoped3A : memref<!tpu.dma_semaphore, #tpu.memory_space<semaphore_mem>>) src(%dma_wait3A_71 : memref<64x16xf32, #tpu.memory_space<hbm>>) dst(%arg10 : memref<64x16xf32, #tpu.memory_space<vmem>>)
      tpu.yield
    }) : () -> ()
    %add3A_5 = arith.constant 2048 : i32
    %add3A_6 = arith.addi %add3A_5, %mul3A_2 : i32
    "tpu.region"() ({
      %run_scoped3A = tpu.sem_alloc : memref<!tpu.dma_semaphore, #tpu.memory_space<semaphore_mem>>
      %dma_start3A_64 = arith.constant 0 : i32
      %dma_start3A_65 = tpu.memref_slice %arg4[%add3A_6, %dma_start3A_64] : memref<4096x16xf32, #tpu.memory_space<hbm>> -> memref<64x16xf32, #tpu.memory_space<hbm>>
      %dma_start3A_66 = arith.constant 0 : i32
      %dma_start3A_67 = tpu.memref_slice %arg4[%add3A_6, %dma_start3A_66] : memref<4096x16xf32, #tpu.memory_space<hbm>> -> memref<64x16xf32, #tpu.memory_space<hbm>>
      tpu.enqueue_dma source(%dma_start3A_67 : memref<64x16xf32, #tpu.memory_space<hbm>>) target(%arg11 : memref<64x16xf32, #tpu.memory_space<vmem>>) target_semaphore(%run_scoped3A : memref<!tpu.dma_semaphore, #tpu.memory_space<semaphore_mem>>)
      %dma_wait3A_68 = arith.constant 0 : i32
      %dma_wait3A_69 = tpu.memref_slice %arg4[%add3A_6, %dma_wait3A_68] : memref<4096x16xf32, #tpu.memory_space<hbm>> -> memref<64x16xf32, #tpu.memory_space<hbm>>
      %dma_wait3A_70 = arith.constant 0 : i32
      %dma_wait3A_71 = tpu.memref_slice %arg4[%add3A_6, %dma_wait3A_70] : memref<4096x16xf32, #tpu.memory_space<hbm>> -> memref<64x16xf32, #tpu.memory_space<hbm>>
      tpu.wait_dma2 semaphore(%run_scoped3A : memref<!tpu.dma_semaphore, #tpu.memory_space<semaphore_mem>>) src(%dma_wait3A_71 : memref<64x16xf32, #tpu.memory_space<hbm>>) dst(%arg11 : memref<64x16xf32, #tpu.memory_space<vmem>>)
      tpu.yield
    }) : () -> ()
    %dma_start3A = arith.constant 0 : i32
    %dma_start3A_7 = tpu.memref_slice %arg12[%dma_start3A] : memref<64xi32, #tpu.memory_space<vmem>> -> memref<32xi32, #tpu.memory_space<vmem>>
    %dma_start3A_8 = arith.constant 0 : i32
    %dma_start3A_9 = arith.constant 0 : i32
    %dma_start3A_10 = tpu.memref_slice %arg2[%dma_start3A_8, %dma_start3A_9] : memref<8192x768xf32, #tpu.memory_space<hbm>> -> memref<8192x768xf32, #tpu.memory_space<hbm>>
    tpu.enqueue_indirect_dma source(%dma_start3A_10 : memref<8192x768xf32, #tpu.memory_space<hbm>>) target(%arg6 : memref<32x768xf32, #tpu.memory_space<vmem>>) offsets(%dma_start3A_7 : memref<32xi32, #tpu.memory_space<vmem>>) semaphore(%arg14 : memref<!tpu.dma_semaphore, #tpu.memory_space<semaphore_mem>>)
    %dma_start3A_11 = arith.constant 0 : i32
    %dma_start3A_12 = tpu.memref_slice %arg13[%dma_start3A_11] : memref<64xi32, #tpu.memory_space<vmem>> -> memref<32xi32, #tpu.memory_space<vmem>>
    %dma_start3A_13 = arith.constant 0 : i32
    %dma_start3A_14 = arith.constant 0 : i32
    %dma_start3A_15 = tpu.memref_slice %arg2[%dma_start3A_13, %dma_start3A_14] : memref<8192x768xf32, #tpu.memory_space<hbm>> -> memref<8192x768xf32, #tpu.memory_space<hbm>>
    tpu.enqueue_indirect_dma source(%dma_start3A_15 : memref<8192x768xf32, #tpu.memory_space<hbm>>) target(%arg7 : memref<32x768xf32, #tpu.memory_space<vmem>>) offsets(%dma_start3A_12 : memref<32xi32, #tpu.memory_space<vmem>>) semaphore(%arg14 : memref<!tpu.dma_semaphore, #tpu.memory_space<semaphore_mem>>)
    %dma_wait3A = arith.constant 0 : i32
    %dma_wait3A_16 = tpu.memref_slice %arg12[%dma_wait3A] : memref<64xi32, #tpu.memory_space<vmem>> -> memref<32xi32, #tpu.memory_space<vmem>>
    %dma_wait3A_17 = arith.constant 0 : i32
    %dma_wait3A_18 = arith.constant 0 : i32
    %dma_wait3A_19 = tpu.memref_slice %arg2[%dma_wait3A_17, %dma_wait3A_18] : memref<8192x768xf32, #tpu.memory_space<hbm>> -> memref<8192x768xf32, #tpu.memory_space<hbm>>
    tpu.wait_indirect_dma semaphore(%arg14 : memref<!tpu.dma_semaphore, #tpu.memory_space<semaphore_mem>>) src(%dma_wait3A_19 : memref<8192x768xf32, #tpu.memory_space<hbm>>) dst(%arg6 : memref<32x768xf32, #tpu.memory_space<vmem>>)
    %dma_wait3A_20 = arith.constant 0 : i32
    %dma_wait3A_21 = tpu.memref_slice %arg13[%dma_wait3A_20] : memref<64xi32, #tpu.memory_space<vmem>> -> memref<32xi32, #tpu.memory_space<vmem>>
    %dma_wait3A_22 = arith.constant 0 : i32
    %dma_wait3A_23 = arith.constant 0 : i32
    %dma_wait3A_24 = tpu.memref_slice %arg2[%dma_wait3A_22, %dma_wait3A_23] : memref<8192x768xf32, #tpu.memory_space<hbm>> -> memref<8192x768xf32, #tpu.memory_space<hbm>>
    tpu.wait_indirect_dma semaphore(%arg14 : memref<!tpu.dma_semaphore, #tpu.memory_space<semaphore_mem>>) src(%dma_wait3A_24 : memref<8192x768xf32, #tpu.memory_space<hbm>>) dst(%arg7 : memref<32x768xf32, #tpu.memory_space<vmem>>)
    %dma_start3A_25 = arith.constant 32 : i32
    %dma_start3A_26 = tpu.memref_slice %arg12[%dma_start3A_25] : memref<64xi32, #tpu.memory_space<vmem>> -> memref<32xi32, #tpu.memory_space<vmem>>
    %dma_start3A_27 = arith.constant 0 : i32
    %dma_start3A_28 = arith.constant 0 : i32
    %dma_start3A_29 = tpu.memref_slice %arg2[%dma_start3A_27, %dma_start3A_28] : memref<8192x768xf32, #tpu.memory_space<hbm>> -> memref<8192x768xf32, #tpu.memory_space<hbm>>
    tpu.enqueue_indirect_dma source(%dma_start3A_29 : memref<8192x768xf32, #tpu.memory_space<hbm>>) target(%arg8 : memref<32x768xf32, #tpu.memory_space<vmem>>) offsets(%dma_start3A_26 : memref<32xi32, #tpu.memory_space<vmem>>) semaphore(%arg15 : memref<!tpu.dma_semaphore, #tpu.memory_space<semaphore_mem>>)
    %dma_start3A_30 = arith.constant 32 : i32
    %dma_start3A_31 = tpu.memref_slice %arg13[%dma_start3A_30] : memref<64xi32, #tpu.memory_space<vmem>> -> memref<32xi32, #tpu.memory_space<vmem>>
    %dma_start3A_32 = arith.constant 0 : i32
    %dma_start3A_33 = arith.constant 0 : i32
    %dma_start3A_34 = tpu.memref_slice %arg2[%dma_start3A_32, %dma_start3A_33] : memref<8192x768xf32, #tpu.memory_space<hbm>> -> memref<8192x768xf32, #tpu.memory_space<hbm>>
    tpu.enqueue_indirect_dma source(%dma_start3A_34 : memref<8192x768xf32, #tpu.memory_space<hbm>>) target(%arg9 : memref<32x768xf32, #tpu.memory_space<vmem>>) offsets(%dma_start3A_31 : memref<32xi32, #tpu.memory_space<vmem>>) semaphore(%arg15 : memref<!tpu.dma_semaphore, #tpu.memory_space<semaphore_mem>>)
    %scan3A = arith.constant 0 : i32
    %scan3A_35 = arith.constant 32 : i32
    %scan3A_36 = arith.addi %scan3A, %scan3A_35 : i32
    %scan3A_37 = arith.constant 1 : i32
    scf.for %scan3A_64 = %scan3A to %scan3A_36 step %scan3A_37  : i32 {
      %mul3A_65 = arith.constant 1 : i32
      %mul3A_66 = arith.muli %scan3A_64, %mul3A_65 : i32
      %add3A_67 = arith.constant 0 : i32
      %add3A_68 = arith.addi %add3A_67, %mul3A_66 : i32
      %add3A_69 = arith.constant 0 : i32
      %add3A_70 = arith.addi %add3A_68, %add3A_69 : i32
      %get3A = arith.index_cast %add3A_70 : i32 to index
      %get3A_71 = arith.constant 0 : index
      %get3A_72 = tpu.vector_load %arg10[%get3A, %get3A_71] {strides = array<i32>} : memref<64x16xf32, #tpu.memory_space<vmem>>, vector<1x16xf32>,
      %get3A_73 = vector.shape_cast %get3A_72 : vector<1x16xf32> to vector<16xf32>
      %add3A_74 = arith.constant 0 : i32
      %add3A_75 = arith.addi %add3A_68, %add3A_74 : i32
      %get3A_76 = arith.index_cast %add3A_75 : i32 to index
      %get3A_77 = arith.constant 0 : index
      %get3A_78 = tpu.vector_load %arg11[%get3A_76, %get3A_77] {strides = array<i32>} : memref<64x16xf32, #tpu.memory_space<vmem>>, vector<1x16xf32>,
      %get3A_79 = vector.shape_cast %get3A_78 : vector<1x16xf32> to vector<16xf32>
      %get3A_80 = arith.index_cast %add3A_68 : i32 to index
      %get3A_81 = arith.constant 0 : index
      %get3A_82 = tpu.vector_load %arg6[%get3A_80, %get3A_81] {strides = array<i32>} : memref<32x768xf32, #tpu.memory_space<vmem>>, vector<1x16xf32>,
      %get3A_83 = vector.shape_cast %get3A_82 : vector<1x16xf32> to vector<16xf32>
      %mul3A_84 = arith.mulf %get3A_83, %get3A_73 : vector<16xf32>
      %get3A_85 = arith.index_cast %add3A_68 : i32 to index
      %get3A_86 = arith.constant 0 : index
      %get3A_87 = tpu.vector_load %arg7[%get3A_85, %get3A_86] {strides = array<i32>} : memref<32x768xf32, #tpu.memory_space<vmem>>, vector<1x16xf32>,
      %get3A_88 = vector.shape_cast %get3A_87 : vector<1x16xf32> to vector<16xf32>
      %mul3A_89 = arith.mulf %get3A_88, %get3A_79 : vector<16xf32>
      %add3A_90 = arith.addf %mul3A_84, %mul3A_89 : vector<16xf32>
      %swap3A = arith.index_cast %add3A_68 : i32 to index
      %swap3A_91 = arith.constant 0 : index
      %swap3A_92 = tpu.vector_load %arg6[%swap3A, %swap3A_91] {strides = array<i32>} : memref<32x768xf32, #tpu.memory_space<vmem>>, vector<1x16xf32>,
      %swap3A_93 = vector.shape_cast %swap3A_92 : vector<1x16xf32> to vector<16xf32>
      %swap3A_94 = vector.shape_cast %add3A_90 : vector<16xf32> to vector<1x16xf32>
      tpu.vector_store %arg6[%swap3A, %swap3A_91], %swap3A_94 {strides = array<i32>} : memref<32x768xf32, #tpu.memory_space<vmem>>, vector<1x16xf32>,
      %get3A_95 = arith.index_cast %add3A_68 : i32 to index
      %get3A_96 = arith.constant 16 : index
      %get3A_97 = tpu.vector_load %arg6[%get3A_95, %get3A_96] {strides = array<i32>} : memref<32x768xf32, #tpu.memory_space<vmem>>, vector<1x16xf32>,
      %get3A_98 = vector.shape_cast %get3A_97 : vector<1x16xf32> to vector<16xf32>
      %mul3A_99 = arith.mulf %get3A_98, %get3A_73 : vector<16xf32>
      %get3A_100 = arith.index_cast %add3A_68 : i32 to index
      %get3A_101 = arith.constant 16 : index
      %get3A_102 = tpu.vector_load %arg7[%get3A_100, %get3A_101] {strides = array<i32>} : memref<32x768xf32, #tpu.memory_space<vmem>>, vector<1x16xf32>,
      %get3A_103 = vector.shape_cast %get3A_102 : vector<1x16xf32> to vector<16xf32>
      %mul3A_104 = arith.mulf %get3A_103, %get3A_79 : vector<16xf32>
      %add3A_105 = arith.addf %mul3A_99, %mul3A_104 : vector<16xf32>
      %swap3A_106 = arith.index_cast %add3A_68 : i32 to index
      %swap3A_107 = arith.constant 16 : index
      %swap3A_108 = tpu.vector_load %arg6[%swap3A_106, %swap3A_107] {strides = array<i32>} : memref<32x768xf32, #tpu.memory_space<vmem>>, vector<1x16xf32>,
      %swap3A_109 = vector.shape_cast %swap3A_108 : vector<1x16xf32> to vector<16xf32>
      %swap3A_110 = vector.shape_cast %add3A_105 : vector<16xf32> to vector<1x16xf32>
      tpu.vector_store %arg6[%swap3A_106, %swap3A_107], %swap3A_110 {strides = array<i32>} : memref<32x768xf32, #tpu.memory_space<vmem>>, vector<1x16xf32>,
      %get3A_111 = arith.index_cast %add3A_68 : i32 to index
      %get3A_112 = arith.constant 32 : index
      %get3A_113 = tpu.vector_load %arg6[%get3A_111, %get3A_112] {strides = array<i32>} : memref<32x768xf32, #tpu.memory_space<vmem>>, vector<1x16xf32>,
      %get3A_114 = vector.shape_cast %get3A_113 : vector<1x16xf32> to vector<16xf32>
      %mul3A_115 = arith.mulf %get3A_114, %get3A_73 : vector<16xf32>
      %get3A_116 = arith.index_cast %add3A_68 : i32 to index
      %get3A_117 = arith.constant 32 : index
      %get3A_118 = tpu.vector_load %arg7[%get3A_116, %get3A_117] {strides = array<i32>} : memref<32x768xf32, #tpu.memory_space<vmem>>, vector<1x16xf32>,
      %get3A_119 = vector.shape_cast %get3A_118 : vector<1x16xf32> to vector<16xf32>
      %mul3A_120 = arith.mulf %get3A_119, %get3A_79 : vector<16xf32>
      %add3A_121 = arith.addf %mul3A_115, %mul3A_120 : vector<16xf32>
      %swap3A_122 = arith.index_cast %add3A_68 : i32 to index
      %swap3A_123 = arith.constant 32 : index
      %swap3A_124 = tpu.vector_load %arg6[%swap3A_122, %swap3A_123] {strides = array<i32>} : memref<32x768xf32, #tpu.memory_space<vmem>>, vector<1x16xf32>,
      %swap3A_125 = vector.shape_cast %swap3A_124 : vector<1x16xf32> to vector<16xf32>
      %swap3A_126 = vector.shape_cast %add3A_121 : vector<16xf32> to vector<1x16xf32>
      tpu.vector_store %arg6[%swap3A_122, %swap3A_123], %swap3A_126 {strides = array<i32>} : memref<32x768xf32, #tpu.memory_space<vmem>>, vector<1x16xf32>,
      %get3A_127 = arith.index_cast %add3A_68 : i32 to index
      %get3A_128 = arith.constant 48 : index
      %get3A_129 = tpu.vector_load %arg6[%get3A_127, %get3A_128] {strides = array<i32>} : memref<32x768xf32, #tpu.memory_space<vmem>>, vector<1x16xf32>,
      %get3A_130 = vector.shape_cast %get3A_129 : vector<1x16xf32> to vector<16xf32>
      %mul3A_131 = arith.mulf %get3A_130, %get3A_73 : vector<16xf32>
      %get3A_132 = arith.index_cast %add3A_68 : i32 to index
      %get3A_133 = arith.constant 48 : index
      %get3A_134 = tpu.vector_load %arg7[%get3A_132, %get3A_133] {strides = array<i32>} : memref<32x768xf32, #tpu.memory_space<vmem>>, vector<1x16xf32>,
      %get3A_135 = vector.shape_cast %get3A_134 : vector<1x16xf32> to vector<16xf32>
      %mul3A_136 = arith.mulf %get3A_135, %get3A_79 : vector<16xf32>
      %add3A_137 = arith.addf %mul3A_131, %mul3A_136 : vector<16xf32>
      %swap3A_138 = arith.index_cast %add3A_68 : i32 to index
      %swap3A_139 = arith.constant 48 : index
      %swap3A_140 = tpu.vector_load %arg6[%swap3A_138, %swap3A_139] {strides = array<i32>} : memref<32x768xf32, #tpu.memory_space<vmem>>, vector<1x16xf32>,
      %swap3A_141 = vector.shape_cast %swap3A_140 : vector<1x16xf32> to vector<16xf32>
      %swap3A_142 = vector.shape_cast %add3A_137 : vector<16xf32> to vector<1x16xf32>
      tpu.vector_store %arg6[%swap3A_138, %swap3A_139], %swap3A_142 {strides = array<i32>} : memref<32x768xf32, #tpu.memory_space<vmem>>, vector<1x16xf32>,
      %get3A_143 = arith.index_cast %add3A_68 : i32 to index
      %get3A_144 = arith.constant 64 : index
      %get3A_145 = tpu.vector_load %arg6[%get3A_143, %get3A_144] {strides = array<i32>} : memref<32x768xf32, #tpu.memory_space<vmem>>, vector<1x16xf32>,
      %get3A_146 = vector.shape_cast %get3A_145 : vector<1x16xf32> to vector<16xf32>
      %mul3A_147 = arith.mulf %get3A_146, %get3A_73 : vector<16xf32>
      %get3A_148 = arith.index_cast %add3A_68 : i32 to index
      %get3A_149 = arith.constant 64 : index
      %get3A_150 = tpu.vector_load %arg7[%get3A_148, %get3A_149] {strides = array<i32>} : memref<32x768xf32, #tpu.memory_space<vmem>>, vector<1x16xf32>,
      %get3A_151 = vector.shape_cast %get3A_150 : vector<1x16xf32> to vector<16xf32>
      %mul3A_152 = arith.mulf %get3A_151, %get3A_79 : vector<16xf32>
      %add3A_153 = arith.addf %mul3A_147, %mul3A_152 : vector<16xf32>
      %swap3A_154 = arith.index_cast %add3A_68 : i32 to index
      %swap3A_155 = arith.constant 64 : index
      %swap3A_156 = tpu.vector_load %arg6[%swap3A_154, %swap3A_155] {strides = array<i32>} : memref<32x768xf32, #tpu.memory_space<vmem>>, vector<1x16xf32>,
      %swap3A_157 = vector.shape_cast %swap3A_156 : vector<1x16xf32> to vector<16xf32>
      %swap3A_158 = vector.shape_cast %add3A_153 : vector<16xf32> to vector<1x16xf32>
      tpu.vector_store %arg6[%swap3A_154, %swap3A_155], %swap3A_158 {strides = array<i32>} : memref<32x768xf32, #tpu.memory_space<vmem>>, vector<1x16xf32>,
      %get3A_159 = arith.index_cast %add3A_68 : i32 to index
      %get3A_160 = arith.constant 80 : index
      %get3A_161 = tpu.vector_load %arg6[%get3A_159, %get3A_160] {strides = array<i32>} : memref<32x768xf32, #tpu.memory_space<vmem>>, vector<1x16xf32>,
      %get3A_162 = vector.shape_cast %get3A_161 : vector<1x16xf32> to vector<16xf32>
      %mul3A_163 = arith.mulf %get3A_162, %get3A_73 : vector<16xf32>
      %get3A_164 = arith.index_cast %add3A_68 : i32 to index
      %get3A_165 = arith.constant 80 : index
      %get3A_166 = tpu.vector_load %arg7[%get3A_164, %get3A_165] {strides = array<i32>} : memref<32x768xf32, #tpu.memory_space<vmem>>, vector<1x16xf32>,
      %get3A_167 = vector.shape_cast %get3A_166 : vector<1x16xf32> to vector<16xf32>
      %mul3A_168 = arith.mulf %get3A_167, %get3A_79 : vector<16xf32>
      %add3A_169 = arith.addf %mul3A_163, %mul3A_168 : vector<16xf32>
      %swap3A_170 = arith.index_cast %add3A_68 : i32 to index
      %swap3A_171 = arith.constant 80 : index
      %swap3A_172 = tpu.vector_load %arg6[%swap3A_170, %swap3A_171] {strides = array<i32>} : memref<32x768xf32, #tpu.memory_space<vmem>>, vector<1x16xf32>,
      %swap3A_173 = vector.shape_cast %swap3A_172 : vector<1x16xf32> to vector<16xf32>
      %swap3A_174 = vector.shape_cast %add3A_169 : vector<16xf32> to vector<1x16xf32>
      tpu.vector_store %arg6[%swap3A_170, %swap3A_171], %swap3A_174 {strides = array<i32>} : memref<32x768xf32, #tpu.memory_space<vmem>>, vector<1x16xf32>,
      %get3A_175 = arith.index_cast %add3A_68 : i32 to index
      %get3A_176 = arith.constant 96 : index
      %get3A_177 = tpu.vector_load %arg6[%get3A_175, %get3A_176] {strides = array<i32>} : memref<32x768xf32, #tpu.memory_space<vmem>>, vector<1x16xf32>,
      %get3A_178 = vector.shape_cast %get3A_177 : vector<1x16xf32> to vector<16xf32>
      %mul3A_179 = arith.mulf %get3A_178, %get3A_73 : vector<16xf32>
      %get3A_180 = arith.index_cast %add3A_68 : i32 to index
      %get3A_181 = arith.constant 96 : index
      %get3A_182 = tpu.vector_load %arg7[%get3A_180, %get3A_181] {strides = array<i32>} : memref<32x768xf32, #tpu.memory_space<vmem>>, vector<1x16xf32>,
      %get3A_183 = vector.shape_cast %get3A_182 : vector<1x16xf32> to vector<16xf32>
      %mul3A_184 = arith.mulf %get3A_183, %get3A_79 : vector<16xf32>
      %add3A_185 = arith.addf %mul3A_179, %mul3A_184 : vector<16xf32>
      %swap3A_186 = arith.index_cast %add3A_68 : i32 to index
      %swap3A_187 = arith.constant 96 : index
      %swap3A_188 = tpu.vector_load %arg6[%swap3A_186, %swap3A_187] {strides = array<i32>} : memref<32x768xf32, #tpu.memory_space<vmem>>, vector<1x16xf32>,
      %swap3A_189 = vector.shape_cast %swap3A_188 : vector<1x16xf32> to vector<16xf32>
      %swap3A_190 = vector.shape_cast %add3A_185 : vector<16xf32> to vector<1x16xf32>
      tpu.vector_store %arg6[%swap3A_186, %swap3A_187], %swap3A_190 {strides = array<i32>} : memref<32x768xf32, #tpu.memory_space<vmem>>, vector<1x16xf32>,
      %get3A_191 = arith.index_cast %add3A_68 : i32 to index
      %get3A_192 = arith.constant 112 : index
      %get3A_193 = tpu.vector_load %arg6[%get3A_191, %get3A_192] {strides = array<i32>} : memref<32x768xf32, #tpu.memory_space<vmem>>, vector<1x16xf32>,
      %get3A_194 = vector.shape_cast %get3A_193 : vector<1x16xf32> to vector<16xf32>
      %mul3A_195 = arith.mulf %get3A_194, %get3A_73 : vector<16xf32>
      %get3A_196 = arith.index_cast %add3A_68 : i32 to index
      %get3A_197 = arith.constant 112 : index
      %get3A_198 = tpu.vector_load %arg7[%get3A_196, %get3A_197] {strides = array<i32>} : memref<32x768xf32, #tpu.memory_space<vmem>>, vector<1x16xf32>,
      %get3A_199 = vector.shape_cast %get3A_198 : vector<1x16xf32> to vector<16xf32>
      %mul3A_200 = arith.mulf %get3A_199, %get3A_79 : vector<16xf32>
      %add3A_201 = arith.addf %mul3A_195, %mul3A_200 : vector<16xf32>
      %swap3A_202 = arith.index_cast %add3A_68 : i32 to index
      %swap3A_203 = arith.constant 112 : index
      %swap3A_204 = tpu.vector_load %arg6[%swap3A_202, %swap3A_203] {strides = array<i32>} : memref<32x768xf32, #tpu.memory_space<vmem>>, vector<1x16xf32>,
      %swap3A_205 = vector.shape_cast %swap3A_204 : vector<1x16xf32> to vector<16xf32>
      %swap3A_206 = vector.shape_cast %add3A_201 : vector<16xf32> to vector<1x16xf32>
      tpu.vector_store %arg6[%swap3A_202, %swap3A_203], %swap3A_206 {strides = array<i32>} : memref<32x768xf32, #tpu.memory_space<vmem>>, vector<1x16xf32>,
      %get3A_207 = arith.index_cast %add3A_68 : i32 to index
      %get3A_208 = arith.constant 128 : index
      %get3A_209 = tpu.vector_load %arg6[%get3A_207, %get3A_208] {strides = array<i32>} : memref<32x768xf32, #tpu.memory_space<vmem>>, vector<1x16xf32>,
      %get3A_210 = vector.shape_cast %get3A_209 : vector<1x16xf32> to vector<16xf32>
      %mul3A_211 = arith.mulf %get3A_210, %get3A_73 : vector<16xf32>
      %get3A_212 = arith.index_cast %add3A_68 : i32 to index
      %get3A_213 = arith.constant 128 : index
      %get3A_214 = tpu.vector_load %arg7[%get3A_212, %get3A_213] {strides = array<i32>} : memref<32x768xf32, #tpu.memory_space<vmem>>, vector<1x16xf32>,
      %get3A_215 = vector.shape_cast %get3A_214 : vector<1x16xf32> to vector<16xf32>
      %mul3A_216 = arith.mulf %get3A_215, %get3A_79 : vector<16xf32>
      %add3A_217 = arith.addf %mul3A_211, %mul3A_216 : vector<16xf32>
      %swap3A_218 = arith.index_cast %add3A_68 : i32 to index
      %swap3A_219 = arith.constant 128 : index
      %swap3A_220 = tpu.vector_load %arg6[%swap3A_218, %swap3A_219] {strides = array<i32>} : memref<32x768xf32, #tpu.memory_space<vmem>>, vector<1x16xf32>,
      %swap3A_221 = vector.shape_cast %swap3A_220 : vector<1x16xf32> to vector<16xf32>
      %swap3A_222 = vector.shape_cast %add3A_217 : vector<16xf32> to vector<1x16xf32>
      tpu.vector_store %arg6[%swap3A_218, %swap3A_219], %swap3A_222 {strides = array<i32>} : memref<32x768xf32, #tpu.memory_space<vmem>>, vector<1x16xf32>,
      %get3A_223 = arith.index_cast %add3A_68 : i32 to index
      %get3A_224 = arith.constant 144 : index
      %get3A_225 = tpu.vector_load %arg6[%get3A_223, %get3A_224] {strides = array<i32>} : memref<32x768xf32, #tpu.memory_space<vmem>>, vector<1x16xf32>,
      %get3A_226 = vector.shape_cast %get3A_225 : vector<1x16xf32> to vector<16xf32>
      %mul3A_227 = arith.mulf %get3A_226, %get3A_73 : vector<16xf32>
      %get3A_228 = arith.index_cast %add3A_68 : i32 to index
      %get3A_229 = arith.constant 144 : index
      %get3A_230 = tpu.vector_load %arg7[%get3A_228, %get3A_229] {strides = array<i32>} : memref<32x768xf32, #tpu.memory_space<vmem>>, vector<1x16xf32>,
      %get3A_231 = vector.shape_cast %get3A_230 : vector<1x16xf32> to vector<16xf32>
      %mul3A_232 = arith.mulf %get3A_231, %get3A_79 : vector<16xf32>
      %add3A_233 = arith.addf %mul3A_227, %mul3A_232 : vector<16xf32>
      %swap3A_234 = arith.index_cast %add3A_68 : i32 to index
      %swap3A_235 = arith.constant 144 : index
      %swap3A_236 = tpu.vector_load %arg6[%swap3A_234, %swap3A_235] {strides = array<i32>} : memref<32x768xf32, #tpu.memory_space<vmem>>, vector<1x16xf32>,
      %swap3A_237 = vector.shape_cast %swap3A_236 : vector<1x16xf32> to vector<16xf32>
      %swap3A_238 = vector.shape_cast %add3A_233 : vector<16xf32> to vector<1x16xf32>
      tpu.vector_store %arg6[%swap3A_234, %swap3A_235], %swap3A_238 {strides = array<i32>} : memref<32x768xf32, #tpu.memory_space<vmem>>, vector<1x16xf32>,
      %get3A_239 = arith.index_cast %add3A_68 : i32 to index
      %get3A_240 = arith.constant 160 : index
      %get3A_241 = tpu.vector_load %arg6[%get3A_239, %get3A_240] {strides = array<i32>} : memref<32x768xf32, #tpu.memory_space<vmem>>, vector<1x16xf32>,
      %get3A_242 = vector.shape_cast %get3A_241 : vector<1x16xf32> to vector<16xf32>
      %mul3A_243 = arith.mulf %get3A_242, %get3A_73 : vector<16xf32>
      %get3A_244 = arith.index_cast %add3A_68 : i32 to index
      %get3A_245 = arith.constant 160 : index
      %get3A_246 = tpu.vector_load %arg7[%get3A_244, %get3A_245] {strides = array<i32>} : memref<32x768xf32, #tpu.memory_space<vmem>>, vector<1x16xf32>,
      %get3A_247 = vector.shape_cast %get3A_246 : vector<1x16xf32> to vector<16xf32>
      %mul3A_248 = arith.mulf %get3A_247, %get3A_79 : vector<16xf32>
      %add3A_249 = arith.addf %mul3A_243, %mul3A_248 : vector<16xf32>
      %swap3A_250 = arith.index_cast %add3A_68 : i32 to index
      %swap3A_251 = arith.constant 160 : index
      %swap3A_252 = tpu.vector_load %arg6[%swap3A_250, %swap3A_251] {strides = array<i32>} : memref<32x768xf32, #tpu.memory_space<vmem>>, vector<1x16xf32>,
      %swap3A_253 = vector.shape_cast %swap3A_252 : vector<1x16xf32> to vector<16xf32>
      %swap3A_254 = vector.shape_cast %add3A_249 : vector<16xf32> to vector<1x16xf32>
      tpu.vector_store %arg6[%swap3A_250, %swap3A_251], %swap3A_254 {strides = array<i32>} : memref<32x768xf32, #tpu.memory_space<vmem>>, vector<1x16xf32>,
      %get3A_255 = arith.index_cast %add3A_68 : i32 to index
      %get3A_256 = arith.constant 176 : index
      %get3A_257 = tpu.vector_load %arg6[%get3A_255, %get3A_256] {strides = array<i32>} : memref<32x768xf32, #tpu.memory_space<vmem>>, vector<1x16xf32>,
      %get3A_258 = vector.shape_cast %get3A_257 : vector<1x16xf32> to vector<16xf32>
      %mul3A_259 = arith.mulf %get3A_258, %get3A_73 : vector<16xf32>
      %get3A_260 = arith.index_cast %add3A_68 : i32 to index
      %get3A_261 = arith.constant 176 : index
      %get3A_262 = tpu.vector_load %arg7[%get3A_260, %get3A_261] {strides = array<i32>} : memref<32x768xf32, #tpu.memory_space<vmem>>, vector<1x16xf32>,
      %get3A_263 = vector.shape_cast %get3A_262 : vector<1x16xf32> to vector<16xf32>
      %mul3A_264 = arith.mulf %get3A_263, %get3A_79 : vector<16xf32>
      %add3A_265 = arith.addf %mul3A_259, %mul3A_264 : vector<16xf32>
      %swap3A_266 = arith.index_cast %add3A_68 : i32 to index
      %swap3A_267 = arith.constant 176 : index
      %swap3A_268 = tpu.vector_load %arg6[%swap3A_266, %swap3A_267] {strides = array<i32>} : memref<32x768xf32, #tpu.memory_space<vmem>>, vector<1x16xf32>,
      %swap3A_269 = vector.shape_cast %swap3A_268 : vector<1x16xf32> to vector<16xf32>
      %swap3A_270 = vector.shape_cast %add3A_265 : vector<16xf32> to vector<1x16xf32>
      tpu.vector_store %arg6[%swap3A_266, %swap3A_267], %swap3A_270 {strides = array<i32>} : memref<32x768xf32, #tpu.memory_space<vmem>>, vector<1x16xf32>,
      %get3A_271 = arith.index_cast %add3A_68 : i32 to index
      %get3A_272 = arith.constant 192 : index
      %get3A_273 = tpu.vector_load %arg6[%get3A_271, %get3A_272] {strides = array<i32>} : memref<32x768xf32, #tpu.memory_space<vmem>>, vector<1x16xf32>,
      %get3A_274 = vector.shape_cast %get3A_273 : vector<1x16xf32> to vector<16xf32>
      %mul3A_275 = arith.mulf %get3A_274, %get3A_73 : vector<16xf32>
      %get3A_276 = arith.index_cast %add3A_68 : i32 to index
      %get3A_277 = arith.constant 192 : index
      %get3A_278 = tpu.vector_load %arg7[%get3A_276, %get3A_277] {strides = array<i32>} : memref<32x768xf32, #tpu.memory_space<vmem>>, vector<1x16xf32>,
      %get3A_279 = vector.shape_cast %get3A_278 : vector<1x16xf32> to vector<16xf32>
      %mul3A_280 = arith.mulf %get3A_279, %get3A_79 : vector<16xf32>
      %add3A_281 = arith.addf %mul3A_275, %mul3A_280 : vector<16xf32>
      %swap3A_282 = arith.index_cast %add3A_68 : i32 to index
      %swap3A_283 = arith.constant 192 : index
      %swap3A_284 = tpu.vector_load %arg6[%swap3A_282, %swap3A_283] {strides = array<i32>} : memref<32x768xf32, #tpu.memory_space<vmem>>, vector<1x16xf32>,
      %swap3A_285 = vector.shape_cast %swap3A_284 : vector<1x16xf32> to vector<16xf32>
      %swap3A_286 = vector.shape_cast %add3A_281 : vector<16xf32> to vector<1x16xf32>
      tpu.vector_store %arg6[%swap3A_282, %swap3A_283], %swap3A_286 {strides = array<i32>} : memref<32x768xf32, #tpu.memory_space<vmem>>, vector<1x16xf32>,
      %get3A_287 = arith.index_cast %add3A_68 : i32 to index
      %get3A_288 = arith.constant 208 : index
      %get3A_289 = tpu.vector_load %arg6[%get3A_287, %get3A_288] {strides = array<i32>} : memref<32x768xf32, #tpu.memory_space<vmem>>, vector<1x16xf32>,
      %get3A_290 = vector.shape_cast %get3A_289 : vector<1x16xf32> to vector<16xf32>
      %mul3A_291 = arith.mulf %get3A_290, %get3A_73 : vector<16xf32>
      %get3A_292 = arith.index_cast %add3A_68 : i32 to index
      %get3A_293 = arith.constant 208 : index
      %get3A_294 = tpu.vector_load %arg7[%get3A_292, %get3A_293] {strides = array<i32>} : memref<32x768xf32, #tpu.memory_space<vmem>>, vector<1x16xf32>,
      %get3A_295 = vector.shape_cast %get3A_294 : vector<1x16xf32> to vector<16xf32>
      %mul3A_296 = arith.mulf %get3A_295, %get3A_79 : vector<16xf32>
      %add3A_297 = arith.addf %mul3A_291, %mul3A_296 : vector<16xf32>
      %swap3A_298 = arith.index_cast %add3A_68 : i32 to index
      %swap3A_299 = arith.constant 208 : index
      %swap3A_300 = tpu.vector_load %arg6[%swap3A_298, %swap3A_299] {strides = array<i32>} : memref<32x768xf32, #tpu.memory_space<vmem>>, vector<1x16xf32>,
      %swap3A_301 = vector.shape_cast %swap3A_300 : vector<1x16xf32> to vector<16xf32>
      %swap3A_302 = vector.shape_cast %add3A_297 : vector<16xf32> to vector<1x16xf32>
      tpu.vector_store %arg6[%swap3A_298, %swap3A_299], %swap3A_302 {strides = array<i32>} : memref<32x768xf32, #tpu.memory_space<vmem>>, vector<1x16xf32>,
      %get3A_303 = arith.index_cast %add3A_68 : i32 to index
      %get3A_304 = arith.constant 224 : index
      %get3A_305 = tpu.vector_load %arg6[%get3A_303, %get3A_304] {strides = array<i32>} : memref<32x768xf32, #tpu.memory_space<vmem>>, vector<1x16xf32>,
      %get3A_306 = vector.shape_cast %get3A_305 : vector<1x16xf32> to vector<16xf32>
      %mul3A_307 = arith.mulf %get3A_306, %get3A_73 : vector<16xf32>
      %get3A_308 = arith.index_cast %add3A_68 : i32 to index
      %get3A_309 = arith.constant 224 : index
      %get3A_310 = tpu.vector_load %arg7[%get3A_308, %get3A_309] {strides = array<i32>} : memref<32x768xf32, #tpu.memory_space<vmem>>, vector<1x16xf32>,
      %get3A_311 = vector.shape_cast %get3A_310 : vector<1x16xf32> to vector<16xf32>
      %mul3A_312 = arith.mulf %get3A_311, %get3A_79 : vector<16xf32>
      %add3A_313 = arith.addf %mul3A_307, %mul3A_312 : vector<16xf32>
      %swap3A_314 = arith.index_cast %add3A_68 : i32 to index
      %swap3A_315 = arith.constant 224 : index
      %swap3A_316 = tpu.vector_load %arg6[%swap3A_314, %swap3A_315] {strides = array<i32>} : memref<32x768xf32, #tpu.memory_space<vmem>>, vector<1x16xf32>,
      %swap3A_317 = vector.shape_cast %swap3A_316 : vector<1x16xf32> to vector<16xf32>
      %swap3A_318 = vector.shape_cast %add3A_313 : vector<16xf32> to vector<1x16xf32>
      tpu.vector_store %arg6[%swap3A_314, %swap3A_315], %swap3A_318 {strides = array<i32>} : memref<32x768xf32, #tpu.memory_space<vmem>>, vector<1x16xf32>,
      %get3A_319 = arith.index_cast %add3A_68 : i32 to index
      %get3A_320 = arith.constant 240 : index
      %get3A_321 = tpu.vector_load %arg6[%get3A_319, %get3A_320] {strides = array<i32>} : memref<32x768xf32, #tpu.memory_space<vmem>>, vector<1x16xf32>,
      %get3A_322 = vector.shape_cast %get3A_321 : vector<1x16xf32> to vector<16xf32>
      %mul3A_323 = arith.mulf %get3A_322, %get3A_73 : vector<16xf32>
      %get3A_324 = arith.index_cast %add3A_68 : i32 to index
      %get3A_325 = arith.constant 240 : index
      %get3A_326 = tpu.vector_load %arg7[%get3A_324, %get3A_325] {strides = array<i32>} : memref<32x768xf32, #tpu.memory_space<vmem>>, vector<1x16xf32>,
      %get3A_327 = vector.shape_cast %get3A_326 : vector<1x16xf32> to vector<16xf32>
      %mul3A_328 = arith.mulf %get3A_327, %get3A_79 : vector<16xf32>
      %add3A_329 = arith.addf %mul3A_323, %mul3A_328 : vector<16xf32>
      %swap3A_330 = arith.index_cast %add3A_68 : i32 to index
      %swap3A_331 = arith.constant 240 : index
      %swap3A_332 = tpu.vector_load %arg6[%swap3A_330, %swap3A_331] {strides = array<i32>} : memref<32x768xf32, #tpu.memory_space<vmem>>, vector<1x16xf32>,
      %swap3A_333 = vector.shape_cast %swap3A_332 : vector<1x16xf32> to vector<16xf32>
      %swap3A_334 = vector.shape_cast %add3A_329 : vector<16xf32> to vector<1x16xf32>
      tpu.vector_store %arg6[%swap3A_330, %swap3A_331], %swap3A_334 {strides = array<i32>} : memref<32x768xf32, #tpu.memory_space<vmem>>, vector<1x16xf32>,
      %get3A_335 = arith.index_cast %add3A_68 : i32 to index
      %get3A_336 = arith.constant 256 : index
      %get3A_337 = tpu.vector_load %arg6[%get3A_335, %get3A_336] {strides = array<i32>} : memref<32x768xf32, #tpu.memory_space<vmem>>, vector<1x16xf32>,
      %get3A_338 = vector.shape_cast %get3A_337 : vector<1x16xf32> to vector<16xf32>
      %mul3A_339 = arith.mulf %get3A_338, %get3A_73 : vector<16xf32>
      %get3A_340 = arith.index_cast %add3A_68 : i32 to index
      %get3A_341 = arith.constant 256 : index
      %get3A_342 = tpu.vector_load %arg7[%get3A_340, %get3A_341] {strides = array<i32>} : memref<32x768xf32, #tpu.memory_space<vmem>>, vector<1x16xf32>,
      %get3A_343 = vector.shape_cast %get3A_342 : vector<1x16xf32> to vector<16xf32>
      %mul3A_344 = arith.mulf %get3A_343, %get3A_79 : vector<16xf32>
      %add3A_345 = arith.addf %mul3A_339, %mul3A_344 : vector<16xf32>
      %swap3A_346 = arith.index_cast %add3A_68 : i32 to index
      %swap3A_347 = arith.constant 256 : index
      %swap3A_348 = tpu.vector_load %arg6[%swap3A_346, %swap3A_347] {strides = array<i32>} : memref<32x768xf32, #tpu.memory_space<vmem>>, vector<1x16xf32>,
      %swap3A_349 = vector.shape_cast %swap3A_348 : vector<1x16xf32> to vector<16xf32>
      %swap3A_350 = vector.shape_cast %add3A_345 : vector<16xf32> to vector<1x16xf32>
      tpu.vector_store %arg6[%swap3A_346, %swap3A_347], %swap3A_350 {strides = array<i32>} : memref<32x768xf32, #tpu.memory_space<vmem>>, vector<1x16xf32>,
      %get3A_351 = arith.index_cast %add3A_68 : i32 to index
      %get3A_352 = arith.constant 272 : index
      %get3A_353 = tpu.vector_load %arg6[%get3A_351, %get3A_352] {strides = array<i32>} : memref<32x768xf32, #tpu.memory_space<vmem>>, vector<1x16xf32>,
      %get3A_354 = vector.shape_cast %get3A_353 : vector<1x16xf32> to vector<16xf32>
      %mul3A_355 = arith.mulf %get3A_354, %get3A_73 : vector<16xf32>
      %get3A_356 = arith.index_cast %add3A_68 : i32 to index
      %get3A_357 = arith.constant 272 : index
      %get3A_358 = tpu.vector_load %arg7[%get3A_356, %get3A_357] {strides = array<i32>} : memref<32x768xf32, #tpu.memory_space<vmem>>, vector<1x16xf32>,
      %get3A_359 = vector.shape_cast %get3A_358 : vector<1x16xf32> to vector<16xf32>
      %mul3A_360 = arith.mulf %get3A_359, %get3A_79 : vector<16xf32>
      %add3A_361 = arith.addf %mul3A_355, %mul3A_360 : vector<16xf32>
      %swap3A_362 = arith.index_cast %add3A_68 : i32 to index
      %swap3A_363 = arith.constant 272 : index
      %swap3A_364 = tpu.vector_load %arg6[%swap3A_362, %swap3A_363] {strides = array<i32>} : memref<32x768xf32, #tpu.memory_space<vmem>>, vector<1x16xf32>,
      %swap3A_365 = vector.shape_cast %swap3A_364 : vector<1x16xf32> to vector<16xf32>
      %swap3A_366 = vector.shape_cast %add3A_361 : vector<16xf32> to vector<1x16xf32>
      tpu.vector_store %arg6[%swap3A_362, %swap3A_363], %swap3A_366 {strides = array<i32>} : memref<32x768xf32, #tpu.memory_space<vmem>>, vector<1x16xf32>,
      %get3A_367 = arith.index_cast %add3A_68 : i32 to index
      %get3A_368 = arith.constant 288 : index
      %get3A_369 = tpu.vector_load %arg6[%get3A_367, %get3A_368] {strides = array<i32>} : memref<32x768xf32, #tpu.memory_space<vmem>>, vector<1x16xf32>,
      %get3A_370 = vector.shape_cast %get3A_369 : vector<1x16xf32> to vector<16xf32>
      %mul3A_371 = arith.mulf %get3A_370, %get3A_73 : vector<16xf32>
      %get3A_372 = arith.index_cast %add3A_68 : i32 to index
      %get3A_373 = arith.constant 288 : index
      %get3A_374 = tpu.vector_load %arg7[%get3A_372, %get3A_373] {strides = array<i32>} : memref<32x768xf32, #tpu.memory_space<vmem>>, vector<1x16xf32>,
      %get3A_375 = vector.shape_cast %get3A_374 : vector<1x16xf32> to vector<16xf32>
      %mul3A_376 = arith.mulf %get3A_375, %get3A_79 : vector<16xf32>
      %add3A_377 = arith.addf %mul3A_371, %mul3A_376 : vector<16xf32>
      %swap3A_378 = arith.index_cast %add3A_68 : i32 to index
      %swap3A_379 = arith.constant 288 : index
      %swap3A_380 = tpu.vector_load %arg6[%swap3A_378, %swap3A_379] {strides = array<i32>} : memref<32x768xf32, #tpu.memory_space<vmem>>, vector<1x16xf32>,
      %swap3A_381 = vector.shape_cast %swap3A_380 : vector<1x16xf32> to vector<16xf32>
      %swap3A_382 = vector.shape_cast %add3A_377 : vector<16xf32> to vector<1x16xf32>
      tpu.vector_store %arg6[%swap3A_378, %swap3A_379], %swap3A_382 {strides = array<i32>} : memref<32x768xf32, #tpu.memory_space<vmem>>, vector<1x16xf32>,
      %get3A_383 = arith.index_cast %add3A_68 : i32 to index
      %get3A_384 = arith.constant 304 : index
      %get3A_385 = tpu.vector_load %arg6[%get3A_383, %get3A_384] {strides = array<i32>} : memref<32x768xf32, #tpu.memory_space<vmem>>, vector<1x16xf32>,
      %get3A_386 = vector.shape_cast %get3A_385 : vector<1x16xf32> to vector<16xf32>
      %mul3A_387 = arith.mulf %get3A_386, %get3A_73 : vector<16xf32>
      %get3A_388 = arith.index_cast %add3A_68 : i32 to index
      %get3A_389 = arith.constant 304 : index
      %get3A_390 = tpu.vector_load %arg7[%get3A_388, %get3A_389] {strides = array<i32>} : memref<32x768xf32, #tpu.memory_space<vmem>>, vector<1x16xf32>,
      %get3A_391 = vector.shape_cast %get3A_390 : vector<1x16xf32> to vector<16xf32>
      %mul3A_392 = arith.mulf %get3A_391, %get3A_79 : vector<16xf32>
      %add3A_393 = arith.addf %mul3A_387, %mul3A_392 : vector<16xf32>
      %swap3A_394 = arith.index_cast %add3A_68 : i32 to index
      %swap3A_395 = arith.constant 304 : index
      %swap3A_396 = tpu.vector_load %arg6[%swap3A_394, %swap3A_395] {strides = array<i32>} : memref<32x768xf32, #tpu.memory_space<vmem>>, vector<1x16xf32>,
      %swap3A_397 = vector.shape_cast %swap3A_396 : vector<1x16xf32> to vector<16xf32>
      %swap3A_398 = vector.shape_cast %add3A_393 : vector<16xf32> to vector<1x16xf32>
      tpu.vector_store %arg6[%swap3A_394, %swap3A_395], %swap3A_398 {strides = array<i32>} : memref<32x768xf32, #tpu.memory_space<vmem>>, vector<1x16xf32>,
      %get3A_399 = arith.index_cast %add3A_68 : i32 to index
      %get3A_400 = arith.constant 320 : index
      %get3A_401 = tpu.vector_load %arg6[%get3A_399, %get3A_400] {strides = array<i32>} : memref<32x768xf32, #tpu.memory_space<vmem>>, vector<1x16xf32>,
      %get3A_402 = vector.shape_cast %get3A_401 : vector<1x16xf32> to vector<16xf32>
      %mul3A_403 = arith.mulf %get3A_402, %get3A_73 : vector<16xf32>
      %get3A_404 = arith.index_cast %add3A_68 : i32 to index
      %get3A_405 = arith.constant 320 : index
      %get3A_406 = tpu.vector_load %arg7[%get3A_404, %get3A_405] {strides = array<i32>} : memref<32x768xf32, #tpu.memory_space<vmem>>, vector<1x16xf32>,
      %get3A_407 = vector.shape_cast %get3A_406 : vector<1x16xf32> to vector<16xf32>
      %mul3A_408 = arith.mulf %get3A_407, %get3A_79 : vector<16xf32>
      %add3A_409 = arith.addf %mul3A_403, %mul3A_408 : vector<16xf32>
      %swap3A_410 = arith.index_cast %add3A_68 : i32 to index
      %swap3A_411 = arith.constant 320 : index
      %swap3A_412 = tpu.vector_load %arg6[%swap3A_410, %swap3A_411] {strides = array<i32>} : memref<32x768xf32, #tpu.memory_space<vmem>>, vector<1x16xf32>,
      %swap3A_413 = vector.shape_cast %swap3A_412 : vector<1x16xf32> to vector<16xf32>
      %swap3A_414 = vector.shape_cast %add3A_409 : vector<16xf32> to vector<1x16xf32>
      tpu.vector_store %arg6[%swap3A_410, %swap3A_411], %swap3A_414 {strides = array<i32>} : memref<32x768xf32, #tpu.memory_space<vmem>>, vector<1x16xf32>,
      %get3A_415 = arith.index_cast %add3A_68 : i32 to index
      %get3A_416 = arith.constant 336 : index
      %get3A_417 = tpu.vector_load %arg6[%get3A_415, %get3A_416] {strides = array<i32>} : memref<32x768xf32, #tpu.memory_space<vmem>>, vector<1x16xf32>,
      %get3A_418 = vector.shape_cast %get3A_417 : vector<1x16xf32> to vector<16xf32>
      %mul3A_419 = arith.mulf %get3A_418, %get3A_73 : vector<16xf32>
      %get3A_420 = arith.index_cast %add3A_68 : i32 to index
      %get3A_421 = arith.constant 336 : index
      %get3A_422 = tpu.vector_load %arg7[%get3A_420, %get3A_421] {strides = array<i32>} : memref<32x768xf32, #tpu.memory_space<vmem>>, vector<1x16xf32>,
      %get3A_423 = vector.shape_cast %get3A_422 : vector<1x16xf32> to vector<16xf32>
      %mul3A_424 = arith.mulf %get3A_423, %get3A_79 : vector<16xf32>
      %add3A_425 = arith.addf %mul3A_419, %mul3A_424 : vector<16xf32>
      %swap3A_426 = arith.index_cast %add3A_68 : i32 to index
      %swap3A_427 = arith.constant 336 : index
      %swap3A_428 = tpu.vector_load %arg6[%swap3A_426, %swap3A_427] {strides = array<i32>} : memref<32x768xf32, #tpu.memory_space<vmem>>, vector<1x16xf32>,
      %swap3A_429 = vector.shape_cast %swap3A_428 : vector<1x16xf32> to vector<16xf32>
      %swap3A_430 = vector.shape_cast %add3A_425 : vector<16xf32> to vector<1x16xf32>
      tpu.vector_store %arg6[%swap3A_426, %swap3A_427], %swap3A_430 {strides = array<i32>} : memref<32x768xf32, #tpu.memory_space<vmem>>, vector<1x16xf32>,
      %get3A_431 = arith.index_cast %add3A_68 : i32 to index
      %get3A_432 = arith.constant 352 : index
      %get3A_433 = tpu.vector_load %arg6[%get3A_431, %get3A_432] {strides = array<i32>} : memref<32x768xf32, #tpu.memory_space<vmem>>, vector<1x16xf32>,
      %get3A_434 = vector.shape_cast %get3A_433 : vector<1x16xf32> to vector<16xf32>
      %mul3A_435 = arith.mulf %get3A_434, %get3A_73 : vector<16xf32>
      %get3A_436 = arith.index_cast %add3A_68 : i32 to index
      %get3A_437 = arith.constant 352 : index
      %get3A_438 = tpu.vector_load %arg7[%get3A_436, %get3A_437] {strides = array<i32>} : memref<32x768xf32, #tpu.memory_space<vmem>>, vector<1x16xf32>,
      %get3A_439 = vector.shape_cast %get3A_438 : vector<1x16xf32> to vector<16xf32>
      %mul3A_440 = arith.mulf %get3A_439, %get3A_79 : vector<16xf32>
      %add3A_441 = arith.addf %mul3A_435, %mul3A_440 : vector<16xf32>
      %swap3A_442 = arith.index_cast %add3A_68 : i32 to index
      %swap3A_443 = arith.constant 352 : index
      %swap3A_444 = tpu.vector_load %arg6[%swap3A_442, %swap3A_443] {strides = array<i32>} : memref<32x768xf32, #tpu.memory_space<vmem>>, vector<1x16xf32>,
      %swap3A_445 = vector.shape_cast %swap3A_444 : vector<1x16xf32> to vector<16xf32>
      %swap3A_446 = vector.shape_cast %add3A_441 : vector<16xf32> to vector<1x16xf32>
      tpu.vector_store %arg6[%swap3A_442, %swap3A_443], %swap3A_446 {strides = array<i32>} : memref<32x768xf32, #tpu.memory_space<vmem>>, vector<1x16xf32>,
      %get3A_447 = arith.index_cast %add3A_68 : i32 to index
      %get3A_448 = arith.constant 368 : index
      %get3A_449 = tpu.vector_load %arg6[%get3A_447, %get3A_448] {strides = array<i32>} : memref<32x768xf32, #tpu.memory_space<vmem>>, vector<1x16xf32>,
      %get3A_450 = vector.shape_cast %get3A_449 : vector<1x16xf32> to vector<16xf32>
      %mul3A_451 = arith.mulf %get3A_450, %get3A_73 : vector<16xf32>
      %get3A_452 = arith.index_cast %add3A_68 : i32 to index
      %get3A_453 = arith.constant 368 : index
      %get3A_454 = tpu.vector_load %arg7[%get3A_452, %get3A_453] {strides = array<i32>} : memref<32x768xf32, #tpu.memory_space<vmem>>, vector<1x16xf32>,
      %get3A_455 = vector.shape_cast %get3A_454 : vector<1x16xf32> to vector<16xf32>
      %mul3A_456 = arith.mulf %get3A_455, %get3A_79 : vector<16xf32>
      %add3A_457 = arith.addf %mul3A_451, %mul3A_456 : vector<16xf32>
      %swap3A_458 = arith.index_cast %add3A_68 : i32 to index
      %swap3A_459 = arith.constant 368 : index
      %swap3A_460 = tpu.vector_load %arg6[%swap3A_458, %swap3A_459] {strides = array<i32>} : memref<32x768xf32, #tpu.memory_space<vmem>>, vector<1x16xf32>,
      %swap3A_461 = vector.shape_cast %swap3A_460 : vector<1x16xf32> to vector<16xf32>
      %swap3A_462 = vector.shape_cast %add3A_457 : vector<16xf32> to vector<1x16xf32>
      tpu.vector_store %arg6[%swap3A_458, %swap3A_459], %swap3A_462 {strides = array<i32>} : memref<32x768xf32, #tpu.memory_space<vmem>>, vector<1x16xf32>,
      %get3A_463 = arith.index_cast %add3A_68 : i32 to index
      %get3A_464 = arith.constant 384 : index
      %get3A_465 = tpu.vector_load %arg6[%get3A_463, %get3A_464] {strides = array<i32>} : memref<32x768xf32, #tpu.memory_space<vmem>>, vector<1x16xf32>,
      %get3A_466 = vector.shape_cast %get3A_465 : vector<1x16xf32> to vector<16xf32>
      %mul3A_467 = arith.mulf %get3A_466, %get3A_73 : vector<16xf32>
      %get3A_468 = arith.index_cast %add3A_68 : i32 to index
      %get3A_469 = arith.constant 384 : index
      %get3A_470 = tpu.vector_load %arg7[%get3A_468, %get3A_469] {strides = array<i32>} : memref<32x768xf32, #tpu.memory_space<vmem>>, vector<1x16xf32>,
      %get3A_471 = vector.shape_cast %get3A_470 : vector<1x16xf32> to vector<16xf32>
      %mul3A_472 = arith.mulf %get3A_471, %get3A_79 : vector<16xf32>
      %add3A_473 = arith.addf %mul3A_467, %mul3A_472 : vector<16xf32>
      %swap3A_474 = arith.index_cast %add3A_68 : i32 to index
      %swap3A_475 = arith.constant 384 : index
      %swap3A_476 = tpu.vector_load %arg6[%swap3A_474, %swap3A_475] {strides = array<i32>} : memref<32x768xf32, #tpu.memory_space<vmem>>, vector<1x16xf32>,
      %swap3A_477 = vector.shape_cast %swap3A_476 : vector<1x16xf32> to vector<16xf32>
      %swap3A_478 = vector.shape_cast %add3A_473 : vector<16xf32> to vector<1x16xf32>
      tpu.vector_store %arg6[%swap3A_474, %swap3A_475], %swap3A_478 {strides = array<i32>} : memref<32x768xf32, #tpu.memory_space<vmem>>, vector<1x16xf32>,
      %get3A_479 = arith.index_cast %add3A_68 : i32 to index
      %get3A_480 = arith.constant 400 : index
      %get3A_481 = tpu.vector_load %arg6[%get3A_479, %get3A_480] {strides = array<i32>} : memref<32x768xf32, #tpu.memory_space<vmem>>, vector<1x16xf32>,
      %get3A_482 = vector.shape_cast %get3A_481 : vector<1x16xf32> to vector<16xf32>
      %mul3A_483 = arith.mulf %get3A_482, %get3A_73 : vector<16xf32>
      %get3A_484 = arith.index_cast %add3A_68 : i32 to index
      %get3A_485 = arith.constant 400 : index
      %get3A_486 = tpu.vector_load %arg7[%get3A_484, %get3A_485] {strides = array<i32>} : memref<32x768xf32, #tpu.memory_space<vmem>>, vector<1x16xf32>,
      %get3A_487 = vector.shape_cast %get3A_486 : vector<1x16xf32> to vector<16xf32>
      %mul3A_488 = arith.mulf %get3A_487, %get3A_79 : vector<16xf32>
      %add3A_489 = arith.addf %mul3A_483, %mul3A_488 : vector<16xf32>
      %swap3A_490 = arith.index_cast %add3A_68 : i32 to index
      %swap3A_491 = arith.constant 400 : index
      %swap3A_492 = tpu.vector_load %arg6[%swap3A_490, %swap3A_491] {strides = array<i32>} : memref<32x768xf32, #tpu.memory_space<vmem>>, vector<1x16xf32>,
      %swap3A_493 = vector.shape_cast %swap3A_492 : vector<1x16xf32> to vector<16xf32>
      %swap3A_494 = vector.shape_cast %add3A_489 : vector<16xf32> to vector<1x16xf32>
      tpu.vector_store %arg6[%swap3A_490, %swap3A_491], %swap3A_494 {strides = array<i32>} : memref<32x768xf32, #tpu.memory_space<vmem>>, vector<1x16xf32>,
      %get3A_495 = arith.index_cast %add3A_68 : i32 to index
      %get3A_496 = arith.constant 416 : index
      %get3A_497 = tpu.vector_load %arg6[%get3A_495, %get3A_496] {strides = array<i32>} : memref<32x768xf32, #tpu.memory_space<vmem>>, vector<1x16xf32>,
      %get3A_498 = vector.shape_cast %get3A_497 : vector<1x16xf32> to vector<16xf32>
      %mul3A_499 = arith.mulf %get3A_498, %get3A_73 : vector<16xf32>
      %get3A_500 = arith.index_cast %add3A_68 : i32 to index
      %get3A_501 = arith.constant 416 : index
      %get3A_502 = tpu.vector_load %arg7[%get3A_500, %get3A_501] {strides = array<i32>} : memref<32x768xf32, #tpu.memory_space<vmem>>, vector<1x16xf32>,
      %get3A_503 = vector.shape_cast %get3A_502 : vector<1x16xf32> to vector<16xf32>
      %mul3A_504 = arith.mulf %get3A_503, %get3A_79 : vector<16xf32>
      %add3A_505 = arith.addf %mul3A_499, %mul3A_504 : vector<16xf32>
      %swap3A_506 = arith.index_cast %add3A_68 : i32 to index
      %swap3A_507 = arith.constant 416 : index
      %swap3A_508 = tpu.vector_load %arg6[%swap3A_506, %swap3A_507] {strides = array<i32>} : memref<32x768xf32, #tpu.memory_space<vmem>>, vector<1x16xf32>,
      %swap3A_509 = vector.shape_cast %swap3A_508 : vector<1x16xf32> to vector<16xf32>
      %swap3A_510 = vector.shape_cast %add3A_505 : vector<16xf32> to vector<1x16xf32>
      tpu.vector_store %arg6[%swap3A_506, %swap3A_507], %swap3A_510 {strides = array<i32>} : memref<32x768xf32, #tpu.memory_space<vmem>>, vector<1x16xf32>,
      %get3A_511 = arith.index_cast %add3A_68 : i32 to index
      %get3A_512 = arith.constant 432 : index
      %get3A_513 = tpu.vector_load %arg6[%get3A_511, %get3A_512] {strides = array<i32>} : memref<32x768xf32, #tpu.memory_space<vmem>>, vector<1x16xf32>,
      %get3A_514 = vector.shape_cast %get3A_513 : vector<1x16xf32> to vector<16xf32>
      %mul3A_515 = arith.mulf %get3A_514, %get3A_73 : vector<16xf32>
      %get3A_516 = arith.index_cast %add3A_68 : i32 to index
      %get3A_517 = arith.constant 432 : index
      %get3A_518 = tpu.vector_load %arg7[%get3A_516, %get3A_517] {strides = array<i32>} : memref<32x768xf32, #tpu.memory_space<vmem>>, vector<1x16xf32>,
      %get3A_519 = vector.shape_cast %get3A_518 : vector<1x16xf32> to vector<16xf32>
      %mul3A_520 = arith.mulf %get3A_519, %get3A_79 : vector<16xf32>
      %add3A_521 = arith.addf %mul3A_515, %mul3A_520 : vector<16xf32>
      %swap3A_522 = arith.index_cast %add3A_68 : i32 to index
      %swap3A_523 = arith.constant 432 : index
      %swap3A_524 = tpu.vector_load %arg6[%swap3A_522, %swap3A_523] {strides = array<i32>} : memref<32x768xf32, #tpu.memory_space<vmem>>, vector<1x16xf32>,
      %swap3A_525 = vector.shape_cast %swap3A_524 : vector<1x16xf32> to vector<16xf32>
      %swap3A_526 = vector.shape_cast %add3A_521 : vector<16xf32> to vector<1x16xf32>
      tpu.vector_store %arg6[%swap3A_522, %swap3A_523], %swap3A_526 {strides = array<i32>} : memref<32x768xf32, #tpu.memory_space<vmem>>, vector<1x16xf32>,
      %get3A_527 = arith.index_cast %add3A_68 : i32 to index
      %get3A_528 = arith.constant 448 : index
      %get3A_529 = tpu.vector_load %arg6[%get3A_527, %get3A_528] {strides = array<i32>} : memref<32x768xf32, #tpu.memory_space<vmem>>, vector<1x16xf32>,
      %get3A_530 = vector.shape_cast %get3A_529 : vector<1x16xf32> to vector<16xf32>
      %mul3A_531 = arith.mulf %get3A_530, %get3A_73 : vector<16xf32>
      %get3A_532 = arith.index_cast %add3A_68 : i32 to index
      %get3A_533 = arith.constant 448 : index
      %get3A_534 = tpu.vector_load %arg7[%get3A_532, %get3A_533] {strides = array<i32>} : memref<32x768xf32, #tpu.memory_space<vmem>>, vector<1x16xf32>,
      %get3A_535 = vector.shape_cast %get3A_534 : vector<1x16xf32> to vector<16xf32>
      %mul3A_536 = arith.mulf %get3A_535, %get3A_79 : vector<16xf32>
      %add3A_537 = arith.addf %mul3A_531, %mul3A_536 : vector<16xf32>
      %swap3A_538 = arith.index_cast %add3A_68 : i32 to index
      %swap3A_539 = arith.constant 448 : index
      %swap3A_540 = tpu.vector_load %arg6[%swap3A_538, %swap3A_539] {strides = array<i32>} : memref<32x768xf32, #tpu.memory_space<vmem>>, vector<1x16xf32>,
      %swap3A_541 = vector.shape_cast %swap3A_540 : vector<1x16xf32> to vector<16xf32>
      %swap3A_542 = vector.shape_cast %add3A_537 : vector<16xf32> to vector<1x16xf32>
      tpu.vector_store %arg6[%swap3A_538, %swap3A_539], %swap3A_542 {strides = array<i32>} : memref<32x768xf32, #tpu.memory_space<vmem>>, vector<1x16xf32>,
      %get3A_543 = arith.index_cast %add3A_68 : i32 to index
      %get3A_544 = arith.constant 464 : index
      %get3A_545 = tpu.vector_load %arg6[%get3A_543, %get3A_544] {strides = array<i32>} : memref<32x768xf32, #tpu.memory_space<vmem>>, vector<1x16xf32>,
      %get3A_546 = vector.shape_cast %get3A_545 : vector<1x16xf32> to vector<16xf32>
      %mul3A_547 = arith.mulf %get3A_546, %get3A_73 : vector<16xf32>
      %get3A_548 = arith.index_cast %add3A_68 : i32 to index
      %get3A_549 = arith.constant 464 : index
      %get3A_550 = tpu.vector_load %arg7[%get3A_548, %get3A_549] {strides = array<i32>} : memref<32x768xf32, #tpu.memory_space<vmem>>, vector<1x16xf32>,
      %get3A_551 = vector.shape_cast %get3A_550 : vector<1x16xf32> to vector<16xf32>
      %mul3A_552 = arith.mulf %get3A_551, %get3A_79 : vector<16xf32>
      %add3A_553 = arith.addf %mul3A_547, %mul3A_552 : vector<16xf32>
      %swap3A_554 = arith.index_cast %add3A_68 : i32 to index
      %swap3A_555 = arith.constant 464 : index
      %swap3A_556 = tpu.vector_load %arg6[%swap3A_554, %swap3A_555] {strides = array<i32>} : memref<32x768xf32, #tpu.memory_space<vmem>>, vector<1x16xf32>,
      %swap3A_557 = vector.shape_cast %swap3A_556 : vector<1x16xf32> to vector<16xf32>
      %swap3A_558 = vector.shape_cast %add3A_553 : vector<16xf32> to vector<1x16xf32>
      tpu.vector_store %arg6[%swap3A_554, %swap3A_555], %swap3A_558 {strides = array<i32>} : memref<32x768xf32, #tpu.memory_space<vmem>>, vector<1x16xf32>,
      %get3A_559 = arith.index_cast %add3A_68 : i32 to index
      %get3A_560 = arith.constant 480 : index
      %get3A_561 = tpu.vector_load %arg6[%get3A_559, %get3A_560] {strides = array<i32>} : memref<32x768xf32, #tpu.memory_space<vmem>>, vector<1x16xf32>,
      %get3A_562 = vector.shape_cast %get3A_561 : vector<1x16xf32> to vector<16xf32>
      %mul3A_563 = arith.mulf %get3A_562, %get3A_73 : vector<16xf32>
      %get3A_564 = arith.index_cast %add3A_68 : i32 to index
      %get3A_565 = arith.constant 480 : index
      %get3A_566 = tpu.vector_load %arg7[%get3A_564, %get3A_565] {strides = array<i32>} : memref<32x768xf32, #tpu.memory_space<vmem>>, vector<1x16xf32>,
      %get3A_567 = vector.shape_cast %get3A_566 : vector<1x16xf32> to vector<16xf32>
      %mul3A_568 = arith.mulf %get3A_567, %get3A_79 : vector<16xf32>
      %add3A_569 = arith.addf %mul3A_563, %mul3A_568 : vector<16xf32>
      %swap3A_570 = arith.index_cast %add3A_68 : i32 to index
      %swap3A_571 = arith.constant 480 : index
      %swap3A_572 = tpu.vector_load %arg6[%swap3A_570, %swap3A_571] {strides = array<i32>} : memref<32x768xf32, #tpu.memory_space<vmem>>, vector<1x16xf32>,
      %swap3A_573 = vector.shape_cast %swap3A_572 : vector<1x16xf32> to vector<16xf32>
      %swap3A_574 = vector.shape_cast %add3A_569 : vector<16xf32> to vector<1x16xf32>
      tpu.vector_store %arg6[%swap3A_570, %swap3A_571], %swap3A_574 {strides = array<i32>} : memref<32x768xf32, #tpu.memory_space<vmem>>, vector<1x16xf32>,
      %get3A_575 = arith.index_cast %add3A_68 : i32 to index
      %get3A_576 = arith.constant 496 : index
      %get3A_577 = tpu.vector_load %arg6[%get3A_575, %get3A_576] {strides = array<i32>} : memref<32x768xf32, #tpu.memory_space<vmem>>, vector<1x16xf32>,
      %get3A_578 = vector.shape_cast %get3A_577 : vector<1x16xf32> to vector<16xf32>
      %mul3A_579 = arith.mulf %get3A_578, %get3A_73 : vector<16xf32>
      %get3A_580 = arith.index_cast %add3A_68 : i32 to index
      %get3A_581 = arith.constant 496 : index
      %get3A_582 = tpu.vector_load %arg7[%get3A_580, %get3A_581] {strides = array<i32>} : memref<32x768xf32, #tpu.memory_space<vmem>>, vector<1x16xf32>,
      %get3A_583 = vector.shape_cast %get3A_582 : vector<1x16xf32> to vector<16xf32>
      %mul3A_584 = arith.mulf %get3A_583, %get3A_79 : vector<16xf32>
      %add3A_585 = arith.addf %mul3A_579, %mul3A_584 : vector<16xf32>
      %swap3A_586 = arith.index_cast %add3A_68 : i32 to index
      %swap3A_587 = arith.constant 496 : index
      %swap3A_588 = tpu.vector_load %arg6[%swap3A_586, %swap3A_587] {strides = array<i32>} : memref<32x768xf32, #tpu.memory_space<vmem>>, vector<1x16xf32>,
      %swap3A_589 = vector.shape_cast %swap3A_588 : vector<1x16xf32> to vector<16xf32>
      %swap3A_590 = vector.shape_cast %add3A_585 : vector<16xf32> to vector<1x16xf32>
      tpu.vector_store %arg6[%swap3A_586, %swap3A_587], %swap3A_590 {strides = array<i32>} : memref<32x768xf32, #tpu.memory_space<vmem>>, vector<1x16xf32>,
      %get3A_591 = arith.index_cast %add3A_68 : i32 to index
      %get3A_592 = arith.constant 512 : index
      %get3A_593 = tpu.vector_load %arg6[%get3A_591, %get3A_592] {strides = array<i32>} : memref<32x768xf32, #tpu.memory_space<vmem>>, vector<1x16xf32>,
      %get3A_594 = vector.shape_cast %get3A_593 : vector<1x16xf32> to vector<16xf32>
      %mul3A_595 = arith.mulf %get3A_594, %get3A_73 : vector<16xf32>
      %get3A_596 = arith.index_cast %add3A_68 : i32 to index
      %get3A_597 = arith.constant 512 : index
      %get3A_598 = tpu.vector_load %arg7[%get3A_596, %get3A_597] {strides = array<i32>} : memref<32x768xf32, #tpu.memory_space<vmem>>, vector<1x16xf32>,
      %get3A_599 = vector.shape_cast %get3A_598 : vector<1x16xf32> to vector<16xf32>
      %mul3A_600 = arith.mulf %get3A_599, %get3A_79 : vector<16xf32>
      %add3A_601 = arith.addf %mul3A_595, %mul3A_600 : vector<16xf32>
      %swap3A_602 = arith.index_cast %add3A_68 : i32 to index
      %swap3A_603 = arith.constant 512 : index
      %swap3A_604 = tpu.vector_load %arg6[%swap3A_602, %swap3A_603] {strides = array<i32>} : memref<32x768xf32, #tpu.memory_space<vmem>>, vector<1x16xf32>,
      %swap3A_605 = vector.shape_cast %swap3A_604 : vector<1x16xf32> to vector<16xf32>
      %swap3A_606 = vector.shape_cast %add3A_601 : vector<16xf32> to vector<1x16xf32>
      tpu.vector_store %arg6[%swap3A_602, %swap3A_603], %swap3A_606 {strides = array<i32>} : memref<32x768xf32, #tpu.memory_space<vmem>>, vector<1x16xf32>,
      %get3A_607 = arith.index_cast %add3A_68 : i32 to index
      %get3A_608 = arith.constant 528 : index
      %get3A_609 = tpu.vector_load %arg6[%get3A_607, %get3A_608] {strides = array<i32>} : memref<32x768xf32, #tpu.memory_space<vmem>>, vector<1x16xf32>,
      %get3A_610 = vector.shape_cast %get3A_609 : vector<1x16xf32> to vector<16xf32>
      %mul3A_611 = arith.mulf %get3A_610, %get3A_73 : vector<16xf32>
      %get3A_612 = arith.index_cast %add3A_68 : i32 to index
      %get3A_613 = arith.constant 528 : index
      %get3A_614 = tpu.vector_load %arg7[%get3A_612, %get3A_613] {strides = array<i32>} : memref<32x768xf32, #tpu.memory_space<vmem>>, vector<1x16xf32>,
      %get3A_615 = vector.shape_cast %get3A_614 : vector<1x16xf32> to vector<16xf32>
      %mul3A_616 = arith.mulf %get3A_615, %get3A_79 : vector<16xf32>
      %add3A_617 = arith.addf %mul3A_611, %mul3A_616 : vector<16xf32>
      %swap3A_618 = arith.index_cast %add3A_68 : i32 to index
      %swap3A_619 = arith.constant 528 : index
      %swap3A_620 = tpu.vector_load %arg6[%swap3A_618, %swap3A_619] {strides = array<i32>} : memref<32x768xf32, #tpu.memory_space<vmem>>, vector<1x16xf32>,
      %swap3A_621 = vector.shape_cast %swap3A_620 : vector<1x16xf32> to vector<16xf32>
      %swap3A_622 = vector.shape_cast %add3A_617 : vector<16xf32> to vector<1x16xf32>
      tpu.vector_store %arg6[%swap3A_618, %swap3A_619], %swap3A_622 {strides = array<i32>} : memref<32x768xf32, #tpu.memory_space<vmem>>, vector<1x16xf32>,
      %get3A_623 = arith.index_cast %add3A_68 : i32 to index
      %get3A_624 = arith.constant 544 : index
      %get3A_625 = tpu.vector_load %arg6[%get3A_623, %get3A_624] {strides = array<i32>} : memref<32x768xf32, #tpu.memory_space<vmem>>, vector<1x16xf32>,
      %get3A_626 = vector.shape_cast %get3A_625 : vector<1x16xf32> to vector<16xf32>
      %mul3A_627 = arith.mulf %get3A_626, %get3A_73 : vector<16xf32>
      %get3A_628 = arith.index_cast %add3A_68 : i32 to index
      %get3A_629 = arith.constant 544 : index
      %get3A_630 = tpu.vector_load %arg7[%get3A_628, %get3A_629] {strides = array<i32>} : memref<32x768xf32, #tpu.memory_space<vmem>>, vector<1x16xf32>,
      %get3A_631 = vector.shape_cast %get3A_630 : vector<1x16xf32> to vector<16xf32>
      %mul3A_632 = arith.mulf %get3A_631, %get3A_79 : vector<16xf32>
      %add3A_633 = arith.addf %mul3A_627, %mul3A_632 : vector<16xf32>
      %swap3A_634 = arith.index_cast %add3A_68 : i32 to index
      %swap3A_635 = arith.constant 544 : index
      %swap3A_636 = tpu.vector_load %arg6[%swap3A_634, %swap3A_635] {strides = array<i32>} : memref<32x768xf32, #tpu.memory_space<vmem>>, vector<1x16xf32>,
      %swap3A_637 = vector.shape_cast %swap3A_636 : vector<1x16xf32> to vector<16xf32>
      %swap3A_638 = vector.shape_cast %add3A_633 : vector<16xf32> to vector<1x16xf32>
      tpu.vector_store %arg6[%swap3A_634, %swap3A_635], %swap3A_638 {strides = array<i32>} : memref<32x768xf32, #tpu.memory_space<vmem>>, vector<1x16xf32>,
      %get3A_639 = arith.index_cast %add3A_68 : i32 to index
      %get3A_640 = arith.constant 560 : index
      %get3A_641 = tpu.vector_load %arg6[%get3A_639, %get3A_640] {strides = array<i32>} : memref<32x768xf32, #tpu.memory_space<vmem>>, vector<1x16xf32>,
      %get3A_642 = vector.shape_cast %get3A_641 : vector<1x16xf32> to vector<16xf32>
      %mul3A_643 = arith.mulf %get3A_642, %get3A_73 : vector<16xf32>
      %get3A_644 = arith.index_cast %add3A_68 : i32 to index
      %get3A_645 = arith.constant 560 : index
      %get3A_646 = tpu.vector_load %arg7[%get3A_644, %get3A_645] {strides = array<i32>} : memref<32x768xf32, #tpu.memory_space<vmem>>, vector<1x16xf32>,
      %get3A_647 = vector.shape_cast %get3A_646 : vector<1x16xf32> to vector<16xf32>
      %mul3A_648 = arith.mulf %get3A_647, %get3A_79 : vector<16xf32>
      %add3A_649 = arith.addf %mul3A_643, %mul3A_648 : vector<16xf32>
      %swap3A_650 = arith.index_cast %add3A_68 : i32 to index
      %swap3A_651 = arith.constant 560 : index
      %swap3A_652 = tpu.vector_load %arg6[%swap3A_650, %swap3A_651] {strides = array<i32>} : memref<32x768xf32, #tpu.memory_space<vmem>>, vector<1x16xf32>,
      %swap3A_653 = vector.shape_cast %swap3A_652 : vector<1x16xf32> to vector<16xf32>
      %swap3A_654 = vector.shape_cast %add3A_649 : vector<16xf32> to vector<1x16xf32>
      tpu.vector_store %arg6[%swap3A_650, %swap3A_651], %swap3A_654 {strides = array<i32>} : memref<32x768xf32, #tpu.memory_space<vmem>>, vector<1x16xf32>,
      %get3A_655 = arith.index_cast %add3A_68 : i32 to index
      %get3A_656 = arith.constant 576 : index
      %get3A_657 = tpu.vector_load %arg6[%get3A_655, %get3A_656] {strides = array<i32>} : memref<32x768xf32, #tpu.memory_space<vmem>>, vector<1x16xf32>,
      %get3A_658 = vector.shape_cast %get3A_657 : vector<1x16xf32> to vector<16xf32>
      %mul3A_659 = arith.mulf %get3A_658, %get3A_73 : vector<16xf32>
      %get3A_660 = arith.index_cast %add3A_68 : i32 to index
      %get3A_661 = arith.constant 576 : index
      %get3A_662 = tpu.vector_load %arg7[%get3A_660, %get3A_661] {strides = array<i32>} : memref<32x768xf32, #tpu.memory_space<vmem>>, vector<1x16xf32>,
      %get3A_663 = vector.shape_cast %get3A_662 : vector<1x16xf32> to vector<16xf32>
      %mul3A_664 = arith.mulf %get3A_663, %get3A_79 : vector<16xf32>
      %add3A_665 = arith.addf %mul3A_659, %mul3A_664 : vector<16xf32>
      %swap3A_666 = arith.index_cast %add3A_68 : i32 to index
      %swap3A_667 = arith.constant 576 : index
      %swap3A_668 = tpu.vector_load %arg6[%swap3A_666, %swap3A_667] {strides = array<i32>} : memref<32x768xf32, #tpu.memory_space<vmem>>, vector<1x16xf32>,
      %swap3A_669 = vector.shape_cast %swap3A_668 : vector<1x16xf32> to vector<16xf32>
      %swap3A_670 = vector.shape_cast %add3A_665 : vector<16xf32> to vector<1x16xf32>
      tpu.vector_store %arg6[%swap3A_666, %swap3A_667], %swap3A_670 {strides = array<i32>} : memref<32x768xf32, #tpu.memory_space<vmem>>, vector<1x16xf32>,
      %get3A_671 = arith.index_cast %add3A_68 : i32 to index
      %get3A_672 = arith.constant 592 : index
      %get3A_673 = tpu.vector_load %arg6[%get3A_671, %get3A_672] {strides = array<i32>} : memref<32x768xf32, #tpu.memory_space<vmem>>, vector<1x16xf32>,
      %get3A_674 = vector.shape_cast %get3A_673 : vector<1x16xf32> to vector<16xf32>
      %mul3A_675 = arith.mulf %get3A_674, %get3A_73 : vector<16xf32>
      %get3A_676 = arith.index_cast %add3A_68 : i32 to index
      %get3A_677 = arith.constant 592 : index
      %get3A_678 = tpu.vector_load %arg7[%get3A_676, %get3A_677] {strides = array<i32>} : memref<32x768xf32, #tpu.memory_space<vmem>>, vector<1x16xf32>,
      %get3A_679 = vector.shape_cast %get3A_678 : vector<1x16xf32> to vector<16xf32>
      %mul3A_680 = arith.mulf %get3A_679, %get3A_79 : vector<16xf32>
      %add3A_681 = arith.addf %mul3A_675, %mul3A_680 : vector<16xf32>
      %swap3A_682 = arith.index_cast %add3A_68 : i32 to index
      %swap3A_683 = arith.constant 592 : index
      %swap3A_684 = tpu.vector_load %arg6[%swap3A_682, %swap3A_683] {strides = array<i32>} : memref<32x768xf32, #tpu.memory_space<vmem>>, vector<1x16xf32>,
      %swap3A_685 = vector.shape_cast %swap3A_684 : vector<1x16xf32> to vector<16xf32>
      %swap3A_686 = vector.shape_cast %add3A_681 : vector<16xf32> to vector<1x16xf32>
      tpu.vector_store %arg6[%swap3A_682, %swap3A_683], %swap3A_686 {strides = array<i32>} : memref<32x768xf32, #tpu.memory_space<vmem>>, vector<1x16xf32>,
      %get3A_687 = arith.index_cast %add3A_68 : i32 to index
      %get3A_688 = arith.constant 608 : index
      %get3A_689 = tpu.vector_load %arg6[%get3A_687, %get3A_688] {strides = array<i32>} : memref<32x768xf32, #tpu.memory_space<vmem>>, vector<1x16xf32>,
      %get3A_690 = vector.shape_cast %get3A_689 : vector<1x16xf32> to vector<16xf32>
      %mul3A_691 = arith.mulf %get3A_690, %get3A_73 : vector<16xf32>
      %get3A_692 = arith.index_cast %add3A_68 : i32 to index
      %get3A_693 = arith.constant 608 : index
      %get3A_694 = tpu.vector_load %arg7[%get3A_692, %get3A_693] {strides = array<i32>} : memref<32x768xf32, #tpu.memory_space<vmem>>, vector<1x16xf32>,
      %get3A_695 = vector.shape_cast %get3A_694 : vector<1x16xf32> to vector<16xf32>
      %mul3A_696 = arith.mulf %get3A_695, %get3A_79 : vector<16xf32>
      %add3A_697 = arith.addf %mul3A_691, %mul3A_696 : vector<16xf32>
      %swap3A_698 = arith.index_cast %add3A_68 : i32 to index
      %swap3A_699 = arith.constant 608 : index
      %swap3A_700 = tpu.vector_load %arg6[%swap3A_698, %swap3A_699] {strides = array<i32>} : memref<32x768xf32, #tpu.memory_space<vmem>>, vector<1x16xf32>,
      %swap3A_701 = vector.shape_cast %swap3A_700 : vector<1x16xf32> to vector<16xf32>
      %swap3A_702 = vector.shape_cast %add3A_697 : vector<16xf32> to vector<1x16xf32>
      tpu.vector_store %arg6[%swap3A_698, %swap3A_699], %swap3A_702 {strides = array<i32>} : memref<32x768xf32, #tpu.memory_space<vmem>>, vector<1x16xf32>,
      %get3A_703 = arith.index_cast %add3A_68 : i32 to index
      %get3A_704 = arith.constant 624 : index
      %get3A_705 = tpu.vector_load %arg6[%get3A_703, %get3A_704] {strides = array<i32>} : memref<32x768xf32, #tpu.memory_space<vmem>>, vector<1x16xf32>,
      %get3A_706 = vector.shape_cast %get3A_705 : vector<1x16xf32> to vector<16xf32>
      %mul3A_707 = arith.mulf %get3A_706, %get3A_73 : vector<16xf32>
      %get3A_708 = arith.index_cast %add3A_68 : i32 to index
      %get3A_709 = arith.constant 624 : index
      %get3A_710 = tpu.vector_load %arg7[%get3A_708, %get3A_709] {strides = array<i32>} : memref<32x768xf32, #tpu.memory_space<vmem>>, vector<1x16xf32>,
      %get3A_711 = vector.shape_cast %get3A_710 : vector<1x16xf32> to vector<16xf32>
      %mul3A_712 = arith.mulf %get3A_711, %get3A_79 : vector<16xf32>
      %add3A_713 = arith.addf %mul3A_707, %mul3A_712 : vector<16xf32>
      %swap3A_714 = arith.index_cast %add3A_68 : i32 to index
      %swap3A_715 = arith.constant 624 : index
      %swap3A_716 = tpu.vector_load %arg6[%swap3A_714, %swap3A_715] {strides = array<i32>} : memref<32x768xf32, #tpu.memory_space<vmem>>, vector<1x16xf32>,
      %swap3A_717 = vector.shape_cast %swap3A_716 : vector<1x16xf32> to vector<16xf32>
      %swap3A_718 = vector.shape_cast %add3A_713 : vector<16xf32> to vector<1x16xf32>
      tpu.vector_store %arg6[%swap3A_714, %swap3A_715], %swap3A_718 {strides = array<i32>} : memref<32x768xf32, #tpu.memory_space<vmem>>, vector<1x16xf32>,
      %get3A_719 = arith.index_cast %add3A_68 : i32 to index
      %get3A_720 = arith.constant 640 : index
      %get3A_721 = tpu.vector_load %arg6[%get3A_719, %get3A_720] {strides = array<i32>} : memref<32x768xf32, #tpu.memory_space<vmem>>, vector<1x16xf32>,
      %get3A_722 = vector.shape_cast %get3A_721 : vector<1x16xf32> to vector<16xf32>
      %mul3A_723 = arith.mulf %get3A_722, %get3A_73 : vector<16xf32>
      %get3A_724 = arith.index_cast %add3A_68 : i32 to index
      %get3A_725 = arith.constant 640 : index
      %get3A_726 = tpu.vector_load %arg7[%get3A_724, %get3A_725] {strides = array<i32>} : memref<32x768xf32, #tpu.memory_space<vmem>>, vector<1x16xf32>,
      %get3A_727 = vector.shape_cast %get3A_726 : vector<1x16xf32> to vector<16xf32>
      %mul3A_728 = arith.mulf %get3A_727, %get3A_79 : vector<16xf32>
      %add3A_729 = arith.addf %mul3A_723, %mul3A_728 : vector<16xf32>
      %swap3A_730 = arith.index_cast %add3A_68 : i32 to index
      %swap3A_731 = arith.constant 640 : index
      %swap3A_732 = tpu.vector_load %arg6[%swap3A_730, %swap3A_731] {strides = array<i32>} : memref<32x768xf32, #tpu.memory_space<vmem>>, vector<1x16xf32>,
      %swap3A_733 = vector.shape_cast %swap3A_732 : vector<1x16xf32> to vector<16xf32>
      %swap3A_734 = vector.shape_cast %add3A_729 : vector<16xf32> to vector<1x16xf32>
      tpu.vector_store %arg6[%swap3A_730, %swap3A_731], %swap3A_734 {strides = array<i32>} : memref<32x768xf32, #tpu.memory_space<vmem>>, vector<1x16xf32>,
      %get3A_735 = arith.index_cast %add3A_68 : i32 to index
      %get3A_736 = arith.constant 656 : index
      %get3A_737 = tpu.vector_load %arg6[%get3A_735, %get3A_736] {strides = array<i32>} : memref<32x768xf32, #tpu.memory_space<vmem>>, vector<1x16xf32>,
      %get3A_738 = vector.shape_cast %get3A_737 : vector<1x16xf32> to vector<16xf32>
      %mul3A_739 = arith.mulf %get3A_738, %get3A_73 : vector<16xf32>
      %get3A_740 = arith.index_cast %add3A_68 : i32 to index
      %get3A_741 = arith.constant 656 : index
      %get3A_742 = tpu.vector_load %arg7[%get3A_740, %get3A_741] {strides = array<i32>} : memref<32x768xf32, #tpu.memory_space<vmem>>, vector<1x16xf32>,
      %get3A_743 = vector.shape_cast %get3A_742 : vector<1x16xf32> to vector<16xf32>
      %mul3A_744 = arith.mulf %get3A_743, %get3A_79 : vector<16xf32>
      %add3A_745 = arith.addf %mul3A_739, %mul3A_744 : vector<16xf32>
      %swap3A_746 = arith.index_cast %add3A_68 : i32 to index
      %swap3A_747 = arith.constant 656 : index
      %swap3A_748 = tpu.vector_load %arg6[%swap3A_746, %swap3A_747] {strides = array<i32>} : memref<32x768xf32, #tpu.memory_space<vmem>>, vector<1x16xf32>,
      %swap3A_749 = vector.shape_cast %swap3A_748 : vector<1x16xf32> to vector<16xf32>
      %swap3A_750 = vector.shape_cast %add3A_745 : vector<16xf32> to vector<1x16xf32>
      tpu.vector_store %arg6[%swap3A_746, %swap3A_747], %swap3A_750 {strides = array<i32>} : memref<32x768xf32, #tpu.memory_space<vmem>>, vector<1x16xf32>,
      %get3A_751 = arith.index_cast %add3A_68 : i32 to index
      %get3A_752 = arith.constant 672 : index
      %get3A_753 = tpu.vector_load %arg6[%get3A_751, %get3A_752] {strides = array<i32>} : memref<32x768xf32, #tpu.memory_space<vmem>>, vector<1x16xf32>,
      %get3A_754 = vector.shape_cast %get3A_753 : vector<1x16xf32> to vector<16xf32>
      %mul3A_755 = arith.mulf %get3A_754, %get3A_73 : vector<16xf32>
      %get3A_756 = arith.index_cast %add3A_68 : i32 to index
      %get3A_757 = arith.constant 672 : index
      %get3A_758 = tpu.vector_load %arg7[%get3A_756, %get3A_757] {strides = array<i32>} : memref<32x768xf32, #tpu.memory_space<vmem>>, vector<1x16xf32>,
      %get3A_759 = vector.shape_cast %get3A_758 : vector<1x16xf32> to vector<16xf32>
      %mul3A_760 = arith.mulf %get3A_759, %get3A_79 : vector<16xf32>
      %add3A_761 = arith.addf %mul3A_755, %mul3A_760 : vector<16xf32>
      %swap3A_762 = arith.index_cast %add3A_68 : i32 to index
      %swap3A_763 = arith.constant 672 : index
      %swap3A_764 = tpu.vector_load %arg6[%swap3A_762, %swap3A_763] {strides = array<i32>} : memref<32x768xf32, #tpu.memory_space<vmem>>, vector<1x16xf32>,
      %swap3A_765 = vector.shape_cast %swap3A_764 : vector<1x16xf32> to vector<16xf32>
      %swap3A_766 = vector.shape_cast %add3A_761 : vector<16xf32> to vector<1x16xf32>
      tpu.vector_store %arg6[%swap3A_762, %swap3A_763], %swap3A_766 {strides = array<i32>} : memref<32x768xf32, #tpu.memory_space<vmem>>, vector<1x16xf32>,
      %get3A_767 = arith.index_cast %add3A_68 : i32 to index
      %get3A_768 = arith.constant 688 : index
      %get3A_769 = tpu.vector_load %arg6[%get3A_767, %get3A_768] {strides = array<i32>} : memref<32x768xf32, #tpu.memory_space<vmem>>, vector<1x16xf32>,
      %get3A_770 = vector.shape_cast %get3A_769 : vector<1x16xf32> to vector<16xf32>
      %mul3A_771 = arith.mulf %get3A_770, %get3A_73 : vector<16xf32>
      %get3A_772 = arith.index_cast %add3A_68 : i32 to index
      %get3A_773 = arith.constant 688 : index
      %get3A_774 = tpu.vector_load %arg7[%get3A_772, %get3A_773] {strides = array<i32>} : memref<32x768xf32, #tpu.memory_space<vmem>>, vector<1x16xf32>,
      %get3A_775 = vector.shape_cast %get3A_774 : vector<1x16xf32> to vector<16xf32>
      %mul3A_776 = arith.mulf %get3A_775, %get3A_79 : vector<16xf32>
      %add3A_777 = arith.addf %mul3A_771, %mul3A_776 : vector<16xf32>
      %swap3A_778 = arith.index_cast %add3A_68 : i32 to index
      %swap3A_779 = arith.constant 688 : index
      %swap3A_780 = tpu.vector_load %arg6[%swap3A_778, %swap3A_779] {strides = array<i32>} : memref<32x768xf32, #tpu.memory_space<vmem>>, vector<1x16xf32>,
      %swap3A_781 = vector.shape_cast %swap3A_780 : vector<1x16xf32> to vector<16xf32>
      %swap3A_782 = vector.shape_cast %add3A_777 : vector<16xf32> to vector<1x16xf32>
      tpu.vector_store %arg6[%swap3A_778, %swap3A_779], %swap3A_782 {strides = array<i32>} : memref<32x768xf32, #tpu.memory_space<vmem>>, vector<1x16xf32>,
      %get3A_783 = arith.index_cast %add3A_68 : i32 to index
      %get3A_784 = arith.constant 704 : index
      %get3A_785 = tpu.vector_load %arg6[%get3A_783, %get3A_784] {strides = array<i32>} : memref<32x768xf32, #tpu.memory_space<vmem>>, vector<1x16xf32>,
      %get3A_786 = vector.shape_cast %get3A_785 : vector<1x16xf32> to vector<16xf32>
      %mul3A_787 = arith.mulf %get3A_786, %get3A_73 : vector<16xf32>
      %get3A_788 = arith.index_cast %add3A_68 : i32 to index
      %get3A_789 = arith.constant 704 : index
      %get3A_790 = tpu.vector_load %arg7[%get3A_788, %get3A_789] {strides = array<i32>} : memref<32x768xf32, #tpu.memory_space<vmem>>, vector<1x16xf32>,
      %get3A_791 = vector.shape_cast %get3A_790 : vector<1x16xf32> to vector<16xf32>
      %mul3A_792 = arith.mulf %get3A_791, %get3A_79 : vector<16xf32>
      %add3A_793 = arith.addf %mul3A_787, %mul3A_792 : vector<16xf32>
      %swap3A_794 = arith.index_cast %add3A_68 : i32 to index
      %swap3A_795 = arith.constant 704 : index
      %swap3A_796 = tpu.vector_load %arg6[%swap3A_794, %swap3A_795] {strides = array<i32>} : memref<32x768xf32, #tpu.memory_space<vmem>>, vector<1x16xf32>,
      %swap3A_797 = vector.shape_cast %swap3A_796 : vector<1x16xf32> to vector<16xf32>
      %swap3A_798 = vector.shape_cast %add3A_793 : vector<16xf32> to vector<1x16xf32>
      tpu.vector_store %arg6[%swap3A_794, %swap3A_795], %swap3A_798 {strides = array<i32>} : memref<32x768xf32, #tpu.memory_space<vmem>>, vector<1x16xf32>,
      %get3A_799 = arith.index_cast %add3A_68 : i32 to index
      %get3A_800 = arith.constant 720 : index
      %get3A_801 = tpu.vector_load %arg6[%get3A_799, %get3A_800] {strides = array<i32>} : memref<32x768xf32, #tpu.memory_space<vmem>>, vector<1x16xf32>,
      %get3A_802 = vector.shape_cast %get3A_801 : vector<1x16xf32> to vector<16xf32>
      %mul3A_803 = arith.mulf %get3A_802, %get3A_73 : vector<16xf32>
      %get3A_804 = arith.index_cast %add3A_68 : i32 to index
      %get3A_805 = arith.constant 720 : index
      %get3A_806 = tpu.vector_load %arg7[%get3A_804, %get3A_805] {strides = array<i32>} : memref<32x768xf32, #tpu.memory_space<vmem>>, vector<1x16xf32>,
      %get3A_807 = vector.shape_cast %get3A_806 : vector<1x16xf32> to vector<16xf32>
      %mul3A_808 = arith.mulf %get3A_807, %get3A_79 : vector<16xf32>
      %add3A_809 = arith.addf %mul3A_803, %mul3A_808 : vector<16xf32>
      %swap3A_810 = arith.index_cast %add3A_68 : i32 to index
      %swap3A_811 = arith.constant 720 : index
      %swap3A_812 = tpu.vector_load %arg6[%swap3A_810, %swap3A_811] {strides = array<i32>} : memref<32x768xf32, #tpu.memory_space<vmem>>, vector<1x16xf32>,
      %swap3A_813 = vector.shape_cast %swap3A_812 : vector<1x16xf32> to vector<16xf32>
      %swap3A_814 = vector.shape_cast %add3A_809 : vector<16xf32> to vector<1x16xf32>
      tpu.vector_store %arg6[%swap3A_810, %swap3A_811], %swap3A_814 {strides = array<i32>} : memref<32x768xf32, #tpu.memory_space<vmem>>, vector<1x16xf32>,
      %get3A_815 = arith.index_cast %add3A_68 : i32 to index
      %get3A_816 = arith.constant 736 : index
      %get3A_817 = tpu.vector_load %arg6[%get3A_815, %get3A_816] {strides = array<i32>} : memref<32x768xf32, #tpu.memory_space<vmem>>, vector<1x16xf32>,
      %get3A_818 = vector.shape_cast %get3A_817 : vector<1x16xf32> to vector<16xf32>
      %mul3A_819 = arith.mulf %get3A_818, %get3A_73 : vector<16xf32>
      %get3A_820 = arith.index_cast %add3A_68 : i32 to index
      %get3A_821 = arith.constant 736 : index
      %get3A_822 = tpu.vector_load %arg7[%get3A_820, %get3A_821] {strides = array<i32>} : memref<32x768xf32, #tpu.memory_space<vmem>>, vector<1x16xf32>,
      %get3A_823 = vector.shape_cast %get3A_822 : vector<1x16xf32> to vector<16xf32>
      %mul3A_824 = arith.mulf %get3A_823, %get3A_79 : vector<16xf32>
      %add3A_825 = arith.addf %mul3A_819, %mul3A_824 : vector<16xf32>
      %swap3A_826 = arith.index_cast %add3A_68 : i32 to index
      %swap3A_827 = arith.constant 736 : index
      %swap3A_828 = tpu.vector_load %arg6[%swap3A_826, %swap3A_827] {strides = array<i32>} : memref<32x768xf32, #tpu.memory_space<vmem>>, vector<1x16xf32>,
      %swap3A_829 = vector.shape_cast %swap3A_828 : vector<1x16xf32> to vector<16xf32>
      %swap3A_830 = vector.shape_cast %add3A_825 : vector<16xf32> to vector<1x16xf32>
      tpu.vector_store %arg6[%swap3A_826, %swap3A_827], %swap3A_830 {strides = array<i32>} : memref<32x768xf32, #tpu.memory_space<vmem>>, vector<1x16xf32>,
      %get3A_831 = arith.index_cast %add3A_68 : i32 to index
      %get3A_832 = arith.constant 752 : index
      %get3A_833 = tpu.vector_load %arg6[%get3A_831, %get3A_832] {strides = array<i32>} : memref<32x768xf32, #tpu.memory_space<vmem>>, vector<1x16xf32>,
      %get3A_834 = vector.shape_cast %get3A_833 : vector<1x16xf32> to vector<16xf32>
      %mul3A_835 = arith.mulf %get3A_834, %get3A_73 : vector<16xf32>
      %get3A_836 = arith.index_cast %add3A_68 : i32 to index
      %get3A_837 = arith.constant 752 : index
      %get3A_838 = tpu.vector_load %arg7[%get3A_836, %get3A_837] {strides = array<i32>} : memref<32x768xf32, #tpu.memory_space<vmem>>, vector<1x16xf32>,
      %get3A_839 = vector.shape_cast %get3A_838 : vector<1x16xf32> to vector<16xf32>
      %mul3A_840 = arith.mulf %get3A_839, %get3A_79 : vector<16xf32>
      %add3A_841 = arith.addf %mul3A_835, %mul3A_840 : vector<16xf32>
      %swap3A_842 = arith.index_cast %add3A_68 : i32 to index
      %swap3A_843 = arith.constant 752 : index
      %swap3A_844 = tpu.vector_load %arg6[%swap3A_842, %swap3A_843] {strides = array<i32>} : memref<32x768xf32, #tpu.memory_space<vmem>>, vector<1x16xf32>,
      %swap3A_845 = vector.shape_cast %swap3A_844 : vector<1x16xf32> to vector<16xf32>
      %swap3A_846 = vector.shape_cast %add3A_841 : vector<16xf32> to vector<1x16xf32>
      tpu.vector_store %arg6[%swap3A_842, %swap3A_843], %swap3A_846 {strides = array<i32>} : memref<32x768xf32, #tpu.memory_space<vmem>>, vector<1x16xf32>,
    }
    %scan3A_38 = arith.constant 32 : i32
    %dma_start3A_39 = arith.constant 0 : i32
    %dma_start3A_40 = tpu.memref_slice %arg5[%mul3A_2, %dma_start3A_39] : memref<2048x768xf32, #tpu.memory_space<hbm>> -> memref<32x768xf32, #tpu.memory_space<hbm>>
    %dma_start3A_41 = arith.constant 0 : i32
    %dma_start3A_42 = tpu.memref_slice %arg5[%mul3A_2, %dma_start3A_41] : memref<2048x768xf32, #tpu.memory_space<hbm>> -> memref<32x768xf32, #tpu.memory_space<hbm>>
    tpu.enqueue_dma source(%arg6 : memref<32x768xf32, #tpu.memory_space<vmem>>) target(%dma_start3A_42 : memref<32x768xf32, #tpu.memory_space<hbm>>) target_semaphore(%arg14 : memref<!tpu.dma_semaphore, #tpu.memory_space<semaphore_mem>>)
    %dma_wait3A_43 = arith.constant 32 : i32
    %dma_wait3A_44 = tpu.memref_slice %arg12[%dma_wait3A_43] : memref<64xi32, #tpu.memory_space<vmem>> -> memref<32xi32, #tpu.memory_space<vmem>>
    %dma_wait3A_45 = arith.constant 0 : i32
    %dma_wait3A_46 = arith.constant 0 : i32
    %dma_wait3A_47 = tpu.memref_slice %arg2[%dma_wait3A_45, %dma_wait3A_46] : memref<8192x768xf32, #tpu.memory_space<hbm>> -> memref<8192x768xf32, #tpu.memory_space<hbm>>
    tpu.wait_indirect_dma semaphore(%arg15 : memref<!tpu.dma_semaphore, #tpu.memory_space<semaphore_mem>>) src(%dma_wait3A_47 : memref<8192x768xf32, #tpu.memory_space<hbm>>) dst(%arg8 : memref<32x768xf32, #tpu.memory_space<vmem>>)
    %dma_wait3A_48 = arith.constant 32 : i32
    %dma_wait3A_49 = tpu.memref_slice %arg13[%dma_wait3A_48] : memref<64xi32, #tpu.memory_space<vmem>> -> memref<32xi32, #tpu.memory_space<vmem>>
    %dma_wait3A_50 = arith.constant 0 : i32
    %dma_wait3A_51 = arith.constant 0 : i32
    %dma_wait3A_52 = tpu.memref_slice %arg2[%dma_wait3A_50, %dma_wait3A_51] : memref<8192x768xf32, #tpu.memory_space<hbm>> -> memref<8192x768xf32, #tpu.memory_space<hbm>>
    tpu.wait_indirect_dma semaphore(%arg15 : memref<!tpu.dma_semaphore, #tpu.memory_space<semaphore_mem>>) src(%dma_wait3A_52 : memref<8192x768xf32, #tpu.memory_space<hbm>>) dst(%arg9 : memref<32x768xf32, #tpu.memory_space<vmem>>)
    %scan3A_53 = arith.constant 0 : i32
    %scan3A_54 = arith.constant 32 : i32
    %scan3A_55 = arith.addi %scan3A_53, %scan3A_54 : i32
    %scan3A_56 = arith.constant 1 : i32
    scf.for %scan3A_64 = %scan3A_53 to %scan3A_55 step %scan3A_56  : i32 {
      %mul3A_65 = arith.constant 1 : i32
      %mul3A_66 = arith.muli %scan3A_64, %mul3A_65 : i32
      %add3A_67 = arith.constant 0 : i32
      %add3A_68 = arith.addi %add3A_67, %mul3A_66 : i32
      %add3A_69 = arith.constant 32 : i32
      %add3A_70 = arith.addi %add3A_68, %add3A_69 : i32
      %get3A = arith.index_cast %add3A_70 : i32 to index
      %get3A_71 = arith.constant 0 : index
      %get3A_72 = tpu.vector_load %arg10[%get3A, %get3A_71] {strides = array<i32>} : memref<64x16xf32, #tpu.memory_space<vmem>>, vector<1x16xf32>,
      %get3A_73 = vector.shape_cast %get3A_72 : vector<1x16xf32> to vector<16xf32>
      %add3A_74 = arith.constant 32 : i32
      %add3A_75 = arith.addi %add3A_68, %add3A_74 : i32
      %get3A_76 = arith.index_cast %add3A_75 : i32 to index
      %get3A_77 = arith.constant 0 : index
      %get3A_78 = tpu.vector_load %arg11[%get3A_76, %get3A_77] {strides = array<i32>} : memref<64x16xf32, #tpu.memory_space<vmem>>, vector<1x16xf32>,
      %get3A_79 = vector.shape_cast %get3A_78 : vector<1x16xf32> to vector<16xf32>
      %get3A_80 = arith.index_cast %add3A_68 : i32 to index
      %get3A_81 = arith.constant 0 : index
      %get3A_82 = tpu.vector_load %arg8[%get3A_80, %get3A_81] {strides = array<i32>} : memref<32x768xf32, #tpu.memory_space<vmem>>, vector<1x16xf32>,
      %get3A_83 = vector.shape_cast %get3A_82 : vector<1x16xf32> to vector<16xf32>
      %mul3A_84 = arith.mulf %get3A_83, %get3A_73 : vector<16xf32>
      %get3A_85 = arith.index_cast %add3A_68 : i32 to index
      %get3A_86 = arith.constant 0 : index
      %get3A_87 = tpu.vector_load %arg9[%get3A_85, %get3A_86] {strides = array<i32>} : memref<32x768xf32, #tpu.memory_space<vmem>>, vector<1x16xf32>,
      %get3A_88 = vector.shape_cast %get3A_87 : vector<1x16xf32> to vector<16xf32>
      %mul3A_89 = arith.mulf %get3A_88, %get3A_79 : vector<16xf32>
      %add3A_90 = arith.addf %mul3A_84, %mul3A_89 : vector<16xf32>
      %swap3A = arith.index_cast %add3A_68 : i32 to index
      %swap3A_91 = arith.constant 0 : index
      %swap3A_92 = tpu.vector_load %arg8[%swap3A, %swap3A_91] {strides = array<i32>} : memref<32x768xf32, #tpu.memory_space<vmem>>, vector<1x16xf32>,
      %swap3A_93 = vector.shape_cast %swap3A_92 : vector<1x16xf32> to vector<16xf32>
      %swap3A_94 = vector.shape_cast %add3A_90 : vector<16xf32> to vector<1x16xf32>
      tpu.vector_store %arg8[%swap3A, %swap3A_91], %swap3A_94 {strides = array<i32>} : memref<32x768xf32, #tpu.memory_space<vmem>>, vector<1x16xf32>,
      %get3A_95 = arith.index_cast %add3A_68 : i32 to index
      %get3A_96 = arith.constant 16 : index
      %get3A_97 = tpu.vector_load %arg8[%get3A_95, %get3A_96] {strides = array<i32>} : memref<32x768xf32, #tpu.memory_space<vmem>>, vector<1x16xf32>,
      %get3A_98 = vector.shape_cast %get3A_97 : vector<1x16xf32> to vector<16xf32>
      %mul3A_99 = arith.mulf %get3A_98, %get3A_73 : vector<16xf32>
      %get3A_100 = arith.index_cast %add3A_68 : i32 to index
      %get3A_101 = arith.constant 16 : index
      %get3A_102 = tpu.vector_load %arg9[%get3A_100, %get3A_101] {strides = array<i32>} : memref<32x768xf32, #tpu.memory_space<vmem>>, vector<1x16xf32>,
      %get3A_103 = vector.shape_cast %get3A_102 : vector<1x16xf32> to vector<16xf32>
      %mul3A_104 = arith.mulf %get3A_103, %get3A_79 : vector<16xf32>
      %add3A_105 = arith.addf %mul3A_99, %mul3A_104 : vector<16xf32>
      %swap3A_106 = arith.index_cast %add3A_68 : i32 to index
      %swap3A_107 = arith.constant 16 : index
      %swap3A_108 = tpu.vector_load %arg8[%swap3A_106, %swap3A_107] {strides = array<i32>} : memref<32x768xf32, #tpu.memory_space<vmem>>, vector<1x16xf32>,
      %swap3A_109 = vector.shape_cast %swap3A_108 : vector<1x16xf32> to vector<16xf32>
      %swap3A_110 = vector.shape_cast %add3A_105 : vector<16xf32> to vector<1x16xf32>
      tpu.vector_store %arg8[%swap3A_106, %swap3A_107], %swap3A_110 {strides = array<i32>} : memref<32x768xf32, #tpu.memory_space<vmem>>, vector<1x16xf32>,
      %get3A_111 = arith.index_cast %add3A_68 : i32 to index
      %get3A_112 = arith.constant 32 : index
      %get3A_113 = tpu.vector_load %arg8[%get3A_111, %get3A_112] {strides = array<i32>} : memref<32x768xf32, #tpu.memory_space<vmem>>, vector<1x16xf32>,
      %get3A_114 = vector.shape_cast %get3A_113 : vector<1x16xf32> to vector<16xf32>
      %mul3A_115 = arith.mulf %get3A_114, %get3A_73 : vector<16xf32>
      %get3A_116 = arith.index_cast %add3A_68 : i32 to index
      %get3A_117 = arith.constant 32 : index
      %get3A_118 = tpu.vector_load %arg9[%get3A_116, %get3A_117] {strides = array<i32>} : memref<32x768xf32, #tpu.memory_space<vmem>>, vector<1x16xf32>,
      %get3A_119 = vector.shape_cast %get3A_118 : vector<1x16xf32> to vector<16xf32>
      %mul3A_120 = arith.mulf %get3A_119, %get3A_79 : vector<16xf32>
      %add3A_121 = arith.addf %mul3A_115, %mul3A_120 : vector<16xf32>
      %swap3A_122 = arith.index_cast %add3A_68 : i32 to index
      %swap3A_123 = arith.constant 32 : index
      %swap3A_124 = tpu.vector_load %arg8[%swap3A_122, %swap3A_123] {strides = array<i32>} : memref<32x768xf32, #tpu.memory_space<vmem>>, vector<1x16xf32>,
      %swap3A_125 = vector.shape_cast %swap3A_124 : vector<1x16xf32> to vector<16xf32>
      %swap3A_126 = vector.shape_cast %add3A_121 : vector<16xf32> to vector<1x16xf32>
      tpu.vector_store %arg8[%swap3A_122, %swap3A_123], %swap3A_126 {strides = array<i32>} : memref<32x768xf32, #tpu.memory_space<vmem>>, vector<1x16xf32>,
      %get3A_127 = arith.index_cast %add3A_68 : i32 to index
      %get3A_128 = arith.constant 48 : index
      %get3A_129 = tpu.vector_load %arg8[%get3A_127, %get3A_128] {strides = array<i32>} : memref<32x768xf32, #tpu.memory_space<vmem>>, vector<1x16xf32>,
      %get3A_130 = vector.shape_cast %get3A_129 : vector<1x16xf32> to vector<16xf32>
      %mul3A_131 = arith.mulf %get3A_130, %get3A_73 : vector<16xf32>
      %get3A_132 = arith.index_cast %add3A_68 : i32 to index
      %get3A_133 = arith.constant 48 : index
      %get3A_134 = tpu.vector_load %arg9[%get3A_132, %get3A_133] {strides = array<i32>} : memref<32x768xf32, #tpu.memory_space<vmem>>, vector<1x16xf32>,
      %get3A_135 = vector.shape_cast %get3A_134 : vector<1x16xf32> to vector<16xf32>
      %mul3A_136 = arith.mulf %get3A_135, %get3A_79 : vector<16xf32>
      %add3A_137 = arith.addf %mul3A_131, %mul3A_136 : vector<16xf32>
      %swap3A_138 = arith.index_cast %add3A_68 : i32 to index
      %swap3A_139 = arith.constant 48 : index
      %swap3A_140 = tpu.vector_load %arg8[%swap3A_138, %swap3A_139] {strides = array<i32>} : memref<32x768xf32, #tpu.memory_space<vmem>>, vector<1x16xf32>,
      %swap3A_141 = vector.shape_cast %swap3A_140 : vector<1x16xf32> to vector<16xf32>
      %swap3A_142 = vector.shape_cast %add3A_137 : vector<16xf32> to vector<1x16xf32>
      tpu.vector_store %arg8[%swap3A_138, %swap3A_139], %swap3A_142 {strides = array<i32>} : memref<32x768xf32, #tpu.memory_space<vmem>>, vector<1x16xf32>,
      %get3A_143 = arith.index_cast %add3A_68 : i32 to index
      %get3A_144 = arith.constant 64 : index
      %get3A_145 = tpu.vector_load %arg8[%get3A_143, %get3A_144] {strides = array<i32>} : memref<32x768xf32, #tpu.memory_space<vmem>>, vector<1x16xf32>,
      %get3A_146 = vector.shape_cast %get3A_145 : vector<1x16xf32> to vector<16xf32>
      %mul3A_147 = arith.mulf %get3A_146, %get3A_73 : vector<16xf32>
      %get3A_148 = arith.index_cast %add3A_68 : i32 to index
      %get3A_149 = arith.constant 64 : index
      %get3A_150 = tpu.vector_load %arg9[%get3A_148, %get3A_149] {strides = array<i32>} : memref<32x768xf32, #tpu.memory_space<vmem>>, vector<1x16xf32>,
      %get3A_151 = vector.shape_cast %get3A_150 : vector<1x16xf32> to vector<16xf32>
      %mul3A_152 = arith.mulf %get3A_151, %get3A_79 : vector<16xf32>
      %add3A_153 = arith.addf %mul3A_147, %mul3A_152 : vector<16xf32>
      %swap3A_154 = arith.index_cast %add3A_68 : i32 to index
      %swap3A_155 = arith.constant 64 : index
      %swap3A_156 = tpu.vector_load %arg8[%swap3A_154, %swap3A_155] {strides = array<i32>} : memref<32x768xf32, #tpu.memory_space<vmem>>, vector<1x16xf32>,
      %swap3A_157 = vector.shape_cast %swap3A_156 : vector<1x16xf32> to vector<16xf32>
      %swap3A_158 = vector.shape_cast %add3A_153 : vector<16xf32> to vector<1x16xf32>
      tpu.vector_store %arg8[%swap3A_154, %swap3A_155], %swap3A_158 {strides = array<i32>} : memref<32x768xf32, #tpu.memory_space<vmem>>, vector<1x16xf32>,
      %get3A_159 = arith.index_cast %add3A_68 : i32 to index
      %get3A_160 = arith.constant 80 : index
      %get3A_161 = tpu.vector_load %arg8[%get3A_159, %get3A_160] {strides = array<i32>} : memref<32x768xf32, #tpu.memory_space<vmem>>, vector<1x16xf32>,
      %get3A_162 = vector.shape_cast %get3A_161 : vector<1x16xf32> to vector<16xf32>
      %mul3A_163 = arith.mulf %get3A_162, %get3A_73 : vector<16xf32>
      %get3A_164 = arith.index_cast %add3A_68 : i32 to index
      %get3A_165 = arith.constant 80 : index
      %get3A_166 = tpu.vector_load %arg9[%get3A_164, %get3A_165] {strides = array<i32>} : memref<32x768xf32, #tpu.memory_space<vmem>>, vector<1x16xf32>,
      %get3A_167 = vector.shape_cast %get3A_166 : vector<1x16xf32> to vector<16xf32>
      %mul3A_168 = arith.mulf %get3A_167, %get3A_79 : vector<16xf32>
      %add3A_169 = arith.addf %mul3A_163, %mul3A_168 : vector<16xf32>
      %swap3A_170 = arith.index_cast %add3A_68 : i32 to index
      %swap3A_171 = arith.constant 80 : index
      %swap3A_172 = tpu.vector_load %arg8[%swap3A_170, %swap3A_171] {strides = array<i32>} : memref<32x768xf32, #tpu.memory_space<vmem>>, vector<1x16xf32>,
      %swap3A_173 = vector.shape_cast %swap3A_172 : vector<1x16xf32> to vector<16xf32>
      %swap3A_174 = vector.shape_cast %add3A_169 : vector<16xf32> to vector<1x16xf32>
      tpu.vector_store %arg8[%swap3A_170, %swap3A_171], %swap3A_174 {strides = array<i32>} : memref<32x768xf32, #tpu.memory_space<vmem>>, vector<1x16xf32>,
      %get3A_175 = arith.index_cast %add3A_68 : i32 to index
      %get3A_176 = arith.constant 96 : index
      %get3A_177 = tpu.vector_load %arg8[%get3A_175, %get3A_176] {strides = array<i32>} : memref<32x768xf32, #tpu.memory_space<vmem>>, vector<1x16xf32>,
      %get3A_178 = vector.shape_cast %get3A_177 : vector<1x16xf32> to vector<16xf32>
      %mul3A_179 = arith.mulf %get3A_178, %get3A_73 : vector<16xf32>
      %get3A_180 = arith.index_cast %add3A_68 : i32 to index
      %get3A_181 = arith.constant 96 : index
      %get3A_182 = tpu.vector_load %arg9[%get3A_180, %get3A_181] {strides = array<i32>} : memref<32x768xf32, #tpu.memory_space<vmem>>, vector<1x16xf32>,
      %get3A_183 = vector.shape_cast %get3A_182 : vector<1x16xf32> to vector<16xf32>
      %mul3A_184 = arith.mulf %get3A_183, %get3A_79 : vector<16xf32>
      %add3A_185 = arith.addf %mul3A_179, %mul3A_184 : vector<16xf32>
      %swap3A_186 = arith.index_cast %add3A_68 : i32 to index
      %swap3A_187 = arith.constant 96 : index
      %swap3A_188 = tpu.vector_load %arg8[%swap3A_186, %swap3A_187] {strides = array<i32>} : memref<32x768xf32, #tpu.memory_space<vmem>>, vector<1x16xf32>,
      %swap3A_189 = vector.shape_cast %swap3A_188 : vector<1x16xf32> to vector<16xf32>
      %swap3A_190 = vector.shape_cast %add3A_185 : vector<16xf32> to vector<1x16xf32>
      tpu.vector_store %arg8[%swap3A_186, %swap3A_187], %swap3A_190 {strides = array<i32>} : memref<32x768xf32, #tpu.memory_space<vmem>>, vector<1x16xf32>,
      %get3A_191 = arith.index_cast %add3A_68 : i32 to index
      %get3A_192 = arith.constant 112 : index
      %get3A_193 = tpu.vector_load %arg8[%get3A_191, %get3A_192] {strides = array<i32>} : memref<32x768xf32, #tpu.memory_space<vmem>>, vector<1x16xf32>,
      %get3A_194 = vector.shape_cast %get3A_193 : vector<1x16xf32> to vector<16xf32>
      %mul3A_195 = arith.mulf %get3A_194, %get3A_73 : vector<16xf32>
      %get3A_196 = arith.index_cast %add3A_68 : i32 to index
      %get3A_197 = arith.constant 112 : index
      %get3A_198 = tpu.vector_load %arg9[%get3A_196, %get3A_197] {strides = array<i32>} : memref<32x768xf32, #tpu.memory_space<vmem>>, vector<1x16xf32>,
      %get3A_199 = vector.shape_cast %get3A_198 : vector<1x16xf32> to vector<16xf32>
      %mul3A_200 = arith.mulf %get3A_199, %get3A_79 : vector<16xf32>
      %add3A_201 = arith.addf %mul3A_195, %mul3A_200 : vector<16xf32>
      %swap3A_202 = arith.index_cast %add3A_68 : i32 to index
      %swap3A_203 = arith.constant 112 : index
      %swap3A_204 = tpu.vector_load %arg8[%swap3A_202, %swap3A_203] {strides = array<i32>} : memref<32x768xf32, #tpu.memory_space<vmem>>, vector<1x16xf32>,
      %swap3A_205 = vector.shape_cast %swap3A_204 : vector<1x16xf32> to vector<16xf32>
      %swap3A_206 = vector.shape_cast %add3A_201 : vector<16xf32> to vector<1x16xf32>
      tpu.vector_store %arg8[%swap3A_202, %swap3A_203], %swap3A_206 {strides = array<i32>} : memref<32x768xf32, #tpu.memory_space<vmem>>, vector<1x16xf32>,
      %get3A_207 = arith.index_cast %add3A_68 : i32 to index
      %get3A_208 = arith.constant 128 : index
      %get3A_209 = tpu.vector_load %arg8[%get3A_207, %get3A_208] {strides = array<i32>} : memref<32x768xf32, #tpu.memory_space<vmem>>, vector<1x16xf32>,
      %get3A_210 = vector.shape_cast %get3A_209 : vector<1x16xf32> to vector<16xf32>
      %mul3A_211 = arith.mulf %get3A_210, %get3A_73 : vector<16xf32>
      %get3A_212 = arith.index_cast %add3A_68 : i32 to index
      %get3A_213 = arith.constant 128 : index
      %get3A_214 = tpu.vector_load %arg9[%get3A_212, %get3A_213] {strides = array<i32>} : memref<32x768xf32, #tpu.memory_space<vmem>>, vector<1x16xf32>,
      %get3A_215 = vector.shape_cast %get3A_214 : vector<1x16xf32> to vector<16xf32>
      %mul3A_216 = arith.mulf %get3A_215, %get3A_79 : vector<16xf32>
      %add3A_217 = arith.addf %mul3A_211, %mul3A_216 : vector<16xf32>
      %swap3A_218 = arith.index_cast %add3A_68 : i32 to index
      %swap3A_219 = arith.constant 128 : index
      %swap3A_220 = tpu.vector_load %arg8[%swap3A_218, %swap3A_219] {strides = array<i32>} : memref<32x768xf32, #tpu.memory_space<vmem>>, vector<1x16xf32>,
      %swap3A_221 = vector.shape_cast %swap3A_220 : vector<1x16xf32> to vector<16xf32>
      %swap3A_222 = vector.shape_cast %add3A_217 : vector<16xf32> to vector<1x16xf32>
      tpu.vector_store %arg8[%swap3A_218, %swap3A_219], %swap3A_222 {strides = array<i32>} : memref<32x768xf32, #tpu.memory_space<vmem>>, vector<1x16xf32>,
      %get3A_223 = arith.index_cast %add3A_68 : i32 to index
      %get3A_224 = arith.constant 144 : index
      %get3A_225 = tpu.vector_load %arg8[%get3A_223, %get3A_224] {strides = array<i32>} : memref<32x768xf32, #tpu.memory_space<vmem>>, vector<1x16xf32>,
      %get3A_226 = vector.shape_cast %get3A_225 : vector<1x16xf32> to vector<16xf32>
      %mul3A_227 = arith.mulf %get3A_226, %get3A_73 : vector<16xf32>
      %get3A_228 = arith.index_cast %add3A_68 : i32 to index
      %get3A_229 = arith.constant 144 : index
      %get3A_230 = tpu.vector_load %arg9[%get3A_228, %get3A_229] {strides = array<i32>} : memref<32x768xf32, #tpu.memory_space<vmem>>, vector<1x16xf32>,
      %get3A_231 = vector.shape_cast %get3A_230 : vector<1x16xf32> to vector<16xf32>
      %mul3A_232 = arith.mulf %get3A_231, %get3A_79 : vector<16xf32>
      %add3A_233 = arith.addf %mul3A_227, %mul3A_232 : vector<16xf32>
      %swap3A_234 = arith.index_cast %add3A_68 : i32 to index
      %swap3A_235 = arith.constant 144 : index
      %swap3A_236 = tpu.vector_load %arg8[%swap3A_234, %swap3A_235] {strides = array<i32>} : memref<32x768xf32, #tpu.memory_space<vmem>>, vector<1x16xf32>,
      %swap3A_237 = vector.shape_cast %swap3A_236 : vector<1x16xf32> to vector<16xf32>
      %swap3A_238 = vector.shape_cast %add3A_233 : vector<16xf32> to vector<1x16xf32>
      tpu.vector_store %arg8[%swap3A_234, %swap3A_235], %swap3A_238 {strides = array<i32>} : memref<32x768xf32, #tpu.memory_space<vmem>>, vector<1x16xf32>,
      %get3A_239 = arith.index_cast %add3A_68 : i32 to index
      %get3A_240 = arith.constant 160 : index
      %get3A_241 = tpu.vector_load %arg8[%get3A_239, %get3A_240] {strides = array<i32>} : memref<32x768xf32, #tpu.memory_space<vmem>>, vector<1x16xf32>,
      %get3A_242 = vector.shape_cast %get3A_241 : vector<1x16xf32> to vector<16xf32>
      %mul3A_243 = arith.mulf %get3A_242, %get3A_73 : vector<16xf32>
      %get3A_244 = arith.index_cast %add3A_68 : i32 to index
      %get3A_245 = arith.constant 160 : index
      %get3A_246 = tpu.vector_load %arg9[%get3A_244, %get3A_245] {strides = array<i32>} : memref<32x768xf32, #tpu.memory_space<vmem>>, vector<1x16xf32>,
      %get3A_247 = vector.shape_cast %get3A_246 : vector<1x16xf32> to vector<16xf32>
      %mul3A_248 = arith.mulf %get3A_247, %get3A_79 : vector<16xf32>
      %add3A_249 = arith.addf %mul3A_243, %mul3A_248 : vector<16xf32>
      %swap3A_250 = arith.index_cast %add3A_68 : i32 to index
      %swap3A_251 = arith.constant 160 : index
      %swap3A_252 = tpu.vector_load %arg8[%swap3A_250, %swap3A_251] {strides = array<i32>} : memref<32x768xf32, #tpu.memory_space<vmem>>, vector<1x16xf32>,
      %swap3A_253 = vector.shape_cast %swap3A_252 : vector<1x16xf32> to vector<16xf32>
      %swap3A_254 = vector.shape_cast %add3A_249 : vector<16xf32> to vector<1x16xf32>
      tpu.vector_store %arg8[%swap3A_250, %swap3A_251], %swap3A_254 {strides = array<i32>} : memref<32x768xf32, #tpu.memory_space<vmem>>, vector<1x16xf32>,
      %get3A_255 = arith.index_cast %add3A_68 : i32 to index
      %get3A_256 = arith.constant 176 : index
      %get3A_257 = tpu.vector_load %arg8[%get3A_255, %get3A_256] {strides = array<i32>} : memref<32x768xf32, #tpu.memory_space<vmem>>, vector<1x16xf32>,
      %get3A_258 = vector.shape_cast %get3A_257 : vector<1x16xf32> to vector<16xf32>
      %mul3A_259 = arith.mulf %get3A_258, %get3A_73 : vector<16xf32>
      %get3A_260 = arith.index_cast %add3A_68 : i32 to index
      %get3A_261 = arith.constant 176 : index
      %get3A_262 = tpu.vector_load %arg9[%get3A_260, %get3A_261] {strides = array<i32>} : memref<32x768xf32, #tpu.memory_space<vmem>>, vector<1x16xf32>,
      %get3A_263 = vector.shape_cast %get3A_262 : vector<1x16xf32> to vector<16xf32>
      %mul3A_264 = arith.mulf %get3A_263, %get3A_79 : vector<16xf32>
      %add3A_265 = arith.addf %mul3A_259, %mul3A_264 : vector<16xf32>
      %swap3A_266 = arith.index_cast %add3A_68 : i32 to index
      %swap3A_267 = arith.constant 176 : index
      %swap3A_268 = tpu.vector_load %arg8[%swap3A_266, %swap3A_267] {strides = array<i32>} : memref<32x768xf32, #tpu.memory_space<vmem>>, vector<1x16xf32>,
      %swap3A_269 = vector.shape_cast %swap3A_268 : vector<1x16xf32> to vector<16xf32>
      %swap3A_270 = vector.shape_cast %add3A_265 : vector<16xf32> to vector<1x16xf32>
      tpu.vector_store %arg8[%swap3A_266, %swap3A_267], %swap3A_270 {strides = array<i32>} : memref<32x768xf32, #tpu.memory_space<vmem>>, vector<1x16xf32>,
      %get3A_271 = arith.index_cast %add3A_68 : i32 to index
      %get3A_272 = arith.constant 192 : index
      %get3A_273 = tpu.vector_load %arg8[%get3A_271, %get3A_272] {strides = array<i32>} : memref<32x768xf32, #tpu.memory_space<vmem>>, vector<1x16xf32>,
      %get3A_274 = vector.shape_cast %get3A_273 : vector<1x16xf32> to vector<16xf32>
      %mul3A_275 = arith.mulf %get3A_274, %get3A_73 : vector<16xf32>
      %get3A_276 = arith.index_cast %add3A_68 : i32 to index
      %get3A_277 = arith.constant 192 : index
      %get3A_278 = tpu.vector_load %arg9[%get3A_276, %get3A_277] {strides = array<i32>} : memref<32x768xf32, #tpu.memory_space<vmem>>, vector<1x16xf32>,
      %get3A_279 = vector.shape_cast %get3A_278 : vector<1x16xf32> to vector<16xf32>
      %mul3A_280 = arith.mulf %get3A_279, %get3A_79 : vector<16xf32>
      %add3A_281 = arith.addf %mul3A_275, %mul3A_280 : vector<16xf32>
      %swap3A_282 = arith.index_cast %add3A_68 : i32 to index
      %swap3A_283 = arith.constant 192 : index
      %swap3A_284 = tpu.vector_load %arg8[%swap3A_282, %swap3A_283] {strides = array<i32>} : memref<32x768xf32, #tpu.memory_space<vmem>>, vector<1x16xf32>,
      %swap3A_285 = vector.shape_cast %swap3A_284 : vector<1x16xf32> to vector<16xf32>
      %swap3A_286 = vector.shape_cast %add3A_281 : vector<16xf32> to vector<1x16xf32>
      tpu.vector_store %arg8[%swap3A_282, %swap3A_283], %swap3A_286 {strides = array<i32>} : memref<32x768xf32, #tpu.memory_space<vmem>>, vector<1x16xf32>,
      %get3A_287 = arith.index_cast %add3A_68 : i32 to index
      %get3A_288 = arith.constant 208 : index
      %get3A_289 = tpu.vector_load %arg8[%get3A_287, %get3A_288] {strides = array<i32>} : memref<32x768xf32, #tpu.memory_space<vmem>>, vector<1x16xf32>,
      %get3A_290 = vector.shape_cast %get3A_289 : vector<1x16xf32> to vector<16xf32>
      %mul3A_291 = arith.mulf %get3A_290, %get3A_73 : vector<16xf32>
      %get3A_292 = arith.index_cast %add3A_68 : i32 to index
      %get3A_293 = arith.constant 208 : index
      %get3A_294 = tpu.vector_load %arg9[%get3A_292, %get3A_293] {strides = array<i32>} : memref<32x768xf32, #tpu.memory_space<vmem>>, vector<1x16xf32>,
      %get3A_295 = vector.shape_cast %get3A_294 : vector<1x16xf32> to vector<16xf32>
      %mul3A_296 = arith.mulf %get3A_295, %get3A_79 : vector<16xf32>
      %add3A_297 = arith.addf %mul3A_291, %mul3A_296 : vector<16xf32>
      %swap3A_298 = arith.index_cast %add3A_68 : i32 to index
      %swap3A_299 = arith.constant 208 : index
      %swap3A_300 = tpu.vector_load %arg8[%swap3A_298, %swap3A_299] {strides = array<i32>} : memref<32x768xf32, #tpu.memory_space<vmem>>, vector<1x16xf32>,
      %swap3A_301 = vector.shape_cast %swap3A_300 : vector<1x16xf32> to vector<16xf32>
      %swap3A_302 = vector.shape_cast %add3A_297 : vector<16xf32> to vector<1x16xf32>
      tpu.vector_store %arg8[%swap3A_298, %swap3A_299], %swap3A_302 {strides = array<i32>} : memref<32x768xf32, #tpu.memory_space<vmem>>, vector<1x16xf32>,
      %get3A_303 = arith.index_cast %add3A_68 : i32 to index
      %get3A_304 = arith.constant 224 : index
      %get3A_305 = tpu.vector_load %arg8[%get3A_303, %get3A_304] {strides = array<i32>} : memref<32x768xf32, #tpu.memory_space<vmem>>, vector<1x16xf32>,
      %get3A_306 = vector.shape_cast %get3A_305 : vector<1x16xf32> to vector<16xf32>
      %mul3A_307 = arith.mulf %get3A_306, %get3A_73 : vector<16xf32>
      %get3A_308 = arith.index_cast %add3A_68 : i32 to index
      %get3A_309 = arith.constant 224 : index
      %get3A_310 = tpu.vector_load %arg9[%get3A_308, %get3A_309] {strides = array<i32>} : memref<32x768xf32, #tpu.memory_space<vmem>>, vector<1x16xf32>,
      %get3A_311 = vector.shape_cast %get3A_310 : vector<1x16xf32> to vector<16xf32>
      %mul3A_312 = arith.mulf %get3A_311, %get3A_79 : vector<16xf32>
      %add3A_313 = arith.addf %mul3A_307, %mul3A_312 : vector<16xf32>
      %swap3A_314 = arith.index_cast %add3A_68 : i32 to index
      %swap3A_315 = arith.constant 224 : index
      %swap3A_316 = tpu.vector_load %arg8[%swap3A_314, %swap3A_315] {strides = array<i32>} : memref<32x768xf32, #tpu.memory_space<vmem>>, vector<1x16xf32>,
      %swap3A_317 = vector.shape_cast %swap3A_316 : vector<1x16xf32> to vector<16xf32>
      %swap3A_318 = vector.shape_cast %add3A_313 : vector<16xf32> to vector<1x16xf32>
      tpu.vector_store %arg8[%swap3A_314, %swap3A_315], %swap3A_318 {strides = array<i32>} : memref<32x768xf32, #tpu.memory_space<vmem>>, vector<1x16xf32>,
      %get3A_319 = arith.index_cast %add3A_68 : i32 to index
      %get3A_320 = arith.constant 240 : index
      %get3A_321 = tpu.vector_load %arg8[%get3A_319, %get3A_320] {strides = array<i32>} : memref<32x768xf32, #tpu.memory_space<vmem>>, vector<1x16xf32>,
      %get3A_322 = vector.shape_cast %get3A_321 : vector<1x16xf32> to vector<16xf32>
      %mul3A_323 = arith.mulf %get3A_322, %get3A_73 : vector<16xf32>
      %get3A_324 = arith.index_cast %add3A_68 : i32 to index
      %get3A_325 = arith.constant 240 : index
      %get3A_326 = tpu.vector_load %arg9[%get3A_324, %get3A_325] {strides = array<i32>} : memref<32x768xf32, #tpu.memory_space<vmem>>, vector<1x16xf32>,
      %get3A_327 = vector.shape_cast %get3A_326 : vector<1x16xf32> to vector<16xf32>
      %mul3A_328 = arith.mulf %get3A_327, %get3A_79 : vector<16xf32>
      %add3A_329 = arith.addf %mul3A_323, %mul3A_328 : vector<16xf32>
      %swap3A_330 = arith.index_cast %add3A_68 : i32 to index
      %swap3A_331 = arith.constant 240 : index
      %swap3A_332 = tpu.vector_load %arg8[%swap3A_330, %swap3A_331] {strides = array<i32>} : memref<32x768xf32, #tpu.memory_space<vmem>>, vector<1x16xf32>,
      %swap3A_333 = vector.shape_cast %swap3A_332 : vector<1x16xf32> to vector<16xf32>
      %swap3A_334 = vector.shape_cast %add3A_329 : vector<16xf32> to vector<1x16xf32>
      tpu.vector_store %arg8[%swap3A_330, %swap3A_331], %swap3A_334 {strides = array<i32>} : memref<32x768xf32, #tpu.memory_space<vmem>>, vector<1x16xf32>,
      %get3A_335 = arith.index_cast %add3A_68 : i32 to index
      %get3A_336 = arith.constant 256 : index
      %get3A_337 = tpu.vector_load %arg8[%get3A_335, %get3A_336] {strides = array<i32>} : memref<32x768xf32, #tpu.memory_space<vmem>>, vector<1x16xf32>,
      %get3A_338 = vector.shape_cast %get3A_337 : vector<1x16xf32> to vector<16xf32>
      %mul3A_339 = arith.mulf %get3A_338, %get3A_73 : vector<16xf32>
      %get3A_340 = arith.index_cast %add3A_68 : i32 to index
      %get3A_341 = arith.constant 256 : index
      %get3A_342 = tpu.vector_load %arg9[%get3A_340, %get3A_341] {strides = array<i32>} : memref<32x768xf32, #tpu.memory_space<vmem>>, vector<1x16xf32>,
      %get3A_343 = vector.shape_cast %get3A_342 : vector<1x16xf32> to vector<16xf32>
      %mul3A_344 = arith.mulf %get3A_343, %get3A_79 : vector<16xf32>
      %add3A_345 = arith.addf %mul3A_339, %mul3A_344 : vector<16xf32>
      %swap3A_346 = arith.index_cast %add3A_68 : i32 to index
      %swap3A_347 = arith.constant 256 : index
      %swap3A_348 = tpu.vector_load %arg8[%swap3A_346, %swap3A_347] {strides = array<i32>} : memref<32x768xf32, #tpu.memory_space<vmem>>, vector<1x16xf32>,
      %swap3A_349 = vector.shape_cast %swap3A_348 : vector<1x16xf32> to vector<16xf32>
      %swap3A_350 = vector.shape_cast %add3A_345 : vector<16xf32> to vector<1x16xf32>
      tpu.vector_store %arg8[%swap3A_346, %swap3A_347], %swap3A_350 {strides = array<i32>} : memref<32x768xf32, #tpu.memory_space<vmem>>, vector<1x16xf32>,
      %get3A_351 = arith.index_cast %add3A_68 : i32 to index
      %get3A_352 = arith.constant 272 : index
      %get3A_353 = tpu.vector_load %arg8[%get3A_351, %get3A_352] {strides = array<i32>} : memref<32x768xf32, #tpu.memory_space<vmem>>, vector<1x16xf32>,
      %get3A_354 = vector.shape_cast %get3A_353 : vector<1x16xf32> to vector<16xf32>
      %mul3A_355 = arith.mulf %get3A_354, %get3A_73 : vector<16xf32>
      %get3A_356 = arith.index_cast %add3A_68 : i32 to index
      %get3A_357 = arith.constant 272 : index
      %get3A_358 = tpu.vector_load %arg9[%get3A_356, %get3A_357] {strides = array<i32>} : memref<32x768xf32, #tpu.memory_space<vmem>>, vector<1x16xf32>,
      %get3A_359 = vector.shape_cast %get3A_358 : vector<1x16xf32> to vector<16xf32>
      %mul3A_360 = arith.mulf %get3A_359, %get3A_79 : vector<16xf32>
      %add3A_361 = arith.addf %mul3A_355, %mul3A_360 : vector<16xf32>
      %swap3A_362 = arith.index_cast %add3A_68 : i32 to index
      %swap3A_363 = arith.constant 272 : index
      %swap3A_364 = tpu.vector_load %arg8[%swap3A_362, %swap3A_363] {strides = array<i32>} : memref<32x768xf32, #tpu.memory_space<vmem>>, vector<1x16xf32>,
      %swap3A_365 = vector.shape_cast %swap3A_364 : vector<1x16xf32> to vector<16xf32>
      %swap3A_366 = vector.shape_cast %add3A_361 : vector<16xf32> to vector<1x16xf32>
      tpu.vector_store %arg8[%swap3A_362, %swap3A_363], %swap3A_366 {strides = array<i32>} : memref<32x768xf32, #tpu.memory_space<vmem>>, vector<1x16xf32>,
      %get3A_367 = arith.index_cast %add3A_68 : i32 to index
      %get3A_368 = arith.constant 288 : index
      %get3A_369 = tpu.vector_load %arg8[%get3A_367, %get3A_368] {strides = array<i32>} : memref<32x768xf32, #tpu.memory_space<vmem>>, vector<1x16xf32>,
      %get3A_370 = vector.shape_cast %get3A_369 : vector<1x16xf32> to vector<16xf32>
      %mul3A_371 = arith.mulf %get3A_370, %get3A_73 : vector<16xf32>
      %get3A_372 = arith.index_cast %add3A_68 : i32 to index
      %get3A_373 = arith.constant 288 : index
      %get3A_374 = tpu.vector_load %arg9[%get3A_372, %get3A_373] {strides = array<i32>} : memref<32x768xf32, #tpu.memory_space<vmem>>, vector<1x16xf32>,
      %get3A_375 = vector.shape_cast %get3A_374 : vector<1x16xf32> to vector<16xf32>
      %mul3A_376 = arith.mulf %get3A_375, %get3A_79 : vector<16xf32>
      %add3A_377 = arith.addf %mul3A_371, %mul3A_376 : vector<16xf32>
      %swap3A_378 = arith.index_cast %add3A_68 : i32 to index
      %swap3A_379 = arith.constant 288 : index
      %swap3A_380 = tpu.vector_load %arg8[%swap3A_378, %swap3A_379] {strides = array<i32>} : memref<32x768xf32, #tpu.memory_space<vmem>>, vector<1x16xf32>,
      %swap3A_381 = vector.shape_cast %swap3A_380 : vector<1x16xf32> to vector<16xf32>
      %swap3A_382 = vector.shape_cast %add3A_377 : vector<16xf32> to vector<1x16xf32>
      tpu.vector_store %arg8[%swap3A_378, %swap3A_379], %swap3A_382 {strides = array<i32>} : memref<32x768xf32, #tpu.memory_space<vmem>>, vector<1x16xf32>,
      %get3A_383 = arith.index_cast %add3A_68 : i32 to index
      %get3A_384 = arith.constant 304 : index
      %get3A_385 = tpu.vector_load %arg8[%get3A_383, %get3A_384] {strides = array<i32>} : memref<32x768xf32, #tpu.memory_space<vmem>>, vector<1x16xf32>,
      %get3A_386 = vector.shape_cast %get3A_385 : vector<1x16xf32> to vector<16xf32>
      %mul3A_387 = arith.mulf %get3A_386, %get3A_73 : vector<16xf32>
      %get3A_388 = arith.index_cast %add3A_68 : i32 to index
      %get3A_389 = arith.constant 304 : index
      %get3A_390 = tpu.vector_load %arg9[%get3A_388, %get3A_389] {strides = array<i32>} : memref<32x768xf32, #tpu.memory_space<vmem>>, vector<1x16xf32>,
      %get3A_391 = vector.shape_cast %get3A_390 : vector<1x16xf32> to vector<16xf32>
      %mul3A_392 = arith.mulf %get3A_391, %get3A_79 : vector<16xf32>
      %add3A_393 = arith.addf %mul3A_387, %mul3A_392 : vector<16xf32>
      %swap3A_394 = arith.index_cast %add3A_68 : i32 to index
      %swap3A_395 = arith.constant 304 : index
      %swap3A_396 = tpu.vector_load %arg8[%swap3A_394, %swap3A_395] {strides = array<i32>} : memref<32x768xf32, #tpu.memory_space<vmem>>, vector<1x16xf32>,
      %swap3A_397 = vector.shape_cast %swap3A_396 : vector<1x16xf32> to vector<16xf32>
      %swap3A_398 = vector.shape_cast %add3A_393 : vector<16xf32> to vector<1x16xf32>
      tpu.vector_store %arg8[%swap3A_394, %swap3A_395], %swap3A_398 {strides = array<i32>} : memref<32x768xf32, #tpu.memory_space<vmem>>, vector<1x16xf32>,
      %get3A_399 = arith.index_cast %add3A_68 : i32 to index
      %get3A_400 = arith.constant 320 : index
      %get3A_401 = tpu.vector_load %arg8[%get3A_399, %get3A_400] {strides = array<i32>} : memref<32x768xf32, #tpu.memory_space<vmem>>, vector<1x16xf32>,
      %get3A_402 = vector.shape_cast %get3A_401 : vector<1x16xf32> to vector<16xf32>
      %mul3A_403 = arith.mulf %get3A_402, %get3A_73 : vector<16xf32>
      %get3A_404 = arith.index_cast %add3A_68 : i32 to index
      %get3A_405 = arith.constant 320 : index
      %get3A_406 = tpu.vector_load %arg9[%get3A_404, %get3A_405] {strides = array<i32>} : memref<32x768xf32, #tpu.memory_space<vmem>>, vector<1x16xf32>,
      %get3A_407 = vector.shape_cast %get3A_406 : vector<1x16xf32> to vector<16xf32>
      %mul3A_408 = arith.mulf %get3A_407, %get3A_79 : vector<16xf32>
      %add3A_409 = arith.addf %mul3A_403, %mul3A_408 : vector<16xf32>
      %swap3A_410 = arith.index_cast %add3A_68 : i32 to index
      %swap3A_411 = arith.constant 320 : index
      %swap3A_412 = tpu.vector_load %arg8[%swap3A_410, %swap3A_411] {strides = array<i32>} : memref<32x768xf32, #tpu.memory_space<vmem>>, vector<1x16xf32>,
      %swap3A_413 = vector.shape_cast %swap3A_412 : vector<1x16xf32> to vector<16xf32>
      %swap3A_414 = vector.shape_cast %add3A_409 : vector<16xf32> to vector<1x16xf32>
      tpu.vector_store %arg8[%swap3A_410, %swap3A_411], %swap3A_414 {strides = array<i32>} : memref<32x768xf32, #tpu.memory_space<vmem>>, vector<1x16xf32>,
      %get3A_415 = arith.index_cast %add3A_68 : i32 to index
      %get3A_416 = arith.constant 336 : index
      %get3A_417 = tpu.vector_load %arg8[%get3A_415, %get3A_416] {strides = array<i32>} : memref<32x768xf32, #tpu.memory_space<vmem>>, vector<1x16xf32>,
      %get3A_418 = vector.shape_cast %get3A_417 : vector<1x16xf32> to vector<16xf32>
      %mul3A_419 = arith.mulf %get3A_418, %get3A_73 : vector<16xf32>
      %get3A_420 = arith.index_cast %add3A_68 : i32 to index
      %get3A_421 = arith.constant 336 : index
      %get3A_422 = tpu.vector_load %arg9[%get3A_420, %get3A_421] {strides = array<i32>} : memref<32x768xf32, #tpu.memory_space<vmem>>, vector<1x16xf32>,
      %get3A_423 = vector.shape_cast %get3A_422 : vector<1x16xf32> to vector<16xf32>
      %mul3A_424 = arith.mulf %get3A_423, %get3A_79 : vector<16xf32>
      %add3A_425 = arith.addf %mul3A_419, %mul3A_424 : vector<16xf32>
      %swap3A_426 = arith.index_cast %add3A_68 : i32 to index
      %swap3A_427 = arith.constant 336 : index
      %swap3A_428 = tpu.vector_load %arg8[%swap3A_426, %swap3A_427] {strides = array<i32>} : memref<32x768xf32, #tpu.memory_space<vmem>>, vector<1x16xf32>,
      %swap3A_429 = vector.shape_cast %swap3A_428 : vector<1x16xf32> to vector<16xf32>
      %swap3A_430 = vector.shape_cast %add3A_425 : vector<16xf32> to vector<1x16xf32>
      tpu.vector_store %arg8[%swap3A_426, %swap3A_427], %swap3A_430 {strides = array<i32>} : memref<32x768xf32, #tpu.memory_space<vmem>>, vector<1x16xf32>,
      %get3A_431 = arith.index_cast %add3A_68 : i32 to index
      %get3A_432 = arith.constant 352 : index
      %get3A_433 = tpu.vector_load %arg8[%get3A_431, %get3A_432] {strides = array<i32>} : memref<32x768xf32, #tpu.memory_space<vmem>>, vector<1x16xf32>,
      %get3A_434 = vector.shape_cast %get3A_433 : vector<1x16xf32> to vector<16xf32>
      %mul3A_435 = arith.mulf %get3A_434, %get3A_73 : vector<16xf32>
      %get3A_436 = arith.index_cast %add3A_68 : i32 to index
      %get3A_437 = arith.constant 352 : index
      %get3A_438 = tpu.vector_load %arg9[%get3A_436, %get3A_437] {strides = array<i32>} : memref<32x768xf32, #tpu.memory_space<vmem>>, vector<1x16xf32>,
      %get3A_439 = vector.shape_cast %get3A_438 : vector<1x16xf32> to vector<16xf32>
      %mul3A_440 = arith.mulf %get3A_439, %get3A_79 : vector<16xf32>
      %add3A_441 = arith.addf %mul3A_435, %mul3A_440 : vector<16xf32>
      %swap3A_442 = arith.index_cast %add3A_68 : i32 to index
      %swap3A_443 = arith.constant 352 : index
      %swap3A_444 = tpu.vector_load %arg8[%swap3A_442, %swap3A_443] {strides = array<i32>} : memref<32x768xf32, #tpu.memory_space<vmem>>, vector<1x16xf32>,
      %swap3A_445 = vector.shape_cast %swap3A_444 : vector<1x16xf32> to vector<16xf32>
      %swap3A_446 = vector.shape_cast %add3A_441 : vector<16xf32> to vector<1x16xf32>
      tpu.vector_store %arg8[%swap3A_442, %swap3A_443], %swap3A_446 {strides = array<i32>} : memref<32x768xf32, #tpu.memory_space<vmem>>, vector<1x16xf32>,
      %get3A_447 = arith.index_cast %add3A_68 : i32 to index
      %get3A_448 = arith.constant 368 : index
      %get3A_449 = tpu.vector_load %arg8[%get3A_447, %get3A_448] {strides = array<i32>} : memref<32x768xf32, #tpu.memory_space<vmem>>, vector<1x16xf32>,
      %get3A_450 = vector.shape_cast %get3A_449 : vector<1x16xf32> to vector<16xf32>
      %mul3A_451 = arith.mulf %get3A_450, %get3A_73 : vector<16xf32>
      %get3A_452 = arith.index_cast %add3A_68 : i32 to index
      %get3A_453 = arith.constant 368 : index
      %get3A_454 = tpu.vector_load %arg9[%get3A_452, %get3A_453] {strides = array<i32>} : memref<32x768xf32, #tpu.memory_space<vmem>>, vector<1x16xf32>,
      %get3A_455 = vector.shape_cast %get3A_454 : vector<1x16xf32> to vector<16xf32>
      %mul3A_456 = arith.mulf %get3A_455, %get3A_79 : vector<16xf32>
      %add3A_457 = arith.addf %mul3A_451, %mul3A_456 : vector<16xf32>
      %swap3A_458 = arith.index_cast %add3A_68 : i32 to index
      %swap3A_459 = arith.constant 368 : index
      %swap3A_460 = tpu.vector_load %arg8[%swap3A_458, %swap3A_459] {strides = array<i32>} : memref<32x768xf32, #tpu.memory_space<vmem>>, vector<1x16xf32>,
      %swap3A_461 = vector.shape_cast %swap3A_460 : vector<1x16xf32> to vector<16xf32>
      %swap3A_462 = vector.shape_cast %add3A_457 : vector<16xf32> to vector<1x16xf32>
      tpu.vector_store %arg8[%swap3A_458, %swap3A_459], %swap3A_462 {strides = array<i32>} : memref<32x768xf32, #tpu.memory_space<vmem>>, vector<1x16xf32>,
      %get3A_463 = arith.index_cast %add3A_68 : i32 to index
      %get3A_464 = arith.constant 384 : index
      %get3A_465 = tpu.vector_load %arg8[%get3A_463, %get3A_464] {strides = array<i32>} : memref<32x768xf32, #tpu.memory_space<vmem>>, vector<1x16xf32>,
      %get3A_466 = vector.shape_cast %get3A_465 : vector<1x16xf32> to vector<16xf32>
      %mul3A_467 = arith.mulf %get3A_466, %get3A_73 : vector<16xf32>
      %get3A_468 = arith.index_cast %add3A_68 : i32 to index
      %get3A_469 = arith.constant 384 : index
      %get3A_470 = tpu.vector_load %arg9[%get3A_468, %get3A_469] {strides = array<i32>} : memref<32x768xf32, #tpu.memory_space<vmem>>, vector<1x16xf32>,
      %get3A_471 = vector.shape_cast %get3A_470 : vector<1x16xf32> to vector<16xf32>
      %mul3A_472 = arith.mulf %get3A_471, %get3A_79 : vector<16xf32>
      %add3A_473 = arith.addf %mul3A_467, %mul3A_472 : vector<16xf32>
      %swap3A_474 = arith.index_cast %add3A_68 : i32 to index
      %swap3A_475 = arith.constant 384 : index
      %swap3A_476 = tpu.vector_load %arg8[%swap3A_474, %swap3A_475] {strides = array<i32>} : memref<32x768xf32, #tpu.memory_space<vmem>>, vector<1x16xf32>,
      %swap3A_477 = vector.shape_cast %swap3A_476 : vector<1x16xf32> to vector<16xf32>
      %swap3A_478 = vector.shape_cast %add3A_473 : vector<16xf32> to vector<1x16xf32>
      tpu.vector_store %arg8[%swap3A_474, %swap3A_475], %swap3A_478 {strides = array<i32>} : memref<32x768xf32, #tpu.memory_space<vmem>>, vector<1x16xf32>,
      %get3A_479 = arith.index_cast %add3A_68 : i32 to index
      %get3A_480 = arith.constant 400 : index
      %get3A_481 = tpu.vector_load %arg8[%get3A_479, %get3A_480] {strides = array<i32>} : memref<32x768xf32, #tpu.memory_space<vmem>>, vector<1x16xf32>,
      %get3A_482 = vector.shape_cast %get3A_481 : vector<1x16xf32> to vector<16xf32>
      %mul3A_483 = arith.mulf %get3A_482, %get3A_73 : vector<16xf32>
      %get3A_484 = arith.index_cast %add3A_68 : i32 to index
      %get3A_485 = arith.constant 400 : index
      %get3A_486 = tpu.vector_load %arg9[%get3A_484, %get3A_485] {strides = array<i32>} : memref<32x768xf32, #tpu.memory_space<vmem>>, vector<1x16xf32>,
      %get3A_487 = vector.shape_cast %get3A_486 : vector<1x16xf32> to vector<16xf32>
      %mul3A_488 = arith.mulf %get3A_487, %get3A_79 : vector<16xf32>
      %add3A_489 = arith.addf %mul3A_483, %mul3A_488 : vector<16xf32>
      %swap3A_490 = arith.index_cast %add3A_68 : i32 to index
      %swap3A_491 = arith.constant 400 : index
      %swap3A_492 = tpu.vector_load %arg8[%swap3A_490, %swap3A_491] {strides = array<i32>} : memref<32x768xf32, #tpu.memory_space<vmem>>, vector<1x16xf32>,
      %swap3A_493 = vector.shape_cast %swap3A_492 : vector<1x16xf32> to vector<16xf32>
      %swap3A_494 = vector.shape_cast %add3A_489 : vector<16xf32> to vector<1x16xf32>
      tpu.vector_store %arg8[%swap3A_490, %swap3A_491], %swap3A_494 {strides = array<i32>} : memref<32x768xf32, #tpu.memory_space<vmem>>, vector<1x16xf32>,
      %get3A_495 = arith.index_cast %add3A_68 : i32 to index
      %get3A_496 = arith.constant 416 : index
      %get3A_497 = tpu.vector_load %arg8[%get3A_495, %get3A_496] {strides = array<i32>} : memref<32x768xf32, #tpu.memory_space<vmem>>, vector<1x16xf32>,
      %get3A_498 = vector.shape_cast %get3A_497 : vector<1x16xf32> to vector<16xf32>
      %mul3A_499 = arith.mulf %get3A_498, %get3A_73 : vector<16xf32>
      %get3A_500 = arith.index_cast %add3A_68 : i32 to index
      %get3A_501 = arith.constant 416 : index
      %get3A_502 = tpu.vector_load %arg9[%get3A_500, %get3A_501] {strides = array<i32>} : memref<32x768xf32, #tpu.memory_space<vmem>>, vector<1x16xf32>,
      %get3A_503 = vector.shape_cast %get3A_502 : vector<1x16xf32> to vector<16xf32>
      %mul3A_504 = arith.mulf %get3A_503, %get3A_79 : vector<16xf32>
      %add3A_505 = arith.addf %mul3A_499, %mul3A_504 : vector<16xf32>
      %swap3A_506 = arith.index_cast %add3A_68 : i32 to index
      %swap3A_507 = arith.constant 416 : index
      %swap3A_508 = tpu.vector_load %arg8[%swap3A_506, %swap3A_507] {strides = array<i32>} : memref<32x768xf32, #tpu.memory_space<vmem>>, vector<1x16xf32>,
      %swap3A_509 = vector.shape_cast %swap3A_508 : vector<1x16xf32> to vector<16xf32>
      %swap3A_510 = vector.shape_cast %add3A_505 : vector<16xf32> to vector<1x16xf32>
      tpu.vector_store %arg8[%swap3A_506, %swap3A_507], %swap3A_510 {strides = array<i32>} : memref<32x768xf32, #tpu.memory_space<vmem>>, vector<1x16xf32>,
      %get3A_511 = arith.index_cast %add3A_68 : i32 to index
      %get3A_512 = arith.constant 432 : index
      %get3A_513 = tpu.vector_load %arg8[%get3A_511, %get3A_512] {strides = array<i32>} : memref<32x768xf32, #tpu.memory_space<vmem>>, vector<1x16xf32>,
      %get3A_514 = vector.shape_cast %get3A_513 : vector<1x16xf32> to vector<16xf32>
      %mul3A_515 = arith.mulf %get3A_514, %get3A_73 : vector<16xf32>
      %get3A_516 = arith.index_cast %add3A_68 : i32 to index
      %get3A_517 = arith.constant 432 : index
      %get3A_518 = tpu.vector_load %arg9[%get3A_516, %get3A_517] {strides = array<i32>} : memref<32x768xf32, #tpu.memory_space<vmem>>, vector<1x16xf32>,
      %get3A_519 = vector.shape_cast %get3A_518 : vector<1x16xf32> to vector<16xf32>
      %mul3A_520 = arith.mulf %get3A_519, %get3A_79 : vector<16xf32>
      %add3A_521 = arith.addf %mul3A_515, %mul3A_520 : vector<16xf32>
      %swap3A_522 = arith.index_cast %add3A_68 : i32 to index
      %swap3A_523 = arith.constant 432 : index
      %swap3A_524 = tpu.vector_load %arg8[%swap3A_522, %swap3A_523] {strides = array<i32>} : memref<32x768xf32, #tpu.memory_space<vmem>>, vector<1x16xf32>,
      %swap3A_525 = vector.shape_cast %swap3A_524 : vector<1x16xf32> to vector<16xf32>
      %swap3A_526 = vector.shape_cast %add3A_521 : vector<16xf32> to vector<1x16xf32>
      tpu.vector_store %arg8[%swap3A_522, %swap3A_523], %swap3A_526 {strides = array<i32>} : memref<32x768xf32, #tpu.memory_space<vmem>>, vector<1x16xf32>,
      %get3A_527 = arith.index_cast %add3A_68 : i32 to index
      %get3A_528 = arith.constant 448 : index
      %get3A_529 = tpu.vector_load %arg8[%get3A_527, %get3A_528] {strides = array<i32>} : memref<32x768xf32, #tpu.memory_space<vmem>>, vector<1x16xf32>,
      %get3A_530 = vector.shape_cast %get3A_529 : vector<1x16xf32> to vector<16xf32>
      %mul3A_531 = arith.mulf %get3A_530, %get3A_73 : vector<16xf32>
      %get3A_532 = arith.index_cast %add3A_68 : i32 to index
      %get3A_533 = arith.constant 448 : index
      %get3A_534 = tpu.vector_load %arg9[%get3A_532, %get3A_533] {strides = array<i32>} : memref<32x768xf32, #tpu.memory_space<vmem>>, vector<1x16xf32>,
      %get3A_535 = vector.shape_cast %get3A_534 : vector<1x16xf32> to vector<16xf32>
      %mul3A_536 = arith.mulf %get3A_535, %get3A_79 : vector<16xf32>
      %add3A_537 = arith.addf %mul3A_531, %mul3A_536 : vector<16xf32>
      %swap3A_538 = arith.index_cast %add3A_68 : i32 to index
      %swap3A_539 = arith.constant 448 : index
      %swap3A_540 = tpu.vector_load %arg8[%swap3A_538, %swap3A_539] {strides = array<i32>} : memref<32x768xf32, #tpu.memory_space<vmem>>, vector<1x16xf32>,
      %swap3A_541 = vector.shape_cast %swap3A_540 : vector<1x16xf32> to vector<16xf32>
      %swap3A_542 = vector.shape_cast %add3A_537 : vector<16xf32> to vector<1x16xf32>
      tpu.vector_store %arg8[%swap3A_538, %swap3A_539], %swap3A_542 {strides = array<i32>} : memref<32x768xf32, #tpu.memory_space<vmem>>, vector<1x16xf32>,
      %get3A_543 = arith.index_cast %add3A_68 : i32 to index
      %get3A_544 = arith.constant 464 : index
      %get3A_545 = tpu.vector_load %arg8[%get3A_543, %get3A_544] {strides = array<i32>} : memref<32x768xf32, #tpu.memory_space<vmem>>, vector<1x16xf32>,
      %get3A_546 = vector.shape_cast %get3A_545 : vector<1x16xf32> to vector<16xf32>
      %mul3A_547 = arith.mulf %get3A_546, %get3A_73 : vector<16xf32>
      %get3A_548 = arith.index_cast %add3A_68 : i32 to index
      %get3A_549 = arith.constant 464 : index
      %get3A_550 = tpu.vector_load %arg9[%get3A_548, %get3A_549] {strides = array<i32>} : memref<32x768xf32, #tpu.memory_space<vmem>>, vector<1x16xf32>,
      %get3A_551 = vector.shape_cast %get3A_550 : vector<1x16xf32> to vector<16xf32>
      %mul3A_552 = arith.mulf %get3A_551, %get3A_79 : vector<16xf32>
      %add3A_553 = arith.addf %mul3A_547, %mul3A_552 : vector<16xf32>
      %swap3A_554 = arith.index_cast %add3A_68 : i32 to index
      %swap3A_555 = arith.constant 464 : index
      %swap3A_556 = tpu.vector_load %arg8[%swap3A_554, %swap3A_555] {strides = array<i32>} : memref<32x768xf32, #tpu.memory_space<vmem>>, vector<1x16xf32>,
      %swap3A_557 = vector.shape_cast %swap3A_556 : vector<1x16xf32> to vector<16xf32>
      %swap3A_558 = vector.shape_cast %add3A_553 : vector<16xf32> to vector<1x16xf32>
      tpu.vector_store %arg8[%swap3A_554, %swap3A_555], %swap3A_558 {strides = array<i32>} : memref<32x768xf32, #tpu.memory_space<vmem>>, vector<1x16xf32>,
      %get3A_559 = arith.index_cast %add3A_68 : i32 to index
      %get3A_560 = arith.constant 480 : index
      %get3A_561 = tpu.vector_load %arg8[%get3A_559, %get3A_560] {strides = array<i32>} : memref<32x768xf32, #tpu.memory_space<vmem>>, vector<1x16xf32>,
      %get3A_562 = vector.shape_cast %get3A_561 : vector<1x16xf32> to vector<16xf32>
      %mul3A_563 = arith.mulf %get3A_562, %get3A_73 : vector<16xf32>
      %get3A_564 = arith.index_cast %add3A_68 : i32 to index
      %get3A_565 = arith.constant 480 : index
      %get3A_566 = tpu.vector_load %arg9[%get3A_564, %get3A_565] {strides = array<i32>} : memref<32x768xf32, #tpu.memory_space<vmem>>, vector<1x16xf32>,
      %get3A_567 = vector.shape_cast %get3A_566 : vector<1x16xf32> to vector<16xf32>
      %mul3A_568 = arith.mulf %get3A_567, %get3A_79 : vector<16xf32>
      %add3A_569 = arith.addf %mul3A_563, %mul3A_568 : vector<16xf32>
      %swap3A_570 = arith.index_cast %add3A_68 : i32 to index
      %swap3A_571 = arith.constant 480 : index
      %swap3A_572 = tpu.vector_load %arg8[%swap3A_570, %swap3A_571] {strides = array<i32>} : memref<32x768xf32, #tpu.memory_space<vmem>>, vector<1x16xf32>,
      %swap3A_573 = vector.shape_cast %swap3A_572 : vector<1x16xf32> to vector<16xf32>
      %swap3A_574 = vector.shape_cast %add3A_569 : vector<16xf32> to vector<1x16xf32>
      tpu.vector_store %arg8[%swap3A_570, %swap3A_571], %swap3A_574 {strides = array<i32>} : memref<32x768xf32, #tpu.memory_space<vmem>>, vector<1x16xf32>,
      %get3A_575 = arith.index_cast %add3A_68 : i32 to index
      %get3A_576 = arith.constant 496 : index
      %get3A_577 = tpu.vector_load %arg8[%get3A_575, %get3A_576] {strides = array<i32>} : memref<32x768xf32, #tpu.memory_space<vmem>>, vector<1x16xf32>,
      %get3A_578 = vector.shape_cast %get3A_577 : vector<1x16xf32> to vector<16xf32>
      %mul3A_579 = arith.mulf %get3A_578, %get3A_73 : vector<16xf32>
      %get3A_580 = arith.index_cast %add3A_68 : i32 to index
      %get3A_581 = arith.constant 496 : index
      %get3A_582 = tpu.vector_load %arg9[%get3A_580, %get3A_581] {strides = array<i32>} : memref<32x768xf32, #tpu.memory_space<vmem>>, vector<1x16xf32>,
      %get3A_583 = vector.shape_cast %get3A_582 : vector<1x16xf32> to vector<16xf32>
      %mul3A_584 = arith.mulf %get3A_583, %get3A_79 : vector<16xf32>
      %add3A_585 = arith.addf %mul3A_579, %mul3A_584 : vector<16xf32>
      %swap3A_586 = arith.index_cast %add3A_68 : i32 to index
      %swap3A_587 = arith.constant 496 : index
      %swap3A_588 = tpu.vector_load %arg8[%swap3A_586, %swap3A_587] {strides = array<i32>} : memref<32x768xf32, #tpu.memory_space<vmem>>, vector<1x16xf32>,
      %swap3A_589 = vector.shape_cast %swap3A_588 : vector<1x16xf32> to vector<16xf32>
      %swap3A_590 = vector.shape_cast %add3A_585 : vector<16xf32> to vector<1x16xf32>
      tpu.vector_store %arg8[%swap3A_586, %swap3A_587], %swap3A_590 {strides = array<i32>} : memref<32x768xf32, #tpu.memory_space<vmem>>, vector<1x16xf32>,
      %get3A_591 = arith.index_cast %add3A_68 : i32 to index
      %get3A_592 = arith.constant 512 : index
      %get3A_593 = tpu.vector_load %arg8[%get3A_591, %get3A_592] {strides = array<i32>} : memref<32x768xf32, #tpu.memory_space<vmem>>, vector<1x16xf32>,
      %get3A_594 = vector.shape_cast %get3A_593 : vector<1x16xf32> to vector<16xf32>
      %mul3A_595 = arith.mulf %get3A_594, %get3A_73 : vector<16xf32>
      %get3A_596 = arith.index_cast %add3A_68 : i32 to index
      %get3A_597 = arith.constant 512 : index
      %get3A_598 = tpu.vector_load %arg9[%get3A_596, %get3A_597] {strides = array<i32>} : memref<32x768xf32, #tpu.memory_space<vmem>>, vector<1x16xf32>,
      %get3A_599 = vector.shape_cast %get3A_598 : vector<1x16xf32> to vector<16xf32>
      %mul3A_600 = arith.mulf %get3A_599, %get3A_79 : vector<16xf32>
      %add3A_601 = arith.addf %mul3A_595, %mul3A_600 : vector<16xf32>
      %swap3A_602 = arith.index_cast %add3A_68 : i32 to index
      %swap3A_603 = arith.constant 512 : index
      %swap3A_604 = tpu.vector_load %arg8[%swap3A_602, %swap3A_603] {strides = array<i32>} : memref<32x768xf32, #tpu.memory_space<vmem>>, vector<1x16xf32>,
      %swap3A_605 = vector.shape_cast %swap3A_604 : vector<1x16xf32> to vector<16xf32>
      %swap3A_606 = vector.shape_cast %add3A_601 : vector<16xf32> to vector<1x16xf32>
      tpu.vector_store %arg8[%swap3A_602, %swap3A_603], %swap3A_606 {strides = array<i32>} : memref<32x768xf32, #tpu.memory_space<vmem>>, vector<1x16xf32>,
      %get3A_607 = arith.index_cast %add3A_68 : i32 to index
      %get3A_608 = arith.constant 528 : index
      %get3A_609 = tpu.vector_load %arg8[%get3A_607, %get3A_608] {strides = array<i32>} : memref<32x768xf32, #tpu.memory_space<vmem>>, vector<1x16xf32>,
      %get3A_610 = vector.shape_cast %get3A_609 : vector<1x16xf32> to vector<16xf32>
      %mul3A_611 = arith.mulf %get3A_610, %get3A_73 : vector<16xf32>
      %get3A_612 = arith.index_cast %add3A_68 : i32 to index
      %get3A_613 = arith.constant 528 : index
      %get3A_614 = tpu.vector_load %arg9[%get3A_612, %get3A_613] {strides = array<i32>} : memref<32x768xf32, #tpu.memory_space<vmem>>, vector<1x16xf32>,
      %get3A_615 = vector.shape_cast %get3A_614 : vector<1x16xf32> to vector<16xf32>
      %mul3A_616 = arith.mulf %get3A_615, %get3A_79 : vector<16xf32>
      %add3A_617 = arith.addf %mul3A_611, %mul3A_616 : vector<16xf32>
      %swap3A_618 = arith.index_cast %add3A_68 : i32 to index
      %swap3A_619 = arith.constant 528 : index
      %swap3A_620 = tpu.vector_load %arg8[%swap3A_618, %swap3A_619] {strides = array<i32>} : memref<32x768xf32, #tpu.memory_space<vmem>>, vector<1x16xf32>,
      %swap3A_621 = vector.shape_cast %swap3A_620 : vector<1x16xf32> to vector<16xf32>
      %swap3A_622 = vector.shape_cast %add3A_617 : vector<16xf32> to vector<1x16xf32>
      tpu.vector_store %arg8[%swap3A_618, %swap3A_619], %swap3A_622 {strides = array<i32>} : memref<32x768xf32, #tpu.memory_space<vmem>>, vector<1x16xf32>,
      %get3A_623 = arith.index_cast %add3A_68 : i32 to index
      %get3A_624 = arith.constant 544 : index
      %get3A_625 = tpu.vector_load %arg8[%get3A_623, %get3A_624] {strides = array<i32>} : memref<32x768xf32, #tpu.memory_space<vmem>>, vector<1x16xf32>,
      %get3A_626 = vector.shape_cast %get3A_625 : vector<1x16xf32> to vector<16xf32>
      %mul3A_627 = arith.mulf %get3A_626, %get3A_73 : vector<16xf32>
      %get3A_628 = arith.index_cast %add3A_68 : i32 to index
      %get3A_629 = arith.constant 544 : index
      %get3A_630 = tpu.vector_load %arg9[%get3A_628, %get3A_629] {strides = array<i32>} : memref<32x768xf32, #tpu.memory_space<vmem>>, vector<1x16xf32>,
      %get3A_631 = vector.shape_cast %get3A_630 : vector<1x16xf32> to vector<16xf32>
      %mul3A_632 = arith.mulf %get3A_631, %get3A_79 : vector<16xf32>
      %add3A_633 = arith.addf %mul3A_627, %mul3A_632 : vector<16xf32>
      %swap3A_634 = arith.index_cast %add3A_68 : i32 to index
      %swap3A_635 = arith.constant 544 : index
      %swap3A_636 = tpu.vector_load %arg8[%swap3A_634, %swap3A_635] {strides = array<i32>} : memref<32x768xf32, #tpu.memory_space<vmem>>, vector<1x16xf32>,
      %swap3A_637 = vector.shape_cast %swap3A_636 : vector<1x16xf32> to vector<16xf32>
      %swap3A_638 = vector.shape_cast %add3A_633 : vector<16xf32> to vector<1x16xf32>
      tpu.vector_store %arg8[%swap3A_634, %swap3A_635], %swap3A_638 {strides = array<i32>} : memref<32x768xf32, #tpu.memory_space<vmem>>, vector<1x16xf32>,
      %get3A_639 = arith.index_cast %add3A_68 : i32 to index
      %get3A_640 = arith.constant 560 : index
      %get3A_641 = tpu.vector_load %arg8[%get3A_639, %get3A_640] {strides = array<i32>} : memref<32x768xf32, #tpu.memory_space<vmem>>, vector<1x16xf32>,
      %get3A_642 = vector.shape_cast %get3A_641 : vector<1x16xf32> to vector<16xf32>
      %mul3A_643 = arith.mulf %get3A_642, %get3A_73 : vector<16xf32>
      %get3A_644 = arith.index_cast %add3A_68 : i32 to index
      %get3A_645 = arith.constant 560 : index
      %get3A_646 = tpu.vector_load %arg9[%get3A_644, %get3A_645] {strides = array<i32>} : memref<32x768xf32, #tpu.memory_space<vmem>>, vector<1x16xf32>,
      %get3A_647 = vector.shape_cast %get3A_646 : vector<1x16xf32> to vector<16xf32>
      %mul3A_648 = arith.mulf %get3A_647, %get3A_79 : vector<16xf32>
      %add3A_649 = arith.addf %mul3A_643, %mul3A_648 : vector<16xf32>
      %swap3A_650 = arith.index_cast %add3A_68 : i32 to index
      %swap3A_651 = arith.constant 560 : index
      %swap3A_652 = tpu.vector_load %arg8[%swap3A_650, %swap3A_651] {strides = array<i32>} : memref<32x768xf32, #tpu.memory_space<vmem>>, vector<1x16xf32>,
      %swap3A_653 = vector.shape_cast %swap3A_652 : vector<1x16xf32> to vector<16xf32>
      %swap3A_654 = vector.shape_cast %add3A_649 : vector<16xf32> to vector<1x16xf32>
      tpu.vector_store %arg8[%swap3A_650, %swap3A_651], %swap3A_654 {strides = array<i32>} : memref<32x768xf32, #tpu.memory_space<vmem>>, vector<1x16xf32>,
      %get3A_655 = arith.index_cast %add3A_68 : i32 to index
      %get3A_656 = arith.constant 576 : index
      %get3A_657 = tpu.vector_load %arg8[%get3A_655, %get3A_656] {strides = array<i32>} : memref<32x768xf32, #tpu.memory_space<vmem>>, vector<1x16xf32>,
      %get3A_658 = vector.shape_cast %get3A_657 : vector<1x16xf32> to vector<16xf32>
      %mul3A_659 = arith.mulf %get3A_658, %get3A_73 : vector<16xf32>
      %get3A_660 = arith.index_cast %add3A_68 : i32 to index
      %get3A_661 = arith.constant 576 : index
      %get3A_662 = tpu.vector_load %arg9[%get3A_660, %get3A_661] {strides = array<i32>} : memref<32x768xf32, #tpu.memory_space<vmem>>, vector<1x16xf32>,
      %get3A_663 = vector.shape_cast %get3A_662 : vector<1x16xf32> to vector<16xf32>
      %mul3A_664 = arith.mulf %get3A_663, %get3A_79 : vector<16xf32>
      %add3A_665 = arith.addf %mul3A_659, %mul3A_664 : vector<16xf32>
      %swap3A_666 = arith.index_cast %add3A_68 : i32 to index
      %swap3A_667 = arith.constant 576 : index
      %swap3A_668 = tpu.vector_load %arg8[%swap3A_666, %swap3A_667] {strides = array<i32>} : memref<32x768xf32, #tpu.memory_space<vmem>>, vector<1x16xf32>,
      %swap3A_669 = vector.shape_cast %swap3A_668 : vector<1x16xf32> to vector<16xf32>
      %swap3A_670 = vector.shape_cast %add3A_665 : vector<16xf32> to vector<1x16xf32>
      tpu.vector_store %arg8[%swap3A_666, %swap3A_667], %swap3A_670 {strides = array<i32>} : memref<32x768xf32, #tpu.memory_space<vmem>>, vector<1x16xf32>,
      %get3A_671 = arith.index_cast %add3A_68 : i32 to index
      %get3A_672 = arith.constant 592 : index
      %get3A_673 = tpu.vector_load %arg8[%get3A_671, %get3A_672] {strides = array<i32>} : memref<32x768xf32, #tpu.memory_space<vmem>>, vector<1x16xf32>,
      %get3A_674 = vector.shape_cast %get3A_673 : vector<1x16xf32> to vector<16xf32>
      %mul3A_675 = arith.mulf %get3A_674, %get3A_73 : vector<16xf32>
      %get3A_676 = arith.index_cast %add3A_68 : i32 to index
      %get3A_677 = arith.constant 592 : index
      %get3A_678 = tpu.vector_load %arg9[%get3A_676, %get3A_677] {strides = array<i32>} : memref<32x768xf32, #tpu.memory_space<vmem>>, vector<1x16xf32>,
      %get3A_679 = vector.shape_cast %get3A_678 : vector<1x16xf32> to vector<16xf32>
      %mul3A_680 = arith.mulf %get3A_679, %get3A_79 : vector<16xf32>
      %add3A_681 = arith.addf %mul3A_675, %mul3A_680 : vector<16xf32>
      %swap3A_682 = arith.index_cast %add3A_68 : i32 to index
      %swap3A_683 = arith.constant 592 : index
      %swap3A_684 = tpu.vector_load %arg8[%swap3A_682, %swap3A_683] {strides = array<i32>} : memref<32x768xf32, #tpu.memory_space<vmem>>, vector<1x16xf32>,
      %swap3A_685 = vector.shape_cast %swap3A_684 : vector<1x16xf32> to vector<16xf32>
      %swap3A_686 = vector.shape_cast %add3A_681 : vector<16xf32> to vector<1x16xf32>
      tpu.vector_store %arg8[%swap3A_682, %swap3A_683], %swap3A_686 {strides = array<i32>} : memref<32x768xf32, #tpu.memory_space<vmem>>, vector<1x16xf32>,
      %get3A_687 = arith.index_cast %add3A_68 : i32 to index
      %get3A_688 = arith.constant 608 : index
      %get3A_689 = tpu.vector_load %arg8[%get3A_687, %get3A_688] {strides = array<i32>} : memref<32x768xf32, #tpu.memory_space<vmem>>, vector<1x16xf32>,
      %get3A_690 = vector.shape_cast %get3A_689 : vector<1x16xf32> to vector<16xf32>
      %mul3A_691 = arith.mulf %get3A_690, %get3A_73 : vector<16xf32>
      %get3A_692 = arith.index_cast %add3A_68 : i32 to index
      %get3A_693 = arith.constant 608 : index
      %get3A_694 = tpu.vector_load %arg9[%get3A_692, %get3A_693] {strides = array<i32>} : memref<32x768xf32, #tpu.memory_space<vmem>>, vector<1x16xf32>,
      %get3A_695 = vector.shape_cast %get3A_694 : vector<1x16xf32> to vector<16xf32>
      %mul3A_696 = arith.mulf %get3A_695, %get3A_79 : vector<16xf32>
      %add3A_697 = arith.addf %mul3A_691, %mul3A_696 : vector<16xf32>
      %swap3A_698 = arith.index_cast %add3A_68 : i32 to index
      %swap3A_699 = arith.constant 608 : index
      %swap3A_700 = tpu.vector_load %arg8[%swap3A_698, %swap3A_699] {strides = array<i32>} : memref<32x768xf32, #tpu.memory_space<vmem>>, vector<1x16xf32>,
      %swap3A_701 = vector.shape_cast %swap3A_700 : vector<1x16xf32> to vector<16xf32>
      %swap3A_702 = vector.shape_cast %add3A_697 : vector<16xf32> to vector<1x16xf32>
      tpu.vector_store %arg8[%swap3A_698, %swap3A_699], %swap3A_702 {strides = array<i32>} : memref<32x768xf32, #tpu.memory_space<vmem>>, vector<1x16xf32>,
      %get3A_703 = arith.index_cast %add3A_68 : i32 to index
      %get3A_704 = arith.constant 624 : index
      %get3A_705 = tpu.vector_load %arg8[%get3A_703, %get3A_704] {strides = array<i32>} : memref<32x768xf32, #tpu.memory_space<vmem>>, vector<1x16xf32>,
      %get3A_706 = vector.shape_cast %get3A_705 : vector<1x16xf32> to vector<16xf32>
      %mul3A_707 = arith.mulf %get3A_706, %get3A_73 : vector<16xf32>
      %get3A_708 = arith.index_cast %add3A_68 : i32 to index
      %get3A_709 = arith.constant 624 : index
      %get3A_710 = tpu.vector_load %arg9[%get3A_708, %get3A_709] {strides = array<i32>} : memref<32x768xf32, #tpu.memory_space<vmem>>, vector<1x16xf32>,
      %get3A_711 = vector.shape_cast %get3A_710 : vector<1x16xf32> to vector<16xf32>
      %mul3A_712 = arith.mulf %get3A_711, %get3A_79 : vector<16xf32>
      %add3A_713 = arith.addf %mul3A_707, %mul3A_712 : vector<16xf32>
      %swap3A_714 = arith.index_cast %add3A_68 : i32 to index
      %swap3A_715 = arith.constant 624 : index
      %swap3A_716 = tpu.vector_load %arg8[%swap3A_714, %swap3A_715] {strides = array<i32>} : memref<32x768xf32, #tpu.memory_space<vmem>>, vector<1x16xf32>,
      %swap3A_717 = vector.shape_cast %swap3A_716 : vector<1x16xf32> to vector<16xf32>
      %swap3A_718 = vector.shape_cast %add3A_713 : vector<16xf32> to vector<1x16xf32>
      tpu.vector_store %arg8[%swap3A_714, %swap3A_715], %swap3A_718 {strides = array<i32>} : memref<32x768xf32, #tpu.memory_space<vmem>>, vector<1x16xf32>,
      %get3A_719 = arith.index_cast %add3A_68 : i32 to index
      %get3A_720 = arith.constant 640 : index
      %get3A_721 = tpu.vector_load %arg8[%get3A_719, %get3A_720] {strides = array<i32>} : memref<32x768xf32, #tpu.memory_space<vmem>>, vector<1x16xf32>,
      %get3A_722 = vector.shape_cast %get3A_721 : vector<1x16xf32> to vector<16xf32>
      %mul3A_723 = arith.mulf %get3A_722, %get3A_73 : vector<16xf32>
      %get3A_724 = arith.index_cast %add3A_68 : i32 to index
      %get3A_725 = arith.constant 640 : index
      %get3A_726 = tpu.vector_load %arg9[%get3A_724, %get3A_725] {strides = array<i32>} : memref<32x768xf32, #tpu.memory_space<vmem>>, vector<1x16xf32>,
      %get3A_727 = vector.shape_cast %get3A_726 : vector<1x16xf32> to vector<16xf32>
      %mul3A_728 = arith.mulf %get3A_727, %get3A_79 : vector<16xf32>
      %add3A_729 = arith.addf %mul3A_723, %mul3A_728 : vector<16xf32>
      %swap3A_730 = arith.index_cast %add3A_68 : i32 to index
      %swap3A_731 = arith.constant 640 : index
      %swap3A_732 = tpu.vector_load %arg8[%swap3A_730, %swap3A_731] {strides = array<i32>} : memref<32x768xf32, #tpu.memory_space<vmem>>, vector<1x16xf32>,
      %swap3A_733 = vector.shape_cast %swap3A_732 : vector<1x16xf32> to vector<16xf32>
      %swap3A_734 = vector.shape_cast %add3A_729 : vector<16xf32> to vector<1x16xf32>
      tpu.vector_store %arg8[%swap3A_730, %swap3A_731], %swap3A_734 {strides = array<i32>} : memref<32x768xf32, #tpu.memory_space<vmem>>, vector<1x16xf32>,
      %get3A_735 = arith.index_cast %add3A_68 : i32 to index
      %get3A_736 = arith.constant 656 : index
      %get3A_737 = tpu.vector_load %arg8[%get3A_735, %get3A_736] {strides = array<i32>} : memref<32x768xf32, #tpu.memory_space<vmem>>, vector<1x16xf32>,
      %get3A_738 = vector.shape_cast %get3A_737 : vector<1x16xf32> to vector<16xf32>
      %mul3A_739 = arith.mulf %get3A_738, %get3A_73 : vector<16xf32>
      %get3A_740 = arith.index_cast %add3A_68 : i32 to index
      %get3A_741 = arith.constant 656 : index
      %get3A_742 = tpu.vector_load %arg9[%get3A_740, %get3A_741] {strides = array<i32>} : memref<32x768xf32, #tpu.memory_space<vmem>>, vector<1x16xf32>,
      %get3A_743 = vector.shape_cast %get3A_742 : vector<1x16xf32> to vector<16xf32>
      %mul3A_744 = arith.mulf %get3A_743, %get3A_79 : vector<16xf32>
      %add3A_745 = arith.addf %mul3A_739, %mul3A_744 : vector<16xf32>
      %swap3A_746 = arith.index_cast %add3A_68 : i32 to index
      %swap3A_747 = arith.constant 656 : index
      %swap3A_748 = tpu.vector_load %arg8[%swap3A_746, %swap3A_747] {strides = array<i32>} : memref<32x768xf32, #tpu.memory_space<vmem>>, vector<1x16xf32>,
      %swap3A_749 = vector.shape_cast %swap3A_748 : vector<1x16xf32> to vector<16xf32>
      %swap3A_750 = vector.shape_cast %add3A_745 : vector<16xf32> to vector<1x16xf32>
      tpu.vector_store %arg8[%swap3A_746, %swap3A_747], %swap3A_750 {strides = array<i32>} : memref<32x768xf32, #tpu.memory_space<vmem>>, vector<1x16xf32>,
      %get3A_751 = arith.index_cast %add3A_68 : i32 to index
      %get3A_752 = arith.constant 672 : index
      %get3A_753 = tpu.vector_load %arg8[%get3A_751, %get3A_752] {strides = array<i32>} : memref<32x768xf32, #tpu.memory_space<vmem>>, vector<1x16xf32>,
      %get3A_754 = vector.shape_cast %get3A_753 : vector<1x16xf32> to vector<16xf32>
      %mul3A_755 = arith.mulf %get3A_754, %get3A_73 : vector<16xf32>
      %get3A_756 = arith.index_cast %add3A_68 : i32 to index
      %get3A_757 = arith.constant 672 : index
      %get3A_758 = tpu.vector_load %arg9[%get3A_756, %get3A_757] {strides = array<i32>} : memref<32x768xf32, #tpu.memory_space<vmem>>, vector<1x16xf32>,
      %get3A_759 = vector.shape_cast %get3A_758 : vector<1x16xf32> to vector<16xf32>
      %mul3A_760 = arith.mulf %get3A_759, %get3A_79 : vector<16xf32>
      %add3A_761 = arith.addf %mul3A_755, %mul3A_760 : vector<16xf32>
      %swap3A_762 = arith.index_cast %add3A_68 : i32 to index
      %swap3A_763 = arith.constant 672 : index
      %swap3A_764 = tpu.vector_load %arg8[%swap3A_762, %swap3A_763] {strides = array<i32>} : memref<32x768xf32, #tpu.memory_space<vmem>>, vector<1x16xf32>,
      %swap3A_765 = vector.shape_cast %swap3A_764 : vector<1x16xf32> to vector<16xf32>
      %swap3A_766 = vector.shape_cast %add3A_761 : vector<16xf32> to vector<1x16xf32>
      tpu.vector_store %arg8[%swap3A_762, %swap3A_763], %swap3A_766 {strides = array<i32>} : memref<32x768xf32, #tpu.memory_space<vmem>>, vector<1x16xf32>,
      %get3A_767 = arith.index_cast %add3A_68 : i32 to index
      %get3A_768 = arith.constant 688 : index
      %get3A_769 = tpu.vector_load %arg8[%get3A_767, %get3A_768] {strides = array<i32>} : memref<32x768xf32, #tpu.memory_space<vmem>>, vector<1x16xf32>,
      %get3A_770 = vector.shape_cast %get3A_769 : vector<1x16xf32> to vector<16xf32>
      %mul3A_771 = arith.mulf %get3A_770, %get3A_73 : vector<16xf32>
      %get3A_772 = arith.index_cast %add3A_68 : i32 to index
      %get3A_773 = arith.constant 688 : index
      %get3A_774 = tpu.vector_load %arg9[%get3A_772, %get3A_773] {strides = array<i32>} : memref<32x768xf32, #tpu.memory_space<vmem>>, vector<1x16xf32>,
      %get3A_775 = vector.shape_cast %get3A_774 : vector<1x16xf32> to vector<16xf32>
      %mul3A_776 = arith.mulf %get3A_775, %get3A_79 : vector<16xf32>
      %add3A_777 = arith.addf %mul3A_771, %mul3A_776 : vector<16xf32>
      %swap3A_778 = arith.index_cast %add3A_68 : i32 to index
      %swap3A_779 = arith.constant 688 : index
      %swap3A_780 = tpu.vector_load %arg8[%swap3A_778, %swap3A_779] {strides = array<i32>} : memref<32x768xf32, #tpu.memory_space<vmem>>, vector<1x16xf32>,
      %swap3A_781 = vector.shape_cast %swap3A_780 : vector<1x16xf32> to vector<16xf32>
      %swap3A_782 = vector.shape_cast %add3A_777 : vector<16xf32> to vector<1x16xf32>
      tpu.vector_store %arg8[%swap3A_778, %swap3A_779], %swap3A_782 {strides = array<i32>} : memref<32x768xf32, #tpu.memory_space<vmem>>, vector<1x16xf32>,
      %get3A_783 = arith.index_cast %add3A_68 : i32 to index
      %get3A_784 = arith.constant 704 : index
      %get3A_785 = tpu.vector_load %arg8[%get3A_783, %get3A_784] {strides = array<i32>} : memref<32x768xf32, #tpu.memory_space<vmem>>, vector<1x16xf32>,
      %get3A_786 = vector.shape_cast %get3A_785 : vector<1x16xf32> to vector<16xf32>
      %mul3A_787 = arith.mulf %get3A_786, %get3A_73 : vector<16xf32>
      %get3A_788 = arith.index_cast %add3A_68 : i32 to index
      %get3A_789 = arith.constant 704 : index
      %get3A_790 = tpu.vector_load %arg9[%get3A_788, %get3A_789] {strides = array<i32>} : memref<32x768xf32, #tpu.memory_space<vmem>>, vector<1x16xf32>,
      %get3A_791 = vector.shape_cast %get3A_790 : vector<1x16xf32> to vector<16xf32>
      %mul3A_792 = arith.mulf %get3A_791, %get3A_79 : vector<16xf32>
      %add3A_793 = arith.addf %mul3A_787, %mul3A_792 : vector<16xf32>
      %swap3A_794 = arith.index_cast %add3A_68 : i32 to index
      %swap3A_795 = arith.constant 704 : index
      %swap3A_796 = tpu.vector_load %arg8[%swap3A_794, %swap3A_795] {strides = array<i32>} : memref<32x768xf32, #tpu.memory_space<vmem>>, vector<1x16xf32>,
      %swap3A_797 = vector.shape_cast %swap3A_796 : vector<1x16xf32> to vector<16xf32>
      %swap3A_798 = vector.shape_cast %add3A_793 : vector<16xf32> to vector<1x16xf32>
      tpu.vector_store %arg8[%swap3A_794, %swap3A_795], %swap3A_798 {strides = array<i32>} : memref<32x768xf32, #tpu.memory_space<vmem>>, vector<1x16xf32>,
      %get3A_799 = arith.index_cast %add3A_68 : i32 to index
      %get3A_800 = arith.constant 720 : index
      %get3A_801 = tpu.vector_load %arg8[%get3A_799, %get3A_800] {strides = array<i32>} : memref<32x768xf32, #tpu.memory_space<vmem>>, vector<1x16xf32>,
      %get3A_802 = vector.shape_cast %get3A_801 : vector<1x16xf32> to vector<16xf32>
      %mul3A_803 = arith.mulf %get3A_802, %get3A_73 : vector<16xf32>
      %get3A_804 = arith.index_cast %add3A_68 : i32 to index
      %get3A_805 = arith.constant 720 : index
      %get3A_806 = tpu.vector_load %arg9[%get3A_804, %get3A_805] {strides = array<i32>} : memref<32x768xf32, #tpu.memory_space<vmem>>, vector<1x16xf32>,
      %get3A_807 = vector.shape_cast %get3A_806 : vector<1x16xf32> to vector<16xf32>
      %mul3A_808 = arith.mulf %get3A_807, %get3A_79 : vector<16xf32>
      %add3A_809 = arith.addf %mul3A_803, %mul3A_808 : vector<16xf32>
      %swap3A_810 = arith.index_cast %add3A_68 : i32 to index
      %swap3A_811 = arith.constant 720 : index
      %swap3A_812 = tpu.vector_load %arg8[%swap3A_810, %swap3A_811] {strides = array<i32>} : memref<32x768xf32, #tpu.memory_space<vmem>>, vector<1x16xf32>,
      %swap3A_813 = vector.shape_cast %swap3A_812 : vector<1x16xf32> to vector<16xf32>
      %swap3A_814 = vector.shape_cast %add3A_809 : vector<16xf32> to vector<1x16xf32>
      tpu.vector_store %arg8[%swap3A_810, %swap3A_811], %swap3A_814 {strides = array<i32>} : memref<32x768xf32, #tpu.memory_space<vmem>>, vector<1x16xf32>,
      %get3A_815 = arith.index_cast %add3A_68 : i32 to index
      %get3A_816 = arith.constant 736 : index
      %get3A_817 = tpu.vector_load %arg8[%get3A_815, %get3A_816] {strides = array<i32>} : memref<32x768xf32, #tpu.memory_space<vmem>>, vector<1x16xf32>,
      %get3A_818 = vector.shape_cast %get3A_817 : vector<1x16xf32> to vector<16xf32>
      %mul3A_819 = arith.mulf %get3A_818, %get3A_73 : vector<16xf32>
      %get3A_820 = arith.index_cast %add3A_68 : i32 to index
      %get3A_821 = arith.constant 736 : index
      %get3A_822 = tpu.vector_load %arg9[%get3A_820, %get3A_821] {strides = array<i32>} : memref<32x768xf32, #tpu.memory_space<vmem>>, vector<1x16xf32>,
      %get3A_823 = vector.shape_cast %get3A_822 : vector<1x16xf32> to vector<16xf32>
      %mul3A_824 = arith.mulf %get3A_823, %get3A_79 : vector<16xf32>
      %add3A_825 = arith.addf %mul3A_819, %mul3A_824 : vector<16xf32>
      %swap3A_826 = arith.index_cast %add3A_68 : i32 to index
      %swap3A_827 = arith.constant 736 : index
      %swap3A_828 = tpu.vector_load %arg8[%swap3A_826, %swap3A_827] {strides = array<i32>} : memref<32x768xf32, #tpu.memory_space<vmem>>, vector<1x16xf32>,
      %swap3A_829 = vector.shape_cast %swap3A_828 : vector<1x16xf32> to vector<16xf32>
      %swap3A_830 = vector.shape_cast %add3A_825 : vector<16xf32> to vector<1x16xf32>
      tpu.vector_store %arg8[%swap3A_826, %swap3A_827], %swap3A_830 {strides = array<i32>} : memref<32x768xf32, #tpu.memory_space<vmem>>, vector<1x16xf32>,
      %get3A_831 = arith.index_cast %add3A_68 : i32 to index
      %get3A_832 = arith.constant 752 : index
      %get3A_833 = tpu.vector_load %arg8[%get3A_831, %get3A_832] {strides = array<i32>} : memref<32x768xf32, #tpu.memory_space<vmem>>, vector<1x16xf32>,
      %get3A_834 = vector.shape_cast %get3A_833 : vector<1x16xf32> to vector<16xf32>
      %mul3A_835 = arith.mulf %get3A_834, %get3A_73 : vector<16xf32>
      %get3A_836 = arith.index_cast %add3A_68 : i32 to index
      %get3A_837 = arith.constant 752 : index
      %get3A_838 = tpu.vector_load %arg9[%get3A_836, %get3A_837] {strides = array<i32>} : memref<32x768xf32, #tpu.memory_space<vmem>>, vector<1x16xf32>,
      %get3A_839 = vector.shape_cast %get3A_838 : vector<1x16xf32> to vector<16xf32>
      %mul3A_840 = arith.mulf %get3A_839, %get3A_79 : vector<16xf32>
      %add3A_841 = arith.addf %mul3A_835, %mul3A_840 : vector<16xf32>
      %swap3A_842 = arith.index_cast %add3A_68 : i32 to index
      %swap3A_843 = arith.constant 752 : index
      %swap3A_844 = tpu.vector_load %arg8[%swap3A_842, %swap3A_843] {strides = array<i32>} : memref<32x768xf32, #tpu.memory_space<vmem>>, vector<1x16xf32>,
      %swap3A_845 = vector.shape_cast %swap3A_844 : vector<1x16xf32> to vector<16xf32>
      %swap3A_846 = vector.shape_cast %add3A_841 : vector<16xf32> to vector<1x16xf32>
      tpu.vector_store %arg8[%swap3A_842, %swap3A_843], %swap3A_846 {strides = array<i32>} : memref<32x768xf32, #tpu.memory_space<vmem>>, vector<1x16xf32>,
    }
    %scan3A_57 = arith.constant 32 : i32
    %dma_wait3A_58 = arith.constant 0 : i32
    %dma_wait3A_59 = tpu.memref_slice %arg5[%mul3A_2, %dma_wait3A_58] : memref<2048x768xf32, #tpu.memory_space<hbm>> -> memref<32x768xf32, #tpu.memory_space<hbm>>
    %dma_wait3A_60 = arith.constant 0 : i32
    %dma_wait3A_61 = tpu.memref_slice %arg5[%mul3A_2, %dma_wait3A_60] : memref<2048x768xf32, #tpu.memory_space<hbm>> -> memref<32x768xf32, #tpu.memory_space<hbm>>
    tpu.wait_dma2 semaphore(%arg14 : memref<!tpu.dma_semaphore, #tpu.memory_space<semaphore_mem>>) src(%arg6 : memref<32x768xf32, #tpu.memory_space<vmem>>) dst(%dma_wait3A_61 : memref<32x768xf32, #tpu.memory_space<hbm>>)
    %add3A_62 = arith.constant 32 : i32
    %add3A_63 = arith.addi %mul3A_2, %add3A_62 : i32
    "tpu.region"() ({
      %run_scoped3A = tpu.sem_alloc : memref<!tpu.dma_semaphore, #tpu.memory_space<semaphore_mem>>
      %dma_start3A_64 = arith.constant 0 : i32
      %dma_start3A_65 = tpu.memref_slice %arg5[%add3A_63, %dma_start3A_64] : memref<2048x768xf32, #tpu.memory_space<hbm>> -> memref<32x768xf32, #tpu.memory_space<hbm>>
      %dma_start3A_66 = arith.constant 0 : i32
      %dma_start3A_67 = tpu.memref_slice %arg5[%add3A_63, %dma_start3A_66] : memref<2048x768xf32, #tpu.memory_space<hbm>> -> memref<32x768xf32, #tpu.memory_space<hbm>>
      tpu.enqueue_dma source(%arg8 : memref<32x768xf32, #tpu.memory_space<vmem>>) target(%dma_start3A_67 : memref<32x768xf32, #tpu.memory_space<hbm>>) target_semaphore(%run_scoped3A : memref<!tpu.dma_semaphore, #tpu.memory_space<semaphore_mem>>)
      %dma_wait3A_68 = arith.constant 0 : i32
      %dma_wait3A_69 = tpu.memref_slice %arg5[%add3A_63, %dma_wait3A_68] : memref<2048x768xf32, #tpu.memory_space<hbm>> -> memref<32x768xf32, #tpu.memory_space<hbm>>
      %dma_wait3A_70 = arith.constant 0 : i32
      %dma_wait3A_71 = tpu.memref_slice %arg5[%add3A_63, %dma_wait3A_70] : memref<2048x768xf32, #tpu.memory_space<hbm>> -> memref<32x768xf32, #tpu.memory_space<hbm>>
      tpu.wait_dma2 semaphore(%run_scoped3A : memref<!tpu.dma_semaphore, #tpu.memory_space<semaphore_mem>>) src(%arg8 : memref<32x768xf32, #tpu.memory_space<vmem>>) dst(%dma_wait3A_71 : memref<32x768xf32, #tpu.memory_space<hbm>>)
      tpu.yield
    }) : () -> ()
    return
  }
}

#map = affine_map<(d0, d1) -> (0, 0)>
#map1 = affine_map<(d0, d1) -> (0)>
module attributes {stable_mosaic.version = 14 : i64} {
  func.func @_scatter_body(%arg0: i32, %arg1: i32, %arg2: memref<2048x768xf32, #tpu.memory_space<hbm>>, %arg3: memref<4096xi32, #tpu.memory_space<hbm>>, %arg4: memref<8192x768xf32, #tpu.memory_space<hbm>>, %arg5: memref<128x768xf32, #tpu.memory_space<vmem>>, %arg6: memref<128xi32, #tpu.memory_space<vmem>>, %arg7: memref<!tpu.dma_semaphore, #tpu.memory_space<semaphore_mem>>, %arg8: memref<!tpu.dma_semaphore, #tpu.memory_space<semaphore_mem>>) attributes {dimension_semantics = [#tpu.dimension_semantics<core_parallel>, #tpu.dimension_semantics<subcore_parallel>], iteration_bounds = array<i64: 2, 16>, scalar_prefetch = 0 : i64, scratch_operands = 4 : i64, tpu.core_type = #tpu.core_type<sc_vector_subcore>, window_params = [{transform_indices = #map}, {transform_indices = #map1}, {transform_indices = #map}]} {
    %mul3A = arith.constant 2 : i32
    %mul3A_0 = arith.muli %arg1, %mul3A : i32
    %add3A = arith.addi %mul3A_0, %arg0 : i32
    %jit3A = arith.constant 16 : i32
    %eq3A = arith.constant 0 : i32
    %eq3A_1 = arith.cmpi eq, %jit3A, %eq3A : i32
    %jit3A_2 = arith.constant 1 : i32
    %select_n3A = arith.select %eq3A_1, %jit3A_2, %jit3A : i32
    %rem3A = arith.remsi %add3A, %select_n3A : i32
    %ne3A = arith.constant 0 : i32
    %ne3A_3 = arith.cmpi ne, %rem3A, %ne3A : i32
    %lt3A = arith.constant 0 : i32
    %lt3A_4 = arith.cmpi slt, %rem3A, %lt3A : i32
    %lt3A_5 = arith.constant 0 : i32
    %lt3A_6 = arith.cmpi slt, %select_n3A, %lt3A_5 : i32
    %ne3A_7 = arith.xori %lt3A_4, %lt3A_6 : i1
    %and3A = arith.andi %ne3A_7, %ne3A_3 : i1
    %add3A_8 = arith.addi %rem3A, %select_n3A : i32
    %select_n3A_9 = arith.select %and3A, %add3A_8, %rem3A : i32
    %mul3A_10 = arith.constant 128 : i32
    %mul3A_11 = arith.muli %select_n3A_9, %mul3A_10 : i32
    %mul3A_12 = arith.constant 128 : i32
    %mul3A_13 = arith.muli %add3A, %mul3A_12 : i32
    %dma_start3A = tpu.memref_slice %arg3[%mul3A_13] : memref<4096xi32, #tpu.memory_space<hbm>> -> memref<128xi32, #tpu.memory_space<hbm>>
    %dma_start3A_14 = tpu.memref_slice %arg3[%mul3A_13] : memref<4096xi32, #tpu.memory_space<hbm>> -> memref<128xi32, #tpu.memory_space<hbm>>
    tpu.enqueue_dma source(%dma_start3A_14 : memref<128xi32, #tpu.memory_space<hbm>>) target(%arg6 : memref<128xi32, #tpu.memory_space<vmem>>) target_semaphore(%arg7 : memref<!tpu.dma_semaphore, #tpu.memory_space<semaphore_mem>>)
    %dma_start3A_15 = arith.constant 0 : i32
    %dma_start3A_16 = tpu.memref_slice %arg2[%mul3A_11, %dma_start3A_15] : memref<2048x768xf32, #tpu.memory_space<hbm>> -> memref<128x768xf32, #tpu.memory_space<hbm>>
    %dma_start3A_17 = arith.constant 0 : i32
    %dma_start3A_18 = tpu.memref_slice %arg2[%mul3A_11, %dma_start3A_17] : memref<2048x768xf32, #tpu.memory_space<hbm>> -> memref<128x768xf32, #tpu.memory_space<hbm>>
    tpu.enqueue_dma source(%dma_start3A_18 : memref<128x768xf32, #tpu.memory_space<hbm>>) target(%arg5 : memref<128x768xf32, #tpu.memory_space<vmem>>) target_semaphore(%arg8 : memref<!tpu.dma_semaphore, #tpu.memory_space<semaphore_mem>>)
    %dma_wait3A = tpu.memref_slice %arg3[%mul3A_13] : memref<4096xi32, #tpu.memory_space<hbm>> -> memref<128xi32, #tpu.memory_space<hbm>>
    %dma_wait3A_19 = tpu.memref_slice %arg3[%mul3A_13] : memref<4096xi32, #tpu.memory_space<hbm>> -> memref<128xi32, #tpu.memory_space<hbm>>
    tpu.wait_dma2 semaphore(%arg7 : memref<!tpu.dma_semaphore, #tpu.memory_space<semaphore_mem>>) src(%dma_wait3A_19 : memref<128xi32, #tpu.memory_space<hbm>>) dst(%arg6 : memref<128xi32, #tpu.memory_space<vmem>>)
    %dma_wait3A_20 = arith.constant 0 : i32
    %dma_wait3A_21 = tpu.memref_slice %arg2[%mul3A_11, %dma_wait3A_20] : memref<2048x768xf32, #tpu.memory_space<hbm>> -> memref<128x768xf32, #tpu.memory_space<hbm>>
    %dma_wait3A_22 = arith.constant 0 : i32
    %dma_wait3A_23 = tpu.memref_slice %arg2[%mul3A_11, %dma_wait3A_22] : memref<2048x768xf32, #tpu.memory_space<hbm>> -> memref<128x768xf32, #tpu.memory_space<hbm>>
    tpu.wait_dma2 semaphore(%arg8 : memref<!tpu.dma_semaphore, #tpu.memory_space<semaphore_mem>>) src(%dma_wait3A_23 : memref<128x768xf32, #tpu.memory_space<hbm>>) dst(%arg5 : memref<128x768xf32, #tpu.memory_space<vmem>>)
    %dma_start3A_24 = arith.constant 0 : i32
    %dma_start3A_25 = arith.constant 0 : i32
    %dma_start3A_26 = tpu.memref_slice %arg4[%dma_start3A_24, %dma_start3A_25] : memref<8192x768xf32, #tpu.memory_space<hbm>> -> memref<8192x768xf32, #tpu.memory_space<hbm>>
    tpu.enqueue_indirect_dma source(%arg5 : memref<128x768xf32, #tpu.memory_space<vmem>>) target(%dma_start3A_26 : memref<8192x768xf32, #tpu.memory_space<hbm>>) offsets(%arg6 : memref<128xi32, #tpu.memory_space<vmem>>) semaphore(%arg8 : memref<!tpu.dma_semaphore, #tpu.memory_space<semaphore_mem>>)
    %dma_wait3A_27 = arith.constant 0 : i32
    %dma_wait3A_28 = arith.constant 0 : i32
    %dma_wait3A_29 = tpu.memref_slice %arg4[%dma_wait3A_27, %dma_wait3A_28] : memref<8192x768xf32, #tpu.memory_space<hbm>> -> memref<8192x768xf32, #tpu.memory_space<hbm>>
    tpu.wait_indirect_dma semaphore(%arg8 : memref<!tpu.dma_semaphore, #tpu.memory_space<semaphore_mem>>) src(%arg5 : memref<128x768xf32, #tpu.memory_space<vmem>>) dst(%dma_wait3A_29 : memref<8192x768xf32, #tpu.memory_space<hbm>>)
    return
  }
}

module attributes {stable_mosaic.version = 14 : i64} {
  func.func @_route_kernel(%arg0: memref<2048x768xf32, #tpu.memory_space<vmem>>, %arg1: memref<8x768xf32, #tpu.memory_space<vmem>>, %arg2: memref<4096x1xi32, #tpu.memory_space<vmem>>, %arg3: memref<16x1xi32, #tpu.memory_space<vmem>>, %arg4: memref<16x1xi32, #tpu.memory_space<vmem>>, %arg5: memref<4096x16xf32, #tpu.memory_space<vmem>>) attributes {dimension_semantics = [], scalar_prefetch = 0 : i64, scratch_operands = 0 : i64, tpu.core_type = #tpu.core_type<tc>} {
    %get3A = arith.constant 0 : index
    %get3A_0 = arith.constant 0 : index
    %get3A_1 = vector.load %arg0[%get3A, %get3A_0] : memref<2048x768xf32, #tpu.memory_space<vmem>>, vector<2048x768xf32>
    %get3A_2 = arith.constant 0 : index
    %get3A_3 = arith.constant 0 : index
    %get3A_4 = vector.load %arg1[%get3A_2, %get3A_3] : memref<8x768xf32, #tpu.memory_space<vmem>>, vector<8x768xf32>
    %convert_element_type3A = arith.truncf %get3A_1 : vector<2048x768xf32> to vector<2048x768xbf16>
    %convert_element_type3A_5 = arith.truncf %get3A_4 : vector<8x768xf32> to vector<8x768xbf16>
    %dot_general3A = arith.constant dense<0.000000e+00> : vector<2048x8xf32>
    %dot_general3A_6 = tpu.matmul %convert_element_type3A, %convert_element_type3A_5, %dot_general3A {dimension_numbers = #tpu.dot_dimension_numbers<[1], [1], [0], [0], [0, 0, 1, 0], [], []>, transpose_lhs_hint = false} : vector<2048x768xbf16>, vector<8x768xbf16>, vector<2048x8xf32> -> vector<2048x8xf32>
    %iota3A = tpu.iota {dimensions = array<i32: 1>} : vector<2048x8xi32>
    %reduce_max3A = arith.constant dense<0xFF800000> : vector<2048xf32>
    %reduce_max3A_7 = vector.multi_reduction <maximumf>, %dot_general3A_6, %reduce_max3A [1] : vector<2048x8xf32> to vector<2048xf32>
    %broadcast_in_dim3A = vector.shape_cast %reduce_max3A_7 : vector<2048xf32> to vector<2048x1xf32>
    %eq3A = vector.broadcast %broadcast_in_dim3A : vector<2048x1xf32> to vector<2048x8xf32>
    %eq3A_8 = arith.cmpf oeq, %dot_general3A_6, %eq3A : vector<2048x8xf32>
    %jit3A = arith.constant 8 : i32
    %broadcast_in_dim3A_9 = vector.broadcast %jit3A : i32 to vector<2048x8xi32>
    %select_n3A = arith.select %eq3A_8, %iota3A, %broadcast_in_dim3A_9 : vector<2048x8xi1>, vector<2048x8xi32>
    %reduce_min3A = arith.constant dense<2147483647> : vector<2048xi32>
    %reduce_min3A_10 = vector.multi_reduction <minsi>, %select_n3A, %reduce_min3A [1] : vector<2048x8xi32> to vector<2048xi32>
    %broadcast_in_dim3A_11 = vector.shape_cast %reduce_min3A_10 : vector<2048xi32> to vector<2048x1xi32>
    %eq3A_12 = vector.broadcast %broadcast_in_dim3A_11 : vector<2048x1xi32> to vector<2048x8xi32>
    %eq3A_13 = arith.cmpi eq, %iota3A, %eq3A_12 : vector<2048x8xi32>
    %jit3A_14 = arith.constant 0xFF800000 : f32
    %broadcast_in_dim3A_15 = vector.broadcast %jit3A_14 : f32 to vector<2048x8xf32>
    %select_n3A_16 = arith.select %eq3A_13, %broadcast_in_dim3A_15, %dot_general3A_6 : vector<2048x8xi1>, vector<2048x8xf32>
    %reduce_max3A_17 = arith.constant dense<0xFF800000> : vector<2048xf32>
    %reduce_max3A_18 = vector.multi_reduction <maximumf>, %select_n3A_16, %reduce_max3A_17 [1] : vector<2048x8xf32> to vector<2048xf32>
    %broadcast_in_dim3A_19 = vector.shape_cast %reduce_max3A_18 : vector<2048xf32> to vector<2048x1xf32>
    %eq3A_20 = vector.broadcast %broadcast_in_dim3A_19 : vector<2048x1xf32> to vector<2048x8xf32>
    %eq3A_21 = arith.cmpf oeq, %select_n3A_16, %eq3A_20 : vector<2048x8xf32>
    %jit3A_22 = arith.constant 8 : i32
    %broadcast_in_dim3A_23 = vector.broadcast %jit3A_22 : i32 to vector<2048x8xi32>
    %select_n3A_24 = arith.select %eq3A_21, %iota3A, %broadcast_in_dim3A_23 : vector<2048x8xi1>, vector<2048x8xi32>
    %reduce_min3A_25 = arith.constant dense<2147483647> : vector<2048xi32>
    %reduce_min3A_26 = vector.multi_reduction <minsi>, %select_n3A_24, %reduce_min3A_25 [1] : vector<2048x8xi32> to vector<2048xi32>
    %broadcast_in_dim3A_27 = vector.shape_cast %reduce_min3A_26 : vector<2048xi32> to vector<2048x1xi32>
    %sub3A = arith.subf %broadcast_in_dim3A_19, %broadcast_in_dim3A : vector<2048x1xf32>
    %exp3A = math.exp %sub3A : vector<2048x1xf32>
    %add3A = arith.constant 1.000000e+00 : f32
    %add3A_28 = vector.broadcast %add3A : f32 to vector<2048x1xf32>
    %add3A_29 = arith.addf %add3A_28, %exp3A : vector<2048x1xf32>
    %div3A = arith.constant 1.000000e+00 : f32
    %div3A_30 = vector.broadcast %div3A : f32 to vector<2048x1xf32>
    %div3A_31 = arith.divf %div3A_30, %add3A_29 : vector<2048x1xf32>
    %add3A_32 = arith.constant 1.000000e+00 : f32
    %add3A_33 = vector.broadcast %add3A_32 : f32 to vector<2048x1xf32>
    %add3A_34 = arith.addf %add3A_33, %exp3A : vector<2048x1xf32>
    %div3A_35 = arith.divf %exp3A, %add3A_34 : vector<2048x1xf32>
    %broadcast_in_dim3A_36 = vector.shape_cast %div3A_31 : vector<2048x1xf32> to vector<2048x1xf32>
    %broadcast_in_dim3A_37 = vector.broadcast %broadcast_in_dim3A_36 : vector<2048x1xf32> to vector<2048x16xf32>
    %broadcast_in_dim3A_38 = vector.shape_cast %div3A_35 : vector<2048x1xf32> to vector<2048x1xf32>
    %broadcast_in_dim3A_39 = vector.broadcast %broadcast_in_dim3A_38 : vector<2048x1xf32> to vector<2048x16xf32>
    %concatenate3A = tpu.concatenate %broadcast_in_dim3A_37, %broadcast_in_dim3A_39 in 0 : vector<2048x16xf32>, vector<2048x16xf32> -> vector<4096x16xf32>
    %swap3A = arith.constant 0 : index
    %swap3A_40 = arith.constant 0 : index
    %swap3A_41 = vector.load %arg5[%swap3A, %swap3A_40] : memref<4096x16xf32, #tpu.memory_space<vmem>>, vector<4096x16xf32>
    tpu.vector_store %arg5[%swap3A, %swap3A_40], %concatenate3A {strides = array<i32>} : memref<4096x16xf32, #tpu.memory_space<vmem>>, vector<4096x16xf32>,
    %concatenate3A_42 = tpu.concatenate %broadcast_in_dim3A_11, %broadcast_in_dim3A_27 in 0 : vector<2048x1xi32>, vector<2048x1xi32> -> vector<4096x1xi32>
    %iota3A_43 = tpu.iota {dimensions = array<i32: 1>} : vector<4096x8xi32>
    %eq3A_44 = vector.broadcast %concatenate3A_42 : vector<4096x1xi32> to vector<4096x8xi32>
    %eq3A_45 = arith.cmpi eq, %eq3A_44, %iota3A_43 : vector<4096x8xi32>
    %convert_element_type3A_46 = arith.extui %eq3A_45 : vector<4096x8xi1> to vector<4096x8xi32>
    %convert_element_type3A_47 = arith.sitofp %convert_element_type3A_46 : vector<4096x8xi32> to vector<4096x8xf32>
    %iota3A_48 = tpu.iota {dimensions = array<i32: 0>} : vector<512x512xi32>
    %iota3A_49 = tpu.iota {dimensions = array<i32: 1>} : vector<512x512xi32>
    %lt3A = arith.cmpi slt, %iota3A_49, %iota3A_48 : vector<512x512xi32>
    %convert_element_type3A_50 = arith.extui %lt3A : vector<512x512xi1> to vector<512x512xi32>
    %convert_element_type3A_51 = arith.sitofp %convert_element_type3A_50 : vector<512x512xi32> to vector<512x512xf32>
    %broadcast_in_dim3A_52 = arith.constant 0.000000e+00 : f32
    %broadcast_in_dim3A_53 = vector.broadcast %broadcast_in_dim3A_52 : f32 to vector<1x8xf32>
    %slice3A = vector.extract_strided_slice %convert_element_type3A_47 {offsets = [0, 0], sizes = [512, 8], strides = [1, 1]} : vector<4096x8xf32> to vector<512x8xf32>
    %dot_general3A_54 = arith.constant dense<0.000000e+00> : vector<512x8xf32>
    %dot_general3A_55 = tpu.matmul %convert_element_type3A_51, %slice3A, %dot_general3A_54 {dimension_numbers = #tpu.dot_dimension_numbers<[1], [0], [0], [1], [0, 0, 1, 1], [], []>, transpose_lhs_hint = false} : vector<512x512xf32>, vector<512x8xf32>, vector<512x8xf32> -> vector<512x8xf32>
    %add3A_56 = vector.broadcast %broadcast_in_dim3A_53 : vector<1x8xf32> to vector<512x8xf32>
    %add3A_57 = arith.addf %dot_general3A_55, %add3A_56 : vector<512x8xf32>
    %reduce_sum3A = arith.constant dense<0.000000e+00> : vector<8xf32>
    %reduce_sum3A_58 = vector.multi_reduction <add>, %slice3A, %reduce_sum3A [0] : vector<512x8xf32> to vector<8xf32>
    %broadcast_in_dim3A_59 = vector.shape_cast %reduce_sum3A_58 : vector<8xf32> to vector<1x8xf32>
    %add3A_60 = arith.addf %broadcast_in_dim3A_53, %broadcast_in_dim3A_59 : vector<1x8xf32>
    %slice3A_61 = vector.extract_strided_slice %convert_element_type3A_47 {offsets = [512, 0], sizes = [512, 8], strides = [1, 1]} : vector<4096x8xf32> to vector<512x8xf32>
    %dot_general3A_62 = arith.constant dense<0.000000e+00> : vector<512x8xf32>
    %dot_general3A_63 = tpu.matmul %convert_element_type3A_51, %slice3A_61, %dot_general3A_62 {dimension_numbers = #tpu.dot_dimension_numbers<[1], [0], [0], [1], [0, 0, 1, 1], [], []>, transpose_lhs_hint = false} : vector<512x512xf32>, vector<512x8xf32>, vector<512x8xf32> -> vector<512x8xf32>
    %add3A_64 = vector.broadcast %add3A_60 : vector<1x8xf32> to vector<512x8xf32>
    %add3A_65 = arith.addf %dot_general3A_63, %add3A_64 : vector<512x8xf32>
    %reduce_sum3A_66 = arith.constant dense<0.000000e+00> : vector<8xf32>
    %reduce_sum3A_67 = vector.multi_reduction <add>, %slice3A_61, %reduce_sum3A_66 [0] : vector<512x8xf32> to vector<8xf32>
    %broadcast_in_dim3A_68 = vector.shape_cast %reduce_sum3A_67 : vector<8xf32> to vector<1x8xf32>
    %add3A_69 = arith.addf %add3A_60, %broadcast_in_dim3A_68 : vector<1x8xf32>
    %slice3A_70 = vector.extract_strided_slice %convert_element_type3A_47 {offsets = [1024, 0], sizes = [512, 8], strides = [1, 1]} : vector<4096x8xf32> to vector<512x8xf32>
    %dot_general3A_71 = arith.constant dense<0.000000e+00> : vector<512x8xf32>
    %dot_general3A_72 = tpu.matmul %convert_element_type3A_51, %slice3A_70, %dot_general3A_71 {dimension_numbers = #tpu.dot_dimension_numbers<[1], [0], [0], [1], [0, 0, 1, 1], [], []>, transpose_lhs_hint = false} : vector<512x512xf32>, vector<512x8xf32>, vector<512x8xf32> -> vector<512x8xf32>
    %add3A_73 = vector.broadcast %add3A_69 : vector<1x8xf32> to vector<512x8xf32>
    %add3A_74 = arith.addf %dot_general3A_72, %add3A_73 : vector<512x8xf32>
    %reduce_sum3A_75 = arith.constant dense<0.000000e+00> : vector<8xf32>
    %reduce_sum3A_76 = vector.multi_reduction <add>, %slice3A_70, %reduce_sum3A_75 [0] : vector<512x8xf32> to vector<8xf32>
    %broadcast_in_dim3A_77 = vector.shape_cast %reduce_sum3A_76 : vector<8xf32> to vector<1x8xf32>
    %add3A_78 = arith.addf %add3A_69, %broadcast_in_dim3A_77 : vector<1x8xf32>
    %slice3A_79 = vector.extract_strided_slice %convert_element_type3A_47 {offsets = [1536, 0], sizes = [512, 8], strides = [1, 1]} : vector<4096x8xf32> to vector<512x8xf32>
    %dot_general3A_80 = arith.constant dense<0.000000e+00> : vector<512x8xf32>
    %dot_general3A_81 = tpu.matmul %convert_element_type3A_51, %slice3A_79, %dot_general3A_80 {dimension_numbers = #tpu.dot_dimension_numbers<[1], [0], [0], [1], [0, 0, 1, 1], [], []>, transpose_lhs_hint = false} : vector<512x512xf32>, vector<512x8xf32>, vector<512x8xf32> -> vector<512x8xf32>
    %add3A_82 = vector.broadcast %add3A_78 : vector<1x8xf32> to vector<512x8xf32>
    %add3A_83 = arith.addf %dot_general3A_81, %add3A_82 : vector<512x8xf32>
    %reduce_sum3A_84 = arith.constant dense<0.000000e+00> : vector<8xf32>
    %reduce_sum3A_85 = vector.multi_reduction <add>, %slice3A_79, %reduce_sum3A_84 [0] : vector<512x8xf32> to vector<8xf32>
    %broadcast_in_dim3A_86 = vector.shape_cast %reduce_sum3A_85 : vector<8xf32> to vector<1x8xf32>
    %add3A_87 = arith.addf %add3A_78, %broadcast_in_dim3A_86 : vector<1x8xf32>
    %slice3A_88 = vector.extract_strided_slice %convert_element_type3A_47 {offsets = [2048, 0], sizes = [512, 8], strides = [1, 1]} : vector<4096x8xf32> to vector<512x8xf32>
    %dot_general3A_89 = arith.constant dense<0.000000e+00> : vector<512x8xf32>
    %dot_general3A_90 = tpu.matmul %convert_element_type3A_51, %slice3A_88, %dot_general3A_89 {dimension_numbers = #tpu.dot_dimension_numbers<[1], [0], [0], [1], [0, 0, 1, 1], [], []>, transpose_lhs_hint = false} : vector<512x512xf32>, vector<512x8xf32>, vector<512x8xf32> -> vector<512x8xf32>
    %add3A_91 = vector.broadcast %add3A_87 : vector<1x8xf32> to vector<512x8xf32>
    %add3A_92 = arith.addf %dot_general3A_90, %add3A_91 : vector<512x8xf32>
    %reduce_sum3A_93 = arith.constant dense<0.000000e+00> : vector<8xf32>
    %reduce_sum3A_94 = vector.multi_reduction <add>, %slice3A_88, %reduce_sum3A_93 [0] : vector<512x8xf32> to vector<8xf32>
    %broadcast_in_dim3A_95 = vector.shape_cast %reduce_sum3A_94 : vector<8xf32> to vector<1x8xf32>
    %add3A_96 = arith.addf %add3A_87, %broadcast_in_dim3A_95 : vector<1x8xf32>
    %slice3A_97 = vector.extract_strided_slice %convert_element_type3A_47 {offsets = [2560, 0], sizes = [512, 8], strides = [1, 1]} : vector<4096x8xf32> to vector<512x8xf32>
    %dot_general3A_98 = arith.constant dense<0.000000e+00> : vector<512x8xf32>
    %dot_general3A_99 = tpu.matmul %convert_element_type3A_51, %slice3A_97, %dot_general3A_98 {dimension_numbers = #tpu.dot_dimension_numbers<[1], [0], [0], [1], [0, 0, 1, 1], [], []>, transpose_lhs_hint = false} : vector<512x512xf32>, vector<512x8xf32>, vector<512x8xf32> -> vector<512x8xf32>
    %add3A_100 = vector.broadcast %add3A_96 : vector<1x8xf32> to vector<512x8xf32>
    %add3A_101 = arith.addf %dot_general3A_99, %add3A_100 : vector<512x8xf32>
    %reduce_sum3A_102 = arith.constant dense<0.000000e+00> : vector<8xf32>
    %reduce_sum3A_103 = vector.multi_reduction <add>, %slice3A_97, %reduce_sum3A_102 [0] : vector<512x8xf32> to vector<8xf32>
    %broadcast_in_dim3A_104 = vector.shape_cast %reduce_sum3A_103 : vector<8xf32> to vector<1x8xf32>
    %add3A_105 = arith.addf %add3A_96, %broadcast_in_dim3A_104 : vector<1x8xf32>
    %slice3A_106 = vector.extract_strided_slice %convert_element_type3A_47 {offsets = [3072, 0], sizes = [512, 8], strides = [1, 1]} : vector<4096x8xf32> to vector<512x8xf32>
    %dot_general3A_107 = arith.constant dense<0.000000e+00> : vector<512x8xf32>
    %dot_general3A_108 = tpu.matmul %convert_element_type3A_51, %slice3A_106, %dot_general3A_107 {dimension_numbers = #tpu.dot_dimension_numbers<[1], [0], [0], [1], [0, 0, 1, 1], [], []>, transpose_lhs_hint = false} : vector<512x512xf32>, vector<512x8xf32>, vector<512x8xf32> -> vector<512x8xf32>
    %add3A_109 = vector.broadcast %add3A_105 : vector<1x8xf32> to vector<512x8xf32>
    %add3A_110 = arith.addf %dot_general3A_108, %add3A_109 : vector<512x8xf32>
    %reduce_sum3A_111 = arith.constant dense<0.000000e+00> : vector<8xf32>
    %reduce_sum3A_112 = vector.multi_reduction <add>, %slice3A_106, %reduce_sum3A_111 [0] : vector<512x8xf32> to vector<8xf32>
    %broadcast_in_dim3A_113 = vector.shape_cast %reduce_sum3A_112 : vector<8xf32> to vector<1x8xf32>
    %add3A_114 = arith.addf %add3A_105, %broadcast_in_dim3A_113 : vector<1x8xf32>
    %slice3A_115 = vector.extract_strided_slice %convert_element_type3A_47 {offsets = [3584, 0], sizes = [512, 8], strides = [1, 1]} : vector<4096x8xf32> to vector<512x8xf32>
    %dot_general3A_116 = arith.constant dense<0.000000e+00> : vector<512x8xf32>
    %dot_general3A_117 = tpu.matmul %convert_element_type3A_51, %slice3A_115, %dot_general3A_116 {dimension_numbers = #tpu.dot_dimension_numbers<[1], [0], [0], [1], [0, 0, 1, 1], [], []>, transpose_lhs_hint = false} : vector<512x512xf32>, vector<512x8xf32>, vector<512x8xf32> -> vector<512x8xf32>
    %add3A_118 = vector.broadcast %add3A_114 : vector<1x8xf32> to vector<512x8xf32>
    %add3A_119 = arith.addf %dot_general3A_117, %add3A_118 : vector<512x8xf32>
    %reduce_sum3A_120 = arith.constant dense<0.000000e+00> : vector<8xf32>
    %reduce_sum3A_121 = vector.multi_reduction <add>, %slice3A_115, %reduce_sum3A_120 [0] : vector<512x8xf32> to vector<8xf32>
    %broadcast_in_dim3A_122 = vector.shape_cast %reduce_sum3A_121 : vector<8xf32> to vector<1x8xf32>
    %add3A_123 = arith.addf %add3A_114, %broadcast_in_dim3A_122 : vector<1x8xf32>
    %concatenate3A_124 = tpu.concatenate %add3A_57, %add3A_65, %add3A_74, %add3A_83, %add3A_92, %add3A_101, %add3A_110, %add3A_119 in 0 : vector<512x8xf32>, vector<512x8xf32>, vector<512x8xf32>, vector<512x8xf32>, vector<512x8xf32>, vector<512x8xf32>, vector<512x8xf32>, vector<512x8xf32> -> vector<4096x8xf32>
    %mul3A = arith.constant 0.001953125 : f32
    %mul3A_125 = vector.broadcast %mul3A : f32 to vector<1x8xf32>
    %mul3A_126 = arith.mulf %add3A_123, %mul3A_125 : vector<1x8xf32>
    %ceil3A = math.ceil %mul3A_126 : vector<1x8xf32>
    %mul3A_127 = arith.constant 5.120000e+02 : f32
    %mul3A_128 = vector.broadcast %mul3A_127 : f32 to vector<1x8xf32>
    %mul3A_129 = arith.mulf %ceil3A, %mul3A_128 : vector<1x8xf32>
    %iota3A_130 = tpu.iota {dimensions = array<i32: 0>} : vector<8x8xi32>
    %iota3A_131 = tpu.iota {dimensions = array<i32: 1>} : vector<8x8xi32>
    %lt3A_132 = arith.cmpi slt, %iota3A_130, %iota3A_131 : vector<8x8xi32>
    %convert_element_type3A_133 = arith.extui %lt3A_132 : vector<8x8xi1> to vector<8x8xi32>
    %convert_element_type3A_134 = arith.sitofp %convert_element_type3A_133 : vector<8x8xi32> to vector<8x8xf32>
    %dot_general3A_135 = arith.constant dense<0.000000e+00> : vector<1x8xf32>
    %dot_general3A_136 = tpu.matmul %mul3A_129, %convert_element_type3A_134, %dot_general3A_135 {dimension_numbers = #tpu.dot_dimension_numbers<[1], [0], [0], [1], [0, 0, 1, 1], [], []>, transpose_lhs_hint = false} : vector<1x8xf32>, vector<8x8xf32>, vector<1x8xf32> -> vector<1x8xf32>
    %add3A_137 = vector.broadcast %dot_general3A_136 : vector<1x8xf32> to vector<4096x8xf32>
    %add3A_138 = arith.addf %concatenate3A_124, %add3A_137 : vector<4096x8xf32>
    %mul3A_139 = arith.mulf %convert_element_type3A_47, %add3A_138 : vector<4096x8xf32>
    %reduce_sum3A_140 = arith.constant dense<0.000000e+00> : vector<4096xf32>
    %reduce_sum3A_141 = vector.multi_reduction <add>, %mul3A_139, %reduce_sum3A_140 [1] : vector<4096x8xf32> to vector<4096xf32>
    %broadcast_in_dim3A_142 = vector.shape_cast %reduce_sum3A_141 : vector<4096xf32> to vector<4096x1xf32>
    %convert_element_type3A_143 = arith.fptosi %broadcast_in_dim3A_142 : vector<4096x1xf32> to vector<4096x1xi32>
    %swap3A_144 = arith.constant 0 : index
    %swap3A_145 = arith.constant 0 : index
    %swap3A_146 = vector.load %arg2[%swap3A_144, %swap3A_145] : memref<4096x1xi32, #tpu.memory_space<vmem>>, vector<4096x1xi32>
    tpu.vector_store %arg2[%swap3A_144, %swap3A_145], %convert_element_type3A_143 {strides = array<i32>} : memref<4096x1xi32, #tpu.memory_space<vmem>>, vector<4096x1xi32>,
    %iota3A_147 = tpu.iota {dimensions = array<i32: 0>} : vector<16x1xi32>
    %mul3A_148 = arith.constant 512 : i32
    %mul3A_149 = vector.broadcast %mul3A_148 : i32 to vector<16x1xi32>
    %mul3A_150 = arith.muli %iota3A_147, %mul3A_149 : vector<16x1xi32>
    %convert_element_type3A_151 = arith.sitofp %mul3A_150 : vector<16x1xi32> to vector<16x1xf32>
    %add3A_152 = arith.addf %dot_general3A_136, %mul3A_129 : vector<1x8xf32>
    %le3A = vector.broadcast %add3A_152 : vector<1x8xf32> to vector<16x8xf32>
    %le3A_153 = vector.broadcast %convert_element_type3A_151 : vector<16x1xf32> to vector<16x8xf32>
    %le3A_154 = arith.cmpf ole, %le3A, %le3A_153 : vector<16x8xf32>
    %convert_element_type3A_155 = arith.extui %le3A_154 : vector<16x8xi1> to vector<16x8xi32>
    %convert_element_type3A_156 = arith.sitofp %convert_element_type3A_155 : vector<16x8xi32> to vector<16x8xf32>
    %reduce_sum3A_157 = arith.constant dense<0.000000e+00> : vector<16xf32>
    %reduce_sum3A_158 = vector.multi_reduction <add>, %convert_element_type3A_156, %reduce_sum3A_157 [1] : vector<16x8xf32> to vector<16xf32>
    %broadcast_in_dim3A_159 = vector.shape_cast %reduce_sum3A_158 : vector<16xf32> to vector<16x1xf32>
    %convert_element_type3A_160 = arith.fptosi %broadcast_in_dim3A_159 : vector<16x1xf32> to vector<16x1xi32>
    %min3A = arith.constant 7 : i32
    %min3A_161 = vector.broadcast %min3A : i32 to vector<16x1xi32>
    %min3A_162 = arith.minsi %convert_element_type3A_160, %min3A_161 : vector<16x1xi32>
    %swap3A_163 = arith.constant 0 : index
    %swap3A_164 = arith.constant 0 : index
    %swap3A_165 = vector.load %arg3[%swap3A_163, %swap3A_164] : memref<16x1xi32, #tpu.memory_space<vmem>>, vector<16x1xi32>
    tpu.vector_store %arg3[%swap3A_163, %swap3A_164], %min3A_162 {strides = array<i32>} : memref<16x1xi32, #tpu.memory_space<vmem>>, vector<16x1xi32>,
    %iota3A_166 = tpu.iota {dimensions = array<i32: 1>} : vector<16x8xi32>
    %eq3A_167 = vector.broadcast %min3A_162 : vector<16x1xi32> to vector<16x8xi32>
    %eq3A_168 = arith.cmpi eq, %eq3A_167, %iota3A_166 : vector<16x8xi32>
    %convert_element_type3A_169 = arith.extui %eq3A_168 : vector<16x8xi1> to vector<16x8xi32>
    %convert_element_type3A_170 = arith.sitofp %convert_element_type3A_169 : vector<16x8xi32> to vector<16x8xf32>
    %add3A_171 = arith.addf %dot_general3A_136, %add3A_123 : vector<1x8xf32>
    %lt3A_172 = vector.broadcast %convert_element_type3A_151 : vector<16x1xf32> to vector<16x8xf32>
    %lt3A_173 = vector.broadcast %add3A_171 : vector<1x8xf32> to vector<16x8xf32>
    %lt3A_174 = arith.cmpf olt, %lt3A_172, %lt3A_173 : vector<16x8xf32>
    %convert_element_type3A_175 = arith.extui %lt3A_174 : vector<16x8xi1> to vector<16x8xi32>
    %convert_element_type3A_176 = arith.sitofp %convert_element_type3A_175 : vector<16x8xi32> to vector<16x8xf32>
    %mul3A_177 = arith.mulf %convert_element_type3A_170, %convert_element_type3A_176 : vector<16x8xf32>
    %reduce_sum3A_178 = arith.constant dense<0.000000e+00> : vector<16xf32>
    %reduce_sum3A_179 = vector.multi_reduction <add>, %mul3A_177, %reduce_sum3A_178 [1] : vector<16x8xf32> to vector<16xf32>
    %broadcast_in_dim3A_180 = vector.shape_cast %reduce_sum3A_179 : vector<16xf32> to vector<16x1xf32>
    %convert_element_type3A_181 = arith.fptosi %broadcast_in_dim3A_180 : vector<16x1xf32> to vector<16x1xi32>
    %swap3A_182 = arith.constant 0 : index
    %swap3A_183 = arith.constant 0 : index
    %swap3A_184 = vector.load %arg4[%swap3A_182, %swap3A_183] : memref<16x1xi32, #tpu.memory_space<vmem>>, vector<16x1xi32>
    tpu.vector_store %arg4[%swap3A_182, %swap3A_183], %convert_element_type3A_181 {strides = array<i32>} : memref<16x1xi32, #tpu.memory_space<vmem>>, vector<16x1xi32>,
    return
  }
}

module attributes {stable_mosaic.version = 14 : i64} {
  func.func @_gmm_kernel(%arg0: i32, %arg1: memref<16xi32, #tpu.memory_space<smem>>, %arg2: memref<16xi32, #tpu.memory_space<smem>>, %arg3: memref<512x768xf32, #tpu.memory_space<vmem>>, %arg4: memref<1x3072x768xf32, #tpu.memory_space<vmem>>, %arg5: memref<1x768x3072xf32, #tpu.memory_space<vmem>>, %arg6: memref<512x768xf32, #tpu.memory_space<vmem>>) attributes {dimension_semantics = [#tpu.dimension_semantics<arbitrary>], iteration_bounds = array<i64: 16>, scalar_prefetch = 2 : i64, scratch_operands = 0 : i64, tpu.core_type = #tpu.core_type<tc>, window_params = [{transform_indices = @transform_0, window_bounds = array<i64: 512, 768>}, {transform_indices = @transform_1, window_bounds = array<i64: 1, 3072, 768>}, {transform_indices = @transform_2, window_bounds = array<i64: 1, 768, 3072>}, {transform_indices = @transform_3, window_bounds = array<i64: 512, 768>}]} {
    %get3A = arith.index_cast %arg0 : i32 to index
    %get3A_0 = memref.load %arg2[%get3A] : memref<16xi32, #tpu.memory_space<smem>>
    %eq3A = arith.constant 1 : i32
    %eq3A_1 = arith.cmpi eq, %get3A_0, %eq3A : i32
    %convert_element_type3A = arith.extui %eq3A_1 : i1 to i32
    %cond3A = arith.constant 0 : i32
    %cond3A_2 = arith.cmpi ne, %convert_element_type3A, %cond3A : i32
    scf.if %cond3A_2 {
      %get3A_3 = arith.constant 0 : index
      %get3A_4 = arith.constant 0 : index
      %get3A_5 = vector.load %arg3[%get3A_3, %get3A_4] : memref<512x768xf32, #tpu.memory_space<vmem>>, vector<512x768xf32>
      %convert_element_type3A_6 = arith.truncf %get3A_5 : vector<512x768xf32> to vector<512x768xbf16>
      %get3A_7 = arith.constant 0 : index
      %get3A_8 = arith.constant 0 : index
      %get3A_9 = arith.constant 0 : index
      %get3A_10 = vector.load %arg4[%get3A_7, %get3A_8, %get3A_9] : memref<1x3072x768xf32, #tpu.memory_space<vmem>>, vector<1x768x768xf32>
      %get3A_11 = vector.shape_cast %get3A_10 : vector<1x768x768xf32> to vector<768x768xf32>
      %convert_element_type3A_12 = arith.truncf %get3A_11 : vector<768x768xf32> to vector<768x768xbf16>
      %dot_general3A = arith.constant dense<0.000000e+00> : vector<512x768xf32>
      %dot_general3A_13 = tpu.matmul %convert_element_type3A_6, %convert_element_type3A_12, %dot_general3A {dimension_numbers = #tpu.dot_dimension_numbers<[1], [1], [0], [0], [0, 0, 1, 0], [], []>, transpose_lhs_hint = false} : vector<512x768xbf16>, vector<768x768xbf16>, vector<512x768xf32> -> vector<512x768xf32>
      %logistic3A = arith.negf %dot_general3A_13 : vector<512x768xf32>
      %logistic3A_14 = math.exp %logistic3A : vector<512x768xf32>
      %logistic3A_15 = arith.constant 1.000000e+00 : f32
      %logistic3A_16 = vector.broadcast %logistic3A_15 : f32 to vector<512x768xf32>
      %logistic3A_17 = arith.addf %logistic3A_16, %logistic3A_14 : vector<512x768xf32>
      %logistic3A_18 = arith.divf %logistic3A_16, %logistic3A_17 : vector<512x768xf32>
      %mul3A = arith.mulf %dot_general3A_13, %logistic3A_18 : vector<512x768xf32>
      %convert_element_type3A_19 = arith.truncf %mul3A : vector<512x768xf32> to vector<512x768xbf16>
      %get3A_20 = arith.constant 0 : index
      %get3A_21 = arith.constant 0 : index
      %get3A_22 = arith.constant 0 : index
      %get3A_23 = vector.load %arg5[%get3A_20, %get3A_21, %get3A_22] : memref<1x768x3072xf32, #tpu.memory_space<vmem>>, vector<1x768x768xf32>
      %get3A_24 = vector.shape_cast %get3A_23 : vector<1x768x768xf32> to vector<768x768xf32>
      %convert_element_type3A_25 = arith.truncf %get3A_24 : vector<768x768xf32> to vector<768x768xbf16>
      %dot_general3A_26 = arith.constant dense<0.000000e+00> : vector<512x768xf32>
      %dot_general3A_27 = tpu.matmul %convert_element_type3A_19, %convert_element_type3A_25, %dot_general3A_26 {dimension_numbers = #tpu.dot_dimension_numbers<[1], [1], [0], [0], [0, 0, 1, 0], [], []>, transpose_lhs_hint = false} : vector<512x768xbf16>, vector<768x768xbf16>, vector<512x768xf32> -> vector<512x768xf32>
      %get3A_28 = arith.constant 0 : index
      %get3A_29 = arith.constant 768 : index
      %get3A_30 = arith.constant 0 : index
      %get3A_31 = vector.load %arg4[%get3A_28, %get3A_29, %get3A_30] : memref<1x3072x768xf32, #tpu.memory_space<vmem>>, vector<1x768x768xf32>
      %get3A_32 = vector.shape_cast %get3A_31 : vector<1x768x768xf32> to vector<768x768xf32>
      %convert_element_type3A_33 = arith.truncf %get3A_32 : vector<768x768xf32> to vector<768x768xbf16>
      %dot_general3A_34 = arith.constant dense<0.000000e+00> : vector<512x768xf32>
      %dot_general3A_35 = tpu.matmul %convert_element_type3A_6, %convert_element_type3A_33, %dot_general3A_34 {dimension_numbers = #tpu.dot_dimension_numbers<[1], [1], [0], [0], [0, 0, 1, 0], [], []>, transpose_lhs_hint = false} : vector<512x768xbf16>, vector<768x768xbf16>, vector<512x768xf32> -> vector<512x768xf32>
      %logistic3A_36 = arith.negf %dot_general3A_35 : vector<512x768xf32>
      %logistic3A_37 = math.exp %logistic3A_36 : vector<512x768xf32>
      %logistic3A_38 = arith.constant 1.000000e+00 : f32
      %logistic3A_39 = vector.broadcast %logistic3A_38 : f32 to vector<512x768xf32>
      %logistic3A_40 = arith.addf %logistic3A_39, %logistic3A_37 : vector<512x768xf32>
      %logistic3A_41 = arith.divf %logistic3A_39, %logistic3A_40 : vector<512x768xf32>
      %mul3A_42 = arith.mulf %dot_general3A_35, %logistic3A_41 : vector<512x768xf32>
      %convert_element_type3A_43 = arith.truncf %mul3A_42 : vector<512x768xf32> to vector<512x768xbf16>
      %get3A_44 = arith.constant 0 : index
      %get3A_45 = arith.constant 0 : index
      %get3A_46 = arith.constant 768 : index
      %get3A_47 = vector.load %arg5[%get3A_44, %get3A_45, %get3A_46] : memref<1x768x3072xf32, #tpu.memory_space<vmem>>, vector<1x768x768xf32>
      %get3A_48 = vector.shape_cast %get3A_47 : vector<1x768x768xf32> to vector<768x768xf32>
      %convert_element_type3A_49 = arith.truncf %get3A_48 : vector<768x768xf32> to vector<768x768xbf16>
      %dot_general3A_50 = arith.constant dense<0.000000e+00> : vector<512x768xf32>
      %dot_general3A_51 = tpu.matmul %convert_element_type3A_43, %convert_element_type3A_49, %dot_general3A_50 {dimension_numbers = #tpu.dot_dimension_numbers<[1], [1], [0], [0], [0, 0, 1, 0], [], []>, transpose_lhs_hint = false} : vector<512x768xbf16>, vector<768x768xbf16>, vector<512x768xf32> -> vector<512x768xf32>
      %add3A = arith.addf %dot_general3A_27, %dot_general3A_51 : vector<512x768xf32>
      %get3A_52 = arith.constant 0 : index
      %get3A_53 = arith.constant 1536 : index
      %get3A_54 = arith.constant 0 : index
      %get3A_55 = vector.load %arg4[%get3A_52, %get3A_53, %get3A_54] : memref<1x3072x768xf32, #tpu.memory_space<vmem>>, vector<1x768x768xf32>
      %get3A_56 = vector.shape_cast %get3A_55 : vector<1x768x768xf32> to vector<768x768xf32>
      %convert_element_type3A_57 = arith.truncf %get3A_56 : vector<768x768xf32> to vector<768x768xbf16>
      %dot_general3A_58 = arith.constant dense<0.000000e+00> : vector<512x768xf32>
      %dot_general3A_59 = tpu.matmul %convert_element_type3A_6, %convert_element_type3A_57, %dot_general3A_58 {dimension_numbers = #tpu.dot_dimension_numbers<[1], [1], [0], [0], [0, 0, 1, 0], [], []>, transpose_lhs_hint = false} : vector<512x768xbf16>, vector<768x768xbf16>, vector<512x768xf32> -> vector<512x768xf32>
      %logistic3A_60 = arith.negf %dot_general3A_59 : vector<512x768xf32>
      %logistic3A_61 = math.exp %logistic3A_60 : vector<512x768xf32>
      %logistic3A_62 = arith.constant 1.000000e+00 : f32
      %logistic3A_63 = vector.broadcast %logistic3A_62 : f32 to vector<512x768xf32>
      %logistic3A_64 = arith.addf %logistic3A_63, %logistic3A_61 : vector<512x768xf32>
      %logistic3A_65 = arith.divf %logistic3A_63, %logistic3A_64 : vector<512x768xf32>
      %mul3A_66 = arith.mulf %dot_general3A_59, %logistic3A_65 : vector<512x768xf32>
      %convert_element_type3A_67 = arith.truncf %mul3A_66 : vector<512x768xf32> to vector<512x768xbf16>
      %get3A_68 = arith.constant 0 : index
      %get3A_69 = arith.constant 0 : index
      %get3A_70 = arith.constant 1536 : index
      %get3A_71 = vector.load %arg5[%get3A_68, %get3A_69, %get3A_70] : memref<1x768x3072xf32, #tpu.memory_space<vmem>>, vector<1x768x768xf32>
      %get3A_72 = vector.shape_cast %get3A_71 : vector<1x768x768xf32> to vector<768x768xf32>
      %convert_element_type3A_73 = arith.truncf %get3A_72 : vector<768x768xf32> to vector<768x768xbf16>
      %dot_general3A_74 = arith.constant dense<0.000000e+00> : vector<512x768xf32>
      %dot_general3A_75 = tpu.matmul %convert_element_type3A_67, %convert_element_type3A_73, %dot_general3A_74 {dimension_numbers = #tpu.dot_dimension_numbers<[1], [1], [0], [0], [0, 0, 1, 0], [], []>, transpose_lhs_hint = false} : vector<512x768xbf16>, vector<768x768xbf16>, vector<512x768xf32> -> vector<512x768xf32>
      %add3A_76 = arith.addf %add3A, %dot_general3A_75 : vector<512x768xf32>
      %get3A_77 = arith.constant 0 : index
      %get3A_78 = arith.constant 2304 : index
      %get3A_79 = arith.constant 0 : index
      %get3A_80 = vector.load %arg4[%get3A_77, %get3A_78, %get3A_79] : memref<1x3072x768xf32, #tpu.memory_space<vmem>>, vector<1x768x768xf32>
      %get3A_81 = vector.shape_cast %get3A_80 : vector<1x768x768xf32> to vector<768x768xf32>
      %convert_element_type3A_82 = arith.truncf %get3A_81 : vector<768x768xf32> to vector<768x768xbf16>
      %dot_general3A_83 = arith.constant dense<0.000000e+00> : vector<512x768xf32>
      %dot_general3A_84 = tpu.matmul %convert_element_type3A_6, %convert_element_type3A_82, %dot_general3A_83 {dimension_numbers = #tpu.dot_dimension_numbers<[1], [1], [0], [0], [0, 0, 1, 0], [], []>, transpose_lhs_hint = false} : vector<512x768xbf16>, vector<768x768xbf16>, vector<512x768xf32> -> vector<512x768xf32>
      %logistic3A_85 = arith.negf %dot_general3A_84 : vector<512x768xf32>
      %logistic3A_86 = math.exp %logistic3A_85 : vector<512x768xf32>
      %logistic3A_87 = arith.constant 1.000000e+00 : f32
      %logistic3A_88 = vector.broadcast %logistic3A_87 : f32 to vector<512x768xf32>
      %logistic3A_89 = arith.addf %logistic3A_88, %logistic3A_86 : vector<512x768xf32>
      %logistic3A_90 = arith.divf %logistic3A_88, %logistic3A_89 : vector<512x768xf32>
      %mul3A_91 = arith.mulf %dot_general3A_84, %logistic3A_90 : vector<512x768xf32>
      %convert_element_type3A_92 = arith.truncf %mul3A_91 : vector<512x768xf32> to vector<512x768xbf16>
      %get3A_93 = arith.constant 0 : index
      %get3A_94 = arith.constant 0 : index
      %get3A_95 = arith.constant 2304 : index
      %get3A_96 = vector.load %arg5[%get3A_93, %get3A_94, %get3A_95] : memref<1x768x3072xf32, #tpu.memory_space<vmem>>, vector<1x768x768xf32>
      %get3A_97 = vector.shape_cast %get3A_96 : vector<1x768x768xf32> to vector<768x768xf32>
      %convert_element_type3A_98 = arith.truncf %get3A_97 : vector<768x768xf32> to vector<768x768xbf16>
      %dot_general3A_99 = arith.constant dense<0.000000e+00> : vector<512x768xf32>
      %dot_general3A_100 = tpu.matmul %convert_element_type3A_92, %convert_element_type3A_98, %dot_general3A_99 {dimension_numbers = #tpu.dot_dimension_numbers<[1], [1], [0], [0], [0, 0, 1, 0], [], []>, transpose_lhs_hint = false} : vector<512x768xbf16>, vector<768x768xbf16>, vector<512x768xf32> -> vector<512x768xf32>
      %add3A_101 = arith.addf %add3A_76, %dot_general3A_100 : vector<512x768xf32>
      %swap3A = arith.constant 0 : index
      %swap3A_102 = arith.constant 0 : index
      %swap3A_103 = vector.load %arg6[%swap3A, %swap3A_102] : memref<512x768xf32, #tpu.memory_space<vmem>>, vector<512x768xf32>
      tpu.vector_store %arg6[%swap3A, %swap3A_102], %add3A_101 {strides = array<i32>} : memref<512x768xf32, #tpu.memory_space<vmem>>, vector<512x768xf32>,
    } else {
    }
    return
  }
  func.func @transform_0(%arg0: i32, %arg1: memref<16xi32, #tpu.memory_space<smem>>, %arg2: memref<16xi32, #tpu.memory_space<smem>>) -> (i32, i32) {
    %get3A = arith.index_cast %arg0 : i32 to index
    %get3A_0 = memref.load %arg2[%get3A] : memref<16xi32, #tpu.memory_space<smem>>
    %eq3A = arith.constant 1 : i32
    %eq3A_1 = arith.cmpi eq, %get3A_0, %eq3A : i32
    %jit3A = arith.constant 15 : i32
    %select_n3A = arith.select %eq3A_1, %arg0, %jit3A : i32
    %c0_i32 = arith.constant 0 : i32
    %c0_i32_2 = arith.constant 0 : i32
    return %select_n3A, %c0_i32 : i32, i32
  }
  func.func @transform_1(%arg0: i32, %arg1: memref<16xi32, #tpu.memory_space<smem>>, %arg2: memref<16xi32, #tpu.memory_space<smem>>) -> (i32, i32, i32) {
    %get3A = arith.index_cast %arg0 : i32 to index
    %get3A_0 = memref.load %arg1[%get3A] : memref<16xi32, #tpu.memory_space<smem>>
    %c0_i32 = arith.constant 0 : i32
    %c0_i32_1 = arith.constant 0 : i32
    %c0_i32_2 = arith.constant 0 : i32
    return %get3A_0, %c0_i32, %c0_i32_1 : i32, i32, i32
  }
  func.func @transform_2(%arg0: i32, %arg1: memref<16xi32, #tpu.memory_space<smem>>, %arg2: memref<16xi32, #tpu.memory_space<smem>>) -> (i32, i32, i32) {
    %get3A = arith.index_cast %arg0 : i32 to index
    %get3A_0 = memref.load %arg1[%get3A] : memref<16xi32, #tpu.memory_space<smem>>
    %c0_i32 = arith.constant 0 : i32
    %c0_i32_1 = arith.constant 0 : i32
    %c0_i32_2 = arith.constant 0 : i32
    return %get3A_0, %c0_i32, %c0_i32_1 : i32, i32, i32
  }
  func.func @transform_3(%arg0: i32, %arg1: memref<16xi32, #tpu.memory_space<smem>>, %arg2: memref<16xi32, #tpu.memory_space<smem>>) -> (i32, i32) {
    %get3A = arith.index_cast %arg0 : i32 to index
    %get3A_0 = memref.load %arg2[%get3A] : memref<16xi32, #tpu.memory_space<smem>>
    %eq3A = arith.constant 1 : i32
    %eq3A_1 = arith.cmpi eq, %get3A_0, %eq3A : i32
    %jit3A = arith.constant 15 : i32
    %select_n3A = arith.select %eq3A_1, %arg0, %jit3A : i32
    %c0_i32 = arith.constant 0 : i32
    %c0_i32_2 = arith.constant 0 : i32
    return %select_n3A, %c0_i32 : i32, i32
  }
}

</mosaic_0001>

<sc_bundles>
// kernel: kernel.6.cloned.1.call-start
scs
__scs_entry_jumppad:
0x0: {  	(pc) =	sbr.rel $0x88, $3  }
0x1: {  	(tag) =	ssettag $0x0;
	lr =	simm.s32 $0x1  }
0x2: {  	[smem:$0x3F9D] =	sst lr;
	_ =	strace $0xD0000000  }
0x3: {  	_ = 	snop  }
0x4: {  	_ = 	snop  }
0x5: {  	_ = 	snop  }
0x6: {  	_ = 	snop  }
0x7: {  	_ = 	snop  }
__scs_overlays_trampoline_lowered:
0x8: {  	[smem:$0x3FAC] =	sst s0  }
0x9: {  	[smem:$0x3FAD] =	sst s1  }
0xa: {  	[smem:$0x3FAE] =	sst s2  }
0xb: {  	[smem:$0x3FAF] =	sst s3  }
0xc: {  	[smem:$0x3FB0] =	sst s4  }
0xd: {  	[smem:$0x3FB1] =	sst s5  }
0xe: {  	[smem:$0x3FB2] =	sst s6  }
0xf: {  	[smem:$0x3FB3] =	sst s7  }
0x10: {  	[smem:$0x3FB4] =	sst s8  }
0x11: {  	[smem:$0x3FB5] =	sst s9;
	s0 =	simm.s32 @!p0 $0x0  }
0x12: {  	s1 =	sld [smem:$0x3F9B];
	s0 =	simm.s32 @p0 $0x1  }
0x13: {  	[smem:$0x3FB6] =	sst s0;
	s0 =	simm.s32 @!p1 $0x0  }
0x14: {  	s2 =	sld [smem:$0x3F9A];
	s0 =	simm.s32 @p1 $0x1  }
0x15: {  	[smem:$0x3FB7] =	sst s0;
	s0 =	simm.s32 @!p2 $0x0  }
0x16: {  	s3 =	sld [smem:$0x3FDB];
	s0 =	simm.s32 @p2 $0x1  }
0x17: {  	s4 =	simm.s32 $0x1BF5;
	[smem:$0x3FB9] =	sst s0  }
0x18: {  	s0 =	sld [smem:$0x3F9C];
	_ =	swait.ge [sflag:s4], $0x0  }
0x19: {  	s7 =	sld [smem:$0x3F9D]  }
0x1a: {  	s8 =	sadd.s32 $0xFFFFE003, lr  }
0x1b: {  	s9 =	sadd.s32 $0xFFFFFEF7, lr;
	s5 =	simm.s32 $0xFFFFFFFF;
	p2 =	slt.u32 s8, $0xFFFFF086  }
0x1c: {  	p1 =	slt.u32 s9, $0xF7A;
	s5 =	simm.s32 @!p2 $0x0  }
0x1d: {  	s5 =	simm.s32 @p1 $0x1;
	p0 =	seq.s32 s7, s2  }
0x1e: {  	s7 =	smul.u32 @!p0 $0xF7A, s2;
	p2 =	seq.s32 @!p0 s5, $0x0  }
0x1f: {  	s9 =	smul.u32 $0xF7A, s1;
	s8 =	simm.s32 @!p0 $0x1BF5;
	p2 =	por !p2, p0  }
0x20: {  	[sflag:s8] =	ssyncset.s32 @!p0 $0xFFFFF086;
	s6 =	sadd.s32 @!p0 s3, s7;
	s7 =	simm.s32 @!p0 $0x108  }
0x21: {  	s3 =	sadd.s32 s3, s9;
	s6 =	sadd.s32 @!p0 $0x88, s6;
	s7 =	simm.s32 @p2 $0x1082  }
0x22: {  	[simem:s7], [sflag:s8] =	dma.local @!p0 [hbm:s6], $0xF7A  }
0x23: {  	s9 =	sor.u32 $0xD0000000, s2;
	s6 =	simm.s32 $0x108;
	_ =	swait.ge @!p0 [sflag:s8], $0x0  }
0x24: {  	s3 =	sadd.s32 $0x88, s3;
	s6 =	simm.s32 @!p1 $0x1082;
	[sflag:s4] =	ssyncset.s32 $0xFFFFF086  }
0x25: {  	[simem:s6], [sflag:s4] =	dma.local [hbm:s3], $0xF7A  }
0x26: {  	[smem:$0x3F9D] =	sst s1;
	(tag) =	ssettag s2;
	_ =	strace s9  }
0x27: {  	s1 =	sld [smem:$0x3FAD]  }
0x28: {  	s2 =	sld [smem:$0x3FAE]  }
0x29: {  	s4 =	sld [smem:$0x3FB0]  }
0x2a: {  	p0 =	seq.s32 s5, $0x0;
	s5 =	sld [smem:$0x3FB1]  }
0x2b: {  	s6 =	sld [smem:$0x3FB2]  }
0x2c: {  	s7 =	sld [smem:$0x3FB3]  }
0x2d: {  	s3 =	simm.s32 $0x108;
	s8 =	sld [smem:$0x3FB4]  }
0x2e: {  	s3 =	simm.s32 @!p0 $0x1082;
	s9 =	sld [smem:$0x3FB5]  }
0x2f: {  	lr =	sadd.s32 s0, s3;
	s0 =	sld [smem:$0x3FAC]  }
0x30: {  	s3 =	sld [smem:$0x3FAF]  }
0x31: {  	[smem:$0x3FB8] =	sst s10  }
0x32: {  	s10 =	sld [smem:$0x3FB6];
	_ =	sdelay $0x3  }
0x33: {  	p0 =	seq.s32 s10, $0x1;
	s10 =	sld [smem:$0x3FB8];
	_ =	sdelay $0x3  }
0x34: {  	[smem:$0x3FB8] =	sst s10  }
0x35: {  	s10 =	sld [smem:$0x3FB7];
	_ =	sdelay $0x3  }
0x36: {  	p1 =	seq.s32 s10, $0x1;
	s10 =	sld [smem:$0x3FB8];
	_ =	sdelay $0x3  }
0x37: {  	[smem:$0x3FB8] =	sst s10  }
0x38: {  	s10 =	sld [smem:$0x3FB9]  }
0x39: {  	_ = 	snop;
	(pc) =	sbr.ind lr, $3  }
0x3a: {  	_ = 	snop  }
0x3b: {  	_ = 	snop  }
0x3c: {  	p2 =	seq.s32 s10, $0x1;
	s10 =	sld [smem:$0x3FB8]  }
0x3d: {  	_ =	shalt  }
0x3e: {  	_ =	shalt  }
0x3f: {  	_ =	shalt  }
0x40: {  	_ =	shalt  }
0x41: {  	_ =	shalt  }
0x42: {  	_ =	shalt  }
0x43: {  	_ =	shalt  }
0x44: {  	_ =	shalt  }
0x45: {  	_ =	shalt  }
0x46: {  	_ =	shalt  }
0x47: {  	_ =	shalt  }
0x48: {  	_ =	shalt  }
0x49: {  	_ =	shalt  }
0x4a: {  	_ =	shalt  }
0x4b: {  	_ =	shalt  }
0x4c: {  	_ =	shalt  }
0x4d: {  	_ =	shalt  }
0x4e: {  	_ =	shalt  }
0x4f: {  	_ =	shalt  }
0x50: {  	_ =	shalt  }
0x51: {  	_ =	shalt  }
0x52: {  	_ =	shalt  }
0x53: {  	_ =	shalt  }
0x54: {  	_ =	shalt  }
0x55: {  	_ =	shalt  }
0x56: {  	_ =	shalt  }
0x57: {  	_ =	shalt  }
0x58: {  	_ =	shalt  }
0x59: {  	_ =	shalt  }
0x5a: {  	_ =	shalt  }
0x5b: {  	_ =	shalt  }
0x5c: {  	_ =	shalt  }
0x5d: {  	_ =	shalt  }
0x5e: {  	_ =	shalt  }
0x5f: {  	_ =	shalt  }
0x60: {  	_ =	shalt  }
0x61: {  	_ =	shalt  }
0x62: {  	_ =	shalt  }
0x63: {  	_ =	shalt  }
0x64: {  	_ =	shalt  }
0x65: {  	_ =	shalt  }
0x66: {  	_ =	shalt  }
0x67: {  	_ =	shalt  }
0x68: {  	_ =	shalt  }
0x69: {  	_ =	shalt  }
0x6a: {  	_ =	shalt  }
0x6b: {  	_ =	shalt  }
0x6c: {  	_ =	shalt  }
0x6d: {  	_ =	shalt  }
0x6e: {  	_ =	shalt  }
0x6f: {  	_ =	shalt  }
0x70: {  	_ =	shalt  }
0x71: {  	_ =	shalt  }
0x72: {  	_ =	shalt  }
0x73: {  	_ =	shalt  }
0x74: {  	_ =	shalt  }
0x75: {  	_ =	shalt  }
0x76: {  	_ =	shalt  }
0x77: {  	_ =	shalt  }
0x78: {  	_ =	shalt  }
0x79: {  	_ =	shalt  }
0x7a: {  	_ =	shalt  }
0x7b: {  	_ =	shalt  }
0x7c: {  	_ =	shalt  }
0x7d: {  	_ =	shalt  }
0x7e: {  	_ =	shalt  }
0x7f: {  	_ =	shalt  }
0x80: {  	_ =	shalt  }
0x81: {  	_ =	shalt  }
0x82: {  	_ =	shalt  }
0x83: {  	_ =	shalt  }
0x84: {  	_ =	shalt  }
0x85: {  	_ =	shalt  }
0x86: {  	_ =	shalt  }
0x87: {  	_ =	shalt  }
.Lfunc_end0:
.L_simem_size_0:
called_computation_lowered:
.L_overlay_start_0:
0x88: {  	s2 =	sld [smem:$0x3FD9]  }
0x89: {  	s3 =	sld [smem:$0x3FFE];
	_ =	sdelay $0x1  }
0x8a: {  	s1 =	srdreg.scid  }
0x8b: {  	s0 =	sand.u32 $0x1, s1  }
0x8c: {  	s17 =	sshll.u32 s0, $0xA;
	s2 =	sadd.s32 s3, s2  }
0x8d: {  	s2 =	sadd.s32 s2, s17  }
0x8e: {  	[smem:$0x3FC4] =	sst s2  }
0x8f: {  	_ = 	snop  }
0x90: {  	s2 =	sld [smem:$0x3FC9];
	(tm) =	ssettm $0x1  }
0x91: {  	s18 =	sld [smem:$0x3FFB];
	_ =	sdelay $0x3  }
0x92: {  	_ =	strace s18  }
0x93: {  	s3 =	sld [smem:$0x3FFC];
	_ =	sdelay $0x3  }
0x94: {  	_ =	strace s3  }
0x95: {  	s3 =	sld [smem:$0x3FFD];
	_ =	sdelay $0x3  }
0x96: {  	_ =	strace s3  }
0x97: {  	_ =	strace $0x8FFFFFFF  }
0x98: {  	s19 =	sld [smem:$0x3FDB];
	_ =	sdelay $0x1  }
0x99: {  	s4 =	simm.s32 $_scs_section_size  }
0x9a: {  	s5 =	simm.s32 $_size__tile_overlayer_lowered;
	s6 =	simm.s32 $_tile_overlayer_lowered  }
0x9b: {  	s22 =	simm.s32 $0x1BFF;
	s21 =	sshll.u32 s6, $0x1;
	s3 =	sadd.s32 s4, s19  }
0x9c: {  	s7 =	simm.s32 $0x0;
	s20 =	sshll.u32 s5, $0x1;
	s5 =	sadd.s32 s21, s3  }
0x9d: {  	[timem:s7], [sflag:s22] =	dma.local [hbm:s5], s20  }
0x9e: {  	_ =	swait.ge [sflag:s22], s20  }
0x9f: {  	s4 =	ssub.s32 $0x0, s20;
	[sflag:s22] =	ssyncset.done $0x0  }
0xa0: {  	[sflag:s22] =	ssyncadd.s32 s4;
	_ =	sdelay $0x1  }
0xa1: {  	s23 =	simm.s32 $0x1B8B  }
0xa2: {  	_ =	swait.ge [sflag:s23], $0x1  }
0xa3: {  	[sflag:s23] =	ssyncset.done $0x0  }
0xa4: {  	s25 =	simm.s32 $0x1B8E;
	s24 =	sld [smem:$0x3FFE];
	[sflag:s23] =	ssyncadd.s32 $0xFFFFFFFF  }
0xa5: {  	s26 =	simm.s32 $execute0_lowered;
	[smem:$0x3FD2] =	sst s25  }
0xa6: {  	s5 =	sshll.u32 s26, $0x1;
	_ =	strace $0x80000046;
	[dreg:$0x1] =	wrdreg $0xFFFFFFFF  }
0xa7: {  	s28 =	simm.s32 $_size_execute0_lowered;
	s3 =	sadd.s32 s3, s5;
	[dreg:$0x0] =	wrdreg $0x0  }
0xa8: {  	s5 =	sshll.u32 s28, $0x1;
	[dreg:$0x2] =	wrdreg s3  }
0xa9: {  	[dreg:$0x3] =	wrdreg s5  }
0xaa: {  	[dreg:$0x4] =	wrdreg $0xC0  }
0xab: {  	_ =	task [dreg:s7], $0x5FFFF  }
0xac: {  	[dreg:$0x1] =	wrdreg $0xFFFFFFFF  }
0xad: {  	[dreg:$0x0] =	wrdreg $0x60  }
0xae: {  	[dreg:$0x2] =	wrdreg s2  }
0xaf: {  	[dreg:$0x3] =	wrdreg s24  }
0xb0: {  	[dreg:$0x4] =	wrdreg $0x9  }
0xb1: {  	_ =	task.clear_ibuf [dreg:s7], $0x5FFFF;
	_ =	strace $0x90000046  }
0xb2: {  	s29 =	simm.s32 $0x9;
	_ =	strace $0x80000048  }
0xb3: {  	_ =	swait.ge [sflag:s29], $0x1  }
0xb4: {  	[sflag:s29] =	ssyncadd.s32 $0xFFFFFFFF  }
0xb5: {  	_ =	strace $0x90000048  }
0xb6: {  	_ =	sfence  }
0xb7: {  	s30 =	sld [smem:$0x0];
	_ =	sdelay $0x2  }
0xb8: {  	s31 =	sshll.u32 s1, $0xD;
	s1 =	sshrl.u32 s1, $0x2  }
0xb9: {  	s3 =	sand.u32 $0x4000, s31;
	s1 =	sadd.s32 s1, s30  }
0xba: {  	s0 =	sor.u32 s3, s0;
	s1 =	sshll.u32 s1, $0x11  }
0xbb: {  	s0 =	sor.u32 s1, s0  }
0xbc: {  	s0 =	sadd.s32 $0x8F2B, s0  }
0xbd: {  	[sflag:s0] =	ssyncadd.remote.s32 $0x1  }
0xbe: {  	_ =	sfence.sel $0xFFFF  }
0xbf: {  	[dreg:$0x0] =	wrdreg $0xFFFFFFFF;
	(pc) =	sbr.abs _section_cstart, $3  }
0xc0: {  	[dreg:$0x1] =	wrdreg $0xFFFFFFFF  }
0xc1: {  	_ =	task.clear_ibuf [dreg:s7], $0x2FFFF;
	_ =	strace $0x9FFFFFFF  }
0xc2: {  	(tm) =	ssettm $0x7FFFFFFF  }
0xc3: {  	_ =	shalt  }
tec
execute0_lowered:
.L_overlay_start_1:
0x0: {  	(tag) =	ssettag $0x1  }
0x1: {  	s1 =	srdreg.scid  }
0x2: {  	s0 =	stileid.u32;
	s1 =	sand.u32 $0x1, s1  }
0x3: {  	s3 =	rddreg [dreg:$0x0];
	s2 =	sshll.u32 s0, $0x5;
	s4 =	sshll.u32 s1, $0x4  }
0x4: {  	s5 =	rddreg [dreg:$0x1];
	s4 =	sor.u32 s4, s2;
	s2 =	simm.s32 $0x0  }
0x5: {  	s25 =	simm.s32 $0x18000;
	[smem:$0x7FF] =	sst s2  }
0x6: {  	s26 =	simm.s32 $0x800;
	_ =	strace $0x80000047;
	[dreg:$0x5] =	wrdreg s25  }
0x7: {  	s0 =	simm.s32 $0x1000;
	[dreg:$0x6] =	wrdreg s26  }
0x8: {  	s7 =	simm.s32 $0x2800;
	[dreg:$0x7] =	wrdreg s0  }
0x9: {  	s8 =	simm.s32 $0x3000;
	[dreg:$0xa] =	wrdreg s7  }
0xa: {  	s9 =	simm.s32 $0x3800;
	[dreg:$0xb] =	wrdreg s8  }
0xb: {  	s10 =	simm.s32 $0x4000;
	[dreg:$0xc] =	wrdreg s9  }
0xc: {  	s11 =	simm.s32 $0x4800;
	[dreg:$0xd] =	wrdreg s10  }
0xd: {  	s12 =	simm.s32 $0x5000;
	s13 =	simm.s32 $0x5800;
	[dreg:$0xe] =	wrdreg s11  }
0xe: {  	s14 =	simm.s32 $0x6000;
	s15 =	simm.s32 $0x6800;
	[dreg:$0xf] =	wrdreg s12  }
0xf: {  	s16 =	simm.s32 $0x7000;
	s17 =	simm.s32 $0x7800;
	[dreg:$0x10] =	wrdreg s13  }
0x10: {  	s18 =	simm.s32 $0x8000;
	s19 =	simm.s32 $0x8800;
	[dreg:$0x11] =	wrdreg s14  }
0x11: {  	s21 =	simm.s32 $0x9000;
	s22 =	simm.s32 $0x9800;
	[dreg:$0x12] =	wrdreg s15  }
0x12: {  	s23 =	simm.s32 $0xA000;
	s24 =	simm.s32 $0xB000;
	[dreg:$0x13] =	wrdreg s16  }
0x13: {  	s28 =	simm.s32 $0x15800;
	s29 =	simm.s32 $0x16000;
	[dreg:$0x14] =	wrdreg s17  }
0x14: {  	s30 =	simm.s32 $0x16800;
	s1 =	ssub.s32 $0x2, s1;
	[dreg:$0x15] =	wrdreg s18  }
0x15: {  	s31 =	simm.s32 $0x17000;
	s20 =	sshrl.u32 s1, $0x1;
	[dreg:$0x16] =	wrdreg s19  }
0x16: {  	s6 =	sand.u32 $0xF0, s4;
	s4 =	sadd.s32 s4, s5;
	[dreg:$0x17] =	wrdreg s21  }
0x17: {  	s1 =	ssub.s32 s1, s20;
	s20 =	simm.s32 $0x12000;
	[dreg:$0x18] =	wrdreg s22  }
0x18: {  	s6 =	smul.u32 $0x300, s6;
	s4 =	sadd.s32 $0x10000, s4;
	[dreg:$0x19] =	wrdreg s23  }
0x19: {  	s7 =	simm.s32 $0xA800;
	[dreg:$0x1b] =	wrdreg s24;
	s25 =	simm.s32 $0xB800  }
0x1a: {  	s8 =	simm.s32 $0x2;
	s26 =	simm.s32 $0xC000;
	s11 =	simm.s32 $0xD800  }
0x1b: {  	s12 =	simm.s32 $0xE000;
	s13 =	simm.s32 $0xE800;
	s14 =	simm.s32 $0xF000  }
0x1c: {  	s15 =	simm.s32 $0xF800;
	s16 =	simm.s32 $0x10000;
	s17 =	simm.s32 $0x10800  }
0x1d: {  	s18 =	simm.s32 $0x11000;
	s19 =	simm.s32 $0x11800;
	[dreg:$0x3] =	wrdreg s4  }
0x1e: {  	s21 =	simm.s32 $0x12800;
	s22 =	simm.s32 $0x13000;
	[dreg:$0x1a] =	wrdreg s7  }
0x1f: {  	s23 =	simm.s32 $0x13800;
	s24 =	simm.s32 $0x14000;
	[dreg:$0x1c] =	wrdreg s25  }
0x20: {  	s4 =	simm.s32 $0x1800;
	s7 =	simm.s32 $0x1;
	[dreg:$0x1d] =	wrdreg s26  }
0x21: {  	s25 =	simm.s32 $0x14800;
	s3 =	sadd.s32 s3, s6;
	[dreg:$0x8] =	wrdreg s4  }
0x22: {  	v2 =	vlaneseq.u32;
	s26 =	simm.s32 $0x15000;
	s6 =	simm.s32 $0x2000;
	[dreg:$0x4] =	wrdreg s3  }
0x23: {  	vm0 =	vmmov $0xffff;
	v1 =	vshrl.u32 v2, $0x3;
	s4 =	sadd.s32 $0x10300, s5;
	[dreg:$0x9] =	wrdreg s6;
	s3 =	sadd.s32 $0x10200, s5  }
0x24: {  	v0 =	vand.u32 $0x7, v2;
	v2 =	vor.u32 $0x8, v2;
	v1 =	vmul.u32 $0x8, v1;
	s5 =	sadd.s32 $0x10400, s5;
	s6 =	smax.u32 s1, $0x1;
	s1 =	simm.s32 $0x17800  }
.LBB2_1:
0x25: {  	s0 =	rddreg [dreg:$0x3]  }
0x26: {  	s9 =	rddreg [dreg:$0x5]  }
0x27: {  	[tilespmem:s9], [sflag:$0x1] =	stream.linear.gather [hbm4b:s0+s2], $0x80, $0x38;
	[tilespmem:$0x18080] =	vst v63  }
0x28: {  	s10 =	rddreg [dreg:$0x4]  }
0x29: {  	[tilespmem:s2], [sflag:$0x2] =	stream.linear.gather [hbm4b:s10+s2], $0x18000, $0x38;
	[tilespmem:$0x18080] =	vst v63  }
0x2a: {  	_ =	swait.ge [sflag:s7], $0x80  }
0x2b: {  	[sflag:s7] =	ssyncset.done $0x0  }
0x2c: {  	[sflag:s7] =	ssyncadd.s32 $0xFFFFFF80  }
0x2d: {  	_ =	swait.ge [sflag:s8], $0x18000  }
0x2e: {  	[sflag:s8] =	ssyncset.done $0x0  }
0x2f: {  	[sflag:s8] =	ssyncadd.s32 $0xFFFE8000  }
0x30: {  	v3 =	vld [tilespmem:$0x18000];
	_ =	sdelay $0x4  }
0x31: {  	v4 =	vshrl.u32 v3, $0x3  }
0x32: {  	v4 =	vmul.u32 $0x30, v4  }
0x33: {  	v3 =	vand.u32 $0x7, v3  }
0x34: {  	v3 =	vor.u32 v3, v4  }
0x35: {  	v4 =	vperm.xlane v3, v0;
	_ =	sdelay $0x1  }
0x36: {  	v4 =	vadd.s32 v1, v4;
	_ =	sdelay $0x3  }
0x37: {  	v3 =	vperm.xlane v3, v2  }
0x38: {  	[hbm4b:s3+s2] =	stream.indirect_vreg.scatter [tilespmem:s2], [sflag:$0x2], $0x80, v4, vm0, $0xb8;
	[tilespmem:$0x18080] =	vst v63  }
0x39: {  	s10 =	rddreg [dreg:$0x6];
	v3 =	vadd.s32 v1, v3  }
0x3a: {  	[hbm4b:s4+s2] =	stream.indirect_vreg.scatter [tilespmem:s10], [sflag:$0x2], $0x80, v4, vm0, $0xb8;
	[tilespmem:$0x18080] =	vst v63  }
0x3b: {  	s9 =	rddreg [dreg:$0x7]  }
0x3c: {  	[hbm4b:s5+s2] =	stream.indirect_vreg.scatter [tilespmem:s9], [sflag:$0x2], $0x80, v4, vm0, $0xb8;
	[tilespmem:$0x18080] =	vst v63  }
0x3d: {  	s10 =	rddreg [dreg:$0x8]  }
0x3e: {  	[hbm4b:s3+s2] =	stream.indirect_vreg.scatter [tilespmem:s10], [sflag:$0x2], $0x80, v3, vm0, $0xb8;
	[tilespmem:$0x18080] =	vst v63  }
0x3f: {  	s9 =	rddreg [dreg:$0x9]  }
0x40: {  	[hbm4b:s4+s2] =	stream.indirect_vreg.scatter [tilespmem:s9], [sflag:$0x2], $0x80, v3, vm0, $0xb8;
	[tilespmem:$0x18080] =	vst v63  }
0x41: {  	s10 =	rddreg [dreg:$0xa]  }
0x42: {  	[hbm4b:s5+s2] =	stream.indirect_vreg.scatter [tilespmem:s10], [sflag:$0x2], $0x80, v3, vm0, $0xb8;
	[tilespmem:$0x18080] =	vst v63  }
0x43: {  	v3 =	vld [tilespmem:$0x18010];
	_ =	sdelay $0x4  }
0x44: {  	v57 =	vshrl.u32 v3, $0x3  }
0x45: {  	v4 =	vmul.u32 $0x30, v57  }
0x46: {  	v3 =	vand.u32 $0x7, v3  }
0x47: {  	v3 =	vor.u32 v3, v4  }
0x48: {  	v4 =	vperm.xlane v3, v0;
	_ =	sdelay $0x1  }
0x49: {  	v4 =	vadd.s32 v1, v4;
	_ =	sdelay $0x3  }
0x4a: {  	s9 =	rddreg [dreg:$0xb];
	v3 =	vperm.xlane v3, v2  }
0x4b: {  	[hbm4b:s3+s2] =	stream.indirect_vreg.scatter [tilespmem:s9], [sflag:$0x2], $0x80, v4, vm0, $0xb8;
	[tilespmem:$0x18080] =	vst v63  }
0x4c: {  	s10 =	rddreg [dreg:$0xc];
	v3 =	vadd.s32 v1, v3  }
0x4d: {  	[hbm4b:s4+s2] =	stream.indirect_vreg.scatter [tilespmem:s10], [sflag:$0x2], $0x80, v4, vm0, $0xb8;
	[tilespmem:$0x18080] =	vst v63  }
0x4e: {  	s0 =	rddreg [dreg:$0xd]  }
0x4f: {  	[hbm4b:s5+s2] =	stream.indirect_vreg.scatter [tilespmem:s0], [sflag:$0x2], $0x80, v4, vm0, $0xb8;
	[tilespmem:$0x18080] =	vst v63  }
0x50: {  	s10 =	rddreg [dreg:$0xe]  }
0x51: {  	[hbm4b:s3+s2] =	stream.indirect_vreg.scatter [tilespmem:s10], [sflag:$0x2], $0x80, v3, vm0, $0xb8;
	[tilespmem:$0x18080] =	vst v63  }
0x52: {  	s0 =	rddreg [dreg:$0xf]  }
0x53: {  	[hbm4b:s4+s2] =	stream.indirect_vreg.scatter [tilespmem:s0], [sflag:$0x2], $0x80, v3, vm0, $0xb8;
	[tilespmem:$0x18080] =	vst v63  }
0x54: {  	s10 =	rddreg [dreg:$0x10]  }
0x55: {  	[hbm4b:s5+s2] =	stream.indirect_vreg.scatter [tilespmem:s10], [sflag:$0x2], $0x80, v3, vm0, $0xb8;
	[tilespmem:$0x18080] =	vst v63  }
0x56: {  	v3 =	vld [tilespmem:$0x18020];
	_ =	sdelay $0x4  }
0x57: {  	v58 =	vshrl.u32 v3, $0x3  }
0x58: {  	v4 =	vmul.u32 $0x30, v58  }
0x59: {  	v3 =	vand.u32 $0x7, v3  }
0x5a: {  	v3 =	vor.u32 v3, v4  }
0x5b: {  	v4 =	vperm.xlane v3, v0;
	_ =	sdelay $0x1  }
0x5c: {  	v4 =	vadd.s32 v1, v4;
	_ =	sdelay $0x3  }
0x5d: {  	s9 =	rddreg [dreg:$0x11];
	v3 =	vperm.xlane v3, v2  }
0x5e: {  	[hbm4b:s3+s2] =	stream.indirect_vreg.scatter [tilespmem:s9], [sflag:$0x2], $0x80, v4, vm0, $0xb8;
	[tilespmem:$0x18080] =	vst v63  }
0x5f: {  	s10 =	rddreg [dreg:$0x12];
	v3 =	vadd.s32 v1, v3  }
0x60: {  	[hbm4b:s4+s2] =	stream.indirect_vreg.scatter [tilespmem:s10], [sflag:$0x2], $0x80, v4, vm0, $0xb8;
	[tilespmem:$0x18080] =	vst v63  }
0x61: {  	s0 =	rddreg [dreg:$0x13]  }
0x62: {  	[hbm4b:s5+s2] =	stream.indirect_vreg.scatter [tilespmem:s0], [sflag:$0x2], $0x80, v4, vm0, $0xb8;
	[tilespmem:$0x18080] =	vst v63  }
0x63: {  	s10 =	rddreg [dreg:$0x14]  }
0x64: {  	[hbm4b:s3+s2] =	stream.indirect_vreg.scatter [tilespmem:s10], [sflag:$0x2], $0x80, v3, vm0, $0xb8;
	[tilespmem:$0x18080] =	vst v63  }
0x65: {  	s0 =	rddreg [dreg:$0x15]  }
0x66: {  	[hbm4b:s4+s2] =	stream.indirect_vreg.scatter [tilespmem:s0], [sflag:$0x2], $0x80, v3, vm0, $0xb8;
	[tilespmem:$0x18080] =	vst v63  }
0x67: {  	s10 =	rddreg [dreg:$0x16]  }
0x68: {  	[hbm4b:s5+s2] =	stream.indirect_vreg.scatter [tilespmem:s10], [sflag:$0x2], $0x80, v3, vm0, $0xb8;
	[tilespmem:$0x18080] =	vst v63  }
0x69: {  	v3 =	vld [tilespmem:$0x18030];
	_ =	sdelay $0x4  }
0x6a: {  	v59 =	vshrl.u32 v3, $0x3  }
0x6b: {  	v4 =	vmul.u32 $0x30, v59  }
0x6c: {  	v3 =	vand.u32 $0x7, v3  }
0x6d: {  	v3 =	vor.u32 v3, v4  }
0x6e: {  	v4 =	vperm.xlane v3, v0;
	_ =	sdelay $0x1  }
0x6f: {  	v4 =	vadd.s32 v1, v4;
	_ =	sdelay $0x3  }
0x70: {  	s9 =	rddreg [dreg:$0x17];
	v3 =	vperm.xlane v3, v2  }
0x71: {  	[hbm4b:s3+s2] =	stream.indirect_vreg.scatter [tilespmem:s9], [sflag:$0x2], $0x80, v4, vm0, $0xb8;
	[tilespmem:$0x18080] =	vst v63  }
0x72: {  	s10 =	rddreg [dreg:$0x18];
	v3 =	vadd.s32 v1, v3  }
0x73: {  	[hbm4b:s4+s2] =	stream.indirect_vreg.scatter [tilespmem:s10], [sflag:$0x2], $0x80, v4, vm0, $0xb8;
	[tilespmem:$0x18080] =	vst v63  }
0x74: {  	s0 =	rddreg [dreg:$0x19]  }
0x75: {  	[hbm4b:s5+s2] =	stream.indirect_vreg.scatter [tilespmem:s0], [sflag:$0x2], $0x80, v4, vm0, $0xb8;
	[tilespmem:$0x18080] =	vst v63  }
0x76: {  	s10 =	rddreg [dreg:$0x1a]  }
0x77: {  	[hbm4b:s3+s2] =	stream.indirect_vreg.scatter [tilespmem:s10], [sflag:$0x2], $0x80, v3, vm0, $0xb8;
	[tilespmem:$0x18080] =	vst v63  }
0x78: {  	s0 =	rddreg [dreg:$0x1b]  }
0x79: {  	[hbm4b:s4+s2] =	stream.indirect_vreg.scatter [tilespmem:s0], [sflag:$0x2], $0x80, v3, vm0, $0xb8;
	[tilespmem:$0x18080] =	vst v63  }
0x7a: {  	s10 =	rddreg [dreg:$0x1c]  }
0x7b: {  	[hbm4b:s5+s2] =	stream.indirect_vreg.scatter [tilespmem:s10], [sflag:$0x2], $0x80, v3, vm0, $0xb8;
	[tilespmem:$0x18080] =	vst v63  }
0x7c: {  	v3 =	vld [tilespmem:$0x18040];
	_ =	sdelay $0x4  }
0x7d: {  	v60 =	vshrl.u32 v3, $0x3  }
0x7e: {  	v4 =	vmul.u32 $0x30, v60  }
0x7f: {  	v3 =	vand.u32 $0x7, v3  }
0x80: {  	v3 =	vor.u32 v3, v4  }
0x81: {  	v4 =	vperm.xlane v3, v0;
	_ =	sdelay $0x1  }
0x82: {  	v4 =	vadd.s32 v1, v4;
	_ =	sdelay $0x3  }
0x83: {  	s10 =	rddreg [dreg:$0x1d];
	v3 =	vperm.xlane v3, v2  }
0x84: {  	[hbm4b:s3+s2] =	stream.indirect_vreg.scatter [tilespmem:s10], [sflag:$0x2], $0x80, v4, vm0, $0xb8;
	[tilespmem:$0x18080] =	vst v63  }
0x85: {  	s9 =	simm.s32 $0xC800;
	v3 =	vadd.s32 v1, v3  }
0x86: {  	[hbm4b:s4+s2] =	stream.indirect_vreg.scatter [tilespmem:s9], [sflag:$0x2], $0x80, v4, vm0, $0xb8;
	[tilespmem:$0x18080] =	vst v63  }
0x87: {  	s10 =	simm.s32 $0xD000  }
0x88: {  	[hbm4b:s5+s2] =	stream.indirect_vreg.scatter [tilespmem:s10], [sflag:$0x2], $0x80, v4, vm0, $0xb8;
	[tilespmem:$0x18080] =	vst v63  }
0x89: {  	_ = 	snop  }
0x8a: {  	[hbm4b:s3+s2] =	stream.indirect_vreg.scatter [tilespmem:s11], [sflag:$0x2], $0x80, v3, vm0, $0xb8;
	[tilespmem:$0x18080] =	vst v63  }
0x8b: {  	_ = 	snop  }
0x8c: {  	[hbm4b:s4+s2] =	stream.indirect_vreg.scatter [tilespmem:s12], [sflag:$0x2], $0x80, v3, vm0, $0xb8;
	[tilespmem:$0x18080] =	vst v63  }
0x8d: {  	_ = 	snop  }
0x8e: {  	[hbm4b:s5+s2] =	stream.indirect_vreg.scatter [tilespmem:s13], [sflag:$0x2], $0x80, v3, vm0, $0xb8;
	[tilespmem:$0x18080] =	vst v63  }
0x8f: {  	v3 =	vld [tilespmem:$0x18050];
	_ =	sdelay $0x4  }
0x90: {  	v61 =	vshrl.u32 v3, $0x3  }
0x91: {  	v4 =	vmul.u32 $0x30, v61  }
0x92: {  	v3 =	vand.u32 $0x7, v3  }
0x93: {  	v3 =	vor.u32 v3, v4  }
0x94: {  	v4 =	vperm.xlane v3, v0;
	_ =	sdelay $0x1  }
0x95: {  	v4 =	vadd.s32 v1, v4;
	_ =	sdelay $0x3  }
0x96: {  	v3 =	vperm.xlane v3, v2  }
0x97: {  	[hbm4b:s3+s2] =	stream.indirect_vreg.scatter [tilespmem:s14], [sflag:$0x2], $0x80, v4, vm0, $0xb8;
	[tilespmem:$0x18080] =	vst v63  }
0x98: {  	v3 =	vadd.s32 v1, v3  }
0x99: {  	[hbm4b:s4+s2] =	stream.indirect_vreg.scatter [tilespmem:s15], [sflag:$0x2], $0x80, v4, vm0, $0xb8;
	[tilespmem:$0x18080] =	vst v63  }
0x9a: {  	_ = 	snop  }
0x9b: {  	[hbm4b:s5+s2] =	stream.indirect_vreg.scatter [tilespmem:s16], [sflag:$0x2], $0x80, v4, vm0, $0xb8;
	[tilespmem:$0x18080] =	vst v63  }
0x9c: {  	_ = 	snop  }
0x9d: {  	[hbm4b:s3+s2] =	stream.indirect_vreg.scatter [tilespmem:s17], [sflag:$0x2], $0x80, v3, vm0, $0xb8;
	[tilespmem:$0x18080] =	vst v63  }
0x9e: {  	_ = 	snop  }
0x9f: {  	[hbm4b:s4+s2] =	stream.indirect_vreg.scatter [tilespmem:s18], [sflag:$0x2], $0x80, v3, vm0, $0xb8;
	[tilespmem:$0x18080] =	vst v63  }
0xa0: {  	_ = 	snop  }
0xa1: {  	[hbm4b:s5+s2] =	stream.indirect_vreg.scatter [tilespmem:s19], [sflag:$0x2], $0x80, v3, vm0, $0xb8;
	[tilespmem:$0x18080] =	vst v63  }
0xa2: {  	v3 =	vld [tilespmem:$0x18060];
	_ =	sdelay $0x4  }
0xa3: {  	v62 =	vshrl.u32 v3, $0x3  }
0xa4: {  	v4 =	vmul.u32 $0x30, v62  }
0xa5: {  	v3 =	vand.u32 $0x7, v3  }
0xa6: {  	v3 =	vor.u32 v3, v4  }
0xa7: {  	v4 =	vperm.xlane v3, v0;
	_ =	sdelay $0x1  }
0xa8: {  	v4 =	vadd.s32 v1, v4;
	_ =	sdelay $0x3  }
0xa9: {  	v3 =	vperm.xlane v3, v2  }
0xaa: {  	[hbm4b:s3+s2] =	stream.indirect_vreg.scatter [tilespmem:s20], [sflag:$0x2], $0x80, v4, vm0, $0xb8;
	[tilespmem:$0x18080] =	vst v63  }
0xab: {  	v3 =	vadd.s32 v1, v3  }
0xac: {  	[hbm4b:s4+s2] =	stream.indirect_vreg.scatter [tilespmem:s21], [sflag:$0x2], $0x80, v4, vm0, $0xb8;
	[tilespmem:$0x18080] =	vst v63  }
0xad: {  	_ = 	snop  }
0xae: {  	[hbm4b:s5+s2] =	stream.indirect_vreg.scatter [tilespmem:s22], [sflag:$0x2], $0x80, v4, vm0, $0xb8;
	[tilespmem:$0x18080] =	vst v63  }
0xaf: {  	_ = 	snop  }
0xb0: {  	[hbm4b:s3+s2] =	stream.indirect_vreg.scatter [tilespmem:s23], [sflag:$0x2], $0x80, v3, vm0, $0xb8;
	[tilespmem:$0x18080] =	vst v63  }
0xb1: {  	_ = 	snop  }
0xb2: {  	[hbm4b:s4+s2] =	stream.indirect_vreg.scatter [tilespmem:s24], [sflag:$0x2], $0x80, v3, vm0, $0xb8;
	[tilespmem:$0x18080] =	vst v63  }
0xb3: {  	_ = 	snop  }
0xb4: {  	[hbm4b:s5+s2] =	stream.indirect_vreg.scatter [tilespmem:s25], [sflag:$0x2], $0x80, v3, vm0, $0xb8;
	[tilespmem:$0x18080] =	vst v63  }
0xb5: {  	v3 =	vld [tilespmem:$0x18070];
	_ =	sdelay $0x4  }
0xb6: {  	v63 =	vshrl.u32 v3, $0x3  }
0xb7: {  	v4 =	vmul.u32 $0x30, v63  }
0xb8: {  	v3 =	vand.u32 $0x7, v3  }
0xb9: {  	v3 =	vor.u32 v3, v4  }
0xba: {  	v4 =	vperm.xlane v3, v0;
	_ =	sdelay $0x1  }
0xbb: {  	v4 =	vadd.s32 v1, v4;
	_ =	sdelay $0x3  }
0xbc: {  	v3 =	vperm.xlane v3, v2  }
0xbd: {  	[hbm4b:s3+s2] =	stream.indirect_vreg.scatter [tilespmem:s26], [sflag:$0x2], $0x80, v4, vm0, $0xb8;
	[tilespmem:$0x18080] =	vst v63  }
0xbe: {  	v3 =	vadd.s32 v1, v3  }
0xbf: {  	[hbm4b:s4+s2] =	stream.indirect_vreg.scatter [tilespmem:s28], [sflag:$0x2], $0x80, v4, vm0, $0xb8;
	[tilespmem:$0x18080] =	vst v63  }
0xc0: {  	_ = 	snop  }
0xc1: {  	[hbm4b:s5+s2] =	stream.indirect_vreg.scatter [tilespmem:s29], [sflag:$0x2], $0x80, v4, vm0, $0xb8;
	[tilespmem:$0x18080] =	vst v63  }
0xc2: {  	_ = 	snop  }
0xc3: {  	[hbm4b:s3+s2] =	stream.indirect_vreg.scatter [tilespmem:s30], [sflag:$0x2], $0x80, v3, vm0, $0xb8;
	[tilespmem:$0x18080] =	vst v63  }
0xc4: {  	p0 =	sne.s32 s6, $0x1  }
0xc5: {  	[hbm4b:s4+s2] =	stream.indirect_vreg.scatter [tilespmem:s31], [sflag:$0x2], $0x80, v3, vm0, $0xb8;
	[tilespmem:$0x18080] =	vst v63  }
.Ltmp0:
0xc6: {  	_ = 	snop;
	(pc) =	sbr.rel @p0 .LBB2_1-.Ltmp0, $4  }
0xc7: {  	[hbm4b:s5+s2] =	stream.indirect_vreg.scatter [tilespmem:s1], [sflag:$0x2], $0x80, v3, vm0, $0xb8;
	[tilespmem:$0x18080] =	vst v63  }
0xc8: {  	_ =	swait.ge [sflag:s8], $0x18000  }
0xc9: {  	[sflag:s8] =	ssyncset.done $0x0  }
0xca: {  	s6 =	sadd.s32 $0xFFFFFFFF, s6;
	[sflag:s8] =	ssyncadd.s32 $0xFFFE8000  }
0xcb: {  	_ =	sfence.sel $0x180000  }
0xcc: {  	[bflag:$0x0] =	sbarrier.arrive $0xFFFF  }
0xcd: {  	_ =	strace $0x90000047  }
0xce: {  	s0 =	stileid.u32;
	[bflag:$0x2] =	sbarrier.arrive $0xFFFF  }
0xcf: {  	p0 =	sne.s32 s0, $0x0;
	s0 =	rddreg [dreg:$0x2]  }
0xd0: {  	s0 =	sadd.s32 @!p0 $0x100000, s0  }
0xd1: {  	[sflag:s0] =	ssyncadd.tile.s32 @!p0 $0x1;
	_ =	shalt  }
.Lfunc_end2:
_tile_overlayer_lowered:
.L_overlay_start_2:
0xd2: {  	(tag) =	ssettag $0x2  }
0xd3: {  	s0 =	rddreg [dreg:$0x0];
	s2 =	stileid.u32  }
0xd4: {  	s1 =	rddreg [dreg:$0x1];
	p0 =	sne.s32 s2, $0x0  }
0xd5: {  	s3 =	rddreg [dreg:$0x2];
	[bflag:$0x3] =	sbarrier.arrive $0xFFFF;
	s2 =	simm.s32 @!p0 $0x1C03  }
0xd6: {  	[timem:s3], [sflag:s2] =	dma.local @!p0 [hbm:s0], s1  }
0xd7: {  	s0 =	simm.s32 @!p0 $0x3  }
0xd8: {  	_ =	swait.ge @!p0 [sflag:s0], s1  }
0xd9: {  	s1 =	ssub.s32 @!p0 $0x0, s1;
	[sflag:s0] =	ssyncset.done @!p0 $0x0  }
0xda: {  	[sflag:s0] =	ssyncadd.s32 @!p0 s1  }
0xdb: {  	[bflag:$0x3] =	sbarrier.arrive $0xFFFF  }
0xdc: {  	_ =	shalt  }

// kernel: kernel.9.cloned.1.call-start
scs
__scs_entry_jumppad:
0x0: {  	(pc) =	sbr.rel $0x88, $3  }
0x1: {  	(tag) =	ssettag $0x0;
	lr =	simm.s32 $0x1  }
0x2: {  	[smem:$0x3F9D] =	sst lr;
	_ =	strace $0xD0000000  }
0x3: {  	_ = 	snop  }
0x4: {  	_ = 	snop  }
0x5: {  	_ = 	snop  }
0x6: {  	_ = 	snop  }
0x7: {  	_ = 	snop  }
__scs_overlays_trampoline_lowered:
0x8: {  	[smem:$0x3FAC] =	sst s0  }
0x9: {  	[smem:$0x3FAD] =	sst s1  }
0xa: {  	[smem:$0x3FAE] =	sst s2  }
0xb: {  	[smem:$0x3FAF] =	sst s3  }
0xc: {  	[smem:$0x3FB0] =	sst s4  }
0xd: {  	[smem:$0x3FB1] =	sst s5  }
0xe: {  	[smem:$0x3FB2] =	sst s6  }
0xf: {  	[smem:$0x3FB3] =	sst s7  }
0x10: {  	[smem:$0x3FB4] =	sst s8  }
0x11: {  	[smem:$0x3FB5] =	sst s9;
	s0 =	simm.s32 @!p0 $0x0  }
0x12: {  	s1 =	sld [smem:$0x3F9B];
	s0 =	simm.s32 @p0 $0x1  }
0x13: {  	[smem:$0x3FB6] =	sst s0;
	s0 =	simm.s32 @!p1 $0x0  }
0x14: {  	s2 =	sld [smem:$0x3F9A];
	s0 =	simm.s32 @p1 $0x1  }
0x15: {  	[smem:$0x3FB7] =	sst s0;
	s0 =	simm.s32 @!p2 $0x0  }
0x16: {  	s3 =	sld [smem:$0x3FDB];
	s0 =	simm.s32 @p2 $0x1  }
0x17: {  	s4 =	simm.s32 $0x1BF5;
	[smem:$0x3FB9] =	sst s0  }
0x18: {  	s0 =	sld [smem:$0x3F9C];
	_ =	swait.ge [sflag:s4], $0x0  }
0x19: {  	s7 =	sld [smem:$0x3F9D]  }
0x1a: {  	s8 =	sadd.s32 $0xFFFFE003, lr  }
0x1b: {  	s9 =	sadd.s32 $0xFFFFFEF7, lr;
	s5 =	simm.s32 $0xFFFFFFFF;
	p2 =	slt.u32 s8, $0xFFFFF086  }
0x1c: {  	p1 =	slt.u32 s9, $0xF7A;
	s5 =	simm.s32 @!p2 $0x0  }
0x1d: {  	s5 =	simm.s32 @p1 $0x1;
	p0 =	seq.s32 s7, s2  }
0x1e: {  	s7 =	smul.u32 @!p0 $0xF7A, s2;
	p2 =	seq.s32 @!p0 s5, $0x0  }
0x1f: {  	s9 =	smul.u32 $0xF7A, s1;
	s8 =	simm.s32 @!p0 $0x1BF5;
	p2 =	por !p2, p0  }
0x20: {  	[sflag:s8] =	ssyncset.s32 @!p0 $0xFFFFF086;
	s6 =	sadd.s32 @!p0 s3, s7;
	s7 =	simm.s32 @!p0 $0x108  }
0x21: {  	s3 =	sadd.s32 s3, s9;
	s6 =	sadd.s32 @!p0 $0x88, s6;
	s7 =	simm.s32 @p2 $0x1082  }
0x22: {  	[simem:s7], [sflag:s8] =	dma.local @!p0 [hbm:s6], $0xF7A  }
0x23: {  	s9 =	sor.u32 $0xD0000000, s2;
	s6 =	simm.s32 $0x108;
	_ =	swait.ge @!p0 [sflag:s8], $0x0  }
0x24: {  	s3 =	sadd.s32 $0x88, s3;
	s6 =	simm.s32 @!p1 $0x1082;
	[sflag:s4] =	ssyncset.s32 $0xFFFFF086  }
0x25: {  	[simem:s6], [sflag:s4] =	dma.local [hbm:s3], $0xF7A  }
0x26: {  	[smem:$0x3F9D] =	sst s1;
	(tag) =	ssettag s2;
	_ =	strace s9  }
0x27: {  	s1 =	sld [smem:$0x3FAD]  }
0x28: {  	s2 =	sld [smem:$0x3FAE]  }
0x29: {  	s4 =	sld [smem:$0x3FB0]  }
0x2a: {  	p0 =	seq.s32 s5, $0x0;
	s5 =	sld [smem:$0x3FB1]  }
0x2b: {  	s6 =	sld [smem:$0x3FB2]  }
0x2c: {  	s7 =	sld [smem:$0x3FB3]  }
0x2d: {  	s3 =	simm.s32 $0x108;
	s8 =	sld [smem:$0x3FB4]  }
0x2e: {  	s3 =	simm.s32 @!p0 $0x1082;
	s9 =	sld [smem:$0x3FB5]  }
0x2f: {  	lr =	sadd.s32 s0, s3;
	s0 =	sld [smem:$0x3FAC]  }
0x30: {  	s3 =	sld [smem:$0x3FAF]  }
0x31: {  	[smem:$0x3FB8] =	sst s10  }
0x32: {  	s10 =	sld [smem:$0x3FB6];
	_ =	sdelay $0x3  }
0x33: {  	p0 =	seq.s32 s10, $0x1;
	s10 =	sld [smem:$0x3FB8];
	_ =	sdelay $0x3  }
0x34: {  	[smem:$0x3FB8] =	sst s10  }
0x35: {  	s10 =	sld [smem:$0x3FB7];
	_ =	sdelay $0x3  }
0x36: {  	p1 =	seq.s32 s10, $0x1;
	s10 =	sld [smem:$0x3FB8];
	_ =	sdelay $0x3  }
0x37: {  	[smem:$0x3FB8] =	sst s10  }
0x38: {  	s10 =	sld [smem:$0x3FB9]  }
0x39: {  	_ = 	snop;
	(pc) =	sbr.ind lr, $3  }
0x3a: {  	_ = 	snop  }
0x3b: {  	_ = 	snop  }
0x3c: {  	p2 =	seq.s32 s10, $0x1;
	s10 =	sld [smem:$0x3FB8]  }
0x3d: {  	_ =	shalt  }
0x3e: {  	_ =	shalt  }
0x3f: {  	_ =	shalt  }
0x40: {  	_ =	shalt  }
0x41: {  	_ =	shalt  }
0x42: {  	_ =	shalt  }
0x43: {  	_ =	shalt  }
0x44: {  	_ =	shalt  }
0x45: {  	_ =	shalt  }
0x46: {  	_ =	shalt  }
0x47: {  	_ =	shalt  }
0x48: {  	_ =	shalt  }
0x49: {  	_ =	shalt  }
0x4a: {  	_ =	shalt  }
0x4b: {  	_ =	shalt  }
0x4c: {  	_ =	shalt  }
0x4d: {  	_ =	shalt  }
0x4e: {  	_ =	shalt  }
0x4f: {  	_ =	shalt  }
0x50: {  	_ =	shalt  }
0x51: {  	_ =	shalt  }
0x52: {  	_ =	shalt  }
0x53: {  	_ =	shalt  }
0x54: {  	_ =	shalt  }
0x55: {  	_ =	shalt  }
0x56: {  	_ =	shalt  }
0x57: {  	_ =	shalt  }
0x58: {  	_ =	shalt  }
0x59: {  	_ =	shalt  }
0x5a: {  	_ =	shalt  }
0x5b: {  	_ =	shalt  }
0x5c: {  	_ =	shalt  }
0x5d: {  	_ =	shalt  }
0x5e: {  	_ =	shalt  }
0x5f: {  	_ =	shalt  }
0x60: {  	_ =	shalt  }
0x61: {  	_ =	shalt  }
0x62: {  	_ =	shalt  }
0x63: {  	_ =	shalt  }
0x64: {  	_ =	shalt  }
0x65: {  	_ =	shalt  }
0x66: {  	_ =	shalt  }
0x67: {  	_ =	shalt  }
0x68: {  	_ =	shalt  }
0x69: {  	_ =	shalt  }
0x6a: {  	_ =	shalt  }
0x6b: {  	_ =	shalt  }
0x6c: {  	_ =	shalt  }
0x6d: {  	_ =	shalt  }
0x6e: {  	_ =	shalt  }
0x6f: {  	_ =	shalt  }
0x70: {  	_ =	shalt  }
0x71: {  	_ =	shalt  }
0x72: {  	_ =	shalt  }
0x73: {  	_ =	shalt  }
0x74: {  	_ =	shalt  }
0x75: {  	_ =	shalt  }
0x76: {  	_ =	shalt  }
0x77: {  	_ =	shalt  }
0x78: {  	_ =	shalt  }
0x79: {  	_ =	shalt  }
0x7a: {  	_ =	shalt  }
0x7b: {  	_ =	shalt  }
0x7c: {  	_ =	shalt  }
0x7d: {  	_ =	shalt  }
0x7e: {  	_ =	shalt  }
0x7f: {  	_ =	shalt  }
0x80: {  	_ =	shalt  }
0x81: {  	_ =	shalt  }
0x82: {  	_ =	shalt  }
0x83: {  	_ =	shalt  }
0x84: {  	_ =	shalt  }
0x85: {  	_ =	shalt  }
0x86: {  	_ =	shalt  }
0x87: {  	_ =	shalt  }
.Lfunc_end0:
.L_simem_size_0:
called_computation.1_lowered:
.L_overlay_start_0:
0x88: {  	s2 =	sld [smem:$0x3FD9]  }
0x89: {  	s3 =	sld [smem:$0x3FFE];
	_ =	sdelay $0x1  }
0x8a: {  	s1 =	srdreg.scid  }
0x8b: {  	s0 =	sand.u32 $0x1, s1  }
0x8c: {  	s17 =	sshll.u32 s0, $0xA;
	s2 =	sadd.s32 s3, s2  }
0x8d: {  	s2 =	sadd.s32 s2, s17  }
0x8e: {  	[smem:$0x3FC4] =	sst s2  }
0x8f: {  	_ = 	snop  }
0x90: {  	s2 =	sld [smem:$0x3FD0];
	(tm) =	ssettm $0x1  }
0x91: {  	s18 =	sld [smem:$0x3FFB];
	_ =	sdelay $0x3  }
0x92: {  	_ =	strace s18  }
0x93: {  	s3 =	sld [smem:$0x3FFC];
	_ =	sdelay $0x3  }
0x94: {  	_ =	strace s3  }
0x95: {  	s3 =	sld [smem:$0x3FFD];
	_ =	sdelay $0x3  }
0x96: {  	_ =	strace s3  }
0x97: {  	_ =	strace $0x8FFFFFFF  }
0x98: {  	s19 =	sld [smem:$0x3FDB];
	_ =	sdelay $0x1  }
0x99: {  	s4 =	simm.s32 $_scs_section_size  }
0x9a: {  	s5 =	simm.s32 $_size__tile_overlayer_lowered;
	s6 =	simm.s32 $_tile_overlayer_lowered  }
0x9b: {  	s22 =	simm.s32 $0x1BFF;
	s21 =	sshll.u32 s6, $0x1;
	s3 =	sadd.s32 s4, s19  }
0x9c: {  	s7 =	simm.s32 $0x0;
	s20 =	sshll.u32 s5, $0x1;
	s5 =	sadd.s32 s21, s3  }
0x9d: {  	[timem:s7], [sflag:s22] =	dma.local [hbm:s5], s20  }
0x9e: {  	_ =	swait.ge [sflag:s22], s20  }
0x9f: {  	s4 =	ssub.s32 $0x0, s20;
	[sflag:s22] =	ssyncset.done $0x0  }
0xa0: {  	[sflag:s22] =	ssyncadd.s32 s4;
	_ =	sdelay $0x1  }
0xa1: {  	s23 =	simm.s32 $0x1B8B  }
0xa2: {  	_ =	swait.ge [sflag:s23], $0x1  }
0xa3: {  	[sflag:s23] =	ssyncset.done $0x0  }
0xa4: {  	s25 =	simm.s32 $0x1B8E;
	s24 =	sld [smem:$0x3FFE];
	[sflag:s23] =	ssyncadd.s32 $0xFFFFFFFF  }
0xa5: {  	s26 =	simm.s32 $execute0_lowered;
	[smem:$0x3FD2] =	sst s25  }
0xa6: {  	s5 =	sshll.u32 s26, $0x1;
	_ =	strace $0x80000049;
	[dreg:$0x1] =	wrdreg $0xFFFFFFFF  }
0xa7: {  	s28 =	simm.s32 $_size_execute0_lowered;
	s3 =	sadd.s32 s3, s5;
	[dreg:$0x0] =	wrdreg $0x0  }
0xa8: {  	s5 =	sshll.u32 s28, $0x1;
	[dreg:$0x2] =	wrdreg s3  }
0xa9: {  	[dreg:$0x3] =	wrdreg s5  }
0xaa: {  	[dreg:$0x4] =	wrdreg $0xC0  }
0xab: {  	_ =	task [dreg:s7], $0x5FFFF  }
0xac: {  	[dreg:$0x1] =	wrdreg $0xFFFFFFFF  }
0xad: {  	[dreg:$0x0] =	wrdreg $0x60  }
0xae: {  	[dreg:$0x2] =	wrdreg s24  }
0xaf: {  	[dreg:$0x3] =	wrdreg s2  }
0xb0: {  	[dreg:$0x4] =	wrdreg $0x9  }
0xb1: {  	_ =	task.clear_ibuf [dreg:s7], $0x5FFFF;
	_ =	strace $0x90000049  }
0xb2: {  	s29 =	simm.s32 $0x9;
	_ =	strace $0x8000004B  }
0xb3: {  	_ =	swait.ge [sflag:s29], $0x1  }
0xb4: {  	[sflag:s29] =	ssyncadd.s32 $0xFFFFFFFF  }
0xb5: {  	_ =	strace $0x9000004B  }
0xb6: {  	_ =	sfence  }
0xb7: {  	s30 =	sld [smem:$0x0];
	_ =	sdelay $0x2  }
0xb8: {  	s31 =	sshll.u32 s1, $0xD;
	s1 =	sshrl.u32 s1, $0x2  }
0xb9: {  	s3 =	sand.u32 $0x4000, s31;
	s1 =	sadd.s32 s1, s30  }
0xba: {  	s0 =	sor.u32 s3, s0;
	s1 =	sshll.u32 s1, $0x11  }
0xbb: {  	s0 =	sor.u32 s1, s0  }
0xbc: {  	s0 =	sadd.s32 $0x8F2B, s0  }
0xbd: {  	[sflag:s0] =	ssyncadd.remote.s32 $0x1  }
0xbe: {  	_ =	sfence.sel $0xFFFF  }
0xbf: {  	[dreg:$0x0] =	wrdreg $0xFFFFFFFF;
	(pc) =	sbr.abs _section_cstart, $3  }
0xc0: {  	[dreg:$0x1] =	wrdreg $0xFFFFFFFF  }
0xc1: {  	_ =	task.clear_ibuf [dreg:s7], $0x2FFFF;
	_ =	strace $0x9FFFFFFF  }
0xc2: {  	(tm) =	ssettm $0x7FFFFFFF  }
0xc3: {  	_ =	shalt  }
tec
execute0_lowered:
.L_overlay_start_1:
0x0: {  	(tag) =	ssettag $0x1  }
0x1: {  	s0 =	rddreg [dreg:$0x0]  }
0x2: {  	s2 =	rddreg [dreg:$0x1]  }
0x3: {  	s1 =	simm.s32 $0x0;
	s4 =	srdreg.scid;
	s6 =	stileid.u32  }
0x4: {  	s14 =	simm.s32 $0x3;
	s20 =	simm.s32 $0x1;
	s21 =	simm.s32 $0xC000  }
0x5: {  	s18 =	simm.s32 $0x14000;
	s19 =	simm.s32 $0x14800;
	s22 =	simm.s32 $0x15000  }
0x6: {  	s23 =	simm.s32 $0x15800;
	s28 =	simm.s32 $0x17800;
	s29 =	simm.s32 $0x2  }
0x7: {  	s30 =	simm.s32 $0x0;
	[smem:$0x7FF] =	sst s1;
	s4 =	sand.u32 $0x1, s4  }
0x8: {  	s3 =	sadd.s32 $0xD0400, s0;
	s6 =	sshll.u32 s6, $0x7;
	s5 =	ssub.s32 $0x2, s4  }
0x9: {  	s7 =	sadd.s32 $0x10000, s0;
	s4 =	sshll.u32 s4, $0x6;
	s8 =	sshrl.u32 s5, $0x1  }
0xa: {  	_ =	strace $0x8000004A;
	s4 =	sor.u32 s4, s6;
	s12 =	ssub.s32 s5, s8  }
0xb: {  	s24 =	sshrl.u32 s4, $0x3;
	s9 =	sor.u32 $0x800, s4;
	s6 =	sshll.u32 s4, $0x4  }
0xc: {  	s8 =	sadd.s32 $0xD0500, s0;
	s25 =	sshrl.u32 s9, $0x3;
	s10 =	smul.u32 $0x1800, s24  }
0xd: {  	s4 =	sadd.s32 s7, s24;
	s6 =	sadd.s32 s0, s6;
	s26 =	sshll.u32 s9, $0x4  }
0xe: {  	s11 =	smul.u32 $0x300, s24;
	s9 =	sadd.s32 $0xD0600, s0;
	s12 =	smax.u32 s12, $0x1  }
0xf: {  	v2 =	vlaneseq.u32;
	s24 =	simm.s32 $0x16000;
	s5 =	sadd.s32 s7, s25;
	s31 =	sshrl.u32 s10, $0x3  }
0x10: {  	vm0 =	vmmov $0xffff;
	v1 =	vshrl.u32 v2, $0x3;
	s7 =	sadd.s32 s0, s26;
	s25 =	simm.s32 $0x16800;
	s13 =	sadd.s32 s2, s31  }
0x11: {  	v0 =	vand.u32 $0x7, v2;
	v2 =	vor.u32 $0x8, v2;
	v1 =	vmul.u32 $0x8, v1;
	s26 =	simm.s32 $0x17000;
	s10 =	sadd.s32 s2, s11;
	s11 =	sadd.s32 $0xC00, s13  }
.LBB2_1:
0x12: {  	s0 =	simm.s32 $0x1C000  }
0x13: {  	[tilespmem:s0], [sflag:$0x3] =	stream.linear.gather [hbm4b:s4+s1], $0x40, $0x38;
	[tilespmem:$0x1C100] =	vst v63  }
0x14: {  	_ =	swait.ge [sflag:s14], $0x40  }
0x15: {  	[sflag:s14] =	ssyncset.done $0x0  }
0x16: {  	s13 =	simm.s32 $0x1C080;
	[sflag:s14] =	ssyncadd.s32 $0xFFFFFFC0  }
0x17: {  	[tilespmem:s13], [sflag:$0x3] =	stream.linear.gather [hbm4b:s5+s1], $0x40, $0x38;
	[tilespmem:$0x1C100] =	vst v63  }
0x18: {  	_ =	swait.ge [sflag:s14], $0x40  }
0x19: {  	[sflag:s14] =	ssyncset.done $0x0  }
0x1a: {  	s31 =	simm.s32 $0x18000;
	[sflag:s14] =	ssyncadd.s32 $0xFFFFFFC0  }
0x1b: {  	[tilespmem:s31], [sflag:$0x3] =	stream.linear.gather [hbm4b:s6+s1], $0x2000, $0x38;
	[tilespmem:$0x1C100] =	vst v63  }
0x1c: {  	_ =	swait.ge [sflag:s14], $0x2000  }
0x1d: {  	[sflag:s14] =	ssyncset.done $0x0  }
0x1e: {  	s0 =	simm.s32 $0x1A000;
	[sflag:s14] =	ssyncadd.s32 $0xFFFFE000  }
0x1f: {  	[tilespmem:s0], [sflag:$0x3] =	stream.linear.gather [hbm4b:s7+s1], $0x2000, $0x38;
	[tilespmem:$0x1C100] =	vst v63  }
0x20: {  	_ =	swait.ge [sflag:s14], $0x2000  }
0x21: {  	[sflag:s14] =	ssyncset.done $0x0  }
0x22: {  	[sflag:s14] =	ssyncadd.s32 $0xFFFFE000  }
0x23: {  	v3 =	vld [tilespmem:$0x1C000];
	_ =	sdelay $0x4  }
0x24: {  	v4 =	vshrl.u32 v3, $0x3  }
0x25: {  	v4 =	vmul.u32 $0x30, v4  }
0x26: {  	v3 =	vand.u32 $0x7, v3  }
0x27: {  	v3 =	vor.u32 v3, v4  }
0x28: {  	v4 =	vperm.xlane v3, v0;
	_ =	sdelay $0x1  }
0x29: {  	v4 =	vadd.s32 v1, v4;
	_ =	sdelay $0x3  }
0x2a: {  	v3 =	vperm.xlane v3, v2  }
0x2b: {  	[tilespmem:s1], [sflag:$0x1] =	stream.indirect_vreg.gather [hbm4b:s3+s1], $0x80, v4, vm0, $0xb8;
	[tilespmem:$0x1C100] =	vst v63  }
0x2c: {  	s2 =	simm.s32 $0x800;
	v3 =	vadd.s32 v1, v3  }
0x2d: {  	[tilespmem:s2], [sflag:$0x1] =	stream.indirect_vreg.gather [hbm4b:s8+s1], $0x80, v4, vm0, $0xb8;
	[tilespmem:$0x1C100] =	vst v63  }
0x2e: {  	s15 =	simm.s32 $0x1000  }
0x2f: {  	[tilespmem:s15], [sflag:$0x1] =	stream.indirect_vreg.gather [hbm4b:s9+s1], $0x80, v4, vm0, $0xb8;
	[tilespmem:$0x1C100] =	vst v63  }
0x30: {  	s16 =	simm.s32 $0x1800  }
0x31: {  	[tilespmem:s16], [sflag:$0x1] =	stream.indirect_vreg.gather [hbm4b:s3+s1], $0x80, v3, vm0, $0xb8;
	[tilespmem:$0x1C100] =	vst v63  }
0x32: {  	s17 =	simm.s32 $0x2000  }
0x33: {  	[tilespmem:s17], [sflag:$0x1] =	stream.indirect_vreg.gather [hbm4b:s8+s1], $0x80, v3, vm0, $0xb8;
	[tilespmem:$0x1C100] =	vst v63  }
0x34: {  	s13 =	simm.s32 $0x2800  }
0x35: {  	[tilespmem:s13], [sflag:$0x1] =	stream.indirect_vreg.gather [hbm4b:s9+s1], $0x80, v3, vm0, $0xb8;
	[tilespmem:$0x1C100] =	vst v63  }
0x36: {  	v3 =	vld [tilespmem:$0x1C010];
	_ =	sdelay $0x4  }
0x37: {  	v4 =	vshrl.u32 v3, $0x3  }
0x38: {  	v4 =	vmul.u32 $0x30, v4  }
0x39: {  	v3 =	vand.u32 $0x7, v3  }
0x3a: {  	v3 =	vor.u32 v3, v4  }
0x3b: {  	v4 =	vperm.xlane v3, v0;
	_ =	sdelay $0x1  }
0x3c: {  	v4 =	vadd.s32 v1, v4;
	_ =	sdelay $0x3  }
0x3d: {  	s15 =	simm.s32 $0x3000;
	v3 =	vperm.xlane v3, v2  }
0x3e: {  	[tilespmem:s15], [sflag:$0x1] =	stream.indirect_vreg.gather [hbm4b:s3+s1], $0x80, v4, vm0, $0xb8;
	[tilespmem:$0x1C100] =	vst v63  }
0x3f: {  	s16 =	simm.s32 $0x3800;
	v3 =	vadd.s32 v1, v3  }
0x40: {  	[tilespmem:s16], [sflag:$0x1] =	stream.indirect_vreg.gather [hbm4b:s8+s1], $0x80, v4, vm0, $0xb8;
	[tilespmem:$0x1C100] =	vst v63  }
0x41: {  	s17 =	simm.s32 $0x4000  }
0x42: {  	[tilespmem:s17], [sflag:$0x1] =	stream.indirect_vreg.gather [hbm4b:s9+s1], $0x80, v4, vm0, $0xb8;
	[tilespmem:$0x1C100] =	vst v63  }
0x43: {  	s13 =	simm.s32 $0x4800  }
0x44: {  	[tilespmem:s13], [sflag:$0x1] =	stream.indirect_vreg.gather [hbm4b:s3+s1], $0x80, v3, vm0, $0xb8;
	[tilespmem:$0x1C100] =	vst v63  }
0x45: {  	s15 =	simm.s32 $0x5000  }
0x46: {  	[tilespmem:s15], [sflag:$0x1] =	stream.indirect_vreg.gather [hbm4b:s8+s1], $0x80, v3, vm0, $0xb8;
	[tilespmem:$0x1C100] =	vst v63  }
0x47: {  	s16 =	simm.s32 $0x5800  }
0x48: {  	[tilespmem:s16], [sflag:$0x1] =	stream.indirect_vreg.gather [hbm4b:s9+s1], $0x80, v3, vm0, $0xb8;
	[tilespmem:$0x1C100] =	vst v63  }
0x49: {  	v3 =	vld [tilespmem:$0x1C080];
	_ =	sdelay $0x4  }
0x4a: {  	v4 =	vshrl.u32 v3, $0x3  }
0x4b: {  	v4 =	vmul.u32 $0x30, v4  }
0x4c: {  	v3 =	vand.u32 $0x7, v3  }
0x4d: {  	v3 =	vor.u32 v3, v4  }
0x4e: {  	v4 =	vperm.xlane v3, v0;
	_ =	sdelay $0x1  }
0x4f: {  	v4 =	vadd.s32 v1, v4;
	_ =	sdelay $0x3  }
0x50: {  	s17 =	simm.s32 $0x6000;
	v3 =	vperm.xlane v3, v2  }
0x51: {  	[tilespmem:s17], [sflag:$0x1] =	stream.indirect_vreg.gather [hbm4b:s3+s1], $0x80, v4, vm0, $0xb8;
	[tilespmem:$0x1C100] =	vst v63  }
0x52: {  	s13 =	simm.s32 $0x6800;
	v3 =	vadd.s32 v1, v3  }
0x53: {  	[tilespmem:s13], [sflag:$0x1] =	stream.indirect_vreg.gather [hbm4b:s8+s1], $0x80, v4, vm0, $0xb8;
	[tilespmem:$0x1C100] =	vst v63  }
0x54: {  	s15 =	simm.s32 $0x7000  }
0x55: {  	[tilespmem:s15], [sflag:$0x1] =	stream.indirect_vreg.gather [hbm4b:s9+s1], $0x80, v4, vm0, $0xb8;
	[tilespmem:$0x1C100] =	vst v63  }
0x56: {  	s16 =	simm.s32 $0x7800  }
0x57: {  	[tilespmem:s16], [sflag:$0x1] =	stream.indirect_vreg.gather [hbm4b:s3+s1], $0x80, v3, vm0, $0xb8;
	[tilespmem:$0x1C100] =	vst v63  }
0x58: {  	s17 =	simm.s32 $0x8000  }
0x59: {  	[tilespmem:s17], [sflag:$0x1] =	stream.indirect_vreg.gather [hbm4b:s8+s1], $0x80, v3, vm0, $0xb8;
	[tilespmem:$0x1C100] =	vst v63  }
0x5a: {  	s13 =	simm.s32 $0x8800  }
0x5b: {  	[tilespmem:s13], [sflag:$0x1] =	stream.indirect_vreg.gather [hbm4b:s9+s1], $0x80, v3, vm0, $0xb8;
	[tilespmem:$0x1C100] =	vst v63  }
0x5c: {  	v3 =	vld [tilespmem:$0x1C090];
	_ =	sdelay $0x4  }
0x5d: {  	v4 =	vshrl.u32 v3, $0x3  }
0x5e: {  	v4 =	vmul.u32 $0x30, v4  }
0x5f: {  	v3 =	vand.u32 $0x7, v3  }
0x60: {  	v3 =	vor.u32 v3, v4  }
0x61: {  	v4 =	vperm.xlane v3, v0;
	_ =	sdelay $0x1  }
0x62: {  	v4 =	vadd.s32 v1, v4;
	_ =	sdelay $0x3  }
0x63: {  	s15 =	simm.s32 $0x9000;
	v3 =	vperm.xlane v3, v2  }
0x64: {  	[tilespmem:s15], [sflag:$0x1] =	stream.indirect_vreg.gather [hbm4b:s3+s1], $0x80, v4, vm0, $0xb8;
	[tilespmem:$0x1C100] =	vst v63  }
0x65: {  	s16 =	simm.s32 $0x9800;
	v3 =	vadd.s32 v1, v3  }
0x66: {  	[tilespmem:s16], [sflag:$0x1] =	stream.indirect_vreg.gather [hbm4b:s8+s1], $0x80, v4, vm0, $0xb8;
	[tilespmem:$0x1C100] =	vst v63  }
0x67: {  	s17 =	simm.s32 $0xA000  }
0x68: {  	[tilespmem:s17], [sflag:$0x1] =	stream.indirect_vreg.gather [hbm4b:s9+s1], $0x80, v4, vm0, $0xb8;
	[tilespmem:$0x1C100] =	vst v63  }
0x69: {  	s13 =	simm.s32 $0xA800  }
0x6a: {  	[tilespmem:s13], [sflag:$0x1] =	stream.indirect_vreg.gather [hbm4b:s3+s1], $0x80, v3, vm0, $0xb8;
	[tilespmem:$0x1C100] =	vst v63  }
0x6b: {  	s15 =	simm.s32 $0xB000  }
0x6c: {  	[tilespmem:s15], [sflag:$0x1] =	stream.indirect_vreg.gather [hbm4b:s8+s1], $0x80, v3, vm0, $0xb8;
	[tilespmem:$0x1C100] =	vst v63  }
0x6d: {  	s16 =	simm.s32 $0xB800  }
0x6e: {  	[tilespmem:s16], [sflag:$0x1] =	stream.indirect_vreg.gather [hbm4b:s9+s1], $0x80, v3, vm0, $0xb8;
	[tilespmem:$0x1C100] =	vst v63  }
0x6f: {  	_ =	swait.ge [sflag:s20], $0x6000  }
0x70: {  	[sflag:s20] =	ssyncset.done $0x0  }
0x71: {  	[sflag:s20] =	ssyncadd.s32 $0xFFFFA000  }
0x72: {  	_ =	swait.ge [sflag:s20], $0x6000  }
0x73: {  	[sflag:s20] =	ssyncset.done $0x0  }
0x74: {  	[sflag:s20] =	ssyncadd.s32 $0xFFFFA000  }
0x75: {  	v3 =	vld [tilespmem:$0x1C020];
	_ =	sdelay $0x4  }
0x76: {  	v4 =	vshrl.u32 v3, $0x3  }
0x77: {  	v4 =	vmul.u32 $0x30, v4  }
0x78: {  	v3 =	vand.u32 $0x7, v3  }
0x79: {  	v3 =	vor.u32 v3, v4  }
0x7a: {  	v4 =	vperm.xlane v3, v0;
	_ =	sdelay $0x1  }
0x7b: {  	v4 =	vadd.s32 v1, v4;
	_ =	sdelay $0x3  }
0x7c: {  	v3 =	vperm.xlane v3, v2  }
0x7d: {  	[tilespmem:s21], [sflag:$0x2] =	stream.indirect_vreg.gather [hbm4b:s3+s1], $0x80, v4, vm0, $0xb8;
	[tilespmem:$0x1C100] =	vst v63  }
0x7e: {  	s17 =	simm.s32 $0xC800;
	v3 =	vadd.s32 v1, v3  }
0x7f: {  	[tilespmem:s17], [sflag:$0x2] =	stream.indirect_vreg.gather [hbm4b:s8+s1], $0x80, v4, vm0, $0xb8;
	[tilespmem:$0x1C100] =	vst v63  }
0x80: {  	s13 =	simm.s32 $0xD000  }
0x81: {  	[tilespmem:s13], [sflag:$0x2] =	stream.indirect_vreg.gather [hbm4b:s9+s1], $0x80, v4, vm0, $0xb8;
	[tilespmem:$0x1C100] =	vst v63  }
0x82: {  	s15 =	simm.s32 $0xD800  }
0x83: {  	[tilespmem:s15], [sflag:$0x2] =	stream.indirect_vreg.gather [hbm4b:s3+s1], $0x80, v3, vm0, $0xb8;
	[tilespmem:$0x1C100] =	vst v63  }
0x84: {  	s16 =	simm.s32 $0xE000  }
0x85: {  	[tilespmem:s16], [sflag:$0x2] =	stream.indirect_vreg.gather [hbm4b:s8+s1], $0x80, v3, vm0, $0xb8;
	[tilespmem:$0x1C100] =	vst v63  }
0x86: {  	s17 =	simm.s32 $0xE800  }
0x87: {  	[tilespmem:s17], [sflag:$0x2] =	stream.indirect_vreg.gather [hbm4b:s9+s1], $0x80, v3, vm0, $0xb8;
	[tilespmem:$0x1C100] =	vst v63  }
0x88: {  	v3 =	vld [tilespmem:$0x1C030];
	_ =	sdelay $0x4  }
0x89: {  	v4 =	vshrl.u32 v3, $0x3  }
0x8a: {  	v4 =	vmul.u32 $0x30, v4  }
0x8b: {  	v3 =	vand.u32 $0x7, v3  }
0x8c: {  	v3 =	vor.u32 v3, v4  }
0x8d: {  	v4 =	vperm.xlane v3, v0;
	_ =	sdelay $0x1  }
0x8e: {  	v4 =	vadd.s32 v1, v4;
	_ =	sdelay $0x3  }
0x8f: {  	s13 =	simm.s32 $0xF000;
	v3 =	vperm.xlane v3, v2  }
0x90: {  	[tilespmem:s13], [sflag:$0x2] =	stream.indirect_vreg.gather [hbm4b:s3+s1], $0x80, v4, vm0, $0xb8;
	[tilespmem:$0x1C100] =	vst v63  }
0x91: {  	s15 =	simm.s32 $0xF800;
	v3 =	vadd.s32 v1, v3  }
0x92: {  	[tilespmem:s15], [sflag:$0x2] =	stream.indirect_vreg.gather [hbm4b:s8+s1], $0x80, v4, vm0, $0xb8;
	[tilespmem:$0x1C100] =	vst v63  }
0x93: {  	s16 =	simm.s32 $0x10000  }
0x94: {  	[tilespmem:s16], [sflag:$0x2] =	stream.indirect_vreg.gather [hbm4b:s9+s1], $0x80, v4, vm0, $0xb8;
	[tilespmem:$0x1C100] =	vst v63  }
0x95: {  	s17 =	simm.s32 $0x10800  }
0x96: {  	[tilespmem:s17], [sflag:$0x2] =	stream.indirect_vreg.gather [hbm4b:s3+s1], $0x80, v3, vm0, $0xb8;
	[tilespmem:$0x1C100] =	vst v63  }
0x97: {  	s13 =	simm.s32 $0x11000  }
0x98: {  	[tilespmem:s13], [sflag:$0x2] =	stream.indirect_vreg.gather [hbm4b:s8+s1], $0x80, v3, vm0, $0xb8;
	[tilespmem:$0x1C100] =	vst v63  }
0x99: {  	s15 =	simm.s32 $0x11800  }
0x9a: {  	[tilespmem:s15], [sflag:$0x2] =	stream.indirect_vreg.gather [hbm4b:s9+s1], $0x80, v3, vm0, $0xb8;
	[tilespmem:$0x1C100] =	vst v63  }
0x9b: {  	v3 =	vld [tilespmem:$0x1C0A0];
	_ =	sdelay $0x4  }
0x9c: {  	v4 =	vshrl.u32 v3, $0x3  }
0x9d: {  	v4 =	vmul.u32 $0x30, v4  }
0x9e: {  	v3 =	vand.u32 $0x7, v3  }
0x9f: {  	v3 =	vor.u32 v3, v4  }
0xa0: {  	v4 =	vperm.xlane v3, v0;
	_ =	sdelay $0x1  }
0xa1: {  	v4 =	vadd.s32 v1, v4;
	_ =	sdelay $0x3  }
0xa2: {  	s16 =	simm.s32 $0x12000;
	v3 =	vperm.xlane v3, v2  }
0xa3: {  	[tilespmem:s16], [sflag:$0x2] =	stream.indirect_vreg.gather [hbm4b:s3+s1], $0x80, v4, vm0, $0xb8;
	[tilespmem:$0x1C100] =	vst v63  }
0xa4: {  	s17 =	simm.s32 $0x12800;
	v3 =	vadd.s32 v1, v3  }
0xa5: {  	[tilespmem:s17], [sflag:$0x2] =	stream.indirect_vreg.gather [hbm4b:s8+s1], $0x80, v4, vm0, $0xb8;
	[tilespmem:$0x1C100] =	vst v63  }
0xa6: {  	s13 =	simm.s32 $0x13000  }
0xa7: {  	[tilespmem:s13], [sflag:$0x2] =	stream.indirect_vreg.gather [hbm4b:s9+s1], $0x80, v4, vm0, $0xb8;
	[tilespmem:$0x1C100] =	vst v63  }
0xa8: {  	s15 =	simm.s32 $0x13800  }
0xa9: {  	[tilespmem:s15], [sflag:$0x2] =	stream.indirect_vreg.gather [hbm4b:s3+s1], $0x80, v3, vm0, $0xb8;
	[tilespmem:$0x1C100] =	vst v63  }
0xaa: {  	_ = 	snop  }
0xab: {  	[tilespmem:s18], [sflag:$0x2] =	stream.indirect_vreg.gather [hbm4b:s8+s1], $0x80, v3, vm0, $0xb8;
	[tilespmem:$0x1C100] =	vst v63  }
0xac: {  	_ = 	snop  }
0xad: {  	[tilespmem:s19], [sflag:$0x2] =	stream.indirect_vreg.gather [hbm4b:s9+s1], $0x80, v3, vm0, $0xb8;
	[tilespmem:$0x1C100] =	vst v63  }
0xae: {  	v3 =	vld [tilespmem:$0x1C0B0];
	_ =	sdelay $0x4  }
0xaf: {  	v4 =	vshrl.u32 v3, $0x3  }
0xb0: {  	v4 =	vmul.u32 $0x30, v4  }
0xb1: {  	v3 =	vand.u32 $0x7, v3  }
0xb2: {  	v3 =	vor.u32 v3, v4  }
0xb3: {  	v4 =	vperm.xlane v3, v0;
	_ =	sdelay $0x1  }
0xb4: {  	v4 =	vadd.s32 v1, v4;
	_ =	sdelay $0x3  }
0xb5: {  	v3 =	vperm.xlane v3, v2  }
0xb6: {  	[tilespmem:s22], [sflag:$0x2] =	stream.indirect_vreg.gather [hbm4b:s3+s1], $0x80, v4, vm0, $0xb8;
	[tilespmem:$0x1C100] =	vst v63  }
0xb7: {  	v3 =	vadd.s32 v1, v3  }
0xb8: {  	[tilespmem:s23], [sflag:$0x2] =	stream.indirect_vreg.gather [hbm4b:s8+s1], $0x80, v4, vm0, $0xb8;
	[tilespmem:$0x1C100] =	vst v63  }
0xb9: {  	_ = 	snop  }
0xba: {  	[tilespmem:s24], [sflag:$0x2] =	stream.indirect_vreg.gather [hbm4b:s9+s1], $0x80, v4, vm0, $0xb8;
	[tilespmem:$0x1C100] =	vst v63  }
0xbb: {  	s16 =	simm.s32 $0x0  }
0xbc: {  	[tilespmem:s25], [sflag:$0x2] =	stream.indirect_vreg.gather [hbm4b:s3+s1], $0x80, v3, vm0, $0xb8;
	[tilespmem:$0x1C100] =	vst v63  }
0xbd: {  	s2 =	smul.u32 $0x1800, s16;
	s13 =	sand.u32 $0x380, s1  }
0xbe: {  	[tilespmem:s26], [sflag:$0x2] =	stream.indirect_vreg.gather [hbm4b:s8+s1], $0x80, v3, vm0, $0xb8;
	[tilespmem:$0x1C100] =	vst v63  }
0xbf: {  	s15 =	sor.u32 s13, s2  }
0xc0: {  	[tilespmem:s28], [sflag:$0x2] =	stream.indirect_vreg.gather [hbm4b:s9+s1], $0x80, v3, vm0, $0xb8;
	[tilespmem:$0x1C100] =	vst v63  }
0xc1: {  	v4 =	vld [tilespmem:s15+$0x10]  }
0xc2: {  	v3 =	vld [tilespmem:s15+$0x6010]  }
0xc3: {  	v6 =	vld [tilespmem:s15+$0x20]  }
0xc4: {  	v5 =	vld [tilespmem:s15+$0x6020]  }
0xc5: {  	v10 =	vld [tilespmem:s15+$0x30]  }
0xc6: {  	v9 =	vld [tilespmem:s15+$0x6030]  }
0xc7: {  	v12 =	vld [tilespmem:s15+$0x40]  }
0xc8: {  	v11 =	vld [tilespmem:s15+$0x6040]  }
0xc9: {  	v13 =	vld [tilespmem:s15+$0x60]  }
0xca: {  	v14 =	vld [tilespmem:s15+$0x70]  }
0xcb: {  	v15 =	vld [tilespmem:s15+$0x400]  }
0xcc: {  	v16 =	vld [tilespmem:s15+$0x410]  }
0xcd: {  	v17 =	vld [tilespmem:s15+$0x420]  }
0xce: {  	v18 =	vld [tilespmem:s15+$0x430]  }
0xcf: {  	v19 =	vld [tilespmem:s15+$0x440]  }
0xd0: {  	v20 =	vld [tilespmem:s15+$0x450]  }
0xd1: {  	v21 =	vld [tilespmem:s15+$0x460]  }
0xd2: {  	v22 =	vld [tilespmem:s15+$0x470]  }
0xd3: {  	v23 =	vld [tilespmem:s15+$0x800]  }
0xd4: {  	v24 =	vld [tilespmem:s15+$0x810]  }
0xd5: {  	v25 =	vld [tilespmem:s15+$0x820]  }
0xd6: {  	v26 =	vld [tilespmem:s15+$0x830]  }
0xd7: {  	v27 =	vld [tilespmem:s15+$0x840]  }
0xd8: {  	v28 =	vld [tilespmem:s15+$0x850]  }
0xd9: {  	v29 =	vld [tilespmem:s15+$0x860]  }
0xda: {  	v30 =	vld [tilespmem:s15+$0x870]  }
0xdb: {  	v31 =	vld [tilespmem:s15+$0xC00]  }
0xdc: {  	v32 =	vld [tilespmem:s15+$0xC10]  }
0xdd: {  	v33 =	vld [tilespmem:s15+$0xC20]  }
0xde: {  	v34 =	vld [tilespmem:s15+$0xC30]  }
0xdf: {  	v35 =	vld [tilespmem:s15+$0xC40]  }
0xe0: {  	v36 =	vld [tilespmem:s15+$0xC50]  }
0xe1: {  	v37 =	vld [tilespmem:s15+$0xC60]  }
0xe2: {  	v38 =	vld [tilespmem:s15+$0xC70]  }
0xe3: {  	v39 =	vld [tilespmem:s15+$0x1000]  }
0xe4: {  	v40 =	vld [tilespmem:s15+$0x1010]  }
0xe5: {  	v41 =	vld [tilespmem:s15+$0x1020]  }
0xe6: {  	v42 =	vld [tilespmem:s15+$0x1030]  }
0xe7: {  	v43 =	vld [tilespmem:s15+$0x1040]  }
0xe8: {  	v44 =	vld [tilespmem:s15+$0x1050]  }
0xe9: {  	v45 =	vld [tilespmem:s15+$0x1060]  }
0xea: {  	v46 =	vld [tilespmem:s15+$0x1400]  }
0xeb: {  	v47 =	vld [tilespmem:s15+$0x1410]  }
0xec: {  	v48 =	vld [tilespmem:s15+$0x7410]  }
0xed: {  	v49 =	vld [tilespmem:s15+$0x7430]  }
0xee: {  	v50 =	vld [tilespmem:s15+$0x1430]  }
0xef: {  	v51 =	vld [tilespmem:s15+$0x1420]  }
0xf0: {  	v7 =	vld [tilespmem:s31+$0x0]  }
0xf1: {  	v8 =	vld [tilespmem:s0+$0x0]  }
0xf2: {  	v52 =	vld [tilespmem:s15+$0x7420]  }
0xf3: {  	v53 =	vld [tilespmem:s15+$0x7400]  }
0xf4: {  	v54 =	vld [tilespmem:s15+$0x1070]  }
0xf5: {  	v55 =	vld [tilespmem:s15+$0x7070];
	v50 =	vmul.f32 v50, v7  }
0xf6: {  	v56 =	vld [tilespmem:s15+$0x7060];
	v49 =	vmul.f32 v49, v8;
	v51 =	vmul.f32 v51, v7  }
0xf7: {  	v57 =	vld [tilespmem:s15+$0x7050];
	v52 =	vmul.f32 v52, v8;
	v47 =	vmul.f32 v47, v7  }
0xf8: {  	v61 =	vld [tilespmem:s15+$0x7000];
	v48 =	vmul.f32 v48, v8;
	v46 =	vmul.f32 v46, v7  }
0xf9: {  	v58 =	vld [tilespmem:s15+$0x7040];
	v62 =	vmul.f32 v53, v8;
	v63 =	vmul.f32 v54, v7;
	v49 =	vadd.f32 v49, v50  }
0xfa: {  	v53 =	vld [tilespmem:s15+$0x7030];
	v59 =	vmul.f32 v55, v8;
	v45 =	vmul.f32 v45, v7;
	v51 =	vadd.f32 v52, v51  }
0xfb: {  	v60 =	vmul.f32 v56, v8;
	v44 =	vmul.f32 v44, v7;
	v56 =	vld [tilespmem:s15+$0x6C60];
	v47 =	vadd.f32 v48, v47;
	[tilespmem:s15+$0x1430] =	vst v49  }
0xfc: {  	v43 =	vmul.f32 v43, v7;
	v39 =	vmul.f32 v39, v7;
	v55 =	vld [tilespmem:s15+$0x6870];
	v46 =	vadd.f32 v62, v46;
	[tilespmem:s15+$0x1420] =	vst v51  }
0xfd: {  	v61 =	vmul.f32 v61, v8;
	v12 =	vmul.f32 v12, v7;
	v48 =	vld [tilespmem:s15+$0x7020];
	v52 =	vadd.f32 v59, v63;
	[tilespmem:s15+$0x1410] =	vst v47  }
0xfe: {  	v11 =	vmul.f32 v11, v8;
	v63 =	vmul.f32 v58, v8;
	v45 =	vadd.f32 v60, v45;
	v58 =	vld [tilespmem:s15+$0x6C50];
	[tilespmem:s15+$0x1400] =	vst v46  }
0xff: {  	v42 =	vmul.f32 v42, v7;
	v62 =	vmul.f32 v57, v8;
	v59 =	vld [tilespmem:s15+$0x6C40];
	v39 =	vadd.f32 v61, v39;
	[tilespmem:s15+$0x1070] =	vst v52  }
0x100: {  	v41 =	vmul.f32 v41, v7;
	v40 =	vmul.f32 v40, v7;
	v60 =	vld [tilespmem:s15+$0x6C30];
	v11 =	vadd.f32 v11, v12;
	[tilespmem:s15+$0x1060] =	vst v45  }
0x101: {  	v38 =	vmul.f32 v38, v7;
	v61 =	vld [tilespmem:s15+$0x6810];
	v44 =	vadd.f32 v62, v44;
	[tilespmem:s15+$0x1000] =	vst v39;
	v57 =	vmul.f32 v53, v8  }
0x102: {  	v37 =	vmul.f32 v37, v7;
	v49 =	vld [tilespmem:s15+$0x7010];
	v43 =	vadd.f32 v63, v43;
	[tilespmem:s15+$0x40] =	vst v11;
	v46 =	vmul.f32 v56, v8  }
0x103: {  	v36 =	vmul.f32 v36, v7;
	v47 =	vld [tilespmem:s15+$0x6C70];
	[tilespmem:s15+$0x1050] =	vst v44;
	v48 =	vmul.f32 v48, v8;
	v42 =	vadd.f32 v57, v42  }
0x104: {  	v35 =	vmul.f32 v35, v7;
	v62 =	vld [tilespmem:s15+$0x6C20];
	[tilespmem:s15+$0x1040] =	vst v43;
	v54 =	vmul.f32 v58, v8;
	v37 =	vadd.f32 v46, v37  }
0x105: {  	v34 =	vmul.f32 v34, v7;
	v63 =	vld [tilespmem:s15+$0x6C10];
	v45 =	vmul.f32 v59, v8;
	v41 =	vadd.f32 v48, v41;
	[tilespmem:s15+$0x1030] =	vst v42  }
0x106: {  	v33 =	vmul.f32 v33, v7;
	v56 =	vld [tilespmem:s15+$0x6860];
	v44 =	vmul.f32 v60, v8;
	v36 =	vadd.f32 v54, v36;
	[tilespmem:s15+$0xC60] =	vst v37  }
0x107: {  	v32 =	vmul.f32 v32, v7;
	v53 =	vld [tilespmem:s15+$0x6C00];
	v49 =	vmul.f32 v49, v8;
	v35 =	vadd.f32 v45, v35;
	[tilespmem:s15+$0x1020] =	vst v41  }
0x108: {  	v6 =	vmul.f32 v6, v7;
	v12 =	vld [tilespmem:s15+$0x1460];
	v47 =	vmul.f32 v47, v8;
	v34 =	vadd.f32 v44, v34;
	[tilespmem:s15+$0xC50] =	vst v36  }
0x109: {  	v5 =	vmul.f32 v5, v8;
	v58 =	vld [tilespmem:s15+$0x6840];
	v43 =	vmul.f32 v62, v8;
	v40 =	vadd.f32 v49, v40;
	[tilespmem:s15+$0xC40] =	vst v35  }
0x10a: {  	v29 =	vmul.f32 v29, v7;
	v59 =	vld [tilespmem:s15+$0x6830];
	v42 =	vmul.f32 v63, v8;
	v38 =	vadd.f32 v47, v38;
	[tilespmem:s15+$0xC30] =	vst v34  }
0x10b: {  	v5 =	vadd.f32 v5, v6;
	v6 =	vld [tilespmem:s15+$0x0];
	v39 =	vmul.f32 v56, v8;
	v33 =	vadd.f32 v43, v33;
	[tilespmem:s15+$0x1010] =	vst v40  }
0x10c: {  	v31 =	vmul.f32 v31, v7;
	v60 =	vld [tilespmem:s15+$0x6820];
	v41 =	vmul.f32 v53, v8;
	v32 =	vadd.f32 v42, v32;
	[tilespmem:s15+$0xC70] =	vst v38  }
0x10d: {  	v24 =	vmul.f32 v24, v7;
	v57 =	vld [tilespmem:s15+$0x6850];
	v34 =	vmul.f32 v61, v8;
	v29 =	vadd.f32 v39, v29;
	[tilespmem:s15+$0xC20] =	vst v33  }
0x10e: {  	v27 =	vmul.f32 v27, v7;
	v62 =	vld [tilespmem:s15+$0x6800];
	v37 =	vmul.f32 v58, v8;
	v31 =	vadd.f32 v41, v31;
	[tilespmem:s15+$0xC10] =	vst v32  }
0x10f: {  	v26 =	vmul.f32 v26, v7;
	v63 =	vld [tilespmem:s15+$0x6470];
	v36 =	vmul.f32 v59, v8;
	v24 =	vadd.f32 v34, v24;
	[tilespmem:s15+$0x860] =	vst v29  }
0x110: {  	v30 =	vmul.f32 v30, v7;
	v40 =	vmul.f32 v55, v8;
	v27 =	vadd.f32 v37, v27;
	v29 =	vld [tilespmem:s15+$0x6440];
	[tilespmem:s15+$0xC00] =	vst v31  }
0x111: {  	v25 =	vmul.f32 v25, v7;
	v35 =	vmul.f32 v60, v8;
	v26 =	vadd.f32 v36, v26;
	v31 =	vld [tilespmem:s15+$0x6460];
	[tilespmem:s15+$0x810] =	vst v24  }
0x112: {  	v28 =	vmul.f32 v28, v7;
	v38 =	vmul.f32 v57, v8;
	v30 =	vadd.f32 v40, v30;
	v24 =	vld [tilespmem:s15+$0x6070];
	[tilespmem:s15+$0x840] =	vst v27  }
0x113: {  	v23 =	vmul.f32 v23, v7;
	v33 =	vmul.f32 v62, v8;
	v25 =	vadd.f32 v35, v25;
	v27 =	vld [tilespmem:s15+$0x6420];
	[tilespmem:s15+$0x830] =	vst v26  }
0x114: {  	v22 =	vmul.f32 v22, v7;
	v32 =	vmul.f32 v63, v8;
	v28 =	vadd.f32 v38, v28;
	[tilespmem:s15+$0x870] =	vst v30;
	v30 =	vld [tilespmem:s15+$0x6450]  }
0x115: {  	v19 =	vmul.f32 v19, v7;
	v23 =	vadd.f32 v33, v23;
	[tilespmem:s15+$0x820] =	vst v25;
	v25 =	vld [tilespmem:s15+$0x6400];
	v29 =	vmul.f32 v29, v8  }
0x116: {  	v21 =	vmul.f32 v21, v7;
	v22 =	vadd.f32 v32, v22;
	[tilespmem:s15+$0x850] =	vst v28;
	v28 =	vld [tilespmem:s15+$0x6430];
	v31 =	vmul.f32 v31, v8  }
0x117: {  	v14 =	vmul.f32 v14, v7;
	[tilespmem:s15+$0x800] =	vst v23;
	v23 =	vld [tilespmem:s15+$0x6060];
	v24 =	vmul.f32 v24, v8;
	v19 =	vadd.f32 v29, v19  }
0x118: {  	v17 =	vmul.f32 v17, v7;
	v26 =	vld [tilespmem:s15+$0x6410];
	[tilespmem:s15+$0x470] =	vst v22;
	v27 =	vmul.f32 v27, v8;
	v21 =	vadd.f32 v31, v21  }
0x119: {  	v20 =	vmul.f32 v20, v7;
	v22 =	vld [tilespmem:s15+$0x50];
	v30 =	vmul.f32 v30, v8;
	v14 =	vadd.f32 v24, v14;
	[tilespmem:s15+$0x440] =	vst v19  }
0x11a: {  	v15 =	vmul.f32 v15, v7;
	v25 =	vmul.f32 v25, v8;
	v17 =	vadd.f32 v27, v17;
	v19 =	vld [tilespmem:s15+$0x7450];
	[tilespmem:s15+$0x460] =	vst v21  }
0x11b: {  	v18 =	vmul.f32 v18, v7;
	v28 =	vmul.f32 v28, v8;
	v20 =	vadd.f32 v30, v20;
	v21 =	vld [tilespmem:s15+$0x6050];
	[tilespmem:s15+$0x70] =	vst v14  }
0x11c: {  	v13 =	vmul.f32 v13, v7;
	v23 =	vmul.f32 v23, v8;
	v15 =	vadd.f32 v25, v15;
	[tilespmem:s15+$0x420] =	vst v17;
	v17 =	vld [tilespmem:s15+$0x1440]  }
0x11d: {  	v16 =	vmul.f32 v16, v7;
	v26 =	vmul.f32 v26, v8;
	v18 =	vadd.f32 v28, v18;
	[tilespmem:s15+$0x450] =	vst v20;
	v20 =	vld [tilespmem:s15+$0x7440]  }
0x11e: {  	v10 =	vmul.f32 v10, v7;
	v9 =	vmul.f32 v9, v8;
	v13 =	vadd.f32 v23, v13;
	[tilespmem:s15+$0x400] =	vst v15;
	v15 =	vld [tilespmem:s15+$0x1450]  }
0x11f: {  	v4 =	vmul.f32 v4, v7;
	v3 =	vmul.f32 v3, v8;
	v16 =	vadd.f32 v26, v16;
	[tilespmem:s15+$0x430] =	vst v18;
	v18 =	vld [tilespmem:s15+$0x7460]  }
0x120: {  	v9 =	vadd.f32 v9, v10;
	v10 =	vmul.f32 v22, v7;
	v14 =	vld [tilespmem:s15+$0x1470];
	[tilespmem:s15+$0x60] =	vst v13;
	v13 =	vmul.f32 v21, v8  }
0x121: {  	v3 =	vadd.f32 v3, v4;
	[tilespmem:s15+$0x410] =	vst v16;
	v16 =	vld [tilespmem:s15+$0x7470]  }
0x122: {  	s17 =	simm.s32 $0x0;
	[tilespmem:s15+$0x30] =	vst v9;
	v9 =	vld [tilespmem:s15+$0x6000];
	v11 =	vmul.f32 v17, v7;
	v17 =	vmul.f32 v20, v8;
	v4 =	vadd.f32 v13, v10  }
0x123: {  	s2 =	smul.u32 $0x1800, s17;
	s13 =	simm.s32 $0x80;
	[tilespmem:s15+$0x20] =	vst v5;
	v5 =	vmul.f32 v15, v7;
	v10 =	vmul.f32 v19, v8  }
0x124: {  	s16 =	sand.u32 $0x380, s13;
	v11 =	vadd.f32 v17, v11;
	[tilespmem:s15+$0x50] =	vst v4;
	v4 =	vmul.f32 v12, v7;
	v12 =	vmul.f32 v18, v8  }
0x125: {  	s2 =	sor.u32 s16, s2;
	[tilespmem:s15+$0x10] =	vst v3;
	v5 =	vadd.f32 v10, v5  }
0x126: {  	v3 =	vld [tilespmem:s2+$0x10];
	v10 =	vmul.f32 v14, v7;
	[tilespmem:s15+$0x1440] =	vst v11;
	v11 =	vmul.f32 v16, v8;
	v12 =	vadd.f32 v12, v4  }
0x127: {  	v7 =	vmul.f32 v6, v7;
	v8 =	vmul.f32 v9, v8;
	v4 =	vld [tilespmem:s2+$0x6010];
	[tilespmem:s15+$0x1450] =	vst v5  }
0x128: {  	v9 =	vadd.f32 v11, v10;
	v6 =	vld [tilespmem:s2+$0x20];
	[tilespmem:s15+$0x1460] =	vst v12  }
0x129: {  	v7 =	vadd.f32 v8, v7;
	v5 =	vld [tilespmem:s2+$0x6020]  }
0x12a: {  	v8 =	vld [tilespmem:s2+$0x30];
	[tilespmem:s15+$0x1470] =	vst v9  }
0x12b: {  	v18 =	vld [tilespmem:s2+$0x430];
	[tilespmem:s15+$0x0] =	vst v7  }
0x12c: {  	v7 =	vld [tilespmem:s2+$0x6030]  }
0x12d: {  	v10 =	vld [tilespmem:s2+$0x40]  }
0x12e: {  	v9 =	vld [tilespmem:s2+$0x6040]  }
0x12f: {  	v12 =	vld [tilespmem:s2+$0x50]  }
0x130: {  	v11 =	vld [tilespmem:s2+$0x6050]  }
0x131: {  	v13 =	vld [tilespmem:s2+$0x60]  }
0x132: {  	v14 =	vld [tilespmem:s2+$0x70]  }
0x133: {  	v15 =	vld [tilespmem:s2+$0x400]  }
0x134: {  	v16 =	vld [tilespmem:s2+$0x410]  }
0x135: {  	v17 =	vld [tilespmem:s2+$0x420]  }
0x136: {  	v19 =	vld [tilespmem:s2+$0x440]  }
0x137: {  	v20 =	vld [tilespmem:s2+$0x450]  }
0x138: {  	v21 =	vld [tilespmem:s2+$0x460]  }
0x139: {  	v22 =	vld [tilespmem:s2+$0x470]  }
0x13a: {  	v23 =	vld [tilespmem:s2+$0x800]  }
0x13b: {  	v24 =	vld [tilespmem:s2+$0x810]  }
0x13c: {  	v25 =	vld [tilespmem:s2+$0x820]  }
0x13d: {  	v26 =	vld [tilespmem:s2+$0x830]  }
0x13e: {  	v27 =	vld [tilespmem:s2+$0x840]  }
0x13f: {  	v28 =	vld [tilespmem:s2+$0x850]  }
0x140: {  	v29 =	vld [tilespmem:s2+$0x860]  }
0x141: {  	v30 =	vld [tilespmem:s2+$0x870]  }
0x142: {  	v31 =	vld [tilespmem:s2+$0xC00]  }
0x143: {  	v34 =	vld [tilespmem:s2+$0xC10]  }
0x144: {  	v35 =	vld [tilespmem:s2+$0xC20]  }
0x145: {  	v36 =	vld [tilespmem:s2+$0xC30]  }
0x146: {  	v37 =	vld [tilespmem:s2+$0xC40]  }
0x147: {  	v38 =	vld [tilespmem:s2+$0xC50]  }
0x148: {  	v39 =	vld [tilespmem:s2+$0xC60]  }
0x149: {  	v40 =	vld [tilespmem:s2+$0xC70]  }
0x14a: {  	v41 =	vld [tilespmem:s2+$0x1000]  }
0x14b: {  	v42 =	vld [tilespmem:s2+$0x1010]  }
0x14c: {  	v43 =	vld [tilespmem:s2+$0x1020]  }
0x14d: {  	v44 =	vld [tilespmem:s2+$0x1030]  }
0x14e: {  	v45 =	vld [tilespmem:s2+$0x1040]  }
0x14f: {  	v46 =	vld [tilespmem:s2+$0x1050]  }
0x150: {  	v47 =	vld [tilespmem:s2+$0x1060]  }
0x151: {  	v48 =	vld [tilespmem:s2+$0x1400]  }
0x152: {  	v50 =	vld [tilespmem:s2+$0x1410]  }
0x153: {  	v49 =	vld [tilespmem:s2+$0x7410]  }
0x154: {  	s15 =	simm.s32 $0x2;
	v51 =	vld [tilespmem:s2+$0x7430]  }
.LBB2_2:
0x155: {  	p0 =	sne.s32 s15, $0x1F;
	v52 =	vld [tilespmem:s2+$0x1430]  }
0x156: {  	s31 =	sadd.s32 $0x80, s31;
	v53 =	vld [tilespmem:s2+$0x1420]  }
0x157: {  	s0 =	sadd.s32 $0x80, s0;
	v33 =	vld [tilespmem:s31+$0x0]  }
0x158: {  	v32 =	vld [tilespmem:s0+$0x0]  }
0x159: {  	v54 =	vld [tilespmem:s2+$0x7420]  }
0x15a: {  	v55 =	vld [tilespmem:s2+$0x7400]  }
0x15b: {  	v56 =	vld [tilespmem:s2+$0x1070]  }
0x15c: {  	v57 =	vld [tilespmem:s2+$0x7070];
	v50 =	vmul.f32 v50, v33;
	v53 =	vmul.f32 v53, v33  }
0x15d: {  	v52 =	vmul.f32 v52, v33;
	v58 =	vld [tilespmem:s2+$0x7060];
	v51 =	vmul.f32 v51, v32  }
0x15e: {  	v49 =	vmul.f32 v49, v32;
	v59 =	vld [tilespmem:s2+$0x7050];
	v54 =	vmul.f32 v54, v32  }
0x15f: {  	v48 =	vmul.f32 v48, v33;
	v60 =	vld [tilespmem:s2+$0x7040];
	v55 =	vmul.f32 v55, v32;
	v51 =	vadd.f32 v51, v52  }
0x160: {  	v49 =	vadd.f32 v49, v50;
	v52 =	vld [tilespmem:s2+$0x7030];
	v56 =	vmul.f32 v56, v33;
	v50 =	vadd.f32 v54, v53  }
0x161: {  	v47 =	vmul.f32 v47, v33;
	v53 =	vld [tilespmem:s2+$0x7020];
	v54 =	vmul.f32 v57, v32;
	v48 =	vadd.f32 v55, v48;
	[tilespmem:s2+$0x1430] =	vst v51  }
0x162: {  	v46 =	vmul.f32 v46, v33;
	v51 =	vld [tilespmem:s2+$0x7010];
	v55 =	vmul.f32 v58, v32;
	[tilespmem:s2+$0x1420] =	vst v50  }
0x163: {  	v45 =	vmul.f32 v45, v33;
	v50 =	vld [tilespmem:s2+$0x7000];
	v57 =	vmul.f32 v59, v32;
	v54 =	vadd.f32 v54, v56;
	[tilespmem:s2+$0x1410] =	vst v49  }
0x164: {  	v44 =	vmul.f32 v44, v33;
	v49 =	vld [tilespmem:s2+$0x6C70];
	v56 =	vmul.f32 v60, v32;
	v47 =	vadd.f32 v55, v47;
	[tilespmem:s2+$0x1400] =	vst v48  }
0x165: {  	v43 =	vmul.f32 v43, v33;
	v48 =	vld [tilespmem:s2+$0x6C60];
	v52 =	vmul.f32 v52, v32;
	v46 =	vadd.f32 v57, v46;
	[tilespmem:s2+$0x1070] =	vst v54  }
0x166: {  	v42 =	vmul.f32 v42, v33;
	v54 =	vld [tilespmem:s2+$0x6C50];
	v53 =	vmul.f32 v53, v32;
	v45 =	vadd.f32 v56, v45;
	[tilespmem:s2+$0x1060] =	vst v47  }
0x167: {  	v41 =	vmul.f32 v41, v33;
	v47 =	vld [tilespmem:s2+$0x6C40];
	v51 =	vmul.f32 v51, v32;
	v44 =	vadd.f32 v52, v44;
	[tilespmem:s2+$0x1050] =	vst v46  }
0x168: {  	v40 =	vmul.f32 v40, v33;
	v46 =	vld [tilespmem:s2+$0x6C30];
	v50 =	vmul.f32 v50, v32;
	v43 =	vadd.f32 v53, v43;
	[tilespmem:s2+$0x1040] =	vst v45  }
0x169: {  	v39 =	vmul.f32 v39, v33;
	v45 =	vld [tilespmem:s2+$0x6C20];
	v49 =	vmul.f32 v49, v32;
	v42 =	vadd.f32 v51, v42;
	[tilespmem:s2+$0x1030] =	vst v44  }
0x16a: {  	v38 =	vmul.f32 v38, v33;
	v44 =	vld [tilespmem:s2+$0x6C10];
	v48 =	vmul.f32 v48, v32;
	v41 =	vadd.f32 v50, v41;
	[tilespmem:s2+$0x1020] =	vst v43  }
0x16b: {  	v37 =	vmul.f32 v37, v33;
	v43 =	vld [tilespmem:s2+$0x6C00];
	v50 =	vmul.f32 v54, v32;
	v40 =	vadd.f32 v49, v40;
	[tilespmem:s2+$0x1010] =	vst v42  }
0x16c: {  	v36 =	vmul.f32 v36, v33;
	v42 =	vld [tilespmem:s2+$0x6870];
	v47 =	vmul.f32 v47, v32;
	v39 =	vadd.f32 v48, v39;
	[tilespmem:s2+$0x1000] =	vst v41  }
0x16d: {  	v35 =	vmul.f32 v35, v33;
	v41 =	vld [tilespmem:s2+$0x6860];
	v46 =	vmul.f32 v46, v32;
	v38 =	vadd.f32 v50, v38;
	[tilespmem:s2+$0xC70] =	vst v40  }
0x16e: {  	v34 =	vmul.f32 v34, v33;
	v40 =	vld [tilespmem:s2+$0x6850];
	v45 =	vmul.f32 v45, v32;
	v37 =	vadd.f32 v47, v37;
	[tilespmem:s2+$0xC60] =	vst v39  }
0x16f: {  	v31 =	vmul.f32 v31, v33;
	v39 =	vld [tilespmem:s2+$0x6840];
	v44 =	vmul.f32 v44, v32;
	v36 =	vadd.f32 v46, v36;
	[tilespmem:s2+$0xC50] =	vst v38  }
0x170: {  	v30 =	vmul.f32 v30, v33;
	v38 =	vld [tilespmem:s2+$0x6830];
	v43 =	vmul.f32 v43, v32;
	v35 =	vadd.f32 v45, v35;
	[tilespmem:s2+$0xC40] =	vst v37  }
0x171: {  	v29 =	vmul.f32 v29, v33;
	v37 =	vld [tilespmem:s2+$0x6820];
	v42 =	vmul.f32 v42, v32;
	v34 =	vadd.f32 v44, v34;
	[tilespmem:s2+$0xC30] =	vst v36  }
0x172: {  	v28 =	vmul.f32 v28, v33;
	v36 =	vld [tilespmem:s2+$0x6810];
	v41 =	vmul.f32 v41, v32;
	v31 =	vadd.f32 v43, v31;
	[tilespmem:s2+$0xC20] =	vst v35  }
0x173: {  	v27 =	vmul.f32 v27, v33;
	v35 =	vld [tilespmem:s2+$0x6800];
	v40 =	vmul.f32 v40, v32;
	v30 =	vadd.f32 v42, v30;
	[tilespmem:s2+$0xC10] =	vst v34  }
0x174: {  	v26 =	vmul.f32 v26, v33;
	v34 =	vld [tilespmem:s2+$0x6470];
	v39 =	vmul.f32 v39, v32;
	v29 =	vadd.f32 v41, v29;
	[tilespmem:s2+$0xC00] =	vst v31  }
0x175: {  	v25 =	vmul.f32 v25, v33;
	v31 =	vld [tilespmem:s2+$0x6460];
	v38 =	vmul.f32 v38, v32;
	v28 =	vadd.f32 v40, v28;
	[tilespmem:s2+$0x870] =	vst v30  }
0x176: {  	v24 =	vmul.f32 v24, v33;
	v30 =	vld [tilespmem:s2+$0x6450];
	v37 =	vmul.f32 v37, v32;
	v27 =	vadd.f32 v39, v27;
	[tilespmem:s2+$0x860] =	vst v29  }
0x177: {  	v23 =	vmul.f32 v23, v33;
	v29 =	vld [tilespmem:s2+$0x6440];
	v36 =	vmul.f32 v36, v32;
	v26 =	vadd.f32 v38, v26;
	[tilespmem:s2+$0x850] =	vst v28  }
0x178: {  	v22 =	vmul.f32 v22, v33;
	v28 =	vld [tilespmem:s2+$0x6430];
	v35 =	vmul.f32 v35, v32;
	v25 =	vadd.f32 v37, v25;
	[tilespmem:s2+$0x840] =	vst v27  }
0x179: {  	v21 =	vmul.f32 v21, v33;
	v27 =	vld [tilespmem:s2+$0x6420];
	v34 =	vmul.f32 v34, v32;
	v24 =	vadd.f32 v36, v24;
	[tilespmem:s2+$0x830] =	vst v26  }
0x17a: {  	v20 =	vmul.f32 v20, v33;
	v26 =	vld [tilespmem:s2+$0x6410];
	v31 =	vmul.f32 v31, v32;
	v23 =	vadd.f32 v35, v23;
	[tilespmem:s2+$0x820] =	vst v25  }
0x17b: {  	v19 =	vmul.f32 v19, v33;
	v25 =	vld [tilespmem:s2+$0x6400];
	v30 =	vmul.f32 v30, v32;
	v22 =	vadd.f32 v34, v22;
	[tilespmem:s2+$0x810] =	vst v24  }
0x17c: {  	v18 =	vmul.f32 v18, v33;
	v24 =	vld [tilespmem:s2+$0x6070];
	v29 =	vmul.f32 v29, v32;
	v21 =	vadd.f32 v31, v21;
	[tilespmem:s2+$0x800] =	vst v23  }
0x17d: {  	v17 =	vmul.f32 v17, v33;
	v23 =	vld [tilespmem:s2+$0x6060];
	v28 =	vmul.f32 v28, v32;
	v20 =	vadd.f32 v30, v20;
	[tilespmem:s2+$0x470] =	vst v22  }
0x17e: {  	v16 =	vmul.f32 v16, v33;
	v22 =	vmul.f32 v27, v32;
	v19 =	vadd.f32 v29, v19;
	[tilespmem:s2+$0x460] =	vst v21;
	v21 =	vld [tilespmem:s2+$0x7440]  }
0x17f: {  	v15 =	vmul.f32 v15, v33;
	v26 =	vmul.f32 v26, v32;
	v18 =	vadd.f32 v28, v18;
	[tilespmem:s2+$0x450] =	vst v20;
	v20 =	vld [tilespmem:s2+$0x7450]  }
0x180: {  	v14 =	vmul.f32 v14, v33;
	v25 =	vmul.f32 v25, v32;
	v17 =	vadd.f32 v22, v17;
	[tilespmem:s2+$0x440] =	vst v19;
	v19 =	vld [tilespmem:s2+$0x7460]  }
0x181: {  	v13 =	vmul.f32 v13, v33;
	v22 =	vmul.f32 v24, v32;
	v16 =	vadd.f32 v26, v16;
	[tilespmem:s2+$0x430] =	vst v18;
	v18 =	vld [tilespmem:s2+$0x7470]  }
0x182: {  	v12 =	vmul.f32 v12, v33;
	v23 =	vmul.f32 v23, v32;
	v15 =	vadd.f32 v25, v15;
	[tilespmem:s2+$0x420] =	vst v17;
	v17 =	vld [tilespmem:s2+$0x1440]  }
0x183: {  	v10 =	vmul.f32 v10, v33;
	v11 =	vmul.f32 v11, v32;
	v14 =	vadd.f32 v22, v14;
	[tilespmem:s2+$0x410] =	vst v16;
	v16 =	vld [tilespmem:s2+$0x1450]  }
0x184: {  	v8 =	vmul.f32 v8, v33;
	v9 =	vmul.f32 v9, v32;
	v13 =	vadd.f32 v23, v13;
	[tilespmem:s2+$0x400] =	vst v15;
	v15 =	vld [tilespmem:s2+$0x1460]  }
0x185: {  	v6 =	vmul.f32 v6, v33;
	v7 =	vmul.f32 v7, v32;
	v11 =	vadd.f32 v11, v12;
	[tilespmem:s2+$0x70] =	vst v14;
	v12 =	vld [tilespmem:s2+$0x1470]  }
0x186: {  	v3 =	vmul.f32 v3, v33;
	v5 =	vmul.f32 v5, v32;
	v9 =	vadd.f32 v9, v10;
	v14 =	vld [tilespmem:s2+$0x0];
	[tilespmem:s2+$0x60] =	vst v13  }
0x187: {  	v4 =	vmul.f32 v4, v32;
	v7 =	vadd.f32 v7, v8;
	v10 =	vld [tilespmem:s2+$0x6000];
	[tilespmem:s2+$0x50] =	vst v11;
	v8 =	vmul.f32 v17, v33  }
0x188: {  	s16 =	sshrl.u32 s15, $0x3;
	v5 =	vadd.f32 v5, v6;
	v6 =	vmul.f32 v21, v32;
	[tilespmem:s2+$0x40] =	vst v9;
	v9 =	vmul.f32 v16, v33  }
0x189: {  	s13 =	sadd.s32 $0x80, s13;
	s16 =	smul.u32 $0x1800, s16;
	v3 =	vadd.f32 v4, v3;
	v4 =	vmul.f32 v20, v32;
	[tilespmem:s2+$0x30] =	vst v7;
	v7 =	vmul.f32 v15, v33  }
0x18a: {  	s17 =	sand.u32 $0x380, s13;
	[tilespmem:s2+$0x20] =	vst v5;
	v5 =	vadd.f32 v6, v8;
	v6 =	vmul.f32 v19, v32;
	v8 =	vmul.f32 v12, v33  }
0x18b: {  	s16 =	sor.u32 s17, s16;
	v9 =	vadd.f32 v4, v9;
	v12 =	vmul.f32 v18, v32;
	v11 =	vmul.f32 v14, v33;
	[tilespmem:s2+$0x10] =	vst v3  }
0x18c: {  	v3 =	vld [tilespmem:s16+$0x10];
	v10 =	vmul.f32 v10, v32;
	[tilespmem:s2+$0x1440] =	vst v5;
	v5 =	vadd.f32 v6, v7  }
0x18d: {  	v7 =	vadd.f32 v12, v8;
	v4 =	vld [tilespmem:s16+$0x6010];
	[tilespmem:s2+$0x1450] =	vst v9  }
0x18e: {  	v6 =	vld [tilespmem:s16+$0x20];
	v9 =	vadd.f32 v10, v11;
	[tilespmem:s2+$0x1460] =	vst v5  }
0x18f: {  	v5 =	vld [tilespmem:s16+$0x6020];
	[tilespmem:s2+$0x1470] =	vst v7  }
0x190: {  	v8 =	vld [tilespmem:s16+$0x30];
	[tilespmem:s2+$0x0] =	vst v9;
	s2 =	smov.u32 s16  }
0x191: {  	v7 =	vld [tilespmem:s2+$0x6030]  }
0x192: {  	v10 =	vld [tilespmem:s2+$0x40]  }
0x193: {  	v9 =	vld [tilespmem:s2+$0x6040]  }
0x194: {  	v12 =	vld [tilespmem:s2+$0x50]  }
0x195: {  	v11 =	vld [tilespmem:s2+$0x6050]  }
0x196: {  	v13 =	vld [tilespmem:s2+$0x60]  }
0x197: {  	v14 =	vld [tilespmem:s2+$0x70]  }
0x198: {  	v15 =	vld [tilespmem:s2+$0x400]  }
0x199: {  	v16 =	vld [tilespmem:s2+$0x410]  }
0x19a: {  	v17 =	vld [tilespmem:s2+$0x420]  }
0x19b: {  	v18 =	vld [tilespmem:s2+$0x430]  }
0x19c: {  	v19 =	vld [tilespmem:s2+$0x440]  }
0x19d: {  	v20 =	vld [tilespmem:s2+$0x450]  }
0x19e: {  	v21 =	vld [tilespmem:s2+$0x460]  }
0x19f: {  	v22 =	vld [tilespmem:s2+$0x470]  }
0x1a0: {  	v23 =	vld [tilespmem:s2+$0x800]  }
0x1a1: {  	v24 =	vld [tilespmem:s2+$0x810]  }
0x1a2: {  	v25 =	vld [tilespmem:s2+$0x820]  }
0x1a3: {  	v26 =	vld [tilespmem:s2+$0x830]  }
0x1a4: {  	v27 =	vld [tilespmem:s2+$0x840]  }
0x1a5: {  	v28 =	vld [tilespmem:s2+$0x850]  }
0x1a6: {  	v29 =	vld [tilespmem:s2+$0x860]  }
0x1a7: {  	v30 =	vld [tilespmem:s2+$0x870]  }
0x1a8: {  	v31 =	vld [tilespmem:s2+$0xC00]  }
0x1a9: {  	v34 =	vld [tilespmem:s2+$0xC10]  }
0x1aa: {  	v35 =	vld [tilespmem:s2+$0xC20]  }
0x1ab: {  	v36 =	vld [tilespmem:s2+$0xC30]  }
0x1ac: {  	v37 =	vld [tilespmem:s2+$0xC40]  }
0x1ad: {  	v38 =	vld [tilespmem:s2+$0xC50]  }
0x1ae: {  	v39 =	vld [tilespmem:s2+$0xC60]  }
0x1af: {  	v40 =	vld [tilespmem:s2+$0xC70]  }
0x1b0: {  	v41 =	vld [tilespmem:s2+$0x1000]  }
0x1b1: {  	v42 =	vld [tilespmem:s2+$0x1010]  }
0x1b2: {  	v43 =	vld [tilespmem:s2+$0x1020]  }
0x1b3: {  	v44 =	vld [tilespmem:s2+$0x1030]  }
0x1b4: {  	v45 =	vld [tilespmem:s2+$0x1040]  }
0x1b5: {  	v46 =	vld [tilespmem:s2+$0x1050]  }
.Ltmp0:
0x1b6: {  	v47 =	vld [tilespmem:s2+$0x1060];
	(pc) =	sbr.rel @p0 .LBB2_2-.Ltmp0, $4  }
0x1b7: {  	v48 =	vld [tilespmem:s2+$0x1400]  }
0x1b8: {  	v50 =	vld [tilespmem:s2+$0x1410]  }
0x1b9: {  	v49 =	vld [tilespmem:s2+$0x7410]  }
0x1ba: {  	s15 =	sadd.s32 $0x1, s15;
	v51 =	vld [tilespmem:s2+$0x7430]  }
0x1bb: {  	v52 =	vld [tilespmem:s2+$0x1430]  }
0x1bc: {  	v53 =	vld [tilespmem:s2+$0x1420];
	s13 =	sadd.s32 $0x80, s31  }
0x1bd: {  	s0 =	sadd.s32 $0x80, s0;
	v32 =	vld [tilespmem:s13+$0x0]  }
0x1be: {  	v33 =	vld [tilespmem:s0+$0x0]  }
0x1bf: {  	v54 =	vld [tilespmem:s2+$0x7420]  }
0x1c0: {  	v55 =	vld [tilespmem:s2+$0x7400]  }
0x1c1: {  	v56 =	vld [tilespmem:s2+$0x1070]  }
0x1c2: {  	v57 =	vld [tilespmem:s2+$0x7070]  }
0x1c3: {  	v58 =	vld [tilespmem:s2+$0x7060];
	v52 =	vmul.f32 v52, v32;
	v51 =	vmul.f32 v51, v33  }
0x1c4: {  	v53 =	vmul.f32 v53, v32;
	v54 =	vmul.f32 v54, v33  }
0x1c5: {  	v59 =	vld [tilespmem:s2+$0x7050];
	v50 =	vmul.f32 v50, v32;
	v49 =	vmul.f32 v49, v33  }
0x1c6: {  	v61 =	vld [tilespmem:s2+$0x7020];
	v48 =	vmul.f32 v48, v32;
	v62 =	vmul.f32 v55, v33;
	v51 =	vadd.f32 v51, v52  }
0x1c7: {  	v60 =	vld [tilespmem:s2+$0x7040];
	v63 =	vmul.f32 v56, v32;
	v57 =	vmul.f32 v57, v33;
	v53 =	vadd.f32 v54, v53  }
0x1c8: {  	v47 =	vmul.f32 v47, v32;
	v58 =	vmul.f32 v58, v33;
	v52 =	vld [tilespmem:s2+$0x7030];
	v49 =	vadd.f32 v49, v50;
	[tilespmem:s2+$0x1430] =	vst v51  }
0x1c9: {  	v46 =	vmul.f32 v46, v32;
	v45 =	vmul.f32 v45, v32;
	v50 =	vld [tilespmem:s2+$0x7000];
	v48 =	vadd.f32 v62, v48;
	[tilespmem:s2+$0x1420] =	vst v53  }
0x1ca: {  	v44 =	vmul.f32 v44, v32;
	v62 =	vmul.f32 v59, v33;
	v47 =	vadd.f32 v58, v47;
	v58 =	vld [tilespmem:s2+$0x6C30];
	[tilespmem:s2+$0x1410] =	vst v49  }
0x1cb: {  	v43 =	vmul.f32 v43, v32;
	v59 =	vmul.f32 v61, v33;
	v51 =	vld [tilespmem:s2+$0x7010];
	v53 =	vadd.f32 v57, v63;
	[tilespmem:s2+$0x1400] =	vst v48  }
0x1cc: {  	v42 =	vmul.f32 v42, v32;
	v49 =	vld [tilespmem:s2+$0x6C70];
	v63 =	vmul.f32 v60, v33;
	v46 =	vadd.f32 v62, v46;
	[tilespmem:s2+$0x1060] =	vst v47  }
0x1cd: {  	v41 =	vmul.f32 v41, v32;
	v48 =	vld [tilespmem:s2+$0x6C60];
	v43 =	vadd.f32 v59, v43;
	[tilespmem:s2+$0x1070] =	vst v53;
	v52 =	vmul.f32 v52, v33  }
0x1ce: {  	v40 =	vmul.f32 v40, v32;
	v57 =	vld [tilespmem:s2+$0x6C40];
	v45 =	vadd.f32 v63, v45;
	[tilespmem:s2+$0x1050] =	vst v46;
	v50 =	vmul.f32 v50, v33  }
0x1cf: {  	v36 =	vmul.f32 v36, v32;
	v60 =	vld [tilespmem:s2+$0x6C20];
	[tilespmem:s2+$0x1020] =	vst v43;
	v46 =	vmul.f32 v58, v33;
	v44 =	vadd.f32 v52, v44  }
0x1d0: {  	v39 =	vmul.f32 v39, v32;
	v62 =	vld [tilespmem:s2+$0x6C00];
	[tilespmem:s2+$0x1040] =	vst v45;
	v51 =	vmul.f32 v51, v33;
	v41 =	vadd.f32 v50, v41  }
0x1d1: {  	v38 =	vmul.f32 v38, v32;
	v53 =	vld [tilespmem:s2+$0x6C50];
	v49 =	vmul.f32 v49, v33;
	v36 =	vadd.f32 v46, v36;
	[tilespmem:s2+$0x1030] =	vst v44  }
0x1d2: {  	v37 =	vmul.f32 v37, v32;
	v61 =	vld [tilespmem:s2+$0x6C10];
	v48 =	vmul.f32 v48, v33;
	v42 =	vadd.f32 v51, v42;
	[tilespmem:s2+$0x1000] =	vst v41  }
0x1d3: {  	v35 =	vmul.f32 v35, v32;
	v59 =	vld [tilespmem:s2+$0x6810];
	v47 =	vmul.f32 v57, v33;
	v40 =	vadd.f32 v49, v40;
	[tilespmem:s2+$0xC30] =	vst v36  }
0x1d4: {  	v34 =	vmul.f32 v34, v32;
	v63 =	vld [tilespmem:s2+$0x6870];
	v45 =	vmul.f32 v60, v33;
	v39 =	vadd.f32 v48, v39;
	[tilespmem:s2+$0x1010] =	vst v42  }
0x1d5: {  	v55 =	vld [tilespmem:s2+$0x6850];
	v31 =	vmul.f32 v31, v32;
	v43 =	vmul.f32 v62, v33;
	v37 =	vadd.f32 v47, v37;
	[tilespmem:s2+$0xC70] =	vst v40  }
0x1d6: {  	v30 =	vmul.f32 v30, v32;
	v52 =	vld [tilespmem:s2+$0x6860];
	v54 =	vmul.f32 v53, v33;
	v35 =	vadd.f32 v45, v35;
	[tilespmem:s2+$0xC60] =	vst v39  }
0x1d7: {  	v56 =	vld [tilespmem:s2+$0x6840];
	v29 =	vmul.f32 v29, v32;
	v44 =	vmul.f32 v61, v33;
	v31 =	vadd.f32 v43, v31;
	[tilespmem:s2+$0xC40] =	vst v37  }
0x1d8: {  	v24 =	vmul.f32 v24, v32;
	v58 =	vld [tilespmem:s2+$0x6820];
	v36 =	vmul.f32 v59, v33;
	v38 =	vadd.f32 v54, v38;
	[tilespmem:s2+$0xC20] =	vst v35  }
0x1d9: {  	v28 =	vmul.f32 v28, v32;
	v60 =	vld [tilespmem:s2+$0x6800];
	v34 =	vadd.f32 v44, v34;
	v42 =	vmul.f32 v63, v33;
	[tilespmem:s2+$0xC00] =	vst v31  }
0x1da: {  	v27 =	vmul.f32 v27, v32;
	v57 =	vld [tilespmem:s2+$0x6830];
	v40 =	vmul.f32 v55, v33;
	v24 =	vadd.f32 v36, v24;
	[tilespmem:s2+$0xC50] =	vst v38  }
0x1db: {  	v26 =	vmul.f32 v26, v32;
	v61 =	vld [tilespmem:s2+$0x6470];
	v41 =	vmul.f32 v52, v33;
	[tilespmem:s2+$0xC10] =	vst v34;
	v30 =	vadd.f32 v42, v30  }
0x1dc: {  	v25 =	vmul.f32 v25, v32;
	v39 =	vmul.f32 v56, v33;
	v28 =	vadd.f32 v40, v28;
	[tilespmem:s2+$0x810] =	vst v24  }
0x1dd: {  	v23 =	vmul.f32 v23, v32;
	v31 =	vld [tilespmem:s2+$0x6460];
	v37 =	vmul.f32 v58, v33;
	v29 =	vadd.f32 v41, v29;
	[tilespmem:s2+$0x870] =	vst v30  }
0x1de: {  	v22 =	vmul.f32 v22, v32;
	v35 =	vmul.f32 v60, v33;
	v27 =	vadd.f32 v39, v27;
	v30 =	vld [tilespmem:s2+$0x6450];
	[tilespmem:s2+$0x850] =	vst v28  }
0x1df: {  	v10 =	vmul.f32 v10, v32;
	v38 =	vmul.f32 v57, v33;
	v25 =	vadd.f32 v37, v25;
	[tilespmem:s2+$0x860] =	vst v29;
	v29 =	vld [tilespmem:s2+$0x6440]  }
0x1e0: {  	v9 =	vmul.f32 v9, v33;
	v34 =	vmul.f32 v61, v33;
	v23 =	vadd.f32 v35, v23;
	v28 =	vld [tilespmem:s2+$0x6430];
	[tilespmem:s2+$0x840] =	vst v27  }
0x1e1: {  	v21 =	vmul.f32 v21, v32;
	v26 =	vadd.f32 v38, v26;
	v27 =	vld [tilespmem:s2+$0x6420];
	[tilespmem:s2+$0x820] =	vst v25  }
0x1e2: {  	v9 =	vadd.f32 v9, v10;
	v10 =	vld [tilespmem:s2+$0x6000];
	v24 =	vmul.f32 v31, v33;
	v22 =	vadd.f32 v34, v22;
	[tilespmem:s2+$0x800] =	vst v23  }
0x1e3: {  	v20 =	vmul.f32 v20, v32;
	[tilespmem:s2+$0x830] =	vst v26;
	v26 =	vld [tilespmem:s2+$0x6410];
	v23 =	vmul.f32 v30, v33  }
0x1e4: {  	v19 =	vmul.f32 v19, v32;
	v25 =	vld [tilespmem:s2+$0x6400];
	v21 =	vadd.f32 v24, v21;
	[tilespmem:s2+$0x470] =	vst v22;
	v22 =	vmul.f32 v29, v33  }
0x1e5: {  	v18 =	vmul.f32 v18, v32;
	v31 =	vld [tilespmem:s2+$0x6070];
	v20 =	vadd.f32 v23, v20;
	v23 =	vmul.f32 v28, v33  }
0x1e6: {  	v17 =	vmul.f32 v17, v32;
	v24 =	vld [tilespmem:s2+$0x6060];
	[tilespmem:s2+$0x460] =	vst v21;
	v19 =	vadd.f32 v22, v19;
	v22 =	vmul.f32 v27, v33  }
0x1e7: {  	v12 =	vmul.f32 v12, v32;
	v11 =	vmul.f32 v11, v33;
	v21 =	vld [tilespmem:s2+$0x7440];
	[tilespmem:s2+$0x450] =	vst v20;
	v18 =	vadd.f32 v23, v18  }
0x1e8: {  	v16 =	vmul.f32 v16, v32;
	v20 =	vld [tilespmem:s2+$0x7450];
	v23 =	vmul.f32 v26, v33;
	[tilespmem:s2+$0x440] =	vst v19;
	v17 =	vadd.f32 v22, v17  }
0x1e9: {  	v15 =	vmul.f32 v15, v32;
	v11 =	vadd.f32 v11, v12;
	v19 =	vld [tilespmem:s2+$0x7460];
	[tilespmem:s2+$0x430] =	vst v18;
	v18 =	vmul.f32 v25, v33  }
0x1ea: {  	v14 =	vmul.f32 v14, v32;
	v22 =	vld [tilespmem:s2+$0x7470];
	v16 =	vadd.f32 v23, v16;
	[tilespmem:s2+$0x420] =	vst v17;
	v17 =	vmul.f32 v31, v33  }
0x1eb: {  	[tilespmem:s2+$0x50] =	vst v11;
	v15 =	vadd.f32 v18, v15;
	v18 =	vld [tilespmem:s2+$0x1440]  }
0x1ec: {  	v8 =	vmul.f32 v8, v32;
	v7 =	vmul.f32 v7, v33;
	[tilespmem:s2+$0x410] =	vst v16;
	v16 =	vld [tilespmem:s2+$0x1450];
	v14 =	vadd.f32 v17, v14  }
0x1ed: {  	v6 =	vmul.f32 v6, v32;
	v5 =	vmul.f32 v5, v33;
	[tilespmem:s2+$0x400] =	vst v15;
	v15 =	vld [tilespmem:s2+$0x1460]  }
0x1ee: {  	v3 =	vmul.f32 v3, v32;
	v4 =	vmul.f32 v4, v33;
	v7 =	vadd.f32 v7, v8;
	[tilespmem:s2+$0x70] =	vst v14;
	v14 =	vld [tilespmem:s2+$0x1470]  }
0x1ef: {  	v13 =	vmul.f32 v13, v32;
	v12 =	vld [tilespmem:s2+$0x0];
	v5 =	vadd.f32 v5, v6;
	[tilespmem:s2+$0x40] =	vst v9;
	v23 =	vmul.f32 v24, v33  }
0x1f0: {  	v3 =	vadd.f32 v4, v3;
	[tilespmem:s2+$0x30] =	vst v7;
	v6 =	vmul.f32 v21, v33;
	v8 =	vmul.f32 v18, v32  }
0x1f1: {  	[tilespmem:s2+$0x20] =	vst v5;
	v13 =	vadd.f32 v23, v13;
	v4 =	vmul.f32 v20, v33;
	v9 =	vmul.f32 v16, v32  }
0x1f2: {  	[tilespmem:s2+$0x10] =	vst v3;
	v7 =	vmul.f32 v15, v32;
	v5 =	vadd.f32 v6, v8;
	v6 =	vmul.f32 v19, v33  }
0x1f3: {  	[tilespmem:s2+$0x60] =	vst v13;
	v3 =	vadd.f32 v4, v9;
	v4 =	vmul.f32 v22, v33;
	v8 =	vmul.f32 v14, v32  }
0x1f4: {  	v10 =	vmul.f32 v10, v33;
	v9 =	vmul.f32 v12, v32;
	[tilespmem:s2+$0x1440] =	vst v5;
	v5 =	vadd.f32 v6, v7  }
0x1f5: {  	[tilespmem:s2+$0x1450] =	vst v3;
	v3 =	vadd.f32 v4, v8  }
0x1f6: {  	v4 =	vadd.f32 v10, v9;
	[tilespmem:s2+$0x1460] =	vst v5  }
0x1f7: {  	[tilespmem:s2+$0x1470] =	vst v3  }
0x1f8: {  	s15 =	simm.s32 $0x0;
	[tilespmem:s2+$0x0] =	vst v4  }
0x1f9: {  	[hbm4b:s10+s15] =	stream.linear.scatter [tilespmem:s15], [sflag:$0x1], $0x6000, $0x38;
	[tilespmem:$0x1C100] =	vst v63  }
0x1fa: {  	_ =	swait.ge [sflag:s29], $0x6000  }
0x1fb: {  	[sflag:s29] =	ssyncset.done $0x0  }
0x1fc: {  	s16 =	simm.s32 $0x0;
	[sflag:s29] =	ssyncadd.s32 $0xFFFFA000  }
0x1fd: {  	s2 =	smul.u32 $0x1800, s16;
	_ =	swait.ge [sflag:s29], $0x6000  }
0x1fe: {  	s0 =	sand.u32 $0x380, s15;
	[sflag:s29] =	ssyncset.done $0x0  }
0x1ff: {  	s15 =	sor.u32 s0, s2;
	[sflag:s29] =	ssyncadd.s32 $0xFFFFA000  }
0x200: {  	v4 =	vld [tilespmem:s15+$0xC010]  }
0x201: {  	v3 =	vld [tilespmem:s15+$0x12010]  }
0x202: {  	v6 =	vld [tilespmem:s15+$0xC020]  }
0x203: {  	v5 =	vld [tilespmem:s15+$0x12020]  }
0x204: {  	v10 =	vld [tilespmem:s15+$0xC030]  }
0x205: {  	v7 =	vld [tilespmem:s15+$0x12030]  }
0x206: {  	v12 =	vld [tilespmem:s15+$0xC040]  }
0x207: {  	v11 =	vld [tilespmem:s15+$0x12040]  }
0x208: {  	v13 =	vld [tilespmem:s15+$0xC060]  }
0x209: {  	v14 =	vld [tilespmem:s15+$0xC070]  }
0x20a: {  	v15 =	vld [tilespmem:s15+$0xC400]  }
0x20b: {  	v16 =	vld [tilespmem:s15+$0xC410]  }
0x20c: {  	v17 =	vld [tilespmem:s15+$0xC420]  }
0x20d: {  	v18 =	vld [tilespmem:s15+$0xC430]  }
0x20e: {  	v19 =	vld [tilespmem:s15+$0xC440]  }
0x20f: {  	v20 =	vld [tilespmem:s15+$0xC450]  }
0x210: {  	v21 =	vld [tilespmem:s15+$0xC460]  }
0x211: {  	v22 =	vld [tilespmem:s15+$0xC470]  }
0x212: {  	v23 =	vld [tilespmem:s15+$0xC800]  }
0x213: {  	v24 =	vld [tilespmem:s15+$0xC810]  }
0x214: {  	v25 =	vld [tilespmem:s15+$0xC820]  }
0x215: {  	v26 =	vld [tilespmem:s15+$0xC830]  }
0x216: {  	v27 =	vld [tilespmem:s15+$0xC840]  }
0x217: {  	v28 =	vld [tilespmem:s15+$0xC850]  }
0x218: {  	v29 =	vld [tilespmem:s15+$0xC860]  }
0x219: {  	v30 =	vld [tilespmem:s15+$0xC870]  }
0x21a: {  	v31 =	vld [tilespmem:s15+$0xCC00]  }
0x21b: {  	v32 =	vld [tilespmem:s15+$0xCC10]  }
0x21c: {  	v33 =	vld [tilespmem:s15+$0xCC20]  }
0x21d: {  	v34 =	vld [tilespmem:s15+$0xCC30]  }
0x21e: {  	v35 =	vld [tilespmem:s15+$0xCC40]  }
0x21f: {  	v36 =	vld [tilespmem:s15+$0xCC50]  }
0x220: {  	v37 =	vld [tilespmem:s15+$0xCC60]  }
0x221: {  	v38 =	vld [tilespmem:s15+$0xCC70]  }
0x222: {  	v39 =	vld [tilespmem:s15+$0xD000]  }
0x223: {  	v40 =	vld [tilespmem:s15+$0xD010]  }
0x224: {  	v41 =	vld [tilespmem:s15+$0xD020]  }
0x225: {  	v42 =	vld [tilespmem:s15+$0xD030]  }
0x226: {  	v43 =	vld [tilespmem:s15+$0xD040]  }
0x227: {  	v44 =	vld [tilespmem:s15+$0xD050]  }
0x228: {  	v45 =	vld [tilespmem:s15+$0xD060]  }
0x229: {  	v46 =	vld [tilespmem:s15+$0xD400]  }
0x22a: {  	v47 =	vld [tilespmem:s15+$0xD410]  }
0x22b: {  	v48 =	vld [tilespmem:s15+$0x13410]  }
0x22c: {  	v49 =	vld [tilespmem:s15+$0x13430]  }
0x22d: {  	v50 =	vld [tilespmem:s15+$0xD430]  }
0x22e: {  	s2 =	simm.s32 $0x19000;
	v51 =	vld [tilespmem:s15+$0xD420]  }
0x22f: {  	s31 =	simm.s32 $0x1B000;
	v8 =	vld [tilespmem:s2+$0x0]  }
0x230: {  	v9 =	vld [tilespmem:s31+$0x0]  }
0x231: {  	v52 =	vld [tilespmem:s15+$0x13420]  }
0x232: {  	v62 =	vld [tilespmem:s15+$0x13400]  }
0x233: {  	v63 =	vld [tilespmem:s15+$0xD070]  }
0x234: {  	v60 =	vld [tilespmem:s15+$0x13070];
	v50 =	vmul.f32 v50, v8  }
0x235: {  	v61 =	vld [tilespmem:s15+$0x13060];
	v49 =	vmul.f32 v49, v9;
	v51 =	vmul.f32 v51, v8  }
0x236: {  	v57 =	vld [tilespmem:s15+$0x13050];
	v52 =	vmul.f32 v52, v9;
	v47 =	vmul.f32 v47, v8  }
0x237: {  	v58 =	vld [tilespmem:s15+$0x13040];
	v48 =	vmul.f32 v48, v9;
	v46 =	vmul.f32 v46, v8;
	v49 =	vadd.f32 v49, v50  }
0x238: {  	v53 =	vld [tilespmem:s15+$0x13030];
	v62 =	vmul.f32 v62, v9;
	v63 =	vmul.f32 v63, v8;
	v51 =	vadd.f32 v52, v51  }
0x239: {  	v56 =	vld [tilespmem:s15+$0x12C60];
	v59 =	vmul.f32 v60, v9;
	v45 =	vmul.f32 v45, v8;
	v47 =	vadd.f32 v48, v47;
	[tilespmem:s15+$0xD430] =	vst v49  }
0x23a: {  	v55 =	vld [tilespmem:s15+$0x12870];
	v60 =	vmul.f32 v61, v9;
	v44 =	vmul.f32 v44, v8;
	v46 =	vadd.f32 v62, v46;
	[tilespmem:s15+$0xD420] =	vst v51  }
0x23b: {  	v61 =	vld [tilespmem:s15+$0x13000];
	v12 =	vmul.f32 v12, v8;
	v11 =	vmul.f32 v11, v9;
	v52 =	vadd.f32 v59, v63;
	[tilespmem:s15+$0xD410] =	vst v47  }
0x23c: {  	v10 =	vmul.f32 v10, v8;
	v7 =	vmul.f32 v7, v9;
	v48 =	vld [tilespmem:s15+$0x13020];
	v45 =	vadd.f32 v60, v45;
	[tilespmem:s15+$0xD400] =	vst v46  }
0x23d: {  	v62 =	vmul.f32 v57, v9;
	v63 =	vmul.f32 v58, v9;
	v58 =	vld [tilespmem:s15+$0x12C50];
	v11 =	vadd.f32 v11, v12;
	[tilespmem:s15+$0xD070] =	vst v52  }
0x23e: {  	v43 =	vmul.f32 v43, v8;
	v59 =	vld [tilespmem:s15+$0x12C40];
	v7 =	vadd.f32 v7, v10;
	[tilespmem:s15+$0xD060] =	vst v45  }
0x23f: {  	v42 =	vmul.f32 v42, v8;
	v57 =	vmul.f32 v53, v9;
	v60 =	vld [tilespmem:s15+$0x12C30];
	v44 =	vadd.f32 v62, v44;
	[tilespmem:s15+$0xC040] =	vst v11  }
0x240: {  	v37 =	vmul.f32 v37, v8;
	v53 =	vld [tilespmem:s15+$0x12C00];
	v43 =	vadd.f32 v63, v43;
	v46 =	vmul.f32 v56, v9;
	[tilespmem:s15+$0xC030] =	vst v7  }
0x241: {  	v39 =	vmul.f32 v39, v8;
	v49 =	vld [tilespmem:s15+$0x13010];
	v42 =	vadd.f32 v57, v42;
	v61 =	vmul.f32 v61, v9;
	[tilespmem:s15+$0xD050] =	vst v44  }
0x242: {  	v41 =	vmul.f32 v41, v8;
	v47 =	vld [tilespmem:s15+$0x12C70];
	[tilespmem:s15+$0xD040] =	vst v43;
	v37 =	vadd.f32 v46, v37;
	v48 =	vmul.f32 v48, v9  }
0x243: {  	v36 =	vmul.f32 v36, v8;
	v62 =	vld [tilespmem:s15+$0x12C20];
	[tilespmem:s15+$0xD030] =	vst v42;
	v39 =	vadd.f32 v61, v39;
	v54 =	vmul.f32 v58, v9  }
0x244: {  	v35 =	vmul.f32 v35, v8;
	v63 =	vld [tilespmem:s15+$0x12C10];
	v45 =	vmul.f32 v59, v9;
	[tilespmem:s15+$0xCC60] =	vst v37;
	v41 =	vadd.f32 v48, v41  }
0x245: {  	v34 =	vmul.f32 v34, v8;
	v56 =	vld [tilespmem:s15+$0x12860];
	v44 =	vmul.f32 v60, v9;
	[tilespmem:s15+$0xD000] =	vst v39;
	v36 =	vadd.f32 v54, v36  }
0x246: {  	v40 =	vmul.f32 v40, v8;
	v12 =	vld [tilespmem:s15+$0xD460];
	v49 =	vmul.f32 v49, v9;
	v35 =	vadd.f32 v45, v35;
	[tilespmem:s15+$0xD020] =	vst v41  }
0x247: {  	v38 =	vmul.f32 v38, v8;
	v58 =	vld [tilespmem:s15+$0x12840];
	v47 =	vmul.f32 v47, v9;
	v34 =	vadd.f32 v44, v34;
	[tilespmem:s15+$0xCC50] =	vst v36  }
0x248: {  	v33 =	vmul.f32 v33, v8;
	v59 =	vld [tilespmem:s15+$0x12830];
	v43 =	vmul.f32 v62, v9;
	v40 =	vadd.f32 v49, v40;
	[tilespmem:s15+$0xCC40] =	vst v35  }
0x249: {  	v32 =	vmul.f32 v32, v8;
	v57 =	vld [tilespmem:s15+$0x12850];
	v42 =	vmul.f32 v63, v9;
	v38 =	vadd.f32 v47, v38;
	[tilespmem:s15+$0xCC30] =	vst v34  }
0x24a: {  	v29 =	vmul.f32 v29, v8;
	v60 =	vld [tilespmem:s15+$0x12820];
	v39 =	vmul.f32 v56, v9;
	v33 =	vadd.f32 v43, v33;
	[tilespmem:s15+$0xD010] =	vst v40  }
0x24b: {  	v31 =	vmul.f32 v31, v8;
	v61 =	vld [tilespmem:s15+$0x12810];
	v41 =	vmul.f32 v53, v9;
	v32 =	vadd.f32 v42, v32;
	[tilespmem:s15+$0xCC70] =	vst v38  }
0x24c: {  	v27 =	vmul.f32 v27, v8;
	v62 =	vld [tilespmem:s15+$0x12800];
	v29 =	vadd.f32 v39, v29;
	v37 =	vmul.f32 v58, v9;
	[tilespmem:s15+$0xCC20] =	vst v33  }
0x24d: {  	v26 =	vmul.f32 v26, v8;
	v63 =	vld [tilespmem:s15+$0x12470];
	v36 =	vmul.f32 v59, v9;
	v31 =	vadd.f32 v41, v31;
	[tilespmem:s15+$0xCC10] =	vst v32  }
0x24e: {  	v30 =	vmul.f32 v30, v8;
	v40 =	vmul.f32 v55, v9;
	[tilespmem:s15+$0xC860] =	vst v29;
	v29 =	vld [tilespmem:s15+$0x12440];
	v27 =	vadd.f32 v37, v27  }
0x24f: {  	v25 =	vmul.f32 v25, v8;
	v35 =	vmul.f32 v60, v9;
	v26 =	vadd.f32 v36, v26;
	[tilespmem:s15+$0xCC00] =	vst v31;
	v31 =	vld [tilespmem:s15+$0x12460]  }
0x250: {  	v28 =	vmul.f32 v28, v8;
	v38 =	vmul.f32 v57, v9;
	v30 =	vadd.f32 v40, v30;
	[tilespmem:s15+$0xC840] =	vst v27;
	v27 =	vld [tilespmem:s15+$0x12420]  }
0x251: {  	v23 =	vmul.f32 v23, v8;
	v33 =	vmul.f32 v62, v9;
	v25 =	vadd.f32 v35, v25;
	[tilespmem:s15+$0xC830] =	vst v26;
	v26 =	vld [tilespmem:s15+$0x12410]  }
0x252: {  	v24 =	vmul.f32 v24, v8;
	v34 =	vmul.f32 v61, v9;
	v28 =	vadd.f32 v38, v28;
	[tilespmem:s15+$0xC870] =	vst v30;
	v30 =	vld [tilespmem:s15+$0x12450]  }
0x253: {  	v22 =	vmul.f32 v22, v8;
	v32 =	vmul.f32 v63, v9;
	v23 =	vadd.f32 v33, v23;
	[tilespmem:s15+$0xC820] =	vst v25;
	v25 =	vld [tilespmem:s15+$0x12400]  }
0x254: {  	v19 =	vmul.f32 v19, v8;
	v24 =	vadd.f32 v34, v24;
	[tilespmem:s15+$0xC850] =	vst v28;
	v28 =	vld [tilespmem:s15+$0x12430];
	v29 =	vmul.f32 v29, v9  }
0x255: {  	v21 =	vmul.f32 v21, v8;
	v22 =	vadd.f32 v32, v22;
	[tilespmem:s15+$0xC800] =	vst v23;
	v23 =	vld [tilespmem:s15+$0x12060];
	v31 =	vmul.f32 v31, v9  }
0x256: {  	v17 =	vmul.f32 v17, v8;
	[tilespmem:s15+$0xC810] =	vst v24;
	v24 =	vld [tilespmem:s15+$0x12070];
	v19 =	vadd.f32 v29, v19;
	v27 =	vmul.f32 v27, v9  }
0x257: {  	v20 =	vmul.f32 v20, v8;
	[tilespmem:s15+$0xC470] =	vst v22;
	v22 =	vld [tilespmem:s15+$0xC050];
	v30 =	vmul.f32 v30, v9;
	v21 =	vadd.f32 v31, v21  }
0x258: {  	v15 =	vmul.f32 v15, v8;
	v25 =	vmul.f32 v25, v9;
	[tilespmem:s15+$0xC440] =	vst v19;
	v19 =	vld [tilespmem:s15+$0x13450];
	v17 =	vadd.f32 v27, v17  }
0x259: {  	v18 =	vmul.f32 v18, v8;
	v28 =	vmul.f32 v28, v9;
	v20 =	vadd.f32 v30, v20;
	[tilespmem:s15+$0xC460] =	vst v21;
	v21 =	vld [tilespmem:s15+$0x12050]  }
0x25a: {  	v13 =	vmul.f32 v13, v8;
	v23 =	vmul.f32 v23, v9;
	v15 =	vadd.f32 v25, v15;
	[tilespmem:s15+$0xC420] =	vst v17;
	v17 =	vld [tilespmem:s15+$0xD440]  }
0x25b: {  	v6 =	vmul.f32 v6, v8;
	v5 =	vmul.f32 v5, v9;
	v18 =	vadd.f32 v28, v18;
	[tilespmem:s15+$0xC450] =	vst v20;
	v20 =	vld [tilespmem:s15+$0x13440]  }
0x25c: {  	v14 =	vmul.f32 v14, v8;
	v24 =	vmul.f32 v24, v9;
	v13 =	vadd.f32 v23, v13;
	[tilespmem:s15+$0xC400] =	vst v15;
	v15 =	vld [tilespmem:s15+$0xD450]  }
0x25d: {  	v4 =	vmul.f32 v4, v8;
	v3 =	vmul.f32 v3, v9;
	v5 =	vadd.f32 v5, v6;
	[tilespmem:s15+$0xC430] =	vst v18;
	v18 =	vld [tilespmem:s15+$0x13460]  }
0x25e: {  	v6 =	vld [tilespmem:s15+$0xC000];
	v14 =	vadd.f32 v24, v14;
	v10 =	vmul.f32 v22, v8;
	[tilespmem:s15+$0xC060] =	vst v13;
	v13 =	vmul.f32 v21, v9  }
0x25f: {  	s17 =	simm.s32 $0x0;
	v16 =	vmul.f32 v16, v8;
	v3 =	vadd.f32 v3, v4;
	v7 =	vld [tilespmem:s15+$0x12000];
	[tilespmem:s15+$0xC020] =	vst v5;
	v26 =	vmul.f32 v26, v9  }
0x260: {  	s13 =	simm.s32 $0x80;
	s0 =	smul.u32 $0x1800, s17;
	[tilespmem:s15+$0xC070] =	vst v14;
	v14 =	vld [tilespmem:s15+$0xD470];
	v11 =	vmul.f32 v17, v8;
	v17 =	vmul.f32 v20, v9;
	v4 =	vadd.f32 v13, v10  }
0x261: {  	s16 =	sand.u32 $0x380, s13;
	[tilespmem:s15+$0xC010] =	vst v3;
	v16 =	vadd.f32 v26, v16;
	v5 =	vmul.f32 v15, v8;
	v10 =	vmul.f32 v19, v9  }
0x262: {  	s0 =	sor.u32 s16, s0;
	v11 =	vadd.f32 v17, v11;
	[tilespmem:s15+$0xC050] =	vst v4;
	v4 =	vmul.f32 v12, v8;
	v12 =	vmul.f32 v18, v9  }
0x263: {  	v3 =	vld [tilespmem:s0+$0xC010];
	[tilespmem:s15+$0xC410] =	vst v16;
	v5 =	vadd.f32 v10, v5  }
0x264: {  	v7 =	vmul.f32 v7, v9;
	v16 =	vld [tilespmem:s15+$0x13470];
	[tilespmem:s15+$0xD440] =	vst v11;
	v12 =	vadd.f32 v12, v4  }
0x265: {  	v10 =	vmul.f32 v14, v8;
	v8 =	vmul.f32 v6, v8;
	v4 =	vld [tilespmem:s0+$0x12010];
	[tilespmem:s15+$0xD450] =	vst v5  }
0x266: {  	v6 =	vld [tilespmem:s0+$0xC020];
	[tilespmem:s15+$0xD460] =	vst v12  }
0x267: {  	v7 =	vadd.f32 v7, v8;
	v5 =	vld [tilespmem:s0+$0x12020]  }
0x268: {  	v8 =	vld [tilespmem:s0+$0xC030]  }
0x269: {  	[tilespmem:s15+$0xC000] =	vst v7;
	v18 =	vld [tilespmem:s0+$0xC430]  }
0x26a: {  	v11 =	vmul.f32 v16, v9;
	v26 =	vld [tilespmem:s0+$0xC830]  }
0x26b: {  	v36 =	vld [tilespmem:s0+$0xCC30]  }
0x26c: {  	v9 =	vadd.f32 v11, v10;
	v44 =	vld [tilespmem:s0+$0xD030]  }
0x26d: {  	v48 =	vld [tilespmem:s0+$0xD400]  }
0x26e: {  	[tilespmem:s15+$0xD470] =	vst v9;
	v50 =	vld [tilespmem:s0+$0xD410]  }
0x26f: {  	v7 =	vld [tilespmem:s0+$0x12030]  }
0x270: {  	v10 =	vld [tilespmem:s0+$0xC040]  }
0x271: {  	v9 =	vld [tilespmem:s0+$0x12040]  }
0x272: {  	v12 =	vld [tilespmem:s0+$0xC050]  }
0x273: {  	v11 =	vld [tilespmem:s0+$0x12050]  }
0x274: {  	v13 =	vld [tilespmem:s0+$0xC060]  }
0x275: {  	v14 =	vld [tilespmem:s0+$0xC070]  }
0x276: {  	v15 =	vld [tilespmem:s0+$0xC400]  }
0x277: {  	v16 =	vld [tilespmem:s0+$0xC410]  }
0x278: {  	v17 =	vld [tilespmem:s0+$0xC420]  }
0x279: {  	v19 =	vld [tilespmem:s0+$0xC440]  }
0x27a: {  	v20 =	vld [tilespmem:s0+$0xC450]  }
0x27b: {  	v21 =	vld [tilespmem:s0+$0xC460]  }
0x27c: {  	v22 =	vld [tilespmem:s0+$0xC470]  }
0x27d: {  	v23 =	vld [tilespmem:s0+$0xC800]  }
0x27e: {  	v24 =	vld [tilespmem:s0+$0xC810]  }
0x27f: {  	v25 =	vld [tilespmem:s0+$0xC820]  }
0x280: {  	v27 =	vld [tilespmem:s0+$0xC840]  }
0x281: {  	v28 =	vld [tilespmem:s0+$0xC850]  }
0x282: {  	v29 =	vld [tilespmem:s0+$0xC860]  }
0x283: {  	v30 =	vld [tilespmem:s0+$0xC870]  }
0x284: {  	v31 =	vld [tilespmem:s0+$0xCC00]  }
0x285: {  	v34 =	vld [tilespmem:s0+$0xCC10]  }
0x286: {  	v35 =	vld [tilespmem:s0+$0xCC20]  }
0x287: {  	v37 =	vld [tilespmem:s0+$0xCC40]  }
0x288: {  	v38 =	vld [tilespmem:s0+$0xCC50]  }
0x289: {  	v39 =	vld [tilespmem:s0+$0xCC60]  }
0x28a: {  	v40 =	vld [tilespmem:s0+$0xCC70]  }
0x28b: {  	v41 =	vld [tilespmem:s0+$0xD000]  }
0x28c: {  	v42 =	vld [tilespmem:s0+$0xD010]  }
0x28d: {  	v43 =	vld [tilespmem:s0+$0xD020]  }
0x28e: {  	v45 =	vld [tilespmem:s0+$0xD040]  }
0x28f: {  	v46 =	vld [tilespmem:s0+$0xD050]  }
0x290: {  	v47 =	vld [tilespmem:s0+$0xD060]  }
0x291: {  	v49 =	vld [tilespmem:s0+$0x13410]  }
0x292: {  	s15 =	simm.s32 $0x2;
	v51 =	vld [tilespmem:s0+$0x13430]  }
.LBB2_4:
0x293: {  	p0 =	sne.s32 s15, $0x1F;
	v52 =	vld [tilespmem:s0+$0xD430]  }
0x294: {  	s2 =	sadd.s32 $0x80, s2;
	v53 =	vld [tilespmem:s0+$0xD420]  }
0x295: {  	s31 =	sadd.s32 $0x80, s31;
	v33 =	vld [tilespmem:s2+$0x0]  }
0x296: {  	v32 =	vld [tilespmem:s31+$0x0]  }
0x297: {  	v54 =	vld [tilespmem:s0+$0x13420]  }
0x298: {  	v55 =	vld [tilespmem:s0+$0x13400]  }
0x299: {  	v56 =	vld [tilespmem:s0+$0xD070]  }
0x29a: {  	v57 =	vld [tilespmem:s0+$0x13070];
	v50 =	vmul.f32 v50, v33;
	v53 =	vmul.f32 v53, v33  }
0x29b: {  	v52 =	vmul.f32 v52, v33;
	v58 =	vld [tilespmem:s0+$0x13060];
	v51 =	vmul.f32 v51, v32  }
0x29c: {  	v49 =	vmul.f32 v49, v32;
	v59 =	vld [tilespmem:s0+$0x13050];
	v54 =	vmul.f32 v54, v32  }
0x29d: {  	v48 =	vmul.f32 v48, v33;
	v60 =	vld [tilespmem:s0+$0x13040];
	v55 =	vmul.f32 v55, v32;
	v51 =	vadd.f32 v51, v52  }
0x29e: {  	v49 =	vadd.f32 v49, v50;
	v52 =	vld [tilespmem:s0+$0x13030];
	v56 =	vmul.f32 v56, v33;
	v50 =	vadd.f32 v54, v53  }
0x29f: {  	v47 =	vmul.f32 v47, v33;
	v53 =	vld [tilespmem:s0+$0x13020];
	v54 =	vmul.f32 v57, v32;
	v48 =	vadd.f32 v55, v48;
	[tilespmem:s0+$0xD430] =	vst v51  }
0x2a0: {  	v46 =	vmul.f32 v46, v33;
	v51 =	vld [tilespmem:s0+$0x13010];
	v55 =	vmul.f32 v58, v32;
	[tilespmem:s0+$0xD420] =	vst v50  }
0x2a1: {  	v45 =	vmul.f32 v45, v33;
	v50 =	vld [tilespmem:s0+$0x13000];
	v57 =	vmul.f32 v59, v32;
	v54 =	vadd.f32 v54, v56;
	[tilespmem:s0+$0xD410] =	vst v49  }
0x2a2: {  	v44 =	vmul.f32 v44, v33;
	v49 =	vld [tilespmem:s0+$0x12C70];
	v56 =	vmul.f32 v60, v32;
	v47 =	vadd.f32 v55, v47;
	[tilespmem:s0+$0xD400] =	vst v48  }
0x2a3: {  	v43 =	vmul.f32 v43, v33;
	v48 =	vld [tilespmem:s0+$0x12C60];
	v52 =	vmul.f32 v52, v32;
	v46 =	vadd.f32 v57, v46;
	[tilespmem:s0+$0xD070] =	vst v54  }
0x2a4: {  	v42 =	vmul.f32 v42, v33;
	v54 =	vld [tilespmem:s0+$0x12C50];
	v53 =	vmul.f32 v53, v32;
	v45 =	vadd.f32 v56, v45;
	[tilespmem:s0+$0xD060] =	vst v47  }
0x2a5: {  	v41 =	vmul.f32 v41, v33;
	v47 =	vld [tilespmem:s0+$0x12C40];
	v51 =	vmul.f32 v51, v32;
	v44 =	vadd.f32 v52, v44;
	[tilespmem:s0+$0xD050] =	vst v46  }
0x2a6: {  	v40 =	vmul.f32 v40, v33;
	v46 =	vld [tilespmem:s0+$0x12C30];
	v50 =	vmul.f32 v50, v32;
	v43 =	vadd.f32 v53, v43;
	[tilespmem:s0+$0xD040] =	vst v45  }
0x2a7: {  	v39 =	vmul.f32 v39, v33;
	v45 =	vld [tilespmem:s0+$0x12C20];
	v49 =	vmul.f32 v49, v32;
	v42 =	vadd.f32 v51, v42;
	[tilespmem:s0+$0xD030] =	vst v44  }
0x2a8: {  	v38 =	vmul.f32 v38, v33;
	v44 =	vld [tilespmem:s0+$0x12C10];
	v48 =	vmul.f32 v48, v32;
	v41 =	vadd.f32 v50, v41;
	[tilespmem:s0+$0xD020] =	vst v43  }
0x2a9: {  	v37 =	vmul.f32 v37, v33;
	v43 =	vld [tilespmem:s0+$0x12C00];
	v50 =	vmul.f32 v54, v32;
	v40 =	vadd.f32 v49, v40;
	[tilespmem:s0+$0xD010] =	vst v42  }
0x2aa: {  	v36 =	vmul.f32 v36, v33;
	v42 =	vld [tilespmem:s0+$0x12870];
	v47 =	vmul.f32 v47, v32;
	v39 =	vadd.f32 v48, v39;
	[tilespmem:s0+$0xD000] =	vst v41  }
0x2ab: {  	v35 =	vmul.f32 v35, v33;
	v41 =	vld [tilespmem:s0+$0x12860];
	v46 =	vmul.f32 v46, v32;
	v38 =	vadd.f32 v50, v38;
	[tilespmem:s0+$0xCC70] =	vst v40  }
0x2ac: {  	v34 =	vmul.f32 v34, v33;
	v40 =	vld [tilespmem:s0+$0x12850];
	v45 =	vmul.f32 v45, v32;
	v37 =	vadd.f32 v47, v37;
	[tilespmem:s0+$0xCC60] =	vst v39  }
0x2ad: {  	v31 =	vmul.f32 v31, v33;
	v39 =	vld [tilespmem:s0+$0x12840];
	v44 =	vmul.f32 v44, v32;
	v36 =	vadd.f32 v46, v36;
	[tilespmem:s0+$0xCC50] =	vst v38  }
0x2ae: {  	v30 =	vmul.f32 v30, v33;
	v38 =	vld [tilespmem:s0+$0x12830];
	v43 =	vmul.f32 v43, v32;
	v35 =	vadd.f32 v45, v35;
	[tilespmem:s0+$0xCC40] =	vst v37  }
0x2af: {  	v29 =	vmul.f32 v29, v33;
	v37 =	vld [tilespmem:s0+$0x12820];
	v42 =	vmul.f32 v42, v32;
	v34 =	vadd.f32 v44, v34;
	[tilespmem:s0+$0xCC30] =	vst v36  }
0x2b0: {  	v28 =	vmul.f32 v28, v33;
	v36 =	vld [tilespmem:s0+$0x12810];
	v41 =	vmul.f32 v41, v32;
	v31 =	vadd.f32 v43, v31;
	[tilespmem:s0+$0xCC20] =	vst v35  }
0x2b1: {  	v27 =	vmul.f32 v27, v33;
	v35 =	vld [tilespmem:s0+$0x12800];
	v40 =	vmul.f32 v40, v32;
	v30 =	vadd.f32 v42, v30;
	[tilespmem:s0+$0xCC10] =	vst v34  }
0x2b2: {  	v26 =	vmul.f32 v26, v33;
	v34 =	vld [tilespmem:s0+$0x12470];
	v39 =	vmul.f32 v39, v32;
	v29 =	vadd.f32 v41, v29;
	[tilespmem:s0+$0xCC00] =	vst v31  }
0x2b3: {  	v25 =	vmul.f32 v25, v33;
	v31 =	vld [tilespmem:s0+$0x12460];
	v38 =	vmul.f32 v38, v32;
	v28 =	vadd.f32 v40, v28;
	[tilespmem:s0+$0xC870] =	vst v30  }
0x2b4: {  	v24 =	vmul.f32 v24, v33;
	v30 =	vld [tilespmem:s0+$0x12450];
	v37 =	vmul.f32 v37, v32;
	v27 =	vadd.f32 v39, v27;
	[tilespmem:s0+$0xC860] =	vst v29  }
0x2b5: {  	v23 =	vmul.f32 v23, v33;
	v29 =	vld [tilespmem:s0+$0x12440];
	v36 =	vmul.f32 v36, v32;
	v26 =	vadd.f32 v38, v26;
	[tilespmem:s0+$0xC850] =	vst v28  }
0x2b6: {  	v22 =	vmul.f32 v22, v33;
	v28 =	vld [tilespmem:s0+$0x12430];
	v35 =	vmul.f32 v35, v32;
	v25 =	vadd.f32 v37, v25;
	[tilespmem:s0+$0xC840] =	vst v27  }
0x2b7: {  	v21 =	vmul.f32 v21, v33;
	v27 =	vld [tilespmem:s0+$0x12420];
	v34 =	vmul.f32 v34, v32;
	v24 =	vadd.f32 v36, v24;
	[tilespmem:s0+$0xC830] =	vst v26  }
0x2b8: {  	v20 =	vmul.f32 v20, v33;
	v26 =	vld [tilespmem:s0+$0x12410];
	v31 =	vmul.f32 v31, v32;
	v23 =	vadd.f32 v35, v23;
	[tilespmem:s0+$0xC820] =	vst v25  }
0x2b9: {  	v19 =	vmul.f32 v19, v33;
	v25 =	vld [tilespmem:s0+$0x12400];
	v30 =	vmul.f32 v30, v32;
	v22 =	vadd.f32 v34, v22;
	[tilespmem:s0+$0xC810] =	vst v24  }
0x2ba: {  	v18 =	vmul.f32 v18, v33;
	v24 =	vld [tilespmem:s0+$0x12070];
	v29 =	vmul.f32 v29, v32;
	v21 =	vadd.f32 v31, v21;
	[tilespmem:s0+$0xC800] =	vst v23  }
0x2bb: {  	v17 =	vmul.f32 v17, v33;
	v23 =	vld [tilespmem:s0+$0x12060];
	v28 =	vmul.f32 v28, v32;
	v20 =	vadd.f32 v30, v20;
	[tilespmem:s0+$0xC470] =	vst v22  }
0x2bc: {  	v16 =	vmul.f32 v16, v33;
	v22 =	vmul.f32 v27, v32;
	v19 =	vadd.f32 v29, v19;
	[tilespmem:s0+$0xC460] =	vst v21;
	v21 =	vld [tilespmem:s0+$0x13440]  }
0x2bd: {  	v15 =	vmul.f32 v15, v33;
	v26 =	vmul.f32 v26, v32;
	v18 =	vadd.f32 v28, v18;
	[tilespmem:s0+$0xC450] =	vst v20;
	v20 =	vld [tilespmem:s0+$0x13450]  }
0x2be: {  	v14 =	vmul.f32 v14, v33;
	v25 =	vmul.f32 v25, v32;
	v17 =	vadd.f32 v22, v17;
	[tilespmem:s0+$0xC440] =	vst v19;
	v19 =	vld [tilespmem:s0+$0x13460]  }
0x2bf: {  	v13 =	vmul.f32 v13, v33;
	v22 =	vmul.f32 v24, v32;
	v16 =	vadd.f32 v26, v16;
	[tilespmem:s0+$0xC430] =	vst v18;
	v18 =	vld [tilespmem:s0+$0x13470]  }
0x2c0: {  	v12 =	vmul.f32 v12, v33;
	v23 =	vmul.f32 v23, v32;
	v15 =	vadd.f32 v25, v15;
	[tilespmem:s0+$0xC420] =	vst v17;
	v17 =	vld [tilespmem:s0+$0xD440]  }
0x2c1: {  	v10 =	vmul.f32 v10, v33;
	v11 =	vmul.f32 v11, v32;
	v14 =	vadd.f32 v22, v14;
	[tilespmem:s0+$0xC410] =	vst v16;
	v16 =	vld [tilespmem:s0+$0xD450]  }
0x2c2: {  	v8 =	vmul.f32 v8, v33;
	v9 =	vmul.f32 v9, v32;
	v13 =	vadd.f32 v23, v13;
	[tilespmem:s0+$0xC400] =	vst v15;
	v15 =	vld [tilespmem:s0+$0xD460]  }
0x2c3: {  	v6 =	vmul.f32 v6, v33;
	v7 =	vmul.f32 v7, v32;
	v11 =	vadd.f32 v11, v12;
	[tilespmem:s0+$0xC070] =	vst v14;
	v12 =	vld [tilespmem:s0+$0xD470]  }
0x2c4: {  	v3 =	vmul.f32 v3, v33;
	v5 =	vmul.f32 v5, v32;
	v9 =	vadd.f32 v9, v10;
	v14 =	vld [tilespmem:s0+$0xC000];
	[tilespmem:s0+$0xC060] =	vst v13  }
0x2c5: {  	v4 =	vmul.f32 v4, v32;
	v7 =	vadd.f32 v7, v8;
	v10 =	vld [tilespmem:s0+$0x12000];
	[tilespmem:s0+$0xC050] =	vst v11;
	v8 =	vmul.f32 v17, v33  }
0x2c6: {  	s16 =	sshrl.u32 s15, $0x3;
	v5 =	vadd.f32 v5, v6;
	v6 =	vmul.f32 v21, v32;
	[tilespmem:s0+$0xC040] =	vst v9;
	v9 =	vmul.f32 v16, v33  }
0x2c7: {  	s13 =	sadd.s32 $0x80, s13;
	s16 =	smul.u32 $0x1800, s16;
	v3 =	vadd.f32 v4, v3;
	v4 =	vmul.f32 v20, v32;
	[tilespmem:s0+$0xC030] =	vst v7;
	v7 =	vmul.f32 v15, v33  }
0x2c8: {  	s17 =	sand.u32 $0x380, s13;
	[tilespmem:s0+$0xC020] =	vst v5;
	v5 =	vadd.f32 v6, v8;
	v6 =	vmul.f32 v19, v32;
	v8 =	vmul.f32 v12, v33  }
0x2c9: {  	s16 =	sor.u32 s17, s16;
	v9 =	vadd.f32 v4, v9;
	v12 =	vmul.f32 v18, v32;
	v11 =	vmul.f32 v14, v33;
	[tilespmem:s0+$0xC010] =	vst v3  }
0x2ca: {  	v3 =	vld [tilespmem:s16+$0xC010];
	v10 =	vmul.f32 v10, v32;
	[tilespmem:s0+$0xD440] =	vst v5;
	v5 =	vadd.f32 v6, v7  }
0x2cb: {  	v7 =	vadd.f32 v12, v8;
	v4 =	vld [tilespmem:s16+$0x12010];
	[tilespmem:s0+$0xD450] =	vst v9  }
0x2cc: {  	v6 =	vld [tilespmem:s16+$0xC020];
	v9 =	vadd.f32 v10, v11;
	[tilespmem:s0+$0xD460] =	vst v5  }
0x2cd: {  	v5 =	vld [tilespmem:s16+$0x12020];
	[tilespmem:s0+$0xD470] =	vst v7  }
0x2ce: {  	v8 =	vld [tilespmem:s16+$0xC030];
	[tilespmem:s0+$0xC000] =	vst v9;
	s0 =	smov.u32 s16  }
0x2cf: {  	v7 =	vld [tilespmem:s0+$0x12030]  }
0x2d0: {  	v10 =	vld [tilespmem:s0+$0xC040]  }
0x2d1: {  	v9 =	vld [tilespmem:s0+$0x12040]  }
0x2d2: {  	v12 =	vld [tilespmem:s0+$0xC050]  }
0x2d3: {  	v11 =	vld [tilespmem:s0+$0x12050]  }
0x2d4: {  	v13 =	vld [tilespmem:s0+$0xC060]  }
0x2d5: {  	v14 =	vld [tilespmem:s0+$0xC070]  }
0x2d6: {  	v15 =	vld [tilespmem:s0+$0xC400]  }
0x2d7: {  	v16 =	vld [tilespmem:s0+$0xC410]  }
0x2d8: {  	v17 =	vld [tilespmem:s0+$0xC420]  }
0x2d9: {  	v18 =	vld [tilespmem:s0+$0xC430]  }
0x2da: {  	v19 =	vld [tilespmem:s0+$0xC440]  }
0x2db: {  	v20 =	vld [tilespmem:s0+$0xC450]  }
0x2dc: {  	v21 =	vld [tilespmem:s0+$0xC460]  }
0x2dd: {  	v22 =	vld [tilespmem:s0+$0xC470]  }
0x2de: {  	v23 =	vld [tilespmem:s0+$0xC800]  }
0x2df: {  	v24 =	vld [tilespmem:s0+$0xC810]  }
0x2e0: {  	v25 =	vld [tilespmem:s0+$0xC820]  }
0x2e1: {  	v26 =	vld [tilespmem:s0+$0xC830]  }
0x2e2: {  	v27 =	vld [tilespmem:s0+$0xC840]  }
0x2e3: {  	v28 =	vld [tilespmem:s0+$0xC850]  }
0x2e4: {  	v29 =	vld [tilespmem:s0+$0xC860]  }
0x2e5: {  	v30 =	vld [tilespmem:s0+$0xC870]  }
0x2e6: {  	v31 =	vld [tilespmem:s0+$0xCC00]  }
0x2e7: {  	v34 =	vld [tilespmem:s0+$0xCC10]  }
0x2e8: {  	v35 =	vld [tilespmem:s0+$0xCC20]  }
0x2e9: {  	v36 =	vld [tilespmem:s0+$0xCC30]  }
0x2ea: {  	v37 =	vld [tilespmem:s0+$0xCC40]  }
0x2eb: {  	v38 =	vld [tilespmem:s0+$0xCC50]  }
0x2ec: {  	v39 =	vld [tilespmem:s0+$0xCC60]  }
0x2ed: {  	v40 =	vld [tilespmem:s0+$0xCC70]  }
0x2ee: {  	v41 =	vld [tilespmem:s0+$0xD000]  }
0x2ef: {  	v42 =	vld [tilespmem:s0+$0xD010]  }
0x2f0: {  	v43 =	vld [tilespmem:s0+$0xD020]  }
0x2f1: {  	v44 =	vld [tilespmem:s0+$0xD030]  }
0x2f2: {  	v45 =	vld [tilespmem:s0+$0xD040]  }
0x2f3: {  	v46 =	vld [tilespmem:s0+$0xD050]  }
.Ltmp1:
0x2f4: {  	v47 =	vld [tilespmem:s0+$0xD060];
	(pc) =	sbr.rel @p0 .LBB2_4-.Ltmp1, $4  }
0x2f5: {  	v48 =	vld [tilespmem:s0+$0xD400]  }
0x2f6: {  	v50 =	vld [tilespmem:s0+$0xD410]  }
0x2f7: {  	v49 =	vld [tilespmem:s0+$0x13410]  }
0x2f8: {  	s15 =	sadd.s32 $0x1, s15;
	v51 =	vld [tilespmem:s0+$0x13430]  }
0x2f9: {  	v52 =	vld [tilespmem:s0+$0xD430]  }
0x2fa: {  	v53 =	vld [tilespmem:s0+$0xD420];
	s2 =	sadd.s32 $0x80, s2  }
0x2fb: {  	s31 =	sadd.s32 $0x80, s31;
	v32 =	vld [tilespmem:s2+$0x0]  }
0x2fc: {  	v33 =	vld [tilespmem:s31+$0x0]  }
0x2fd: {  	v54 =	vld [tilespmem:s0+$0x13420];
	_ =	sdelay $0x1  }
0x2fe: {  	v55 =	vld [tilespmem:s0+$0x13400]  }
0x2ff: {  	v56 =	vld [tilespmem:s0+$0xD070]  }
0x300: {  	v58 =	vld [tilespmem:s0+$0x13060];
	v52 =	vmul.f32 v52, v32;
	v51 =	vmul.f32 v51, v33  }
0x301: {  	v57 =	vld [tilespmem:s0+$0x13070];
	v53 =	vmul.f32 v53, v32;
	v54 =	vmul.f32 v54, v33  }
0x302: {  	v59 =	vld [tilespmem:s0+$0x13050];
	v50 =	vmul.f32 v50, v32;
	v49 =	vmul.f32 v49, v33  }
0x303: {  	v60 =	vld [tilespmem:s0+$0x13040];
	v48 =	vmul.f32 v48, v32;
	v62 =	vmul.f32 v55, v33;
	v51 =	vadd.f32 v51, v52  }
0x304: {  	v61 =	vld [tilespmem:s0+$0x13020];
	v63 =	vmul.f32 v56, v32;
	v47 =	vmul.f32 v47, v32;
	v53 =	vadd.f32 v54, v53  }
0x305: {  	v58 =	vmul.f32 v58, v33;
	v55 =	vld [tilespmem:s0+$0x12460];
	v12 =	vmul.f32 v12, v32;
	v49 =	vadd.f32 v49, v50;
	[tilespmem:s0+$0xD430] =	vst v51  }
0x306: {  	v56 =	vld [tilespmem:s0+$0x12450];
	v11 =	vmul.f32 v11, v33;
	v10 =	vmul.f32 v10, v32;
	v48 =	vadd.f32 v62, v48;
	[tilespmem:s0+$0xD420] =	vst v53  }
0x307: {  	v9 =	vmul.f32 v9, v33;
	v8 =	vmul.f32 v8, v32;
	v52 =	vld [tilespmem:s0+$0x13030];
	v47 =	vadd.f32 v58, v47;
	[tilespmem:s0+$0xD410] =	vst v49  }
0x308: {  	v7 =	vmul.f32 v7, v33;
	v6 =	vmul.f32 v6, v32;
	v50 =	vld [tilespmem:s0+$0x13000];
	v11 =	vadd.f32 v11, v12;
	[tilespmem:s0+$0xD400] =	vst v48  }
0x309: {  	v5 =	vmul.f32 v5, v33;
	v3 =	vmul.f32 v3, v32;
	v58 =	vld [tilespmem:s0+$0x12C20];
	v9 =	vadd.f32 v9, v10;
	[tilespmem:s0+$0xD060] =	vst v47  }
0x30a: {  	v4 =	vmul.f32 v4, v33;
	v62 =	vmul.f32 v59, v33;
	v59 =	vld [tilespmem:s0+$0x12C10];
	v7 =	vadd.f32 v7, v8;
	[tilespmem:s0+$0xC050] =	vst v11  }
0x30b: {  	v57 =	vmul.f32 v57, v33;
	v54 =	vld [tilespmem:s0+$0x12470];
	v5 =	vadd.f32 v5, v6;
	[tilespmem:s0+$0xC040] =	vst v9  }
0x30c: {  	v46 =	vmul.f32 v46, v32;
	v3 =	vadd.f32 v4, v3;
	v51 =	vld [tilespmem:s0+$0x13010];
	[tilespmem:s0+$0xC030] =	vst v7  }
0x30d: {  	v45 =	vmul.f32 v45, v32;
	v49 =	vld [tilespmem:s0+$0x12C70];
	v53 =	vadd.f32 v57, v63;
	v63 =	vmul.f32 v60, v33;
	[tilespmem:s0+$0xC020] =	vst v5  }
0x30e: {  	v43 =	vmul.f32 v43, v32;
	v48 =	vld [tilespmem:s0+$0x12C60];
	v46 =	vadd.f32 v62, v46;
	v57 =	vmul.f32 v61, v33;
	[tilespmem:s0+$0xC010] =	vst v3  }
0x30f: {  	v44 =	vmul.f32 v44, v32;
	v47 =	vld [tilespmem:s0+$0x12C40];
	[tilespmem:s0+$0xD070] =	vst v53;
	v45 =	vadd.f32 v63, v45;
	v52 =	vmul.f32 v52, v33  }
0x310: {  	v41 =	vmul.f32 v41, v32;
	v60 =	vld [tilespmem:s0+$0x12C00];
	[tilespmem:s0+$0xD050] =	vst v46;
	v43 =	vadd.f32 v57, v43;
	v50 =	vmul.f32 v50, v33  }
0x311: {  	v35 =	vmul.f32 v35, v32;
	v61 =	vld [tilespmem:s0+$0x12870];
	[tilespmem:s0+$0xD040] =	vst v45;
	v45 =	vmul.f32 v58, v33;
	v44 =	vadd.f32 v52, v44  }
0x312: {  	v42 =	vmul.f32 v42, v32;
	v53 =	vld [tilespmem:s0+$0x12C50];
	[tilespmem:s0+$0xD020] =	vst v43;
	v51 =	vmul.f32 v51, v33;
	v41 =	vadd.f32 v50, v41  }
0x313: {  	v40 =	vmul.f32 v40, v32;
	v46 =	vld [tilespmem:s0+$0x12C30];
	v49 =	vmul.f32 v49, v33;
	v35 =	vadd.f32 v45, v35;
	[tilespmem:s0+$0xD030] =	vst v44  }
0x314: {  	v39 =	vmul.f32 v39, v32;
	v62 =	vld [tilespmem:s0+$0x12860];
	v48 =	vmul.f32 v48, v33;
	v42 =	vadd.f32 v51, v42;
	[tilespmem:s0+$0xD000] =	vst v41  }
0x315: {  	v37 =	vmul.f32 v37, v32;
	v57 =	vld [tilespmem:s0+$0x12440];
	v47 =	vmul.f32 v47, v33;
	v40 =	vadd.f32 v49, v40;
	[tilespmem:s0+$0xCC20] =	vst v35  }
0x316: {  	v31 =	vmul.f32 v31, v32;
	v58 =	vld [tilespmem:s0+$0x12430];
	v43 =	vmul.f32 v60, v33;
	v39 =	vadd.f32 v48, v39;
	[tilespmem:s0+$0xD010] =	vst v42  }
0x317: {  	v38 =	vmul.f32 v38, v32;
	v50 =	vld [tilespmem:s0+$0x12830];
	v63 =	vmul.f32 v53, v33;
	v37 =	vadd.f32 v47, v37;
	[tilespmem:s0+$0xCC70] =	vst v40  }
0x318: {  	v36 =	vmul.f32 v36, v32;
	v60 =	vld [tilespmem:s0+$0x12410];
	v46 =	vmul.f32 v46, v33;
	v31 =	vadd.f32 v43, v31;
	[tilespmem:s0+$0xCC60] =	vst v39  }
0x319: {  	v34 =	vmul.f32 v34, v32;
	v52 =	vld [tilespmem:s0+$0x12810];
	v44 =	vmul.f32 v59, v33;
	v38 =	vadd.f32 v63, v38;
	[tilespmem:s0+$0xCC40] =	vst v37  }
0x31a: {  	v29 =	vmul.f32 v29, v32;
	v45 =	vld [tilespmem:s0+$0xD440];
	v41 =	vmul.f32 v62, v33;
	v36 =	vadd.f32 v46, v36;
	[tilespmem:s0+$0xCC00] =	vst v31  }
0x31b: {  	v21 =	vmul.f32 v21, v32;
	v48 =	vld [tilespmem:s0+$0x12850];
	v62 =	vmul.f32 v55, v33;
	v34 =	vadd.f32 v44, v34;
	[tilespmem:s0+$0xCC50] =	vst v38  }
0x31c: {  	v30 =	vmul.f32 v30, v32;
	v49 =	vld [tilespmem:s0+$0x12840];
	v42 =	vmul.f32 v61, v33;
	v29 =	vadd.f32 v41, v29;
	[tilespmem:s0+$0xCC30] =	vst v36  }
0x31d: {  	v16 =	vmul.f32 v16, v32;
	v51 =	vld [tilespmem:s0+$0x12820];
	v21 =	vadd.f32 v62, v21;
	v41 =	vmul.f32 v60, v33;
	[tilespmem:s0+$0xCC10] =	vst v34  }
0x31e: {  	v26 =	vmul.f32 v26, v32;
	v53 =	vld [tilespmem:s0+$0x12800];
	v30 =	vadd.f32 v42, v30;
	[tilespmem:s0+$0xC860] =	vst v29;
	v38 =	vmul.f32 v50, v33  }
0x31f: {  	v24 =	vmul.f32 v24, v32;
	v59 =	vld [tilespmem:s0+$0x12420];
	v36 =	vmul.f32 v52, v33;
	[tilespmem:s0+$0xC460] =	vst v21;
	v16 =	vadd.f32 v41, v16  }
0x320: {  	v22 =	vmul.f32 v22, v32;
	v43 =	vld [tilespmem:s0+$0x13470];
	v34 =	vmul.f32 v54, v33;
	[tilespmem:s0+$0xC870] =	vst v30;
	v26 =	vadd.f32 v38, v26  }
0x321: {  	v28 =	vmul.f32 v28, v32;
	v61 =	vld [tilespmem:s0+$0x12400];
	v40 =	vmul.f32 v48, v33;
	v24 =	vadd.f32 v36, v24;
	[tilespmem:s0+$0xC410] =	vst v16  }
0x322: {  	v27 =	vmul.f32 v27, v32;
	v63 =	vld [tilespmem:s0+$0x12070];
	v39 =	vmul.f32 v49, v33;
	v22 =	vadd.f32 v34, v22;
	[tilespmem:s0+$0xC830] =	vst v26  }
0x323: {  	v25 =	vmul.f32 v25, v32;
	v46 =	vld [tilespmem:s0+$0xD450];
	v37 =	vmul.f32 v51, v33;
	v28 =	vadd.f32 v40, v28;
	[tilespmem:s0+$0xC810] =	vst v24  }
0x324: {  	v23 =	vmul.f32 v23, v32;
	v50 =	vld [tilespmem:s0+$0x12000];
	v35 =	vmul.f32 v53, v33;
	v27 =	vadd.f32 v39, v27;
	[tilespmem:s0+$0xC470] =	vst v22  }
0x325: {  	v20 =	vmul.f32 v20, v32;
	v48 =	vld [tilespmem:s0+$0xD460];
	v30 =	vmul.f32 v56, v33;
	v25 =	vadd.f32 v37, v25;
	[tilespmem:s0+$0xC850] =	vst v28  }
0x326: {  	v19 =	vmul.f32 v19, v32;
	v51 =	vld [tilespmem:s0+$0xC000];
	v23 =	vadd.f32 v35, v23;
	v35 =	vmul.f32 v57, v33;
	[tilespmem:s0+$0xC840] =	vst v27  }
0x327: {  	v18 =	vmul.f32 v18, v32;
	v34 =	vld [tilespmem:s0+$0x12060];
	v37 =	vmul.f32 v58, v33;
	v20 =	vadd.f32 v30, v20;
	[tilespmem:s0+$0xC820] =	vst v25  }
0x328: {  	v17 =	vmul.f32 v17, v32;
	v36 =	vld [tilespmem:s0+$0x13440];
	v39 =	vmul.f32 v59, v33;
	[tilespmem:s0+$0xC800] =	vst v23;
	v19 =	vadd.f32 v35, v19  }
0x329: {  	v15 =	vmul.f32 v15, v32;
	v38 =	vld [tilespmem:s0+$0x13450];
	v42 =	vmul.f32 v61, v33;
	v18 =	vadd.f32 v37, v18;
	[tilespmem:s0+$0xC450] =	vst v20  }
0x32a: {  	v14 =	vmul.f32 v14, v32;
	v40 =	vld [tilespmem:s0+$0x13460];
	v44 =	vmul.f32 v63, v33;
	v17 =	vadd.f32 v39, v17;
	[tilespmem:s0+$0xC440] =	vst v19  }
0x32b: {  	v49 =	vld [tilespmem:s0+$0xD470];
	v15 =	vadd.f32 v42, v15;
	v10 =	vmul.f32 v50, v33;
	v61 =	vmul.f32 v51, v32;
	[tilespmem:s0+$0xC430] =	vst v18  }
0x32c: {  	v13 =	vmul.f32 v13, v32;
	v14 =	vadd.f32 v44, v14;
	[tilespmem:s0+$0xC420] =	vst v17;
	v47 =	vmul.f32 v34, v33  }
0x32d: {  	v52 =	vmul.f32 v45, v32;
	[tilespmem:s0+$0xC400] =	vst v15;
	v53 =	vmul.f32 v36, v33;
	v63 =	vadd.f32 v10, v61  }
0x32e: {  	v54 =	vmul.f32 v46, v32;
	[tilespmem:s0+$0xC070] =	vst v14;
	v55 =	vmul.f32 v38, v33;
	v13 =	vadd.f32 v47, v13  }
0x32f: {  	v56 =	vmul.f32 v48, v32;
	v58 =	vmul.f32 v40, v33;
	v57 =	vadd.f32 v53, v52;
	[tilespmem:s0+$0xC000] =	vst v63  }
0x330: {  	v60 =	vmul.f32 v43, v33;
	v59 =	vmul.f32 v49, v32;
	v3 =	vadd.f32 v55, v54;
	[tilespmem:s0+$0xC060] =	vst v13  }
0x331: {  	v62 =	vadd.f32 v58, v56;
	[tilespmem:s0+$0xD440] =	vst v57  }
0x332: {  	[tilespmem:s0+$0xD450] =	vst v3;
	v3 =	vadd.f32 v60, v59  }
0x333: {  	[tilespmem:s0+$0xD460] =	vst v62  }
0x334: {  	[tilespmem:s0+$0xD470] =	vst v3  }
0x335: {  	s30 =	sadd.s32 $0x1, s30;
	_ =	swait.ge [sflag:s20], $0x6000  }
0x336: {  	p0 =	sne.s32 s30, s12;
	[sflag:s20] =	ssyncset.done $0x0  }
.Ltmp2:
0x337: {  	[sflag:s20] =	ssyncadd.s32 $0xFFFFA000;
	(pc) =	sbr.rel @p0 .LBB2_1-.Ltmp2, $4  }
0x338: {  	[hbm4b:s11+s1] =	stream.linear.scatter [tilespmem:s21], [sflag:$0x3], $0x6000, $0x38;
	[tilespmem:$0x1C100] =	vst v63  }
0x339: {  	_ =	swait.ge [sflag:s14], $0x6000  }
0x33a: {  	[sflag:s14] =	ssyncset.done $0x0  }
0x33b: {  	[sflag:s14] =	ssyncadd.s32 $0xFFFFA000  }
0x33c: {  	_ =	sfence.sel $0x180000  }
0x33d: {  	[bflag:$0x0] =	sbarrier.arrive $0xFFFF  }
0x33e: {  	_ =	strace $0x9000004A  }
0x33f: {  	s0 =	stileid.u32;
	[bflag:$0x2] =	sbarrier.arrive $0xFFFF  }
0x340: {  	p0 =	sne.s32 s0, $0x0;
	s0 =	rddreg [dreg:$0x2]  }
0x341: {  	s0 =	sadd.s32 @!p0 $0x100000, s0  }
0x342: {  	[sflag:s0] =	ssyncadd.tile.s32 @!p0 $0x1;
	_ =	shalt  }
.Lfunc_end2:
_tile_overlayer_lowered:
.L_overlay_start_2:
0x343: {  	(tag) =	ssettag $0x2  }
0x344: {  	s0 =	rddreg [dreg:$0x0];
	s2 =	stileid.u32  }
0x345: {  	s1 =	rddreg [dreg:$0x1];
	p0 =	sne.s32 s2, $0x0  }
0x346: {  	s3 =	rddreg [dreg:$0x2];
	[bflag:$0x3] =	sbarrier.arrive $0xFFFF;
	s2 =	simm.s32 @!p0 $0x1C03  }
0x347: {  	[timem:s3], [sflag:s2] =	dma.local @!p0 [hbm:s0], s1  }
0x348: {  	s0 =	simm.s32 @!p0 $0x3  }
0x349: {  	_ =	swait.ge @!p0 [sflag:s0], s1  }
0x34a: {  	s1 =	ssub.s32 @!p0 $0x0, s1;
	[sflag:s0] =	ssyncset.done @!p0 $0x0  }
0x34b: {  	[sflag:s0] =	ssyncadd.s32 @!p0 s1  }
0x34c: {  	[bflag:$0x3] =	sbarrier.arrive $0xFFFF  }
0x34d: {  	_ =	shalt  }

</sc_bundles>
